<compile_context>
chip_gen: v7x
topology: tpu7x:2x2x1
jax: 0.10.2.dev20260603
libtpu: 0.0.44.dev20260713+nightly
codegen_flags: <defaults>
</compile_context>

<pallas_src>
import functools

import jax
import jax.numpy as jnp
from jax import lax
from jax.experimental import pallas as pl
from jax.experimental.pallas import tpu as pltpu
from jax.experimental.pallas import tpu_sc as plsc

_SX = 16.0 / 255.0
_INV_SX = 255.0 / 16.0

_HW = 1024
_C = 64
_B = 1024
_NW = 32
_HW_PER_W = _HW // _NW
_BCH = 256
_NBCH = _B // _BCH

_mesh = plsc.VectorSubcoreMesh(core_axis_name="c", subcore_axis_name="s")


@functools.partial(
    pl.kernel,
    mesh=_mesh,
    out_type=jax.ShapeDtypeStruct((_HW, _C, _B), jnp.float32),
    scratch_types=[
        pltpu.VMEM((_C, _BCH), jnp.float32),
        pltpu.VMEM((_C, _BCH), jnp.float32),
    ],
)
def _sc_kernel(x_hbm, o_hbm, ibuf, obuf):
    wid = lax.axis_index("s") * 2 + lax.axis_index("c")
    hw0 = wid * _HW_PER_W

    def do_chunk(hw, bc):
        pltpu.sync_copy(x_hbm.at[hw, :, pl.ds(bc * _BCH, _BCH)], ibuf)

        def one_group(j, _):
            ds = pl.ds(j * 16, 16)
            m = ibuf[0, ds]
            for c in range(1, _C):
                m = jnp.maximum(m, ibuf[c, ds])
            s = jnp.zeros((16,), jnp.float32)
            for c in range(_C):
                t = (ibuf[c, ds] - m) * _INV_SX
                q = (t - 0.5).astype(jnp.int32).astype(jnp.float32)
                e = jnp.exp(q * _SX)
                obuf[c, ds] = e
                s = s + e
            r = 255.0 / s
            for c in range(_C):
                y = obuf[c, ds] * r
                qy = (y + 0.5).astype(jnp.int32).astype(jnp.float32)
                obuf[c, ds] = qy * (1.0 / 255.0)
            return 0

        lax.fori_loop(0, _BCH // 16, one_group, 0)
        pltpu.sync_copy(obuf, o_hbm.at[hw, :, pl.ds(bc * _BCH, _BCH)])

    def row_body(i, _):
        def ch_body(bc, _2):
            do_chunk(hw0 + i, bc)
            return 0

        lax.fori_loop(0, _NBCH, ch_body, 0)
        return 0

    lax.fori_loop(0, _HW_PER_W, row_body, 0)


def kernel(inputs):
    b, h, w, w2 = inputs.shape
    xt = jnp.transpose(inputs, (1, 2, 3, 0)).reshape(h * w, w2, b)
    out = _sc_kernel(xt)
    return jnp.transpose(out.reshape(h, w, w2, b), (3, 0, 1, 2))

# --- scband reference (transcript-rebuilt; emitter-appended) ---
"""Pipeline reference for scband-softmax-lut-66288525246508 (READ-ONLY COPY).

The authoritative reference and input builder live on the scoring server;
editing this copy changes nothing except your own understanding.
"""

import jax, jax.numpy as jnp
import numpy as np

# Quantization constants for quant_bits=8 (AsymmetricSignedQParams)
QB = 8
QMIN = -(2 ** (QB - 1))   # -128
QMAX = 2 ** (QB - 1) - 1  # 127
# inputs after max-subtraction lie in (-inf, 0]; assume observed range [-16, 0]
SCALE_X = 16.0 / 255.0
ZP_X = 127.0
# softmax outputs lie in [0, 1]
SCALE_Y = 1.0 / 255.0
ZP_Y = -128.0


def _fake_quant_ste(x, scale, zp):
    # SimQuant.apply: quantize-dequantize with straight-through estimator
    q = jnp.clip(jnp.round(x / scale + zp), QMIN, QMAX)
    dq = (q - zp) * scale
    return x + jax.lax.stop_gradient(dq - x)


def setup_inputs(seed: int = 0) -> dict:
    key = jax.random.key(seed)
    # [B*num_windows, nhead, window_size**2, window_size**2]
    inputs = jax.random.normal(key, (1024, 16, 64, 64), dtype=jnp.float32)
    return {"inputs": inputs}


def reference(inputs):
    # eval-mode forward of SoftmaxLUT (QParams frozen, training branches skipped)
    max_input = jnp.max(inputs, axis=-1, keepdims=True)
    x = inputs - max_input
    x = _fake_quant_ste(x, SCALE_X, ZP_X)
    y = jax.nn.softmax(x, axis=-1)
    y = _fake_quant_ste(y, SCALE_Y, ZP_Y)
    return y

if __name__ == "__main__":
    import jax
    _d = setup_inputs()
    print(jax.jit(kernel)(*tuple(_d.values())))

</pallas_src>

<mosaic_0001>
#map = affine_map<(d0, d1) -> (0, 0, 0)>
module attributes {stable_mosaic.version = 14 : i64} {
  func.func @_sc_kernel(%arg0: i32, %arg1: i32, %arg2: memref<1024x64x1024xf32, #tpu.memory_space<hbm>>, %arg3: memref<1024x64x1024xf32, #tpu.memory_space<hbm>>, %arg4: memref<64x256xf32, #tpu.memory_space<vmem>>, %arg5: memref<64x256xf32, #tpu.memory_space<vmem>>) attributes {dimension_semantics = [#tpu.dimension_semantics<core_parallel>, #tpu.dimension_semantics<subcore_parallel>], iteration_bounds = array<i64: 2, 16>, scalar_prefetch = 0 : i64, scratch_operands = 2 : i64, tpu.core_type = #tpu.core_type<sc_vector_subcore>, window_params = [{transform_indices = #map}, {transform_indices = #map}]} {
    %mul3A = arith.constant 2 : i32
    %mul3A_0 = arith.muli %arg1, %mul3A : i32
    %add3A = arith.addi %mul3A_0, %arg0 : i32
    %mul3A_1 = arith.constant 32 : i32
    %mul3A_2 = arith.muli %add3A, %mul3A_1 : i32
    %scan3A = arith.constant 0 : i32
    %scan3A_3 = arith.constant 0 : i32
    %scan3A_4 = arith.constant 32 : i32
    %scan3A_5 = arith.addi %scan3A_3, %scan3A_4 : i32
    %scan3A_6 = arith.constant 1 : i32
    %scan3A_7 = scf.for %scan3A_9 = %scan3A_3 to %scan3A_5 step %scan3A_6 iter_args(%scan3A_10 = %scan3A) -> (i32)  : i32 {
      %scan3A_11 = arith.constant 0 : i32
      %scan3A_12 = arith.constant 0 : i32
      %scan3A_13 = arith.constant 4 : i32
      %scan3A_14 = arith.addi %scan3A_12, %scan3A_13 : i32
      %scan3A_15 = arith.constant 1 : i32
      %scan3A_16 = scf.for %scan3A_19 = %scan3A_12 to %scan3A_14 step %scan3A_15 iter_args(%scan3A_20 = %scan3A_11) -> (i32)  : i32 {
        %add3A_21 = arith.addi %mul3A_2, %scan3A_9 : i32
        %mul3A_22 = arith.constant 256 : i32
        %mul3A_23 = arith.muli %scan3A_19, %mul3A_22 : i32
        "tpu.region"() ({
          %run_scoped3A = tpu.sem_alloc : memref<!tpu.dma_semaphore, #tpu.memory_space<semaphore_mem>>
          %dma_start3A = arith.constant 0 : i32
          %dma_start3A_34 = tpu.memref_slice %arg2[%add3A_21, %dma_start3A, %mul3A_23] : memref<1024x64x1024xf32, #tpu.memory_space<hbm>> -> memref<1x64x256xf32, #tpu.memory_space<hbm>>
          %dma_start3A_35 = tpu.memref_squeeze %dma_start3A_34 : memref<1x64x256xf32, #tpu.memory_space<hbm>> -> memref<64x256xf32, #tpu.memory_space<hbm>>
          %dma_start3A_36 = arith.constant 0 : i32
          %dma_start3A_37 = tpu.memref_slice %arg2[%add3A_21, %dma_start3A_36, %mul3A_23] : memref<1024x64x1024xf32, #tpu.memory_space<hbm>> -> memref<1x64x256xf32, #tpu.memory_space<hbm>>
          %dma_start3A_38 = tpu.memref_squeeze %dma_start3A_37 : memref<1x64x256xf32, #tpu.memory_space<hbm>> -> memref<64x256xf32, #tpu.memory_space<hbm>>
          tpu.enqueue_dma source(%dma_start3A_38 : memref<64x256xf32, #tpu.memory_space<hbm>>) target(%arg4 : memref<64x256xf32, #tpu.memory_space<vmem>>) target_semaphore(%run_scoped3A : memref<!tpu.dma_semaphore, #tpu.memory_space<semaphore_mem>>)
          %dma_wait3A = arith.constant 0 : i32
          %dma_wait3A_39 = tpu.memref_slice %arg2[%add3A_21, %dma_wait3A, %mul3A_23] : memref<1024x64x1024xf32, #tpu.memory_space<hbm>> -> memref<1x64x256xf32, #tpu.memory_space<hbm>>
          %dma_wait3A_40 = tpu.memref_squeeze %dma_wait3A_39 : memref<1x64x256xf32, #tpu.memory_space<hbm>> -> memref<64x256xf32, #tpu.memory_space<hbm>>
          %dma_wait3A_41 = arith.constant 0 : i32
          %dma_wait3A_42 = tpu.memref_slice %arg2[%add3A_21, %dma_wait3A_41, %mul3A_23] : memref<1024x64x1024xf32, #tpu.memory_space<hbm>> -> memref<1x64x256xf32, #tpu.memory_space<hbm>>
          %dma_wait3A_43 = tpu.memref_squeeze %dma_wait3A_42 : memref<1x64x256xf32, #tpu.memory_space<hbm>> -> memref<64x256xf32, #tpu.memory_space<hbm>>
          tpu.wait_dma2 semaphore(%run_scoped3A : memref<!tpu.dma_semaphore, #tpu.memory_space<semaphore_mem>>) src(%dma_wait3A_43 : memref<64x256xf32, #tpu.memory_space<hbm>>) dst(%arg4 : memref<64x256xf32, #tpu.memory_space<vmem>>)
          tpu.yield
        }) : () -> ()
        %scan3A_24 = arith.constant 0 : i32
        %scan3A_25 = arith.constant 0 : i32
        %scan3A_26 = arith.constant 16 : i32
        %scan3A_27 = arith.addi %scan3A_25, %scan3A_26 : i32
        %scan3A_28 = arith.constant 1 : i32
        %scan3A_29 = scf.for %scan3A_34 = %scan3A_25 to %scan3A_27 step %scan3A_28 iter_args(%scan3A_35 = %scan3A_24) -> (i32)  : i32 {
          %mul3A_36 = arith.constant 16 : i32
          %mul3A_37 = arith.muli %scan3A_34, %mul3A_36 : i32
          %get3A = arith.constant 0 : i32
          %get3A_38 = arith.index_cast %get3A : i32 to index
          %get3A_39 = arith.index_cast %mul3A_37 : i32 to index
          %get3A_40 = tpu.vector_load %arg4[%get3A_38, %get3A_39] {strides = array<i32>} : memref<64x256xf32, #tpu.memory_space<vmem>>, vector<1x16xf32>,
          %get3A_41 = vector.shape_cast %get3A_40 : vector<1x16xf32> to vector<16xf32>
          %get3A_42 = arith.constant 1 : i32
          %get3A_43 = arith.index_cast %get3A_42 : i32 to index
          %get3A_44 = arith.index_cast %mul3A_37 : i32 to index
          %get3A_45 = tpu.vector_load %arg4[%get3A_43, %get3A_44] {strides = array<i32>} : memref<64x256xf32, #tpu.memory_space<vmem>>, vector<1x16xf32>,
          %get3A_46 = vector.shape_cast %get3A_45 : vector<1x16xf32> to vector<16xf32>
          %max3A = arith.maximumf %get3A_41, %get3A_46 : vector<16xf32>
          %get3A_47 = arith.constant 2 : i32
          %get3A_48 = arith.index_cast %get3A_47 : i32 to index
          %get3A_49 = arith.index_cast %mul3A_37 : i32 to index
          %get3A_50 = tpu.vector_load %arg4[%get3A_48, %get3A_49] {strides = array<i32>} : memref<64x256xf32, #tpu.memory_space<vmem>>, vector<1x16xf32>,
          %get3A_51 = vector.shape_cast %get3A_50 : vector<1x16xf32> to vector<16xf32>
          %max3A_52 = arith.maximumf %max3A, %get3A_51 : vector<16xf32>
          %get3A_53 = arith.constant 3 : i32
          %get3A_54 = arith.index_cast %get3A_53 : i32 to index
          %get3A_55 = arith.index_cast %mul3A_37 : i32 to index
          %get3A_56 = tpu.vector_load %arg4[%get3A_54, %get3A_55] {strides = array<i32>} : memref<64x256xf32, #tpu.memory_space<vmem>>, vector<1x16xf32>,
          %get3A_57 = vector.shape_cast %get3A_56 : vector<1x16xf32> to vector<16xf32>
          %max3A_58 = arith.maximumf %max3A_52, %get3A_57 : vector<16xf32>
          %get3A_59 = arith.constant 4 : i32
          %get3A_60 = arith.index_cast %get3A_59 : i32 to index
          %get3A_61 = arith.index_cast %mul3A_37 : i32 to index
          %get3A_62 = tpu.vector_load %arg4[%get3A_60, %get3A_61] {strides = array<i32>} : memref<64x256xf32, #tpu.memory_space<vmem>>, vector<1x16xf32>,
          %get3A_63 = vector.shape_cast %get3A_62 : vector<1x16xf32> to vector<16xf32>
          %max3A_64 = arith.maximumf %max3A_58, %get3A_63 : vector<16xf32>
          %get3A_65 = arith.constant 5 : i32
          %get3A_66 = arith.index_cast %get3A_65 : i32 to index
          %get3A_67 = arith.index_cast %mul3A_37 : i32 to index
          %get3A_68 = tpu.vector_load %arg4[%get3A_66, %get3A_67] {strides = array<i32>} : memref<64x256xf32, #tpu.memory_space<vmem>>, vector<1x16xf32>,
          %get3A_69 = vector.shape_cast %get3A_68 : vector<1x16xf32> to vector<16xf32>
          %max3A_70 = arith.maximumf %max3A_64, %get3A_69 : vector<16xf32>
          %get3A_71 = arith.constant 6 : i32
          %get3A_72 = arith.index_cast %get3A_71 : i32 to index
          %get3A_73 = arith.index_cast %mul3A_37 : i32 to index
          %get3A_74 = tpu.vector_load %arg4[%get3A_72, %get3A_73] {strides = array<i32>} : memref<64x256xf32, #tpu.memory_space<vmem>>, vector<1x16xf32>,
          %get3A_75 = vector.shape_cast %get3A_74 : vector<1x16xf32> to vector<16xf32>
          %max3A_76 = arith.maximumf %max3A_70, %get3A_75 : vector<16xf32>
          %get3A_77 = arith.constant 7 : i32
          %get3A_78 = arith.index_cast %get3A_77 : i32 to index
          %get3A_79 = arith.index_cast %mul3A_37 : i32 to index
          %get3A_80 = tpu.vector_load %arg4[%get3A_78, %get3A_79] {strides = array<i32>} : memref<64x256xf32, #tpu.memory_space<vmem>>, vector<1x16xf32>,
          %get3A_81 = vector.shape_cast %get3A_80 : vector<1x16xf32> to vector<16xf32>
          %max3A_82 = arith.maximumf %max3A_76, %get3A_81 : vector<16xf32>
          %get3A_83 = arith.constant 8 : i32
          %get3A_84 = arith.index_cast %get3A_83 : i32 to index
          %get3A_85 = arith.index_cast %mul3A_37 : i32 to index
          %get3A_86 = tpu.vector_load %arg4[%get3A_84, %get3A_85] {strides = array<i32>} : memref<64x256xf32, #tpu.memory_space<vmem>>, vector<1x16xf32>,
          %get3A_87 = vector.shape_cast %get3A_86 : vector<1x16xf32> to vector<16xf32>
          %max3A_88 = arith.maximumf %max3A_82, %get3A_87 : vector<16xf32>
          %get3A_89 = arith.constant 9 : i32
          %get3A_90 = arith.index_cast %get3A_89 : i32 to index
          %get3A_91 = arith.index_cast %mul3A_37 : i32 to index
          %get3A_92 = tpu.vector_load %arg4[%get3A_90, %get3A_91] {strides = array<i32>} : memref<64x256xf32, #tpu.memory_space<vmem>>, vector<1x16xf32>,
          %get3A_93 = vector.shape_cast %get3A_92 : vector<1x16xf32> to vector<16xf32>
          %max3A_94 = arith.maximumf %max3A_88, %get3A_93 : vector<16xf32>
          %get3A_95 = arith.constant 10 : i32
          %get3A_96 = arith.index_cast %get3A_95 : i32 to index
          %get3A_97 = arith.index_cast %mul3A_37 : i32 to index
          %get3A_98 = tpu.vector_load %arg4[%get3A_96, %get3A_97] {strides = array<i32>} : memref<64x256xf32, #tpu.memory_space<vmem>>, vector<1x16xf32>,
          %get3A_99 = vector.shape_cast %get3A_98 : vector<1x16xf32> to vector<16xf32>
          %max3A_100 = arith.maximumf %max3A_94, %get3A_99 : vector<16xf32>
          %get3A_101 = arith.constant 11 : i32
          %get3A_102 = arith.index_cast %get3A_101 : i32 to index
          %get3A_103 = arith.index_cast %mul3A_37 : i32 to index
          %get3A_104 = tpu.vector_load %arg4[%get3A_102, %get3A_103] {strides = array<i32>} : memref<64x256xf32, #tpu.memory_space<vmem>>, vector<1x16xf32>,
          %get3A_105 = vector.shape_cast %get3A_104 : vector<1x16xf32> to vector<16xf32>
          %max3A_106 = arith.maximumf %max3A_100, %get3A_105 : vector<16xf32>
          %get3A_107 = arith.constant 12 : i32
          %get3A_108 = arith.index_cast %get3A_107 : i32 to index
          %get3A_109 = arith.index_cast %mul3A_37 : i32 to index
          %get3A_110 = tpu.vector_load %arg4[%get3A_108, %get3A_109] {strides = array<i32>} : memref<64x256xf32, #tpu.memory_space<vmem>>, vector<1x16xf32>,
          %get3A_111 = vector.shape_cast %get3A_110 : vector<1x16xf32> to vector<16xf32>
          %max3A_112 = arith.maximumf %max3A_106, %get3A_111 : vector<16xf32>
          %get3A_113 = arith.constant 13 : i32
          %get3A_114 = arith.index_cast %get3A_113 : i32 to index
          %get3A_115 = arith.index_cast %mul3A_37 : i32 to index
          %get3A_116 = tpu.vector_load %arg4[%get3A_114, %get3A_115] {strides = array<i32>} : memref<64x256xf32, #tpu.memory_space<vmem>>, vector<1x16xf32>,
          %get3A_117 = vector.shape_cast %get3A_116 : vector<1x16xf32> to vector<16xf32>
          %max3A_118 = arith.maximumf %max3A_112, %get3A_117 : vector<16xf32>
          %get3A_119 = arith.constant 14 : i32
          %get3A_120 = arith.index_cast %get3A_119 : i32 to index
          %get3A_121 = arith.index_cast %mul3A_37 : i32 to index
          %get3A_122 = tpu.vector_load %arg4[%get3A_120, %get3A_121] {strides = array<i32>} : memref<64x256xf32, #tpu.memory_space<vmem>>, vector<1x16xf32>,
          %get3A_123 = vector.shape_cast %get3A_122 : vector<1x16xf32> to vector<16xf32>
          %max3A_124 = arith.maximumf %max3A_118, %get3A_123 : vector<16xf32>
          %get3A_125 = arith.constant 15 : i32
          %get3A_126 = arith.index_cast %get3A_125 : i32 to index
          %get3A_127 = arith.index_cast %mul3A_37 : i32 to index
          %get3A_128 = tpu.vector_load %arg4[%get3A_126, %get3A_127] {strides = array<i32>} : memref<64x256xf32, #tpu.memory_space<vmem>>, vector<1x16xf32>,
          %get3A_129 = vector.shape_cast %get3A_128 : vector<1x16xf32> to vector<16xf32>
          %max3A_130 = arith.maximumf %max3A_124, %get3A_129 : vector<16xf32>
          %get3A_131 = arith.constant 16 : i32
          %get3A_132 = arith.index_cast %get3A_131 : i32 to index
          %get3A_133 = arith.index_cast %mul3A_37 : i32 to index
          %get3A_134 = tpu.vector_load %arg4[%get3A_132, %get3A_133] {strides = array<i32>} : memref<64x256xf32, #tpu.memory_space<vmem>>, vector<1x16xf32>,
          %get3A_135 = vector.shape_cast %get3A_134 : vector<1x16xf32> to vector<16xf32>
          %max3A_136 = arith.maximumf %max3A_130, %get3A_135 : vector<16xf32>
          %get3A_137 = arith.constant 17 : i32
          %get3A_138 = arith.index_cast %get3A_137 : i32 to index
          %get3A_139 = arith.index_cast %mul3A_37 : i32 to index
          %get3A_140 = tpu.vector_load %arg4[%get3A_138, %get3A_139] {strides = array<i32>} : memref<64x256xf32, #tpu.memory_space<vmem>>, vector<1x16xf32>,
          %get3A_141 = vector.shape_cast %get3A_140 : vector<1x16xf32> to vector<16xf32>
          %max3A_142 = arith.maximumf %max3A_136, %get3A_141 : vector<16xf32>
          %get3A_143 = arith.constant 18 : i32
          %get3A_144 = arith.index_cast %get3A_143 : i32 to index
          %get3A_145 = arith.index_cast %mul3A_37 : i32 to index
          %get3A_146 = tpu.vector_load %arg4[%get3A_144, %get3A_145] {strides = array<i32>} : memref<64x256xf32, #tpu.memory_space<vmem>>, vector<1x16xf32>,
          %get3A_147 = vector.shape_cast %get3A_146 : vector<1x16xf32> to vector<16xf32>
          %max3A_148 = arith.maximumf %max3A_142, %get3A_147 : vector<16xf32>
          %get3A_149 = arith.constant 19 : i32
          %get3A_150 = arith.index_cast %get3A_149 : i32 to index
          %get3A_151 = arith.index_cast %mul3A_37 : i32 to index
          %get3A_152 = tpu.vector_load %arg4[%get3A_150, %get3A_151] {strides = array<i32>} : memref<64x256xf32, #tpu.memory_space<vmem>>, vector<1x16xf32>,
          %get3A_153 = vector.shape_cast %get3A_152 : vector<1x16xf32> to vector<16xf32>
          %max3A_154 = arith.maximumf %max3A_148, %get3A_153 : vector<16xf32>
          %get3A_155 = arith.constant 20 : i32
          %get3A_156 = arith.index_cast %get3A_155 : i32 to index
          %get3A_157 = arith.index_cast %mul3A_37 : i32 to index
          %get3A_158 = tpu.vector_load %arg4[%get3A_156, %get3A_157] {strides = array<i32>} : memref<64x256xf32, #tpu.memory_space<vmem>>, vector<1x16xf32>,
          %get3A_159 = vector.shape_cast %get3A_158 : vector<1x16xf32> to vector<16xf32>
          %max3A_160 = arith.maximumf %max3A_154, %get3A_159 : vector<16xf32>
          %get3A_161 = arith.constant 21 : i32
          %get3A_162 = arith.index_cast %get3A_161 : i32 to index
          %get3A_163 = arith.index_cast %mul3A_37 : i32 to index
          %get3A_164 = tpu.vector_load %arg4[%get3A_162, %get3A_163] {strides = array<i32>} : memref<64x256xf32, #tpu.memory_space<vmem>>, vector<1x16xf32>,
          %get3A_165 = vector.shape_cast %get3A_164 : vector<1x16xf32> to vector<16xf32>
          %max3A_166 = arith.maximumf %max3A_160, %get3A_165 : vector<16xf32>
          %get3A_167 = arith.constant 22 : i32
          %get3A_168 = arith.index_cast %get3A_167 : i32 to index
          %get3A_169 = arith.index_cast %mul3A_37 : i32 to index
          %get3A_170 = tpu.vector_load %arg4[%get3A_168, %get3A_169] {strides = array<i32>} : memref<64x256xf32, #tpu.memory_space<vmem>>, vector<1x16xf32>,
          %get3A_171 = vector.shape_cast %get3A_170 : vector<1x16xf32> to vector<16xf32>
          %max3A_172 = arith.maximumf %max3A_166, %get3A_171 : vector<16xf32>
          %get3A_173 = arith.constant 23 : i32
          %get3A_174 = arith.index_cast %get3A_173 : i32 to index
          %get3A_175 = arith.index_cast %mul3A_37 : i32 to index
          %get3A_176 = tpu.vector_load %arg4[%get3A_174, %get3A_175] {strides = array<i32>} : memref<64x256xf32, #tpu.memory_space<vmem>>, vector<1x16xf32>,
          %get3A_177 = vector.shape_cast %get3A_176 : vector<1x16xf32> to vector<16xf32>
          %max3A_178 = arith.maximumf %max3A_172, %get3A_177 : vector<16xf32>
          %get3A_179 = arith.constant 24 : i32
          %get3A_180 = arith.index_cast %get3A_179 : i32 to index
          %get3A_181 = arith.index_cast %mul3A_37 : i32 to index
          %get3A_182 = tpu.vector_load %arg4[%get3A_180, %get3A_181] {strides = array<i32>} : memref<64x256xf32, #tpu.memory_space<vmem>>, vector<1x16xf32>,
          %get3A_183 = vector.shape_cast %get3A_182 : vector<1x16xf32> to vector<16xf32>
          %max3A_184 = arith.maximumf %max3A_178, %get3A_183 : vector<16xf32>
          %get3A_185 = arith.constant 25 : i32
          %get3A_186 = arith.index_cast %get3A_185 : i32 to index
          %get3A_187 = arith.index_cast %mul3A_37 : i32 to index
          %get3A_188 = tpu.vector_load %arg4[%get3A_186, %get3A_187] {strides = array<i32>} : memref<64x256xf32, #tpu.memory_space<vmem>>, vector<1x16xf32>,
          %get3A_189 = vector.shape_cast %get3A_188 : vector<1x16xf32> to vector<16xf32>
          %max3A_190 = arith.maximumf %max3A_184, %get3A_189 : vector<16xf32>
          %get3A_191 = arith.constant 26 : i32
          %get3A_192 = arith.index_cast %get3A_191 : i32 to index
          %get3A_193 = arith.index_cast %mul3A_37 : i32 to index
          %get3A_194 = tpu.vector_load %arg4[%get3A_192, %get3A_193] {strides = array<i32>} : memref<64x256xf32, #tpu.memory_space<vmem>>, vector<1x16xf32>,
          %get3A_195 = vector.shape_cast %get3A_194 : vector<1x16xf32> to vector<16xf32>
          %max3A_196 = arith.maximumf %max3A_190, %get3A_195 : vector<16xf32>
          %get3A_197 = arith.constant 27 : i32
          %get3A_198 = arith.index_cast %get3A_197 : i32 to index
          %get3A_199 = arith.index_cast %mul3A_37 : i32 to index
          %get3A_200 = tpu.vector_load %arg4[%get3A_198, %get3A_199] {strides = array<i32>} : memref<64x256xf32, #tpu.memory_space<vmem>>, vector<1x16xf32>,
          %get3A_201 = vector.shape_cast %get3A_200 : vector<1x16xf32> to vector<16xf32>
          %max3A_202 = arith.maximumf %max3A_196, %get3A_201 : vector<16xf32>
          %get3A_203 = arith.constant 28 : i32
          %get3A_204 = arith.index_cast %get3A_203 : i32 to index
          %get3A_205 = arith.index_cast %mul3A_37 : i32 to index
          %get3A_206 = tpu.vector_load %arg4[%get3A_204, %get3A_205] {strides = array<i32>} : memref<64x256xf32, #tpu.memory_space<vmem>>, vector<1x16xf32>,
          %get3A_207 = vector.shape_cast %get3A_206 : vector<1x16xf32> to vector<16xf32>
          %max3A_208 = arith.maximumf %max3A_202, %get3A_207 : vector<16xf32>
          %get3A_209 = arith.constant 29 : i32
          %get3A_210 = arith.index_cast %get3A_209 : i32 to index
          %get3A_211 = arith.index_cast %mul3A_37 : i32 to index
          %get3A_212 = tpu.vector_load %arg4[%get3A_210, %get3A_211] {strides = array<i32>} : memref<64x256xf32, #tpu.memory_space<vmem>>, vector<1x16xf32>,
          %get3A_213 = vector.shape_cast %get3A_212 : vector<1x16xf32> to vector<16xf32>
          %max3A_214 = arith.maximumf %max3A_208, %get3A_213 : vector<16xf32>
          %get3A_215 = arith.constant 30 : i32
          %get3A_216 = arith.index_cast %get3A_215 : i32 to index
          %get3A_217 = arith.index_cast %mul3A_37 : i32 to index
          %get3A_218 = tpu.vector_load %arg4[%get3A_216, %get3A_217] {strides = array<i32>} : memref<64x256xf32, #tpu.memory_space<vmem>>, vector<1x16xf32>,
          %get3A_219 = vector.shape_cast %get3A_218 : vector<1x16xf32> to vector<16xf32>
          %max3A_220 = arith.maximumf %max3A_214, %get3A_219 : vector<16xf32>
          %get3A_221 = arith.constant 31 : i32
          %get3A_222 = arith.index_cast %get3A_221 : i32 to index
          %get3A_223 = arith.index_cast %mul3A_37 : i32 to index
          %get3A_224 = tpu.vector_load %arg4[%get3A_222, %get3A_223] {strides = array<i32>} : memref<64x256xf32, #tpu.memory_space<vmem>>, vector<1x16xf32>,
          %get3A_225 = vector.shape_cast %get3A_224 : vector<1x16xf32> to vector<16xf32>
          %max3A_226 = arith.maximumf %max3A_220, %get3A_225 : vector<16xf32>
          %get3A_227 = arith.constant 32 : i32
          %get3A_228 = arith.index_cast %get3A_227 : i32 to index
          %get3A_229 = arith.index_cast %mul3A_37 : i32 to index
          %get3A_230 = tpu.vector_load %arg4[%get3A_228, %get3A_229] {strides = array<i32>} : memref<64x256xf32, #tpu.memory_space<vmem>>, vector<1x16xf32>,
          %get3A_231 = vector.shape_cast %get3A_230 : vector<1x16xf32> to vector<16xf32>
          %max3A_232 = arith.maximumf %max3A_226, %get3A_231 : vector<16xf32>
          %get3A_233 = arith.constant 33 : i32
          %get3A_234 = arith.index_cast %get3A_233 : i32 to index
          %get3A_235 = arith.index_cast %mul3A_37 : i32 to index
          %get3A_236 = tpu.vector_load %arg4[%get3A_234, %get3A_235] {strides = array<i32>} : memref<64x256xf32, #tpu.memory_space<vmem>>, vector<1x16xf32>,
          %get3A_237 = vector.shape_cast %get3A_236 : vector<1x16xf32> to vector<16xf32>
          %max3A_238 = arith.maximumf %max3A_232, %get3A_237 : vector<16xf32>
          %get3A_239 = arith.constant 34 : i32
          %get3A_240 = arith.index_cast %get3A_239 : i32 to index
          %get3A_241 = arith.index_cast %mul3A_37 : i32 to index
          %get3A_242 = tpu.vector_load %arg4[%get3A_240, %get3A_241] {strides = array<i32>} : memref<64x256xf32, #tpu.memory_space<vmem>>, vector<1x16xf32>,
          %get3A_243 = vector.shape_cast %get3A_242 : vector<1x16xf32> to vector<16xf32>
          %max3A_244 = arith.maximumf %max3A_238, %get3A_243 : vector<16xf32>
          %get3A_245 = arith.constant 35 : i32
          %get3A_246 = arith.index_cast %get3A_245 : i32 to index
          %get3A_247 = arith.index_cast %mul3A_37 : i32 to index
          %get3A_248 = tpu.vector_load %arg4[%get3A_246, %get3A_247] {strides = array<i32>} : memref<64x256xf32, #tpu.memory_space<vmem>>, vector<1x16xf32>,
          %get3A_249 = vector.shape_cast %get3A_248 : vector<1x16xf32> to vector<16xf32>
          %max3A_250 = arith.maximumf %max3A_244, %get3A_249 : vector<16xf32>
          %get3A_251 = arith.constant 36 : i32
          %get3A_252 = arith.index_cast %get3A_251 : i32 to index
          %get3A_253 = arith.index_cast %mul3A_37 : i32 to index
          %get3A_254 = tpu.vector_load %arg4[%get3A_252, %get3A_253] {strides = array<i32>} : memref<64x256xf32, #tpu.memory_space<vmem>>, vector<1x16xf32>,
          %get3A_255 = vector.shape_cast %get3A_254 : vector<1x16xf32> to vector<16xf32>
          %max3A_256 = arith.maximumf %max3A_250, %get3A_255 : vector<16xf32>
          %get3A_257 = arith.constant 37 : i32
          %get3A_258 = arith.index_cast %get3A_257 : i32 to index
          %get3A_259 = arith.index_cast %mul3A_37 : i32 to index
          %get3A_260 = tpu.vector_load %arg4[%get3A_258, %get3A_259] {strides = array<i32>} : memref<64x256xf32, #tpu.memory_space<vmem>>, vector<1x16xf32>,
          %get3A_261 = vector.shape_cast %get3A_260 : vector<1x16xf32> to vector<16xf32>
          %max3A_262 = arith.maximumf %max3A_256, %get3A_261 : vector<16xf32>
          %get3A_263 = arith.constant 38 : i32
          %get3A_264 = arith.index_cast %get3A_263 : i32 to index
          %get3A_265 = arith.index_cast %mul3A_37 : i32 to index
          %get3A_266 = tpu.vector_load %arg4[%get3A_264, %get3A_265] {strides = array<i32>} : memref<64x256xf32, #tpu.memory_space<vmem>>, vector<1x16xf32>,
          %get3A_267 = vector.shape_cast %get3A_266 : vector<1x16xf32> to vector<16xf32>
          %max3A_268 = arith.maximumf %max3A_262, %get3A_267 : vector<16xf32>
          %get3A_269 = arith.constant 39 : i32
          %get3A_270 = arith.index_cast %get3A_269 : i32 to index
          %get3A_271 = arith.index_cast %mul3A_37 : i32 to index
          %get3A_272 = tpu.vector_load %arg4[%get3A_270, %get3A_271] {strides = array<i32>} : memref<64x256xf32, #tpu.memory_space<vmem>>, vector<1x16xf32>,
          %get3A_273 = vector.shape_cast %get3A_272 : vector<1x16xf32> to vector<16xf32>
          %max3A_274 = arith.maximumf %max3A_268, %get3A_273 : vector<16xf32>
          %get3A_275 = arith.constant 40 : i32
          %get3A_276 = arith.index_cast %get3A_275 : i32 to index
          %get3A_277 = arith.index_cast %mul3A_37 : i32 to index
          %get3A_278 = tpu.vector_load %arg4[%get3A_276, %get3A_277] {strides = array<i32>} : memref<64x256xf32, #tpu.memory_space<vmem>>, vector<1x16xf32>,
          %get3A_279 = vector.shape_cast %get3A_278 : vector<1x16xf32> to vector<16xf32>
          %max3A_280 = arith.maximumf %max3A_274, %get3A_279 : vector<16xf32>
          %get3A_281 = arith.constant 41 : i32
          %get3A_282 = arith.index_cast %get3A_281 : i32 to index
          %get3A_283 = arith.index_cast %mul3A_37 : i32 to index
          %get3A_284 = tpu.vector_load %arg4[%get3A_282, %get3A_283] {strides = array<i32>} : memref<64x256xf32, #tpu.memory_space<vmem>>, vector<1x16xf32>,
          %get3A_285 = vector.shape_cast %get3A_284 : vector<1x16xf32> to vector<16xf32>
          %max3A_286 = arith.maximumf %max3A_280, %get3A_285 : vector<16xf32>
          %get3A_287 = arith.constant 42 : i32
          %get3A_288 = arith.index_cast %get3A_287 : i32 to index
          %get3A_289 = arith.index_cast %mul3A_37 : i32 to index
          %get3A_290 = tpu.vector_load %arg4[%get3A_288, %get3A_289] {strides = array<i32>} : memref<64x256xf32, #tpu.memory_space<vmem>>, vector<1x16xf32>,
          %get3A_291 = vector.shape_cast %get3A_290 : vector<1x16xf32> to vector<16xf32>
          %max3A_292 = arith.maximumf %max3A_286, %get3A_291 : vector<16xf32>
          %get3A_293 = arith.constant 43 : i32
          %get3A_294 = arith.index_cast %get3A_293 : i32 to index
          %get3A_295 = arith.index_cast %mul3A_37 : i32 to index
          %get3A_296 = tpu.vector_load %arg4[%get3A_294, %get3A_295] {strides = array<i32>} : memref<64x256xf32, #tpu.memory_space<vmem>>, vector<1x16xf32>,
          %get3A_297 = vector.shape_cast %get3A_296 : vector<1x16xf32> to vector<16xf32>
          %max3A_298 = arith.maximumf %max3A_292, %get3A_297 : vector<16xf32>
          %get3A_299 = arith.constant 44 : i32
          %get3A_300 = arith.index_cast %get3A_299 : i32 to index
          %get3A_301 = arith.index_cast %mul3A_37 : i32 to index
          %get3A_302 = tpu.vector_load %arg4[%get3A_300, %get3A_301] {strides = array<i32>} : memref<64x256xf32, #tpu.memory_space<vmem>>, vector<1x16xf32>,
          %get3A_303 = vector.shape_cast %get3A_302 : vector<1x16xf32> to vector<16xf32>
          %max3A_304 = arith.maximumf %max3A_298, %get3A_303 : vector<16xf32>
          %get3A_305 = arith.constant 45 : i32
          %get3A_306 = arith.index_cast %get3A_305 : i32 to index
          %get3A_307 = arith.index_cast %mul3A_37 : i32 to index
          %get3A_308 = tpu.vector_load %arg4[%get3A_306, %get3A_307] {strides = array<i32>} : memref<64x256xf32, #tpu.memory_space<vmem>>, vector<1x16xf32>,
          %get3A_309 = vector.shape_cast %get3A_308 : vector<1x16xf32> to vector<16xf32>
          %max3A_310 = arith.maximumf %max3A_304, %get3A_309 : vector<16xf32>
          %get3A_311 = arith.constant 46 : i32
          %get3A_312 = arith.index_cast %get3A_311 : i32 to index
          %get3A_313 = arith.index_cast %mul3A_37 : i32 to index
          %get3A_314 = tpu.vector_load %arg4[%get3A_312, %get3A_313] {strides = array<i32>} : memref<64x256xf32, #tpu.memory_space<vmem>>, vector<1x16xf32>,
          %get3A_315 = vector.shape_cast %get3A_314 : vector<1x16xf32> to vector<16xf32>
          %max3A_316 = arith.maximumf %max3A_310, %get3A_315 : vector<16xf32>
          %get3A_317 = arith.constant 47 : i32
          %get3A_318 = arith.index_cast %get3A_317 : i32 to index
          %get3A_319 = arith.index_cast %mul3A_37 : i32 to index
          %get3A_320 = tpu.vector_load %arg4[%get3A_318, %get3A_319] {strides = array<i32>} : memref<64x256xf32, #tpu.memory_space<vmem>>, vector<1x16xf32>,
          %get3A_321 = vector.shape_cast %get3A_320 : vector<1x16xf32> to vector<16xf32>
          %max3A_322 = arith.maximumf %max3A_316, %get3A_321 : vector<16xf32>
          %get3A_323 = arith.constant 48 : i32
          %get3A_324 = arith.index_cast %get3A_323 : i32 to index
          %get3A_325 = arith.index_cast %mul3A_37 : i32 to index
          %get3A_326 = tpu.vector_load %arg4[%get3A_324, %get3A_325] {strides = array<i32>} : memref<64x256xf32, #tpu.memory_space<vmem>>, vector<1x16xf32>,
          %get3A_327 = vector.shape_cast %get3A_326 : vector<1x16xf32> to vector<16xf32>
          %max3A_328 = arith.maximumf %max3A_322, %get3A_327 : vector<16xf32>
          %get3A_329 = arith.constant 49 : i32
          %get3A_330 = arith.index_cast %get3A_329 : i32 to index
          %get3A_331 = arith.index_cast %mul3A_37 : i32 to index
          %get3A_332 = tpu.vector_load %arg4[%get3A_330, %get3A_331] {strides = array<i32>} : memref<64x256xf32, #tpu.memory_space<vmem>>, vector<1x16xf32>,
          %get3A_333 = vector.shape_cast %get3A_332 : vector<1x16xf32> to vector<16xf32>
          %max3A_334 = arith.maximumf %max3A_328, %get3A_333 : vector<16xf32>
          %get3A_335 = arith.constant 50 : i32
          %get3A_336 = arith.index_cast %get3A_335 : i32 to index
          %get3A_337 = arith.index_cast %mul3A_37 : i32 to index
          %get3A_338 = tpu.vector_load %arg4[%get3A_336, %get3A_337] {strides = array<i32>} : memref<64x256xf32, #tpu.memory_space<vmem>>, vector<1x16xf32>,
          %get3A_339 = vector.shape_cast %get3A_338 : vector<1x16xf32> to vector<16xf32>
          %max3A_340 = arith.maximumf %max3A_334, %get3A_339 : vector<16xf32>
          %get3A_341 = arith.constant 51 : i32
          %get3A_342 = arith.index_cast %get3A_341 : i32 to index
          %get3A_343 = arith.index_cast %mul3A_37 : i32 to index
          %get3A_344 = tpu.vector_load %arg4[%get3A_342, %get3A_343] {strides = array<i32>} : memref<64x256xf32, #tpu.memory_space<vmem>>, vector<1x16xf32>,
          %get3A_345 = vector.shape_cast %get3A_344 : vector<1x16xf32> to vector<16xf32>
          %max3A_346 = arith.maximumf %max3A_340, %get3A_345 : vector<16xf32>
          %get3A_347 = arith.constant 52 : i32
          %get3A_348 = arith.index_cast %get3A_347 : i32 to index
          %get3A_349 = arith.index_cast %mul3A_37 : i32 to index
          %get3A_350 = tpu.vector_load %arg4[%get3A_348, %get3A_349] {strides = array<i32>} : memref<64x256xf32, #tpu.memory_space<vmem>>, vector<1x16xf32>,
          %get3A_351 = vector.shape_cast %get3A_350 : vector<1x16xf32> to vector<16xf32>
          %max3A_352 = arith.maximumf %max3A_346, %get3A_351 : vector<16xf32>
          %get3A_353 = arith.constant 53 : i32
          %get3A_354 = arith.index_cast %get3A_353 : i32 to index
          %get3A_355 = arith.index_cast %mul3A_37 : i32 to index
          %get3A_356 = tpu.vector_load %arg4[%get3A_354, %get3A_355] {strides = array<i32>} : memref<64x256xf32, #tpu.memory_space<vmem>>, vector<1x16xf32>,
          %get3A_357 = vector.shape_cast %get3A_356 : vector<1x16xf32> to vector<16xf32>
          %max3A_358 = arith.maximumf %max3A_352, %get3A_357 : vector<16xf32>
          %get3A_359 = arith.constant 54 : i32
          %get3A_360 = arith.index_cast %get3A_359 : i32 to index
          %get3A_361 = arith.index_cast %mul3A_37 : i32 to index
          %get3A_362 = tpu.vector_load %arg4[%get3A_360, %get3A_361] {strides = array<i32>} : memref<64x256xf32, #tpu.memory_space<vmem>>, vector<1x16xf32>,
          %get3A_363 = vector.shape_cast %get3A_362 : vector<1x16xf32> to vector<16xf32>
          %max3A_364 = arith.maximumf %max3A_358, %get3A_363 : vector<16xf32>
          %get3A_365 = arith.constant 55 : i32
          %get3A_366 = arith.index_cast %get3A_365 : i32 to index
          %get3A_367 = arith.index_cast %mul3A_37 : i32 to index
          %get3A_368 = tpu.vector_load %arg4[%get3A_366, %get3A_367] {strides = array<i32>} : memref<64x256xf32, #tpu.memory_space<vmem>>, vector<1x16xf32>,
          %get3A_369 = vector.shape_cast %get3A_368 : vector<1x16xf32> to vector<16xf32>
          %max3A_370 = arith.maximumf %max3A_364, %get3A_369 : vector<16xf32>
          %get3A_371 = arith.constant 56 : i32
          %get3A_372 = arith.index_cast %get3A_371 : i32 to index
          %get3A_373 = arith.index_cast %mul3A_37 : i32 to index
          %get3A_374 = tpu.vector_load %arg4[%get3A_372, %get3A_373] {strides = array<i32>} : memref<64x256xf32, #tpu.memory_space<vmem>>, vector<1x16xf32>,
          %get3A_375 = vector.shape_cast %get3A_374 : vector<1x16xf32> to vector<16xf32>
          %max3A_376 = arith.maximumf %max3A_370, %get3A_375 : vector<16xf32>
          %get3A_377 = arith.constant 57 : i32
          %get3A_378 = arith.index_cast %get3A_377 : i32 to index
          %get3A_379 = arith.index_cast %mul3A_37 : i32 to index
          %get3A_380 = tpu.vector_load %arg4[%get3A_378, %get3A_379] {strides = array<i32>} : memref<64x256xf32, #tpu.memory_space<vmem>>, vector<1x16xf32>,
          %get3A_381 = vector.shape_cast %get3A_380 : vector<1x16xf32> to vector<16xf32>
          %max3A_382 = arith.maximumf %max3A_376, %get3A_381 : vector<16xf32>
          %get3A_383 = arith.constant 58 : i32
          %get3A_384 = arith.index_cast %get3A_383 : i32 to index
          %get3A_385 = arith.index_cast %mul3A_37 : i32 to index
          %get3A_386 = tpu.vector_load %arg4[%get3A_384, %get3A_385] {strides = array<i32>} : memref<64x256xf32, #tpu.memory_space<vmem>>, vector<1x16xf32>,
          %get3A_387 = vector.shape_cast %get3A_386 : vector<1x16xf32> to vector<16xf32>
          %max3A_388 = arith.maximumf %max3A_382, %get3A_387 : vector<16xf32>
          %get3A_389 = arith.constant 59 : i32
          %get3A_390 = arith.index_cast %get3A_389 : i32 to index
          %get3A_391 = arith.index_cast %mul3A_37 : i32 to index
          %get3A_392 = tpu.vector_load %arg4[%get3A_390, %get3A_391] {strides = array<i32>} : memref<64x256xf32, #tpu.memory_space<vmem>>, vector<1x16xf32>,
          %get3A_393 = vector.shape_cast %get3A_392 : vector<1x16xf32> to vector<16xf32>
          %max3A_394 = arith.maximumf %max3A_388, %get3A_393 : vector<16xf32>
          %get3A_395 = arith.constant 60 : i32
          %get3A_396 = arith.index_cast %get3A_395 : i32 to index
          %get3A_397 = arith.index_cast %mul3A_37 : i32 to index
          %get3A_398 = tpu.vector_load %arg4[%get3A_396, %get3A_397] {strides = array<i32>} : memref<64x256xf32, #tpu.memory_space<vmem>>, vector<1x16xf32>,
          %get3A_399 = vector.shape_cast %get3A_398 : vector<1x16xf32> to vector<16xf32>
          %max3A_400 = arith.maximumf %max3A_394, %get3A_399 : vector<16xf32>
          %get3A_401 = arith.constant 61 : i32
          %get3A_402 = arith.index_cast %get3A_401 : i32 to index
          %get3A_403 = arith.index_cast %mul3A_37 : i32 to index
          %get3A_404 = tpu.vector_load %arg4[%get3A_402, %get3A_403] {strides = array<i32>} : memref<64x256xf32, #tpu.memory_space<vmem>>, vector<1x16xf32>,
          %get3A_405 = vector.shape_cast %get3A_404 : vector<1x16xf32> to vector<16xf32>
          %max3A_406 = arith.maximumf %max3A_400, %get3A_405 : vector<16xf32>
          %get3A_407 = arith.constant 62 : i32
          %get3A_408 = arith.index_cast %get3A_407 : i32 to index
          %get3A_409 = arith.index_cast %mul3A_37 : i32 to index
          %get3A_410 = tpu.vector_load %arg4[%get3A_408, %get3A_409] {strides = array<i32>} : memref<64x256xf32, #tpu.memory_space<vmem>>, vector<1x16xf32>,
          %get3A_411 = vector.shape_cast %get3A_410 : vector<1x16xf32> to vector<16xf32>
          %max3A_412 = arith.maximumf %max3A_406, %get3A_411 : vector<16xf32>
          %get3A_413 = arith.constant 63 : i32
          %get3A_414 = arith.index_cast %get3A_413 : i32 to index
          %get3A_415 = arith.index_cast %mul3A_37 : i32 to index
          %get3A_416 = tpu.vector_load %arg4[%get3A_414, %get3A_415] {strides = array<i32>} : memref<64x256xf32, #tpu.memory_space<vmem>>, vector<1x16xf32>,
          %get3A_417 = vector.shape_cast %get3A_416 : vector<1x16xf32> to vector<16xf32>
          %max3A_418 = arith.maximumf %max3A_412, %get3A_417 : vector<16xf32>
          %broadcast_in_dim3A = arith.constant 0.000000e+00 : f32
          %broadcast_in_dim3A_419 = vector.broadcast %broadcast_in_dim3A : f32 to vector<16xf32>
          %get3A_420 = arith.constant 0 : i32
          %get3A_421 = arith.index_cast %get3A_420 : i32 to index
          %get3A_422 = arith.index_cast %mul3A_37 : i32 to index
          %get3A_423 = tpu.vector_load %arg4[%get3A_421, %get3A_422] {strides = array<i32>} : memref<64x256xf32, #tpu.memory_space<vmem>>, vector<1x16xf32>,
          %get3A_424 = vector.shape_cast %get3A_423 : vector<1x16xf32> to vector<16xf32>
          %sub3A = arith.subf %get3A_424, %max3A_418 : vector<16xf32>
          %mul3A_425 = arith.constant 1.593750e+01 : f32
          %mul3A_426 = vector.broadcast %mul3A_425 : f32 to vector<16xf32>
          %mul3A_427 = arith.mulf %sub3A, %mul3A_426 : vector<16xf32>
          %sub3A_428 = arith.constant 5.000000e-01 : f32
          %sub3A_429 = vector.broadcast %sub3A_428 : f32 to vector<16xf32>
          %sub3A_430 = arith.subf %mul3A_427, %sub3A_429 : vector<16xf32>
          %convert_element_type3A = arith.fptosi %sub3A_430 : vector<16xf32> to vector<16xi32>
          %convert_element_type3A_431 = arith.sitofp %convert_element_type3A : vector<16xi32> to vector<16xf32>
          %mul3A_432 = arith.constant 6.274510e-02 : f32
          %mul3A_433 = vector.broadcast %mul3A_432 : f32 to vector<16xf32>
          %mul3A_434 = arith.mulf %convert_element_type3A_431, %mul3A_433 : vector<16xf32>
          %exp3A = math.exp %mul3A_434 : vector<16xf32>
          %swap3A = arith.constant 0 : i32
          %swap3A_435 = arith.index_cast %swap3A : i32 to index
          %swap3A_436 = arith.index_cast %mul3A_37 : i32 to index
          %swap3A_437 = tpu.vector_load %arg5[%swap3A_435, %swap3A_436] {strides = array<i32>} : memref<64x256xf32, #tpu.memory_space<vmem>>, vector<1x16xf32>,
          %swap3A_438 = vector.shape_cast %swap3A_437 : vector<1x16xf32> to vector<16xf32>
          %swap3A_439 = vector.shape_cast %exp3A : vector<16xf32> to vector<1x16xf32>
          tpu.vector_store %arg5[%swap3A_435, %swap3A_436], %swap3A_439 {strides = array<i32>} : memref<64x256xf32, #tpu.memory_space<vmem>>, vector<1x16xf32>,
          %add3A_440 = arith.addf %broadcast_in_dim3A_419, %exp3A : vector<16xf32>
          %get3A_441 = arith.constant 1 : i32
          %get3A_442 = arith.index_cast %get3A_441 : i32 to index
          %get3A_443 = arith.index_cast %mul3A_37 : i32 to index
          %get3A_444 = tpu.vector_load %arg4[%get3A_442, %get3A_443] {strides = array<i32>} : memref<64x256xf32, #tpu.memory_space<vmem>>, vector<1x16xf32>,
          %get3A_445 = vector.shape_cast %get3A_444 : vector<1x16xf32> to vector<16xf32>
          %sub3A_446 = arith.subf %get3A_445, %max3A_418 : vector<16xf32>
          %mul3A_447 = arith.constant 1.593750e+01 : f32
          %mul3A_448 = vector.broadcast %mul3A_447 : f32 to vector<16xf32>
          %mul3A_449 = arith.mulf %sub3A_446, %mul3A_448 : vector<16xf32>
          %sub3A_450 = arith.constant 5.000000e-01 : f32
          %sub3A_451 = vector.broadcast %sub3A_450 : f32 to vector<16xf32>
          %sub3A_452 = arith.subf %mul3A_449, %sub3A_451 : vector<16xf32>
          %convert_element_type3A_453 = arith.fptosi %sub3A_452 : vector<16xf32> to vector<16xi32>
          %convert_element_type3A_454 = arith.sitofp %convert_element_type3A_453 : vector<16xi32> to vector<16xf32>
          %mul3A_455 = arith.constant 6.274510e-02 : f32
          %mul3A_456 = vector.broadcast %mul3A_455 : f32 to vector<16xf32>
          %mul3A_457 = arith.mulf %convert_element_type3A_454, %mul3A_456 : vector<16xf32>
          %exp3A_458 = math.exp %mul3A_457 : vector<16xf32>
          %swap3A_459 = arith.constant 1 : i32
          %swap3A_460 = arith.index_cast %swap3A_459 : i32 to index
          %swap3A_461 = arith.index_cast %mul3A_37 : i32 to index
          %swap3A_462 = tpu.vector_load %arg5[%swap3A_460, %swap3A_461] {strides = array<i32>} : memref<64x256xf32, #tpu.memory_space<vmem>>, vector<1x16xf32>,
          %swap3A_463 = vector.shape_cast %swap3A_462 : vector<1x16xf32> to vector<16xf32>
          %swap3A_464 = vector.shape_cast %exp3A_458 : vector<16xf32> to vector<1x16xf32>
          tpu.vector_store %arg5[%swap3A_460, %swap3A_461], %swap3A_464 {strides = array<i32>} : memref<64x256xf32, #tpu.memory_space<vmem>>, vector<1x16xf32>,
          %add3A_465 = arith.addf %add3A_440, %exp3A_458 : vector<16xf32>
          %get3A_466 = arith.constant 2 : i32
          %get3A_467 = arith.index_cast %get3A_466 : i32 to index
          %get3A_468 = arith.index_cast %mul3A_37 : i32 to index
          %get3A_469 = tpu.vector_load %arg4[%get3A_467, %get3A_468] {strides = array<i32>} : memref<64x256xf32, #tpu.memory_space<vmem>>, vector<1x16xf32>,
          %get3A_470 = vector.shape_cast %get3A_469 : vector<1x16xf32> to vector<16xf32>
          %sub3A_471 = arith.subf %get3A_470, %max3A_418 : vector<16xf32>
          %mul3A_472 = arith.constant 1.593750e+01 : f32
          %mul3A_473 = vector.broadcast %mul3A_472 : f32 to vector<16xf32>
          %mul3A_474 = arith.mulf %sub3A_471, %mul3A_473 : vector<16xf32>
          %sub3A_475 = arith.constant 5.000000e-01 : f32
          %sub3A_476 = vector.broadcast %sub3A_475 : f32 to vector<16xf32>
          %sub3A_477 = arith.subf %mul3A_474, %sub3A_476 : vector<16xf32>
          %convert_element_type3A_478 = arith.fptosi %sub3A_477 : vector<16xf32> to vector<16xi32>
          %convert_element_type3A_479 = arith.sitofp %convert_element_type3A_478 : vector<16xi32> to vector<16xf32>
          %mul3A_480 = arith.constant 6.274510e-02 : f32
          %mul3A_481 = vector.broadcast %mul3A_480 : f32 to vector<16xf32>
          %mul3A_482 = arith.mulf %convert_element_type3A_479, %mul3A_481 : vector<16xf32>
          %exp3A_483 = math.exp %mul3A_482 : vector<16xf32>
          %swap3A_484 = arith.constant 2 : i32
          %swap3A_485 = arith.index_cast %swap3A_484 : i32 to index
          %swap3A_486 = arith.index_cast %mul3A_37 : i32 to index
          %swap3A_487 = tpu.vector_load %arg5[%swap3A_485, %swap3A_486] {strides = array<i32>} : memref<64x256xf32, #tpu.memory_space<vmem>>, vector<1x16xf32>,
          %swap3A_488 = vector.shape_cast %swap3A_487 : vector<1x16xf32> to vector<16xf32>
          %swap3A_489 = vector.shape_cast %exp3A_483 : vector<16xf32> to vector<1x16xf32>
          tpu.vector_store %arg5[%swap3A_485, %swap3A_486], %swap3A_489 {strides = array<i32>} : memref<64x256xf32, #tpu.memory_space<vmem>>, vector<1x16xf32>,
          %add3A_490 = arith.addf %add3A_465, %exp3A_483 : vector<16xf32>
          %get3A_491 = arith.constant 3 : i32
          %get3A_492 = arith.index_cast %get3A_491 : i32 to index
          %get3A_493 = arith.index_cast %mul3A_37 : i32 to index
          %get3A_494 = tpu.vector_load %arg4[%get3A_492, %get3A_493] {strides = array<i32>} : memref<64x256xf32, #tpu.memory_space<vmem>>, vector<1x16xf32>,
          %get3A_495 = vector.shape_cast %get3A_494 : vector<1x16xf32> to vector<16xf32>
          %sub3A_496 = arith.subf %get3A_495, %max3A_418 : vector<16xf32>
          %mul3A_497 = arith.constant 1.593750e+01 : f32
          %mul3A_498 = vector.broadcast %mul3A_497 : f32 to vector<16xf32>
          %mul3A_499 = arith.mulf %sub3A_496, %mul3A_498 : vector<16xf32>
          %sub3A_500 = arith.constant 5.000000e-01 : f32
          %sub3A_501 = vector.broadcast %sub3A_500 : f32 to vector<16xf32>
          %sub3A_502 = arith.subf %mul3A_499, %sub3A_501 : vector<16xf32>
          %convert_element_type3A_503 = arith.fptosi %sub3A_502 : vector<16xf32> to vector<16xi32>
          %convert_element_type3A_504 = arith.sitofp %convert_element_type3A_503 : vector<16xi32> to vector<16xf32>
          %mul3A_505 = arith.constant 6.274510e-02 : f32
          %mul3A_506 = vector.broadcast %mul3A_505 : f32 to vector<16xf32>
          %mul3A_507 = arith.mulf %convert_element_type3A_504, %mul3A_506 : vector<16xf32>
          %exp3A_508 = math.exp %mul3A_507 : vector<16xf32>
          %swap3A_509 = arith.constant 3 : i32
          %swap3A_510 = arith.index_cast %swap3A_509 : i32 to index
          %swap3A_511 = arith.index_cast %mul3A_37 : i32 to index
          %swap3A_512 = tpu.vector_load %arg5[%swap3A_510, %swap3A_511] {strides = array<i32>} : memref<64x256xf32, #tpu.memory_space<vmem>>, vector<1x16xf32>,
          %swap3A_513 = vector.shape_cast %swap3A_512 : vector<1x16xf32> to vector<16xf32>
          %swap3A_514 = vector.shape_cast %exp3A_508 : vector<16xf32> to vector<1x16xf32>
          tpu.vector_store %arg5[%swap3A_510, %swap3A_511], %swap3A_514 {strides = array<i32>} : memref<64x256xf32, #tpu.memory_space<vmem>>, vector<1x16xf32>,
          %add3A_515 = arith.addf %add3A_490, %exp3A_508 : vector<16xf32>
          %get3A_516 = arith.constant 4 : i32
          %get3A_517 = arith.index_cast %get3A_516 : i32 to index
          %get3A_518 = arith.index_cast %mul3A_37 : i32 to index
          %get3A_519 = tpu.vector_load %arg4[%get3A_517, %get3A_518] {strides = array<i32>} : memref<64x256xf32, #tpu.memory_space<vmem>>, vector<1x16xf32>,
          %get3A_520 = vector.shape_cast %get3A_519 : vector<1x16xf32> to vector<16xf32>
          %sub3A_521 = arith.subf %get3A_520, %max3A_418 : vector<16xf32>
          %mul3A_522 = arith.constant 1.593750e+01 : f32
          %mul3A_523 = vector.broadcast %mul3A_522 : f32 to vector<16xf32>
          %mul3A_524 = arith.mulf %sub3A_521, %mul3A_523 : vector<16xf32>
          %sub3A_525 = arith.constant 5.000000e-01 : f32
          %sub3A_526 = vector.broadcast %sub3A_525 : f32 to vector<16xf32>
          %sub3A_527 = arith.subf %mul3A_524, %sub3A_526 : vector<16xf32>
          %convert_element_type3A_528 = arith.fptosi %sub3A_527 : vector<16xf32> to vector<16xi32>
          %convert_element_type3A_529 = arith.sitofp %convert_element_type3A_528 : vector<16xi32> to vector<16xf32>
          %mul3A_530 = arith.constant 6.274510e-02 : f32
          %mul3A_531 = vector.broadcast %mul3A_530 : f32 to vector<16xf32>
          %mul3A_532 = arith.mulf %convert_element_type3A_529, %mul3A_531 : vector<16xf32>
          %exp3A_533 = math.exp %mul3A_532 : vector<16xf32>
          %swap3A_534 = arith.constant 4 : i32
          %swap3A_535 = arith.index_cast %swap3A_534 : i32 to index
          %swap3A_536 = arith.index_cast %mul3A_37 : i32 to index
          %swap3A_537 = tpu.vector_load %arg5[%swap3A_535, %swap3A_536] {strides = array<i32>} : memref<64x256xf32, #tpu.memory_space<vmem>>, vector<1x16xf32>,
          %swap3A_538 = vector.shape_cast %swap3A_537 : vector<1x16xf32> to vector<16xf32>
          %swap3A_539 = vector.shape_cast %exp3A_533 : vector<16xf32> to vector<1x16xf32>
          tpu.vector_store %arg5[%swap3A_535, %swap3A_536], %swap3A_539 {strides = array<i32>} : memref<64x256xf32, #tpu.memory_space<vmem>>, vector<1x16xf32>,
          %add3A_540 = arith.addf %add3A_515, %exp3A_533 : vector<16xf32>
          %get3A_541 = arith.constant 5 : i32
          %get3A_542 = arith.index_cast %get3A_541 : i32 to index
          %get3A_543 = arith.index_cast %mul3A_37 : i32 to index
          %get3A_544 = tpu.vector_load %arg4[%get3A_542, %get3A_543] {strides = array<i32>} : memref<64x256xf32, #tpu.memory_space<vmem>>, vector<1x16xf32>,
          %get3A_545 = vector.shape_cast %get3A_544 : vector<1x16xf32> to vector<16xf32>
          %sub3A_546 = arith.subf %get3A_545, %max3A_418 : vector<16xf32>
          %mul3A_547 = arith.constant 1.593750e+01 : f32
          %mul3A_548 = vector.broadcast %mul3A_547 : f32 to vector<16xf32>
          %mul3A_549 = arith.mulf %sub3A_546, %mul3A_548 : vector<16xf32>
          %sub3A_550 = arith.constant 5.000000e-01 : f32
          %sub3A_551 = vector.broadcast %sub3A_550 : f32 to vector<16xf32>
          %sub3A_552 = arith.subf %mul3A_549, %sub3A_551 : vector<16xf32>
          %convert_element_type3A_553 = arith.fptosi %sub3A_552 : vector<16xf32> to vector<16xi32>
          %convert_element_type3A_554 = arith.sitofp %convert_element_type3A_553 : vector<16xi32> to vector<16xf32>
          %mul3A_555 = arith.constant 6.274510e-02 : f32
          %mul3A_556 = vector.broadcast %mul3A_555 : f32 to vector<16xf32>
          %mul3A_557 = arith.mulf %convert_element_type3A_554, %mul3A_556 : vector<16xf32>
          %exp3A_558 = math.exp %mul3A_557 : vector<16xf32>
          %swap3A_559 = arith.constant 5 : i32
          %swap3A_560 = arith.index_cast %swap3A_559 : i32 to index
          %swap3A_561 = arith.index_cast %mul3A_37 : i32 to index
          %swap3A_562 = tpu.vector_load %arg5[%swap3A_560, %swap3A_561] {strides = array<i32>} : memref<64x256xf32, #tpu.memory_space<vmem>>, vector<1x16xf32>,
          %swap3A_563 = vector.shape_cast %swap3A_562 : vector<1x16xf32> to vector<16xf32>
          %swap3A_564 = vector.shape_cast %exp3A_558 : vector<16xf32> to vector<1x16xf32>
          tpu.vector_store %arg5[%swap3A_560, %swap3A_561], %swap3A_564 {strides = array<i32>} : memref<64x256xf32, #tpu.memory_space<vmem>>, vector<1x16xf32>,
          %add3A_565 = arith.addf %add3A_540, %exp3A_558 : vector<16xf32>
          %get3A_566 = arith.constant 6 : i32
          %get3A_567 = arith.index_cast %get3A_566 : i32 to index
          %get3A_568 = arith.index_cast %mul3A_37 : i32 to index
          %get3A_569 = tpu.vector_load %arg4[%get3A_567, %get3A_568] {strides = array<i32>} : memref<64x256xf32, #tpu.memory_space<vmem>>, vector<1x16xf32>,
          %get3A_570 = vector.shape_cast %get3A_569 : vector<1x16xf32> to vector<16xf32>
          %sub3A_571 = arith.subf %get3A_570, %max3A_418 : vector<16xf32>
          %mul3A_572 = arith.constant 1.593750e+01 : f32
          %mul3A_573 = vector.broadcast %mul3A_572 : f32 to vector<16xf32>
          %mul3A_574 = arith.mulf %sub3A_571, %mul3A_573 : vector<16xf32>
          %sub3A_575 = arith.constant 5.000000e-01 : f32
          %sub3A_576 = vector.broadcast %sub3A_575 : f32 to vector<16xf32>
          %sub3A_577 = arith.subf %mul3A_574, %sub3A_576 : vector<16xf32>
          %convert_element_type3A_578 = arith.fptosi %sub3A_577 : vector<16xf32> to vector<16xi32>
          %convert_element_type3A_579 = arith.sitofp %convert_element_type3A_578 : vector<16xi32> to vector<16xf32>
          %mul3A_580 = arith.constant 6.274510e-02 : f32
          %mul3A_581 = vector.broadcast %mul3A_580 : f32 to vector<16xf32>
          %mul3A_582 = arith.mulf %convert_element_type3A_579, %mul3A_581 : vector<16xf32>
          %exp3A_583 = math.exp %mul3A_582 : vector<16xf32>
          %swap3A_584 = arith.constant 6 : i32
          %swap3A_585 = arith.index_cast %swap3A_584 : i32 to index
          %swap3A_586 = arith.index_cast %mul3A_37 : i32 to index
          %swap3A_587 = tpu.vector_load %arg5[%swap3A_585, %swap3A_586] {strides = array<i32>} : memref<64x256xf32, #tpu.memory_space<vmem>>, vector<1x16xf32>,
          %swap3A_588 = vector.shape_cast %swap3A_587 : vector<1x16xf32> to vector<16xf32>
          %swap3A_589 = vector.shape_cast %exp3A_583 : vector<16xf32> to vector<1x16xf32>
          tpu.vector_store %arg5[%swap3A_585, %swap3A_586], %swap3A_589 {strides = array<i32>} : memref<64x256xf32, #tpu.memory_space<vmem>>, vector<1x16xf32>,
          %add3A_590 = arith.addf %add3A_565, %exp3A_583 : vector<16xf32>
          %get3A_591 = arith.constant 7 : i32
          %get3A_592 = arith.index_cast %get3A_591 : i32 to index
          %get3A_593 = arith.index_cast %mul3A_37 : i32 to index
          %get3A_594 = tpu.vector_load %arg4[%get3A_592, %get3A_593] {strides = array<i32>} : memref<64x256xf32, #tpu.memory_space<vmem>>, vector<1x16xf32>,
          %get3A_595 = vector.shape_cast %get3A_594 : vector<1x16xf32> to vector<16xf32>
          %sub3A_596 = arith.subf %get3A_595, %max3A_418 : vector<16xf32>
          %mul3A_597 = arith.constant 1.593750e+01 : f32
          %mul3A_598 = vector.broadcast %mul3A_597 : f32 to vector<16xf32>
          %mul3A_599 = arith.mulf %sub3A_596, %mul3A_598 : vector<16xf32>
          %sub3A_600 = arith.constant 5.000000e-01 : f32
          %sub3A_601 = vector.broadcast %sub3A_600 : f32 to vector<16xf32>
          %sub3A_602 = arith.subf %mul3A_599, %sub3A_601 : vector<16xf32>
          %convert_element_type3A_603 = arith.fptosi %sub3A_602 : vector<16xf32> to vector<16xi32>
          %convert_element_type3A_604 = arith.sitofp %convert_element_type3A_603 : vector<16xi32> to vector<16xf32>
          %mul3A_605 = arith.constant 6.274510e-02 : f32
          %mul3A_606 = vector.broadcast %mul3A_605 : f32 to vector<16xf32>
          %mul3A_607 = arith.mulf %convert_element_type3A_604, %mul3A_606 : vector<16xf32>
          %exp3A_608 = math.exp %mul3A_607 : vector<16xf32>
          %swap3A_609 = arith.constant 7 : i32
          %swap3A_610 = arith.index_cast %swap3A_609 : i32 to index
          %swap3A_611 = arith.index_cast %mul3A_37 : i32 to index
          %swap3A_612 = tpu.vector_load %arg5[%swap3A_610, %swap3A_611] {strides = array<i32>} : memref<64x256xf32, #tpu.memory_space<vmem>>, vector<1x16xf32>,
          %swap3A_613 = vector.shape_cast %swap3A_612 : vector<1x16xf32> to vector<16xf32>
          %swap3A_614 = vector.shape_cast %exp3A_608 : vector<16xf32> to vector<1x16xf32>
          tpu.vector_store %arg5[%swap3A_610, %swap3A_611], %swap3A_614 {strides = array<i32>} : memref<64x256xf32, #tpu.memory_space<vmem>>, vector<1x16xf32>,
          %add3A_615 = arith.addf %add3A_590, %exp3A_608 : vector<16xf32>
          %get3A_616 = arith.constant 8 : i32
          %get3A_617 = arith.index_cast %get3A_616 : i32 to index
          %get3A_618 = arith.index_cast %mul3A_37 : i32 to index
          %get3A_619 = tpu.vector_load %arg4[%get3A_617, %get3A_618] {strides = array<i32>} : memref<64x256xf32, #tpu.memory_space<vmem>>, vector<1x16xf32>,
          %get3A_620 = vector.shape_cast %get3A_619 : vector<1x16xf32> to vector<16xf32>
          %sub3A_621 = arith.subf %get3A_620, %max3A_418 : vector<16xf32>
          %mul3A_622 = arith.constant 1.593750e+01 : f32
          %mul3A_623 = vector.broadcast %mul3A_622 : f32 to vector<16xf32>
          %mul3A_624 = arith.mulf %sub3A_621, %mul3A_623 : vector<16xf32>
          %sub3A_625 = arith.constant 5.000000e-01 : f32
          %sub3A_626 = vector.broadcast %sub3A_625 : f32 to vector<16xf32>
          %sub3A_627 = arith.subf %mul3A_624, %sub3A_626 : vector<16xf32>
          %convert_element_type3A_628 = arith.fptosi %sub3A_627 : vector<16xf32> to vector<16xi32>
          %convert_element_type3A_629 = arith.sitofp %convert_element_type3A_628 : vector<16xi32> to vector<16xf32>
          %mul3A_630 = arith.constant 6.274510e-02 : f32
          %mul3A_631 = vector.broadcast %mul3A_630 : f32 to vector<16xf32>
          %mul3A_632 = arith.mulf %convert_element_type3A_629, %mul3A_631 : vector<16xf32>
          %exp3A_633 = math.exp %mul3A_632 : vector<16xf32>
          %swap3A_634 = arith.constant 8 : i32
          %swap3A_635 = arith.index_cast %swap3A_634 : i32 to index
          %swap3A_636 = arith.index_cast %mul3A_37 : i32 to index
          %swap3A_637 = tpu.vector_load %arg5[%swap3A_635, %swap3A_636] {strides = array<i32>} : memref<64x256xf32, #tpu.memory_space<vmem>>, vector<1x16xf32>,
          %swap3A_638 = vector.shape_cast %swap3A_637 : vector<1x16xf32> to vector<16xf32>
          %swap3A_639 = vector.shape_cast %exp3A_633 : vector<16xf32> to vector<1x16xf32>
          tpu.vector_store %arg5[%swap3A_635, %swap3A_636], %swap3A_639 {strides = array<i32>} : memref<64x256xf32, #tpu.memory_space<vmem>>, vector<1x16xf32>,
          %add3A_640 = arith.addf %add3A_615, %exp3A_633 : vector<16xf32>
          %get3A_641 = arith.constant 9 : i32
          %get3A_642 = arith.index_cast %get3A_641 : i32 to index
          %get3A_643 = arith.index_cast %mul3A_37 : i32 to index
          %get3A_644 = tpu.vector_load %arg4[%get3A_642, %get3A_643] {strides = array<i32>} : memref<64x256xf32, #tpu.memory_space<vmem>>, vector<1x16xf32>,
          %get3A_645 = vector.shape_cast %get3A_644 : vector<1x16xf32> to vector<16xf32>
          %sub3A_646 = arith.subf %get3A_645, %max3A_418 : vector<16xf32>
          %mul3A_647 = arith.constant 1.593750e+01 : f32
          %mul3A_648 = vector.broadcast %mul3A_647 : f32 to vector<16xf32>
          %mul3A_649 = arith.mulf %sub3A_646, %mul3A_648 : vector<16xf32>
          %sub3A_650 = arith.constant 5.000000e-01 : f32
          %sub3A_651 = vector.broadcast %sub3A_650 : f32 to vector<16xf32>
          %sub3A_652 = arith.subf %mul3A_649, %sub3A_651 : vector<16xf32>
          %convert_element_type3A_653 = arith.fptosi %sub3A_652 : vector<16xf32> to vector<16xi32>
          %convert_element_type3A_654 = arith.sitofp %convert_element_type3A_653 : vector<16xi32> to vector<16xf32>
          %mul3A_655 = arith.constant 6.274510e-02 : f32
          %mul3A_656 = vector.broadcast %mul3A_655 : f32 to vector<16xf32>
          %mul3A_657 = arith.mulf %convert_element_type3A_654, %mul3A_656 : vector<16xf32>
          %exp3A_658 = math.exp %mul3A_657 : vector<16xf32>
          %swap3A_659 = arith.constant 9 : i32
          %swap3A_660 = arith.index_cast %swap3A_659 : i32 to index
          %swap3A_661 = arith.index_cast %mul3A_37 : i32 to index
          %swap3A_662 = tpu.vector_load %arg5[%swap3A_660, %swap3A_661] {strides = array<i32>} : memref<64x256xf32, #tpu.memory_space<vmem>>, vector<1x16xf32>,
          %swap3A_663 = vector.shape_cast %swap3A_662 : vector<1x16xf32> to vector<16xf32>
          %swap3A_664 = vector.shape_cast %exp3A_658 : vector<16xf32> to vector<1x16xf32>
          tpu.vector_store %arg5[%swap3A_660, %swap3A_661], %swap3A_664 {strides = array<i32>} : memref<64x256xf32, #tpu.memory_space<vmem>>, vector<1x16xf32>,
          %add3A_665 = arith.addf %add3A_640, %exp3A_658 : vector<16xf32>
          %get3A_666 = arith.constant 10 : i32
          %get3A_667 = arith.index_cast %get3A_666 : i32 to index
          %get3A_668 = arith.index_cast %mul3A_37 : i32 to index
          %get3A_669 = tpu.vector_load %arg4[%get3A_667, %get3A_668] {strides = array<i32>} : memref<64x256xf32, #tpu.memory_space<vmem>>, vector<1x16xf32>,
          %get3A_670 = vector.shape_cast %get3A_669 : vector<1x16xf32> to vector<16xf32>
          %sub3A_671 = arith.subf %get3A_670, %max3A_418 : vector<16xf32>
          %mul3A_672 = arith.constant 1.593750e+01 : f32
          %mul3A_673 = vector.broadcast %mul3A_672 : f32 to vector<16xf32>
          %mul3A_674 = arith.mulf %sub3A_671, %mul3A_673 : vector<16xf32>
          %sub3A_675 = arith.constant 5.000000e-01 : f32
          %sub3A_676 = vector.broadcast %sub3A_675 : f32 to vector<16xf32>
          %sub3A_677 = arith.subf %mul3A_674, %sub3A_676 : vector<16xf32>
          %convert_element_type3A_678 = arith.fptosi %sub3A_677 : vector<16xf32> to vector<16xi32>
          %convert_element_type3A_679 = arith.sitofp %convert_element_type3A_678 : vector<16xi32> to vector<16xf32>
          %mul3A_680 = arith.constant 6.274510e-02 : f32
          %mul3A_681 = vector.broadcast %mul3A_680 : f32 to vector<16xf32>
          %mul3A_682 = arith.mulf %convert_element_type3A_679, %mul3A_681 : vector<16xf32>
          %exp3A_683 = math.exp %mul3A_682 : vector<16xf32>
          %swap3A_684 = arith.constant 10 : i32
          %swap3A_685 = arith.index_cast %swap3A_684 : i32 to index
          %swap3A_686 = arith.index_cast %mul3A_37 : i32 to index
          %swap3A_687 = tpu.vector_load %arg5[%swap3A_685, %swap3A_686] {strides = array<i32>} : memref<64x256xf32, #tpu.memory_space<vmem>>, vector<1x16xf32>,
          %swap3A_688 = vector.shape_cast %swap3A_687 : vector<1x16xf32> to vector<16xf32>
          %swap3A_689 = vector.shape_cast %exp3A_683 : vector<16xf32> to vector<1x16xf32>
          tpu.vector_store %arg5[%swap3A_685, %swap3A_686], %swap3A_689 {strides = array<i32>} : memref<64x256xf32, #tpu.memory_space<vmem>>, vector<1x16xf32>,
          %add3A_690 = arith.addf %add3A_665, %exp3A_683 : vector<16xf32>
          %get3A_691 = arith.constant 11 : i32
          %get3A_692 = arith.index_cast %get3A_691 : i32 to index
          %get3A_693 = arith.index_cast %mul3A_37 : i32 to index
          %get3A_694 = tpu.vector_load %arg4[%get3A_692, %get3A_693] {strides = array<i32>} : memref<64x256xf32, #tpu.memory_space<vmem>>, vector<1x16xf32>,
          %get3A_695 = vector.shape_cast %get3A_694 : vector<1x16xf32> to vector<16xf32>
          %sub3A_696 = arith.subf %get3A_695, %max3A_418 : vector<16xf32>
          %mul3A_697 = arith.constant 1.593750e+01 : f32
          %mul3A_698 = vector.broadcast %mul3A_697 : f32 to vector<16xf32>
          %mul3A_699 = arith.mulf %sub3A_696, %mul3A_698 : vector<16xf32>
          %sub3A_700 = arith.constant 5.000000e-01 : f32
          %sub3A_701 = vector.broadcast %sub3A_700 : f32 to vector<16xf32>
          %sub3A_702 = arith.subf %mul3A_699, %sub3A_701 : vector<16xf32>
          %convert_element_type3A_703 = arith.fptosi %sub3A_702 : vector<16xf32> to vector<16xi32>
          %convert_element_type3A_704 = arith.sitofp %convert_element_type3A_703 : vector<16xi32> to vector<16xf32>
          %mul3A_705 = arith.constant 6.274510e-02 : f32
          %mul3A_706 = vector.broadcast %mul3A_705 : f32 to vector<16xf32>
          %mul3A_707 = arith.mulf %convert_element_type3A_704, %mul3A_706 : vector<16xf32>
          %exp3A_708 = math.exp %mul3A_707 : vector<16xf32>
          %swap3A_709 = arith.constant 11 : i32
          %swap3A_710 = arith.index_cast %swap3A_709 : i32 to index
          %swap3A_711 = arith.index_cast %mul3A_37 : i32 to index
          %swap3A_712 = tpu.vector_load %arg5[%swap3A_710, %swap3A_711] {strides = array<i32>} : memref<64x256xf32, #tpu.memory_space<vmem>>, vector<1x16xf32>,
          %swap3A_713 = vector.shape_cast %swap3A_712 : vector<1x16xf32> to vector<16xf32>
          %swap3A_714 = vector.shape_cast %exp3A_708 : vector<16xf32> to vector<1x16xf32>
          tpu.vector_store %arg5[%swap3A_710, %swap3A_711], %swap3A_714 {strides = array<i32>} : memref<64x256xf32, #tpu.memory_space<vmem>>, vector<1x16xf32>,
          %add3A_715 = arith.addf %add3A_690, %exp3A_708 : vector<16xf32>
          %get3A_716 = arith.constant 12 : i32
          %get3A_717 = arith.index_cast %get3A_716 : i32 to index
          %get3A_718 = arith.index_cast %mul3A_37 : i32 to index
          %get3A_719 = tpu.vector_load %arg4[%get3A_717, %get3A_718] {strides = array<i32>} : memref<64x256xf32, #tpu.memory_space<vmem>>, vector<1x16xf32>,
          %get3A_720 = vector.shape_cast %get3A_719 : vector<1x16xf32> to vector<16xf32>
          %sub3A_721 = arith.subf %get3A_720, %max3A_418 : vector<16xf32>
          %mul3A_722 = arith.constant 1.593750e+01 : f32
          %mul3A_723 = vector.broadcast %mul3A_722 : f32 to vector<16xf32>
          %mul3A_724 = arith.mulf %sub3A_721, %mul3A_723 : vector<16xf32>
          %sub3A_725 = arith.constant 5.000000e-01 : f32
          %sub3A_726 = vector.broadcast %sub3A_725 : f32 to vector<16xf32>
          %sub3A_727 = arith.subf %mul3A_724, %sub3A_726 : vector<16xf32>
          %convert_element_type3A_728 = arith.fptosi %sub3A_727 : vector<16xf32> to vector<16xi32>
          %convert_element_type3A_729 = arith.sitofp %convert_element_type3A_728 : vector<16xi32> to vector<16xf32>
          %mul3A_730 = arith.constant 6.274510e-02 : f32
          %mul3A_731 = vector.broadcast %mul3A_730 : f32 to vector<16xf32>
          %mul3A_732 = arith.mulf %convert_element_type3A_729, %mul3A_731 : vector<16xf32>
          %exp3A_733 = math.exp %mul3A_732 : vector<16xf32>
          %swap3A_734 = arith.constant 12 : i32
          %swap3A_735 = arith.index_cast %swap3A_734 : i32 to index
          %swap3A_736 = arith.index_cast %mul3A_37 : i32 to index
          %swap3A_737 = tpu.vector_load %arg5[%swap3A_735, %swap3A_736] {strides = array<i32>} : memref<64x256xf32, #tpu.memory_space<vmem>>, vector<1x16xf32>,
          %swap3A_738 = vector.shape_cast %swap3A_737 : vector<1x16xf32> to vector<16xf32>
          %swap3A_739 = vector.shape_cast %exp3A_733 : vector<16xf32> to vector<1x16xf32>
          tpu.vector_store %arg5[%swap3A_735, %swap3A_736], %swap3A_739 {strides = array<i32>} : memref<64x256xf32, #tpu.memory_space<vmem>>, vector<1x16xf32>,
          %add3A_740 = arith.addf %add3A_715, %exp3A_733 : vector<16xf32>
          %get3A_741 = arith.constant 13 : i32
          %get3A_742 = arith.index_cast %get3A_741 : i32 to index
          %get3A_743 = arith.index_cast %mul3A_37 : i32 to index
          %get3A_744 = tpu.vector_load %arg4[%get3A_742, %get3A_743] {strides = array<i32>} : memref<64x256xf32, #tpu.memory_space<vmem>>, vector<1x16xf32>,
          %get3A_745 = vector.shape_cast %get3A_744 : vector<1x16xf32> to vector<16xf32>
          %sub3A_746 = arith.subf %get3A_745, %max3A_418 : vector<16xf32>
          %mul3A_747 = arith.constant 1.593750e+01 : f32
          %mul3A_748 = vector.broadcast %mul3A_747 : f32 to vector<16xf32>
          %mul3A_749 = arith.mulf %sub3A_746, %mul3A_748 : vector<16xf32>
          %sub3A_750 = arith.constant 5.000000e-01 : f32
          %sub3A_751 = vector.broadcast %sub3A_750 : f32 to vector<16xf32>
          %sub3A_752 = arith.subf %mul3A_749, %sub3A_751 : vector<16xf32>
          %convert_element_type3A_753 = arith.fptosi %sub3A_752 : vector<16xf32> to vector<16xi32>
          %convert_element_type3A_754 = arith.sitofp %convert_element_type3A_753 : vector<16xi32> to vector<16xf32>
          %mul3A_755 = arith.constant 6.274510e-02 : f32
          %mul3A_756 = vector.broadcast %mul3A_755 : f32 to vector<16xf32>
          %mul3A_757 = arith.mulf %convert_element_type3A_754, %mul3A_756 : vector<16xf32>
          %exp3A_758 = math.exp %mul3A_757 : vector<16xf32>
          %swap3A_759 = arith.constant 13 : i32
          %swap3A_760 = arith.index_cast %swap3A_759 : i32 to index
          %swap3A_761 = arith.index_cast %mul3A_37 : i32 to index
          %swap3A_762 = tpu.vector_load %arg5[%swap3A_760, %swap3A_761] {strides = array<i32>} : memref<64x256xf32, #tpu.memory_space<vmem>>, vector<1x16xf32>,
          %swap3A_763 = vector.shape_cast %swap3A_762 : vector<1x16xf32> to vector<16xf32>
          %swap3A_764 = vector.shape_cast %exp3A_758 : vector<16xf32> to vector<1x16xf32>
          tpu.vector_store %arg5[%swap3A_760, %swap3A_761], %swap3A_764 {strides = array<i32>} : memref<64x256xf32, #tpu.memory_space<vmem>>, vector<1x16xf32>,
          %add3A_765 = arith.addf %add3A_740, %exp3A_758 : vector<16xf32>
          %get3A_766 = arith.constant 14 : i32
          %get3A_767 = arith.index_cast %get3A_766 : i32 to index
          %get3A_768 = arith.index_cast %mul3A_37 : i32 to index
          %get3A_769 = tpu.vector_load %arg4[%get3A_767, %get3A_768] {strides = array<i32>} : memref<64x256xf32, #tpu.memory_space<vmem>>, vector<1x16xf32>,
          %get3A_770 = vector.shape_cast %get3A_769 : vector<1x16xf32> to vector<16xf32>
          %sub3A_771 = arith.subf %get3A_770, %max3A_418 : vector<16xf32>
          %mul3A_772 = arith.constant 1.593750e+01 : f32
          %mul3A_773 = vector.broadcast %mul3A_772 : f32 to vector<16xf32>
          %mul3A_774 = arith.mulf %sub3A_771, %mul3A_773 : vector<16xf32>
          %sub3A_775 = arith.constant 5.000000e-01 : f32
          %sub3A_776 = vector.broadcast %sub3A_775 : f32 to vector<16xf32>
          %sub3A_777 = arith.subf %mul3A_774, %sub3A_776 : vector<16xf32>
          %convert_element_type3A_778 = arith.fptosi %sub3A_777 : vector<16xf32> to vector<16xi32>
          %convert_element_type3A_779 = arith.sitofp %convert_element_type3A_778 : vector<16xi32> to vector<16xf32>
          %mul3A_780 = arith.constant 6.274510e-02 : f32
          %mul3A_781 = vector.broadcast %mul3A_780 : f32 to vector<16xf32>
          %mul3A_782 = arith.mulf %convert_element_type3A_779, %mul3A_781 : vector<16xf32>
          %exp3A_783 = math.exp %mul3A_782 : vector<16xf32>
          %swap3A_784 = arith.constant 14 : i32
          %swap3A_785 = arith.index_cast %swap3A_784 : i32 to index
          %swap3A_786 = arith.index_cast %mul3A_37 : i32 to index
          %swap3A_787 = tpu.vector_load %arg5[%swap3A_785, %swap3A_786] {strides = array<i32>} : memref<64x256xf32, #tpu.memory_space<vmem>>, vector<1x16xf32>,
          %swap3A_788 = vector.shape_cast %swap3A_787 : vector<1x16xf32> to vector<16xf32>
          %swap3A_789 = vector.shape_cast %exp3A_783 : vector<16xf32> to vector<1x16xf32>
          tpu.vector_store %arg5[%swap3A_785, %swap3A_786], %swap3A_789 {strides = array<i32>} : memref<64x256xf32, #tpu.memory_space<vmem>>, vector<1x16xf32>,
          %add3A_790 = arith.addf %add3A_765, %exp3A_783 : vector<16xf32>
          %get3A_791 = arith.constant 15 : i32
          %get3A_792 = arith.index_cast %get3A_791 : i32 to index
          %get3A_793 = arith.index_cast %mul3A_37 : i32 to index
          %get3A_794 = tpu.vector_load %arg4[%get3A_792, %get3A_793] {strides = array<i32>} : memref<64x256xf32, #tpu.memory_space<vmem>>, vector<1x16xf32>,
          %get3A_795 = vector.shape_cast %get3A_794 : vector<1x16xf32> to vector<16xf32>
          %sub3A_796 = arith.subf %get3A_795, %max3A_418 : vector<16xf32>
          %mul3A_797 = arith.constant 1.593750e+01 : f32
          %mul3A_798 = vector.broadcast %mul3A_797 : f32 to vector<16xf32>
          %mul3A_799 = arith.mulf %sub3A_796, %mul3A_798 : vector<16xf32>
          %sub3A_800 = arith.constant 5.000000e-01 : f32
          %sub3A_801 = vector.broadcast %sub3A_800 : f32 to vector<16xf32>
          %sub3A_802 = arith.subf %mul3A_799, %sub3A_801 : vector<16xf32>
          %convert_element_type3A_803 = arith.fptosi %sub3A_802 : vector<16xf32> to vector<16xi32>
          %convert_element_type3A_804 = arith.sitofp %convert_element_type3A_803 : vector<16xi32> to vector<16xf32>
          %mul3A_805 = arith.constant 6.274510e-02 : f32
          %mul3A_806 = vector.broadcast %mul3A_805 : f32 to vector<16xf32>
          %mul3A_807 = arith.mulf %convert_element_type3A_804, %mul3A_806 : vector<16xf32>
          %exp3A_808 = math.exp %mul3A_807 : vector<16xf32>
          %swap3A_809 = arith.constant 15 : i32
          %swap3A_810 = arith.index_cast %swap3A_809 : i32 to index
          %swap3A_811 = arith.index_cast %mul3A_37 : i32 to index
          %swap3A_812 = tpu.vector_load %arg5[%swap3A_810, %swap3A_811] {strides = array<i32>} : memref<64x256xf32, #tpu.memory_space<vmem>>, vector<1x16xf32>,
          %swap3A_813 = vector.shape_cast %swap3A_812 : vector<1x16xf32> to vector<16xf32>
          %swap3A_814 = vector.shape_cast %exp3A_808 : vector<16xf32> to vector<1x16xf32>
          tpu.vector_store %arg5[%swap3A_810, %swap3A_811], %swap3A_814 {strides = array<i32>} : memref<64x256xf32, #tpu.memory_space<vmem>>, vector<1x16xf32>,
          %add3A_815 = arith.addf %add3A_790, %exp3A_808 : vector<16xf32>
          %get3A_816 = arith.constant 16 : i32
          %get3A_817 = arith.index_cast %get3A_816 : i32 to index
          %get3A_818 = arith.index_cast %mul3A_37 : i32 to index
          %get3A_819 = tpu.vector_load %arg4[%get3A_817, %get3A_818] {strides = array<i32>} : memref<64x256xf32, #tpu.memory_space<vmem>>, vector<1x16xf32>,
          %get3A_820 = vector.shape_cast %get3A_819 : vector<1x16xf32> to vector<16xf32>
          %sub3A_821 = arith.subf %get3A_820, %max3A_418 : vector<16xf32>
          %mul3A_822 = arith.constant 1.593750e+01 : f32
          %mul3A_823 = vector.broadcast %mul3A_822 : f32 to vector<16xf32>
          %mul3A_824 = arith.mulf %sub3A_821, %mul3A_823 : vector<16xf32>
          %sub3A_825 = arith.constant 5.000000e-01 : f32
          %sub3A_826 = vector.broadcast %sub3A_825 : f32 to vector<16xf32>
          %sub3A_827 = arith.subf %mul3A_824, %sub3A_826 : vector<16xf32>
          %convert_element_type3A_828 = arith.fptosi %sub3A_827 : vector<16xf32> to vector<16xi32>
          %convert_element_type3A_829 = arith.sitofp %convert_element_type3A_828 : vector<16xi32> to vector<16xf32>
          %mul3A_830 = arith.constant 6.274510e-02 : f32
          %mul3A_831 = vector.broadcast %mul3A_830 : f32 to vector<16xf32>
          %mul3A_832 = arith.mulf %convert_element_type3A_829, %mul3A_831 : vector<16xf32>
          %exp3A_833 = math.exp %mul3A_832 : vector<16xf32>
          %swap3A_834 = arith.constant 16 : i32
          %swap3A_835 = arith.index_cast %swap3A_834 : i32 to index
          %swap3A_836 = arith.index_cast %mul3A_37 : i32 to index
          %swap3A_837 = tpu.vector_load %arg5[%swap3A_835, %swap3A_836] {strides = array<i32>} : memref<64x256xf32, #tpu.memory_space<vmem>>, vector<1x16xf32>,
          %swap3A_838 = vector.shape_cast %swap3A_837 : vector<1x16xf32> to vector<16xf32>
          %swap3A_839 = vector.shape_cast %exp3A_833 : vector<16xf32> to vector<1x16xf32>
          tpu.vector_store %arg5[%swap3A_835, %swap3A_836], %swap3A_839 {strides = array<i32>} : memref<64x256xf32, #tpu.memory_space<vmem>>, vector<1x16xf32>,
          %add3A_840 = arith.addf %add3A_815, %exp3A_833 : vector<16xf32>
          %get3A_841 = arith.constant 17 : i32
          %get3A_842 = arith.index_cast %get3A_841 : i32 to index
          %get3A_843 = arith.index_cast %mul3A_37 : i32 to index
          %get3A_844 = tpu.vector_load %arg4[%get3A_842, %get3A_843] {strides = array<i32>} : memref<64x256xf32, #tpu.memory_space<vmem>>, vector<1x16xf32>,
          %get3A_845 = vector.shape_cast %get3A_844 : vector<1x16xf32> to vector<16xf32>
          %sub3A_846 = arith.subf %get3A_845, %max3A_418 : vector<16xf32>
          %mul3A_847 = arith.constant 1.593750e+01 : f32
          %mul3A_848 = vector.broadcast %mul3A_847 : f32 to vector<16xf32>
          %mul3A_849 = arith.mulf %sub3A_846, %mul3A_848 : vector<16xf32>
          %sub3A_850 = arith.constant 5.000000e-01 : f32
          %sub3A_851 = vector.broadcast %sub3A_850 : f32 to vector<16xf32>
          %sub3A_852 = arith.subf %mul3A_849, %sub3A_851 : vector<16xf32>
          %convert_element_type3A_853 = arith.fptosi %sub3A_852 : vector<16xf32> to vector<16xi32>
          %convert_element_type3A_854 = arith.sitofp %convert_element_type3A_853 : vector<16xi32> to vector<16xf32>
          %mul3A_855 = arith.constant 6.274510e-02 : f32
          %mul3A_856 = vector.broadcast %mul3A_855 : f32 to vector<16xf32>
          %mul3A_857 = arith.mulf %convert_element_type3A_854, %mul3A_856 : vector<16xf32>
          %exp3A_858 = math.exp %mul3A_857 : vector<16xf32>
          %swap3A_859 = arith.constant 17 : i32
          %swap3A_860 = arith.index_cast %swap3A_859 : i32 to index
          %swap3A_861 = arith.index_cast %mul3A_37 : i32 to index
          %swap3A_862 = tpu.vector_load %arg5[%swap3A_860, %swap3A_861] {strides = array<i32>} : memref<64x256xf32, #tpu.memory_space<vmem>>, vector<1x16xf32>,
          %swap3A_863 = vector.shape_cast %swap3A_862 : vector<1x16xf32> to vector<16xf32>
          %swap3A_864 = vector.shape_cast %exp3A_858 : vector<16xf32> to vector<1x16xf32>
          tpu.vector_store %arg5[%swap3A_860, %swap3A_861], %swap3A_864 {strides = array<i32>} : memref<64x256xf32, #tpu.memory_space<vmem>>, vector<1x16xf32>,
          %add3A_865 = arith.addf %add3A_840, %exp3A_858 : vector<16xf32>
          %get3A_866 = arith.constant 18 : i32
          %get3A_867 = arith.index_cast %get3A_866 : i32 to index
          %get3A_868 = arith.index_cast %mul3A_37 : i32 to index
          %get3A_869 = tpu.vector_load %arg4[%get3A_867, %get3A_868] {strides = array<i32>} : memref<64x256xf32, #tpu.memory_space<vmem>>, vector<1x16xf32>,
          %get3A_870 = vector.shape_cast %get3A_869 : vector<1x16xf32> to vector<16xf32>
          %sub3A_871 = arith.subf %get3A_870, %max3A_418 : vector<16xf32>
          %mul3A_872 = arith.constant 1.593750e+01 : f32
          %mul3A_873 = vector.broadcast %mul3A_872 : f32 to vector<16xf32>
          %mul3A_874 = arith.mulf %sub3A_871, %mul3A_873 : vector<16xf32>
          %sub3A_875 = arith.constant 5.000000e-01 : f32
          %sub3A_876 = vector.broadcast %sub3A_875 : f32 to vector<16xf32>
          %sub3A_877 = arith.subf %mul3A_874, %sub3A_876 : vector<16xf32>
          %convert_element_type3A_878 = arith.fptosi %sub3A_877 : vector<16xf32> to vector<16xi32>
          %convert_element_type3A_879 = arith.sitofp %convert_element_type3A_878 : vector<16xi32> to vector<16xf32>
          %mul3A_880 = arith.constant 6.274510e-02 : f32
          %mul3A_881 = vector.broadcast %mul3A_880 : f32 to vector<16xf32>
          %mul3A_882 = arith.mulf %convert_element_type3A_879, %mul3A_881 : vector<16xf32>
          %exp3A_883 = math.exp %mul3A_882 : vector<16xf32>
          %swap3A_884 = arith.constant 18 : i32
          %swap3A_885 = arith.index_cast %swap3A_884 : i32 to index
          %swap3A_886 = arith.index_cast %mul3A_37 : i32 to index
          %swap3A_887 = tpu.vector_load %arg5[%swap3A_885, %swap3A_886] {strides = array<i32>} : memref<64x256xf32, #tpu.memory_space<vmem>>, vector<1x16xf32>,
          %swap3A_888 = vector.shape_cast %swap3A_887 : vector<1x16xf32> to vector<16xf32>
          %swap3A_889 = vector.shape_cast %exp3A_883 : vector<16xf32> to vector<1x16xf32>
          tpu.vector_store %arg5[%swap3A_885, %swap3A_886], %swap3A_889 {strides = array<i32>} : memref<64x256xf32, #tpu.memory_space<vmem>>, vector<1x16xf32>,
          %add3A_890 = arith.addf %add3A_865, %exp3A_883 : vector<16xf32>
          %get3A_891 = arith.constant 19 : i32
          %get3A_892 = arith.index_cast %get3A_891 : i32 to index
          %get3A_893 = arith.index_cast %mul3A_37 : i32 to index
          %get3A_894 = tpu.vector_load %arg4[%get3A_892, %get3A_893] {strides = array<i32>} : memref<64x256xf32, #tpu.memory_space<vmem>>, vector<1x16xf32>,
          %get3A_895 = vector.shape_cast %get3A_894 : vector<1x16xf32> to vector<16xf32>
          %sub3A_896 = arith.subf %get3A_895, %max3A_418 : vector<16xf32>
          %mul3A_897 = arith.constant 1.593750e+01 : f32
          %mul3A_898 = vector.broadcast %mul3A_897 : f32 to vector<16xf32>
          %mul3A_899 = arith.mulf %sub3A_896, %mul3A_898 : vector<16xf32>
          %sub3A_900 = arith.constant 5.000000e-01 : f32
          %sub3A_901 = vector.broadcast %sub3A_900 : f32 to vector<16xf32>
          %sub3A_902 = arith.subf %mul3A_899, %sub3A_901 : vector<16xf32>
          %convert_element_type3A_903 = arith.fptosi %sub3A_902 : vector<16xf32> to vector<16xi32>
          %convert_element_type3A_904 = arith.sitofp %convert_element_type3A_903 : vector<16xi32> to vector<16xf32>
          %mul3A_905 = arith.constant 6.274510e-02 : f32
          %mul3A_906 = vector.broadcast %mul3A_905 : f32 to vector<16xf32>
          %mul3A_907 = arith.mulf %convert_element_type3A_904, %mul3A_906 : vector<16xf32>
          %exp3A_908 = math.exp %mul3A_907 : vector<16xf32>
          %swap3A_909 = arith.constant 19 : i32
          %swap3A_910 = arith.index_cast %swap3A_909 : i32 to index
          %swap3A_911 = arith.index_cast %mul3A_37 : i32 to index
          %swap3A_912 = tpu.vector_load %arg5[%swap3A_910, %swap3A_911] {strides = array<i32>} : memref<64x256xf32, #tpu.memory_space<vmem>>, vector<1x16xf32>,
          %swap3A_913 = vector.shape_cast %swap3A_912 : vector<1x16xf32> to vector<16xf32>
          %swap3A_914 = vector.shape_cast %exp3A_908 : vector<16xf32> to vector<1x16xf32>
          tpu.vector_store %arg5[%swap3A_910, %swap3A_911], %swap3A_914 {strides = array<i32>} : memref<64x256xf32, #tpu.memory_space<vmem>>, vector<1x16xf32>,
          %add3A_915 = arith.addf %add3A_890, %exp3A_908 : vector<16xf32>
          %get3A_916 = arith.constant 20 : i32
          %get3A_917 = arith.index_cast %get3A_916 : i32 to index
          %get3A_918 = arith.index_cast %mul3A_37 : i32 to index
          %get3A_919 = tpu.vector_load %arg4[%get3A_917, %get3A_918] {strides = array<i32>} : memref<64x256xf32, #tpu.memory_space<vmem>>, vector<1x16xf32>,
          %get3A_920 = vector.shape_cast %get3A_919 : vector<1x16xf32> to vector<16xf32>
          %sub3A_921 = arith.subf %get3A_920, %max3A_418 : vector<16xf32>
          %mul3A_922 = arith.constant 1.593750e+01 : f32
          %mul3A_923 = vector.broadcast %mul3A_922 : f32 to vector<16xf32>
          %mul3A_924 = arith.mulf %sub3A_921, %mul3A_923 : vector<16xf32>
          %sub3A_925 = arith.constant 5.000000e-01 : f32
          %sub3A_926 = vector.broadcast %sub3A_925 : f32 to vector<16xf32>
          %sub3A_927 = arith.subf %mul3A_924, %sub3A_926 : vector<16xf32>
          %convert_element_type3A_928 = arith.fptosi %sub3A_927 : vector<16xf32> to vector<16xi32>
          %convert_element_type3A_929 = arith.sitofp %convert_element_type3A_928 : vector<16xi32> to vector<16xf32>
          %mul3A_930 = arith.constant 6.274510e-02 : f32
          %mul3A_931 = vector.broadcast %mul3A_930 : f32 to vector<16xf32>
          %mul3A_932 = arith.mulf %convert_element_type3A_929, %mul3A_931 : vector<16xf32>
          %exp3A_933 = math.exp %mul3A_932 : vector<16xf32>
          %swap3A_934 = arith.constant 20 : i32
          %swap3A_935 = arith.index_cast %swap3A_934 : i32 to index
          %swap3A_936 = arith.index_cast %mul3A_37 : i32 to index
          %swap3A_937 = tpu.vector_load %arg5[%swap3A_935, %swap3A_936] {strides = array<i32>} : memref<64x256xf32, #tpu.memory_space<vmem>>, vector<1x16xf32>,
          %swap3A_938 = vector.shape_cast %swap3A_937 : vector<1x16xf32> to vector<16xf32>
          %swap3A_939 = vector.shape_cast %exp3A_933 : vector<16xf32> to vector<1x16xf32>
          tpu.vector_store %arg5[%swap3A_935, %swap3A_936], %swap3A_939 {strides = array<i32>} : memref<64x256xf32, #tpu.memory_space<vmem>>, vector<1x16xf32>,
          %add3A_940 = arith.addf %add3A_915, %exp3A_933 : vector<16xf32>
          %get3A_941 = arith.constant 21 : i32
          %get3A_942 = arith.index_cast %get3A_941 : i32 to index
          %get3A_943 = arith.index_cast %mul3A_37 : i32 to index
          %get3A_944 = tpu.vector_load %arg4[%get3A_942, %get3A_943] {strides = array<i32>} : memref<64x256xf32, #tpu.memory_space<vmem>>, vector<1x16xf32>,
          %get3A_945 = vector.shape_cast %get3A_944 : vector<1x16xf32> to vector<16xf32>
          %sub3A_946 = arith.subf %get3A_945, %max3A_418 : vector<16xf32>
          %mul3A_947 = arith.constant 1.593750e+01 : f32
          %mul3A_948 = vector.broadcast %mul3A_947 : f32 to vector<16xf32>
          %mul3A_949 = arith.mulf %sub3A_946, %mul3A_948 : vector<16xf32>
          %sub3A_950 = arith.constant 5.000000e-01 : f32
          %sub3A_951 = vector.broadcast %sub3A_950 : f32 to vector<16xf32>
          %sub3A_952 = arith.subf %mul3A_949, %sub3A_951 : vector<16xf32>
          %convert_element_type3A_953 = arith.fptosi %sub3A_952 : vector<16xf32> to vector<16xi32>
          %convert_element_type3A_954 = arith.sitofp %convert_element_type3A_953 : vector<16xi32> to vector<16xf32>
          %mul3A_955 = arith.constant 6.274510e-02 : f32
          %mul3A_956 = vector.broadcast %mul3A_955 : f32 to vector<16xf32>
          %mul3A_957 = arith.mulf %convert_element_type3A_954, %mul3A_956 : vector<16xf32>
          %exp3A_958 = math.exp %mul3A_957 : vector<16xf32>
          %swap3A_959 = arith.constant 21 : i32
          %swap3A_960 = arith.index_cast %swap3A_959 : i32 to index
          %swap3A_961 = arith.index_cast %mul3A_37 : i32 to index
          %swap3A_962 = tpu.vector_load %arg5[%swap3A_960, %swap3A_961] {strides = array<i32>} : memref<64x256xf32, #tpu.memory_space<vmem>>, vector<1x16xf32>,
          %swap3A_963 = vector.shape_cast %swap3A_962 : vector<1x16xf32> to vector<16xf32>
          %swap3A_964 = vector.shape_cast %exp3A_958 : vector<16xf32> to vector<1x16xf32>
          tpu.vector_store %arg5[%swap3A_960, %swap3A_961], %swap3A_964 {strides = array<i32>} : memref<64x256xf32, #tpu.memory_space<vmem>>, vector<1x16xf32>,
          %add3A_965 = arith.addf %add3A_940, %exp3A_958 : vector<16xf32>
          %get3A_966 = arith.constant 22 : i32
          %get3A_967 = arith.index_cast %get3A_966 : i32 to index
          %get3A_968 = arith.index_cast %mul3A_37 : i32 to index
          %get3A_969 = tpu.vector_load %arg4[%get3A_967, %get3A_968] {strides = array<i32>} : memref<64x256xf32, #tpu.memory_space<vmem>>, vector<1x16xf32>,
          %get3A_970 = vector.shape_cast %get3A_969 : vector<1x16xf32> to vector<16xf32>
          %sub3A_971 = arith.subf %get3A_970, %max3A_418 : vector<16xf32>
          %mul3A_972 = arith.constant 1.593750e+01 : f32
          %mul3A_973 = vector.broadcast %mul3A_972 : f32 to vector<16xf32>
          %mul3A_974 = arith.mulf %sub3A_971, %mul3A_973 : vector<16xf32>
          %sub3A_975 = arith.constant 5.000000e-01 : f32
          %sub3A_976 = vector.broadcast %sub3A_975 : f32 to vector<16xf32>
          %sub3A_977 = arith.subf %mul3A_974, %sub3A_976 : vector<16xf32>
          %convert_element_type3A_978 = arith.fptosi %sub3A_977 : vector<16xf32> to vector<16xi32>
          %convert_element_type3A_979 = arith.sitofp %convert_element_type3A_978 : vector<16xi32> to vector<16xf32>
          %mul3A_980 = arith.constant 6.274510e-02 : f32
          %mul3A_981 = vector.broadcast %mul3A_980 : f32 to vector<16xf32>
          %mul3A_982 = arith.mulf %convert_element_type3A_979, %mul3A_981 : vector<16xf32>
          %exp3A_983 = math.exp %mul3A_982 : vector<16xf32>
          %swap3A_984 = arith.constant 22 : i32
          %swap3A_985 = arith.index_cast %swap3A_984 : i32 to index
          %swap3A_986 = arith.index_cast %mul3A_37 : i32 to index
          %swap3A_987 = tpu.vector_load %arg5[%swap3A_985, %swap3A_986] {strides = array<i32>} : memref<64x256xf32, #tpu.memory_space<vmem>>, vector<1x16xf32>,
          %swap3A_988 = vector.shape_cast %swap3A_987 : vector<1x16xf32> to vector<16xf32>
          %swap3A_989 = vector.shape_cast %exp3A_983 : vector<16xf32> to vector<1x16xf32>
          tpu.vector_store %arg5[%swap3A_985, %swap3A_986], %swap3A_989 {strides = array<i32>} : memref<64x256xf32, #tpu.memory_space<vmem>>, vector<1x16xf32>,
          %add3A_990 = arith.addf %add3A_965, %exp3A_983 : vector<16xf32>
          %get3A_991 = arith.constant 23 : i32
          %get3A_992 = arith.index_cast %get3A_991 : i32 to index
          %get3A_993 = arith.index_cast %mul3A_37 : i32 to index
          %get3A_994 = tpu.vector_load %arg4[%get3A_992, %get3A_993] {strides = array<i32>} : memref<64x256xf32, #tpu.memory_space<vmem>>, vector<1x16xf32>,
          %get3A_995 = vector.shape_cast %get3A_994 : vector<1x16xf32> to vector<16xf32>
          %sub3A_996 = arith.subf %get3A_995, %max3A_418 : vector<16xf32>
          %mul3A_997 = arith.constant 1.593750e+01 : f32
          %mul3A_998 = vector.broadcast %mul3A_997 : f32 to vector<16xf32>
          %mul3A_999 = arith.mulf %sub3A_996, %mul3A_998 : vector<16xf32>
          %sub3A_1000 = arith.constant 5.000000e-01 : f32
          %sub3A_1001 = vector.broadcast %sub3A_1000 : f32 to vector<16xf32>
          %sub3A_1002 = arith.subf %mul3A_999, %sub3A_1001 : vector<16xf32>
          %convert_element_type3A_1003 = arith.fptosi %sub3A_1002 : vector<16xf32> to vector<16xi32>
          %convert_element_type3A_1004 = arith.sitofp %convert_element_type3A_1003 : vector<16xi32> to vector<16xf32>
          %mul3A_1005 = arith.constant 6.274510e-02 : f32
          %mul3A_1006 = vector.broadcast %mul3A_1005 : f32 to vector<16xf32>
          %mul3A_1007 = arith.mulf %convert_element_type3A_1004, %mul3A_1006 : vector<16xf32>
          %exp3A_1008 = math.exp %mul3A_1007 : vector<16xf32>
          %swap3A_1009 = arith.constant 23 : i32
          %swap3A_1010 = arith.index_cast %swap3A_1009 : i32 to index
          %swap3A_1011 = arith.index_cast %mul3A_37 : i32 to index
          %swap3A_1012 = tpu.vector_load %arg5[%swap3A_1010, %swap3A_1011] {strides = array<i32>} : memref<64x256xf32, #tpu.memory_space<vmem>>, vector<1x16xf32>,
          %swap3A_1013 = vector.shape_cast %swap3A_1012 : vector<1x16xf32> to vector<16xf32>
          %swap3A_1014 = vector.shape_cast %exp3A_1008 : vector<16xf32> to vector<1x16xf32>
          tpu.vector_store %arg5[%swap3A_1010, %swap3A_1011], %swap3A_1014 {strides = array<i32>} : memref<64x256xf32, #tpu.memory_space<vmem>>, vector<1x16xf32>,
          %add3A_1015 = arith.addf %add3A_990, %exp3A_1008 : vector<16xf32>
          %get3A_1016 = arith.constant 24 : i32
          %get3A_1017 = arith.index_cast %get3A_1016 : i32 to index
          %get3A_1018 = arith.index_cast %mul3A_37 : i32 to index
          %get3A_1019 = tpu.vector_load %arg4[%get3A_1017, %get3A_1018] {strides = array<i32>} : memref<64x256xf32, #tpu.memory_space<vmem>>, vector<1x16xf32>,
          %get3A_1020 = vector.shape_cast %get3A_1019 : vector<1x16xf32> to vector<16xf32>
          %sub3A_1021 = arith.subf %get3A_1020, %max3A_418 : vector<16xf32>
          %mul3A_1022 = arith.constant 1.593750e+01 : f32
          %mul3A_1023 = vector.broadcast %mul3A_1022 : f32 to vector<16xf32>
          %mul3A_1024 = arith.mulf %sub3A_1021, %mul3A_1023 : vector<16xf32>
          %sub3A_1025 = arith.constant 5.000000e-01 : f32
          %sub3A_1026 = vector.broadcast %sub3A_1025 : f32 to vector<16xf32>
          %sub3A_1027 = arith.subf %mul3A_1024, %sub3A_1026 : vector<16xf32>
          %convert_element_type3A_1028 = arith.fptosi %sub3A_1027 : vector<16xf32> to vector<16xi32>
          %convert_element_type3A_1029 = arith.sitofp %convert_element_type3A_1028 : vector<16xi32> to vector<16xf32>
          %mul3A_1030 = arith.constant 6.274510e-02 : f32
          %mul3A_1031 = vector.broadcast %mul3A_1030 : f32 to vector<16xf32>
          %mul3A_1032 = arith.mulf %convert_element_type3A_1029, %mul3A_1031 : vector<16xf32>
          %exp3A_1033 = math.exp %mul3A_1032 : vector<16xf32>
          %swap3A_1034 = arith.constant 24 : i32
          %swap3A_1035 = arith.index_cast %swap3A_1034 : i32 to index
          %swap3A_1036 = arith.index_cast %mul3A_37 : i32 to index
          %swap3A_1037 = tpu.vector_load %arg5[%swap3A_1035, %swap3A_1036] {strides = array<i32>} : memref<64x256xf32, #tpu.memory_space<vmem>>, vector<1x16xf32>,
          %swap3A_1038 = vector.shape_cast %swap3A_1037 : vector<1x16xf32> to vector<16xf32>
          %swap3A_1039 = vector.shape_cast %exp3A_1033 : vector<16xf32> to vector<1x16xf32>
          tpu.vector_store %arg5[%swap3A_1035, %swap3A_1036], %swap3A_1039 {strides = array<i32>} : memref<64x256xf32, #tpu.memory_space<vmem>>, vector<1x16xf32>,
          %add3A_1040 = arith.addf %add3A_1015, %exp3A_1033 : vector<16xf32>
          %get3A_1041 = arith.constant 25 : i32
          %get3A_1042 = arith.index_cast %get3A_1041 : i32 to index
          %get3A_1043 = arith.index_cast %mul3A_37 : i32 to index
          %get3A_1044 = tpu.vector_load %arg4[%get3A_1042, %get3A_1043] {strides = array<i32>} : memref<64x256xf32, #tpu.memory_space<vmem>>, vector<1x16xf32>,
          %get3A_1045 = vector.shape_cast %get3A_1044 : vector<1x16xf32> to vector<16xf32>
          %sub3A_1046 = arith.subf %get3A_1045, %max3A_418 : vector<16xf32>
          %mul3A_1047 = arith.constant 1.593750e+01 : f32
          %mul3A_1048 = vector.broadcast %mul3A_1047 : f32 to vector<16xf32>
          %mul3A_1049 = arith.mulf %sub3A_1046, %mul3A_1048 : vector<16xf32>
          %sub3A_1050 = arith.constant 5.000000e-01 : f32
          %sub3A_1051 = vector.broadcast %sub3A_1050 : f32 to vector<16xf32>
          %sub3A_1052 = arith.subf %mul3A_1049, %sub3A_1051 : vector<16xf32>
          %convert_element_type3A_1053 = arith.fptosi %sub3A_1052 : vector<16xf32> to vector<16xi32>
          %convert_element_type3A_1054 = arith.sitofp %convert_element_type3A_1053 : vector<16xi32> to vector<16xf32>
          %mul3A_1055 = arith.constant 6.274510e-02 : f32
          %mul3A_1056 = vector.broadcast %mul3A_1055 : f32 to vector<16xf32>
          %mul3A_1057 = arith.mulf %convert_element_type3A_1054, %mul3A_1056 : vector<16xf32>
          %exp3A_1058 = math.exp %mul3A_1057 : vector<16xf32>
          %swap3A_1059 = arith.constant 25 : i32
          %swap3A_1060 = arith.index_cast %swap3A_1059 : i32 to index
          %swap3A_1061 = arith.index_cast %mul3A_37 : i32 to index
          %swap3A_1062 = tpu.vector_load %arg5[%swap3A_1060, %swap3A_1061] {strides = array<i32>} : memref<64x256xf32, #tpu.memory_space<vmem>>, vector<1x16xf32>,
          %swap3A_1063 = vector.shape_cast %swap3A_1062 : vector<1x16xf32> to vector<16xf32>
          %swap3A_1064 = vector.shape_cast %exp3A_1058 : vector<16xf32> to vector<1x16xf32>
          tpu.vector_store %arg5[%swap3A_1060, %swap3A_1061], %swap3A_1064 {strides = array<i32>} : memref<64x256xf32, #tpu.memory_space<vmem>>, vector<1x16xf32>,
          %add3A_1065 = arith.addf %add3A_1040, %exp3A_1058 : vector<16xf32>
          %get3A_1066 = arith.constant 26 : i32
          %get3A_1067 = arith.index_cast %get3A_1066 : i32 to index
          %get3A_1068 = arith.index_cast %mul3A_37 : i32 to index
          %get3A_1069 = tpu.vector_load %arg4[%get3A_1067, %get3A_1068] {strides = array<i32>} : memref<64x256xf32, #tpu.memory_space<vmem>>, vector<1x16xf32>,
          %get3A_1070 = vector.shape_cast %get3A_1069 : vector<1x16xf32> to vector<16xf32>
          %sub3A_1071 = arith.subf %get3A_1070, %max3A_418 : vector<16xf32>
          %mul3A_1072 = arith.constant 1.593750e+01 : f32
          %mul3A_1073 = vector.broadcast %mul3A_1072 : f32 to vector<16xf32>
          %mul3A_1074 = arith.mulf %sub3A_1071, %mul3A_1073 : vector<16xf32>
          %sub3A_1075 = arith.constant 5.000000e-01 : f32
          %sub3A_1076 = vector.broadcast %sub3A_1075 : f32 to vector<16xf32>
          %sub3A_1077 = arith.subf %mul3A_1074, %sub3A_1076 : vector<16xf32>
          %convert_element_type3A_1078 = arith.fptosi %sub3A_1077 : vector<16xf32> to vector<16xi32>
          %convert_element_type3A_1079 = arith.sitofp %convert_element_type3A_1078 : vector<16xi32> to vector<16xf32>
          %mul3A_1080 = arith.constant 6.274510e-02 : f32
          %mul3A_1081 = vector.broadcast %mul3A_1080 : f32 to vector<16xf32>
          %mul3A_1082 = arith.mulf %convert_element_type3A_1079, %mul3A_1081 : vector<16xf32>
          %exp3A_1083 = math.exp %mul3A_1082 : vector<16xf32>
          %swap3A_1084 = arith.constant 26 : i32
          %swap3A_1085 = arith.index_cast %swap3A_1084 : i32 to index
          %swap3A_1086 = arith.index_cast %mul3A_37 : i32 to index
          %swap3A_1087 = tpu.vector_load %arg5[%swap3A_1085, %swap3A_1086] {strides = array<i32>} : memref<64x256xf32, #tpu.memory_space<vmem>>, vector<1x16xf32>,
          %swap3A_1088 = vector.shape_cast %swap3A_1087 : vector<1x16xf32> to vector<16xf32>
          %swap3A_1089 = vector.shape_cast %exp3A_1083 : vector<16xf32> to vector<1x16xf32>
          tpu.vector_store %arg5[%swap3A_1085, %swap3A_1086], %swap3A_1089 {strides = array<i32>} : memref<64x256xf32, #tpu.memory_space<vmem>>, vector<1x16xf32>,
          %add3A_1090 = arith.addf %add3A_1065, %exp3A_1083 : vector<16xf32>
          %get3A_1091 = arith.constant 27 : i32
          %get3A_1092 = arith.index_cast %get3A_1091 : i32 to index
          %get3A_1093 = arith.index_cast %mul3A_37 : i32 to index
          %get3A_1094 = tpu.vector_load %arg4[%get3A_1092, %get3A_1093] {strides = array<i32>} : memref<64x256xf32, #tpu.memory_space<vmem>>, vector<1x16xf32>,
          %get3A_1095 = vector.shape_cast %get3A_1094 : vector<1x16xf32> to vector<16xf32>
          %sub3A_1096 = arith.subf %get3A_1095, %max3A_418 : vector<16xf32>
          %mul3A_1097 = arith.constant 1.593750e+01 : f32
          %mul3A_1098 = vector.broadcast %mul3A_1097 : f32 to vector<16xf32>
          %mul3A_1099 = arith.mulf %sub3A_1096, %mul3A_1098 : vector<16xf32>
          %sub3A_1100 = arith.constant 5.000000e-01 : f32
          %sub3A_1101 = vector.broadcast %sub3A_1100 : f32 to vector<16xf32>
          %sub3A_1102 = arith.subf %mul3A_1099, %sub3A_1101 : vector<16xf32>
          %convert_element_type3A_1103 = arith.fptosi %sub3A_1102 : vector<16xf32> to vector<16xi32>
          %convert_element_type3A_1104 = arith.sitofp %convert_element_type3A_1103 : vector<16xi32> to vector<16xf32>
          %mul3A_1105 = arith.constant 6.274510e-02 : f32
          %mul3A_1106 = vector.broadcast %mul3A_1105 : f32 to vector<16xf32>
          %mul3A_1107 = arith.mulf %convert_element_type3A_1104, %mul3A_1106 : vector<16xf32>
          %exp3A_1108 = math.exp %mul3A_1107 : vector<16xf32>
          %swap3A_1109 = arith.constant 27 : i32
          %swap3A_1110 = arith.index_cast %swap3A_1109 : i32 to index
          %swap3A_1111 = arith.index_cast %mul3A_37 : i32 to index
          %swap3A_1112 = tpu.vector_load %arg5[%swap3A_1110, %swap3A_1111] {strides = array<i32>} : memref<64x256xf32, #tpu.memory_space<vmem>>, vector<1x16xf32>,
          %swap3A_1113 = vector.shape_cast %swap3A_1112 : vector<1x16xf32> to vector<16xf32>
          %swap3A_1114 = vector.shape_cast %exp3A_1108 : vector<16xf32> to vector<1x16xf32>
          tpu.vector_store %arg5[%swap3A_1110, %swap3A_1111], %swap3A_1114 {strides = array<i32>} : memref<64x256xf32, #tpu.memory_space<vmem>>, vector<1x16xf32>,
          %add3A_1115 = arith.addf %add3A_1090, %exp3A_1108 : vector<16xf32>
          %get3A_1116 = arith.constant 28 : i32
          %get3A_1117 = arith.index_cast %get3A_1116 : i32 to index
          %get3A_1118 = arith.index_cast %mul3A_37 : i32 to index
          %get3A_1119 = tpu.vector_load %arg4[%get3A_1117, %get3A_1118] {strides = array<i32>} : memref<64x256xf32, #tpu.memory_space<vmem>>, vector<1x16xf32>,
          %get3A_1120 = vector.shape_cast %get3A_1119 : vector<1x16xf32> to vector<16xf32>
          %sub3A_1121 = arith.subf %get3A_1120, %max3A_418 : vector<16xf32>
          %mul3A_1122 = arith.constant 1.593750e+01 : f32
          %mul3A_1123 = vector.broadcast %mul3A_1122 : f32 to vector<16xf32>
          %mul3A_1124 = arith.mulf %sub3A_1121, %mul3A_1123 : vector<16xf32>
          %sub3A_1125 = arith.constant 5.000000e-01 : f32
          %sub3A_1126 = vector.broadcast %sub3A_1125 : f32 to vector<16xf32>
          %sub3A_1127 = arith.subf %mul3A_1124, %sub3A_1126 : vector<16xf32>
          %convert_element_type3A_1128 = arith.fptosi %sub3A_1127 : vector<16xf32> to vector<16xi32>
          %convert_element_type3A_1129 = arith.sitofp %convert_element_type3A_1128 : vector<16xi32> to vector<16xf32>
          %mul3A_1130 = arith.constant 6.274510e-02 : f32
          %mul3A_1131 = vector.broadcast %mul3A_1130 : f32 to vector<16xf32>
          %mul3A_1132 = arith.mulf %convert_element_type3A_1129, %mul3A_1131 : vector<16xf32>
          %exp3A_1133 = math.exp %mul3A_1132 : vector<16xf32>
          %swap3A_1134 = arith.constant 28 : i32
          %swap3A_1135 = arith.index_cast %swap3A_1134 : i32 to index
          %swap3A_1136 = arith.index_cast %mul3A_37 : i32 to index
          %swap3A_1137 = tpu.vector_load %arg5[%swap3A_1135, %swap3A_1136] {strides = array<i32>} : memref<64x256xf32, #tpu.memory_space<vmem>>, vector<1x16xf32>,
          %swap3A_1138 = vector.shape_cast %swap3A_1137 : vector<1x16xf32> to vector<16xf32>
          %swap3A_1139 = vector.shape_cast %exp3A_1133 : vector<16xf32> to vector<1x16xf32>
          tpu.vector_store %arg5[%swap3A_1135, %swap3A_1136], %swap3A_1139 {strides = array<i32>} : memref<64x256xf32, #tpu.memory_space<vmem>>, vector<1x16xf32>,
          %add3A_1140 = arith.addf %add3A_1115, %exp3A_1133 : vector<16xf32>
          %get3A_1141 = arith.constant 29 : i32
          %get3A_1142 = arith.index_cast %get3A_1141 : i32 to index
          %get3A_1143 = arith.index_cast %mul3A_37 : i32 to index
          %get3A_1144 = tpu.vector_load %arg4[%get3A_1142, %get3A_1143] {strides = array<i32>} : memref<64x256xf32, #tpu.memory_space<vmem>>, vector<1x16xf32>,
          %get3A_1145 = vector.shape_cast %get3A_1144 : vector<1x16xf32> to vector<16xf32>
          %sub3A_1146 = arith.subf %get3A_1145, %max3A_418 : vector<16xf32>
          %mul3A_1147 = arith.constant 1.593750e+01 : f32
          %mul3A_1148 = vector.broadcast %mul3A_1147 : f32 to vector<16xf32>
          %mul3A_1149 = arith.mulf %sub3A_1146, %mul3A_1148 : vector<16xf32>
          %sub3A_1150 = arith.constant 5.000000e-01 : f32
          %sub3A_1151 = vector.broadcast %sub3A_1150 : f32 to vector<16xf32>
          %sub3A_1152 = arith.subf %mul3A_1149, %sub3A_1151 : vector<16xf32>
          %convert_element_type3A_1153 = arith.fptosi %sub3A_1152 : vector<16xf32> to vector<16xi32>
          %convert_element_type3A_1154 = arith.sitofp %convert_element_type3A_1153 : vector<16xi32> to vector<16xf32>
          %mul3A_1155 = arith.constant 6.274510e-02 : f32
          %mul3A_1156 = vector.broadcast %mul3A_1155 : f32 to vector<16xf32>
          %mul3A_1157 = arith.mulf %convert_element_type3A_1154, %mul3A_1156 : vector<16xf32>
          %exp3A_1158 = math.exp %mul3A_1157 : vector<16xf32>
          %swap3A_1159 = arith.constant 29 : i32
          %swap3A_1160 = arith.index_cast %swap3A_1159 : i32 to index
          %swap3A_1161 = arith.index_cast %mul3A_37 : i32 to index
          %swap3A_1162 = tpu.vector_load %arg5[%swap3A_1160, %swap3A_1161] {strides = array<i32>} : memref<64x256xf32, #tpu.memory_space<vmem>>, vector<1x16xf32>,
          %swap3A_1163 = vector.shape_cast %swap3A_1162 : vector<1x16xf32> to vector<16xf32>
          %swap3A_1164 = vector.shape_cast %exp3A_1158 : vector<16xf32> to vector<1x16xf32>
          tpu.vector_store %arg5[%swap3A_1160, %swap3A_1161], %swap3A_1164 {strides = array<i32>} : memref<64x256xf32, #tpu.memory_space<vmem>>, vector<1x16xf32>,
          %add3A_1165 = arith.addf %add3A_1140, %exp3A_1158 : vector<16xf32>
          %get3A_1166 = arith.constant 30 : i32
          %get3A_1167 = arith.index_cast %get3A_1166 : i32 to index
          %get3A_1168 = arith.index_cast %mul3A_37 : i32 to index
          %get3A_1169 = tpu.vector_load %arg4[%get3A_1167, %get3A_1168] {strides = array<i32>} : memref<64x256xf32, #tpu.memory_space<vmem>>, vector<1x16xf32>,
          %get3A_1170 = vector.shape_cast %get3A_1169 : vector<1x16xf32> to vector<16xf32>
          %sub3A_1171 = arith.subf %get3A_1170, %max3A_418 : vector<16xf32>
          %mul3A_1172 = arith.constant 1.593750e+01 : f32
          %mul3A_1173 = vector.broadcast %mul3A_1172 : f32 to vector<16xf32>
          %mul3A_1174 = arith.mulf %sub3A_1171, %mul3A_1173 : vector<16xf32>
          %sub3A_1175 = arith.constant 5.000000e-01 : f32
          %sub3A_1176 = vector.broadcast %sub3A_1175 : f32 to vector<16xf32>
          %sub3A_1177 = arith.subf %mul3A_1174, %sub3A_1176 : vector<16xf32>
          %convert_element_type3A_1178 = arith.fptosi %sub3A_1177 : vector<16xf32> to vector<16xi32>
          %convert_element_type3A_1179 = arith.sitofp %convert_element_type3A_1178 : vector<16xi32> to vector<16xf32>
          %mul3A_1180 = arith.constant 6.274510e-02 : f32
          %mul3A_1181 = vector.broadcast %mul3A_1180 : f32 to vector<16xf32>
          %mul3A_1182 = arith.mulf %convert_element_type3A_1179, %mul3A_1181 : vector<16xf32>
          %exp3A_1183 = math.exp %mul3A_1182 : vector<16xf32>
          %swap3A_1184 = arith.constant 30 : i32
          %swap3A_1185 = arith.index_cast %swap3A_1184 : i32 to index
          %swap3A_1186 = arith.index_cast %mul3A_37 : i32 to index
          %swap3A_1187 = tpu.vector_load %arg5[%swap3A_1185, %swap3A_1186] {strides = array<i32>} : memref<64x256xf32, #tpu.memory_space<vmem>>, vector<1x16xf32>,
          %swap3A_1188 = vector.shape_cast %swap3A_1187 : vector<1x16xf32> to vector<16xf32>
          %swap3A_1189 = vector.shape_cast %exp3A_1183 : vector<16xf32> to vector<1x16xf32>
          tpu.vector_store %arg5[%swap3A_1185, %swap3A_1186], %swap3A_1189 {strides = array<i32>} : memref<64x256xf32, #tpu.memory_space<vmem>>, vector<1x16xf32>,
          %add3A_1190 = arith.addf %add3A_1165, %exp3A_1183 : vector<16xf32>
          %get3A_1191 = arith.constant 31 : i32
          %get3A_1192 = arith.index_cast %get3A_1191 : i32 to index
          %get3A_1193 = arith.index_cast %mul3A_37 : i32 to index
          %get3A_1194 = tpu.vector_load %arg4[%get3A_1192, %get3A_1193] {strides = array<i32>} : memref<64x256xf32, #tpu.memory_space<vmem>>, vector<1x16xf32>,
          %get3A_1195 = vector.shape_cast %get3A_1194 : vector<1x16xf32> to vector<16xf32>
          %sub3A_1196 = arith.subf %get3A_1195, %max3A_418 : vector<16xf32>
          %mul3A_1197 = arith.constant 1.593750e+01 : f32
          %mul3A_1198 = vector.broadcast %mul3A_1197 : f32 to vector<16xf32>
          %mul3A_1199 = arith.mulf %sub3A_1196, %mul3A_1198 : vector<16xf32>
          %sub3A_1200 = arith.constant 5.000000e-01 : f32
          %sub3A_1201 = vector.broadcast %sub3A_1200 : f32 to vector<16xf32>
          %sub3A_1202 = arith.subf %mul3A_1199, %sub3A_1201 : vector<16xf32>
          %convert_element_type3A_1203 = arith.fptosi %sub3A_1202 : vector<16xf32> to vector<16xi32>
          %convert_element_type3A_1204 = arith.sitofp %convert_element_type3A_1203 : vector<16xi32> to vector<16xf32>
          %mul3A_1205 = arith.constant 6.274510e-02 : f32
          %mul3A_1206 = vector.broadcast %mul3A_1205 : f32 to vector<16xf32>
          %mul3A_1207 = arith.mulf %convert_element_type3A_1204, %mul3A_1206 : vector<16xf32>
          %exp3A_1208 = math.exp %mul3A_1207 : vector<16xf32>
          %swap3A_1209 = arith.constant 31 : i32
          %swap3A_1210 = arith.index_cast %swap3A_1209 : i32 to index
          %swap3A_1211 = arith.index_cast %mul3A_37 : i32 to index
          %swap3A_1212 = tpu.vector_load %arg5[%swap3A_1210, %swap3A_1211] {strides = array<i32>} : memref<64x256xf32, #tpu.memory_space<vmem>>, vector<1x16xf32>,
          %swap3A_1213 = vector.shape_cast %swap3A_1212 : vector<1x16xf32> to vector<16xf32>
          %swap3A_1214 = vector.shape_cast %exp3A_1208 : vector<16xf32> to vector<1x16xf32>
          tpu.vector_store %arg5[%swap3A_1210, %swap3A_1211], %swap3A_1214 {strides = array<i32>} : memref<64x256xf32, #tpu.memory_space<vmem>>, vector<1x16xf32>,
          %add3A_1215 = arith.addf %add3A_1190, %exp3A_1208 : vector<16xf32>
          %get3A_1216 = arith.constant 32 : i32
          %get3A_1217 = arith.index_cast %get3A_1216 : i32 to index
          %get3A_1218 = arith.index_cast %mul3A_37 : i32 to index
          %get3A_1219 = tpu.vector_load %arg4[%get3A_1217, %get3A_1218] {strides = array<i32>} : memref<64x256xf32, #tpu.memory_space<vmem>>, vector<1x16xf32>,
          %get3A_1220 = vector.shape_cast %get3A_1219 : vector<1x16xf32> to vector<16xf32>
          %sub3A_1221 = arith.subf %get3A_1220, %max3A_418 : vector<16xf32>
          %mul3A_1222 = arith.constant 1.593750e+01 : f32
          %mul3A_1223 = vector.broadcast %mul3A_1222 : f32 to vector<16xf32>
          %mul3A_1224 = arith.mulf %sub3A_1221, %mul3A_1223 : vector<16xf32>
          %sub3A_1225 = arith.constant 5.000000e-01 : f32
          %sub3A_1226 = vector.broadcast %sub3A_1225 : f32 to vector<16xf32>
          %sub3A_1227 = arith.subf %mul3A_1224, %sub3A_1226 : vector<16xf32>
          %convert_element_type3A_1228 = arith.fptosi %sub3A_1227 : vector<16xf32> to vector<16xi32>
          %convert_element_type3A_1229 = arith.sitofp %convert_element_type3A_1228 : vector<16xi32> to vector<16xf32>
          %mul3A_1230 = arith.constant 6.274510e-02 : f32
          %mul3A_1231 = vector.broadcast %mul3A_1230 : f32 to vector<16xf32>
          %mul3A_1232 = arith.mulf %convert_element_type3A_1229, %mul3A_1231 : vector<16xf32>
          %exp3A_1233 = math.exp %mul3A_1232 : vector<16xf32>
          %swap3A_1234 = arith.constant 32 : i32
          %swap3A_1235 = arith.index_cast %swap3A_1234 : i32 to index
          %swap3A_1236 = arith.index_cast %mul3A_37 : i32 to index
          %swap3A_1237 = tpu.vector_load %arg5[%swap3A_1235, %swap3A_1236] {strides = array<i32>} : memref<64x256xf32, #tpu.memory_space<vmem>>, vector<1x16xf32>,
          %swap3A_1238 = vector.shape_cast %swap3A_1237 : vector<1x16xf32> to vector<16xf32>
          %swap3A_1239 = vector.shape_cast %exp3A_1233 : vector<16xf32> to vector<1x16xf32>
          tpu.vector_store %arg5[%swap3A_1235, %swap3A_1236], %swap3A_1239 {strides = array<i32>} : memref<64x256xf32, #tpu.memory_space<vmem>>, vector<1x16xf32>,
          %add3A_1240 = arith.addf %add3A_1215, %exp3A_1233 : vector<16xf32>
          %get3A_1241 = arith.constant 33 : i32
          %get3A_1242 = arith.index_cast %get3A_1241 : i32 to index
          %get3A_1243 = arith.index_cast %mul3A_37 : i32 to index
          %get3A_1244 = tpu.vector_load %arg4[%get3A_1242, %get3A_1243] {strides = array<i32>} : memref<64x256xf32, #tpu.memory_space<vmem>>, vector<1x16xf32>,
          %get3A_1245 = vector.shape_cast %get3A_1244 : vector<1x16xf32> to vector<16xf32>
          %sub3A_1246 = arith.subf %get3A_1245, %max3A_418 : vector<16xf32>
          %mul3A_1247 = arith.constant 1.593750e+01 : f32
          %mul3A_1248 = vector.broadcast %mul3A_1247 : f32 to vector<16xf32>
          %mul3A_1249 = arith.mulf %sub3A_1246, %mul3A_1248 : vector<16xf32>
          %sub3A_1250 = arith.constant 5.000000e-01 : f32
          %sub3A_1251 = vector.broadcast %sub3A_1250 : f32 to vector<16xf32>
          %sub3A_1252 = arith.subf %mul3A_1249, %sub3A_1251 : vector<16xf32>
          %convert_element_type3A_1253 = arith.fptosi %sub3A_1252 : vector<16xf32> to vector<16xi32>
          %convert_element_type3A_1254 = arith.sitofp %convert_element_type3A_1253 : vector<16xi32> to vector<16xf32>
          %mul3A_1255 = arith.constant 6.274510e-02 : f32
          %mul3A_1256 = vector.broadcast %mul3A_1255 : f32 to vector<16xf32>
          %mul3A_1257 = arith.mulf %convert_element_type3A_1254, %mul3A_1256 : vector<16xf32>
          %exp3A_1258 = math.exp %mul3A_1257 : vector<16xf32>
          %swap3A_1259 = arith.constant 33 : i32
          %swap3A_1260 = arith.index_cast %swap3A_1259 : i32 to index
          %swap3A_1261 = arith.index_cast %mul3A_37 : i32 to index
          %swap3A_1262 = tpu.vector_load %arg5[%swap3A_1260, %swap3A_1261] {strides = array<i32>} : memref<64x256xf32, #tpu.memory_space<vmem>>, vector<1x16xf32>,
          %swap3A_1263 = vector.shape_cast %swap3A_1262 : vector<1x16xf32> to vector<16xf32>
          %swap3A_1264 = vector.shape_cast %exp3A_1258 : vector<16xf32> to vector<1x16xf32>
          tpu.vector_store %arg5[%swap3A_1260, %swap3A_1261], %swap3A_1264 {strides = array<i32>} : memref<64x256xf32, #tpu.memory_space<vmem>>, vector<1x16xf32>,
          %add3A_1265 = arith.addf %add3A_1240, %exp3A_1258 : vector<16xf32>
          %get3A_1266 = arith.constant 34 : i32
          %get3A_1267 = arith.index_cast %get3A_1266 : i32 to index
          %get3A_1268 = arith.index_cast %mul3A_37 : i32 to index
          %get3A_1269 = tpu.vector_load %arg4[%get3A_1267, %get3A_1268] {strides = array<i32>} : memref<64x256xf32, #tpu.memory_space<vmem>>, vector<1x16xf32>,
          %get3A_1270 = vector.shape_cast %get3A_1269 : vector<1x16xf32> to vector<16xf32>
          %sub3A_1271 = arith.subf %get3A_1270, %max3A_418 : vector<16xf32>
          %mul3A_1272 = arith.constant 1.593750e+01 : f32
          %mul3A_1273 = vector.broadcast %mul3A_1272 : f32 to vector<16xf32>
          %mul3A_1274 = arith.mulf %sub3A_1271, %mul3A_1273 : vector<16xf32>
          %sub3A_1275 = arith.constant 5.000000e-01 : f32
          %sub3A_1276 = vector.broadcast %sub3A_1275 : f32 to vector<16xf32>
          %sub3A_1277 = arith.subf %mul3A_1274, %sub3A_1276 : vector<16xf32>
          %convert_element_type3A_1278 = arith.fptosi %sub3A_1277 : vector<16xf32> to vector<16xi32>
          %convert_element_type3A_1279 = arith.sitofp %convert_element_type3A_1278 : vector<16xi32> to vector<16xf32>
          %mul3A_1280 = arith.constant 6.274510e-02 : f32
          %mul3A_1281 = vector.broadcast %mul3A_1280 : f32 to vector<16xf32>
          %mul3A_1282 = arith.mulf %convert_element_type3A_1279, %mul3A_1281 : vector<16xf32>
          %exp3A_1283 = math.exp %mul3A_1282 : vector<16xf32>
          %swap3A_1284 = arith.constant 34 : i32
          %swap3A_1285 = arith.index_cast %swap3A_1284 : i32 to index
          %swap3A_1286 = arith.index_cast %mul3A_37 : i32 to index
          %swap3A_1287 = tpu.vector_load %arg5[%swap3A_1285, %swap3A_1286] {strides = array<i32>} : memref<64x256xf32, #tpu.memory_space<vmem>>, vector<1x16xf32>,
          %swap3A_1288 = vector.shape_cast %swap3A_1287 : vector<1x16xf32> to vector<16xf32>
          %swap3A_1289 = vector.shape_cast %exp3A_1283 : vector<16xf32> to vector<1x16xf32>
          tpu.vector_store %arg5[%swap3A_1285, %swap3A_1286], %swap3A_1289 {strides = array<i32>} : memref<64x256xf32, #tpu.memory_space<vmem>>, vector<1x16xf32>,
          %add3A_1290 = arith.addf %add3A_1265, %exp3A_1283 : vector<16xf32>
          %get3A_1291 = arith.constant 35 : i32
          %get3A_1292 = arith.index_cast %get3A_1291 : i32 to index
          %get3A_1293 = arith.index_cast %mul3A_37 : i32 to index
          %get3A_1294 = tpu.vector_load %arg4[%get3A_1292, %get3A_1293] {strides = array<i32>} : memref<64x256xf32, #tpu.memory_space<vmem>>, vector<1x16xf32>,
          %get3A_1295 = vector.shape_cast %get3A_1294 : vector<1x16xf32> to vector<16xf32>
          %sub3A_1296 = arith.subf %get3A_1295, %max3A_418 : vector<16xf32>
          %mul3A_1297 = arith.constant 1.593750e+01 : f32
          %mul3A_1298 = vector.broadcast %mul3A_1297 : f32 to vector<16xf32>
          %mul3A_1299 = arith.mulf %sub3A_1296, %mul3A_1298 : vector<16xf32>
          %sub3A_1300 = arith.constant 5.000000e-01 : f32
          %sub3A_1301 = vector.broadcast %sub3A_1300 : f32 to vector<16xf32>
          %sub3A_1302 = arith.subf %mul3A_1299, %sub3A_1301 : vector<16xf32>
          %convert_element_type3A_1303 = arith.fptosi %sub3A_1302 : vector<16xf32> to vector<16xi32>
          %convert_element_type3A_1304 = arith.sitofp %convert_element_type3A_1303 : vector<16xi32> to vector<16xf32>
          %mul3A_1305 = arith.constant 6.274510e-02 : f32
          %mul3A_1306 = vector.broadcast %mul3A_1305 : f32 to vector<16xf32>
          %mul3A_1307 = arith.mulf %convert_element_type3A_1304, %mul3A_1306 : vector<16xf32>
          %exp3A_1308 = math.exp %mul3A_1307 : vector<16xf32>
          %swap3A_1309 = arith.constant 35 : i32
          %swap3A_1310 = arith.index_cast %swap3A_1309 : i32 to index
          %swap3A_1311 = arith.index_cast %mul3A_37 : i32 to index
          %swap3A_1312 = tpu.vector_load %arg5[%swap3A_1310, %swap3A_1311] {strides = array<i32>} : memref<64x256xf32, #tpu.memory_space<vmem>>, vector<1x16xf32>,
          %swap3A_1313 = vector.shape_cast %swap3A_1312 : vector<1x16xf32> to vector<16xf32>
          %swap3A_1314 = vector.shape_cast %exp3A_1308 : vector<16xf32> to vector<1x16xf32>
          tpu.vector_store %arg5[%swap3A_1310, %swap3A_1311], %swap3A_1314 {strides = array<i32>} : memref<64x256xf32, #tpu.memory_space<vmem>>, vector<1x16xf32>,
          %add3A_1315 = arith.addf %add3A_1290, %exp3A_1308 : vector<16xf32>
          %get3A_1316 = arith.constant 36 : i32
          %get3A_1317 = arith.index_cast %get3A_1316 : i32 to index
          %get3A_1318 = arith.index_cast %mul3A_37 : i32 to index
          %get3A_1319 = tpu.vector_load %arg4[%get3A_1317, %get3A_1318] {strides = array<i32>} : memref<64x256xf32, #tpu.memory_space<vmem>>, vector<1x16xf32>,
          %get3A_1320 = vector.shape_cast %get3A_1319 : vector<1x16xf32> to vector<16xf32>
          %sub3A_1321 = arith.subf %get3A_1320, %max3A_418 : vector<16xf32>
          %mul3A_1322 = arith.constant 1.593750e+01 : f32
          %mul3A_1323 = vector.broadcast %mul3A_1322 : f32 to vector<16xf32>
          %mul3A_1324 = arith.mulf %sub3A_1321, %mul3A_1323 : vector<16xf32>
          %sub3A_1325 = arith.constant 5.000000e-01 : f32
          %sub3A_1326 = vector.broadcast %sub3A_1325 : f32 to vector<16xf32>
          %sub3A_1327 = arith.subf %mul3A_1324, %sub3A_1326 : vector<16xf32>
          %convert_element_type3A_1328 = arith.fptosi %sub3A_1327 : vector<16xf32> to vector<16xi32>
          %convert_element_type3A_1329 = arith.sitofp %convert_element_type3A_1328 : vector<16xi32> to vector<16xf32>
          %mul3A_1330 = arith.constant 6.274510e-02 : f32
          %mul3A_1331 = vector.broadcast %mul3A_1330 : f32 to vector<16xf32>
          %mul3A_1332 = arith.mulf %convert_element_type3A_1329, %mul3A_1331 : vector<16xf32>
          %exp3A_1333 = math.exp %mul3A_1332 : vector<16xf32>
          %swap3A_1334 = arith.constant 36 : i32
          %swap3A_1335 = arith.index_cast %swap3A_1334 : i32 to index
          %swap3A_1336 = arith.index_cast %mul3A_37 : i32 to index
          %swap3A_1337 = tpu.vector_load %arg5[%swap3A_1335, %swap3A_1336] {strides = array<i32>} : memref<64x256xf32, #tpu.memory_space<vmem>>, vector<1x16xf32>,
          %swap3A_1338 = vector.shape_cast %swap3A_1337 : vector<1x16xf32> to vector<16xf32>
          %swap3A_1339 = vector.shape_cast %exp3A_1333 : vector<16xf32> to vector<1x16xf32>
          tpu.vector_store %arg5[%swap3A_1335, %swap3A_1336], %swap3A_1339 {strides = array<i32>} : memref<64x256xf32, #tpu.memory_space<vmem>>, vector<1x16xf32>,
          %add3A_1340 = arith.addf %add3A_1315, %exp3A_1333 : vector<16xf32>
          %get3A_1341 = arith.constant 37 : i32
          %get3A_1342 = arith.index_cast %get3A_1341 : i32 to index
          %get3A_1343 = arith.index_cast %mul3A_37 : i32 to index
          %get3A_1344 = tpu.vector_load %arg4[%get3A_1342, %get3A_1343] {strides = array<i32>} : memref<64x256xf32, #tpu.memory_space<vmem>>, vector<1x16xf32>,
          %get3A_1345 = vector.shape_cast %get3A_1344 : vector<1x16xf32> to vector<16xf32>
          %sub3A_1346 = arith.subf %get3A_1345, %max3A_418 : vector<16xf32>
          %mul3A_1347 = arith.constant 1.593750e+01 : f32
          %mul3A_1348 = vector.broadcast %mul3A_1347 : f32 to vector<16xf32>
          %mul3A_1349 = arith.mulf %sub3A_1346, %mul3A_1348 : vector<16xf32>
          %sub3A_1350 = arith.constant 5.000000e-01 : f32
          %sub3A_1351 = vector.broadcast %sub3A_1350 : f32 to vector<16xf32>
          %sub3A_1352 = arith.subf %mul3A_1349, %sub3A_1351 : vector<16xf32>
          %convert_element_type3A_1353 = arith.fptosi %sub3A_1352 : vector<16xf32> to vector<16xi32>
          %convert_element_type3A_1354 = arith.sitofp %convert_element_type3A_1353 : vector<16xi32> to vector<16xf32>
          %mul3A_1355 = arith.constant 6.274510e-02 : f32
          %mul3A_1356 = vector.broadcast %mul3A_1355 : f32 to vector<16xf32>
          %mul3A_1357 = arith.mulf %convert_element_type3A_1354, %mul3A_1356 : vector<16xf32>
          %exp3A_1358 = math.exp %mul3A_1357 : vector<16xf32>
          %swap3A_1359 = arith.constant 37 : i32
          %swap3A_1360 = arith.index_cast %swap3A_1359 : i32 to index
          %swap3A_1361 = arith.index_cast %mul3A_37 : i32 to index
          %swap3A_1362 = tpu.vector_load %arg5[%swap3A_1360, %swap3A_1361] {strides = array<i32>} : memref<64x256xf32, #tpu.memory_space<vmem>>, vector<1x16xf32>,
          %swap3A_1363 = vector.shape_cast %swap3A_1362 : vector<1x16xf32> to vector<16xf32>
          %swap3A_1364 = vector.shape_cast %exp3A_1358 : vector<16xf32> to vector<1x16xf32>
          tpu.vector_store %arg5[%swap3A_1360, %swap3A_1361], %swap3A_1364 {strides = array<i32>} : memref<64x256xf32, #tpu.memory_space<vmem>>, vector<1x16xf32>,
          %add3A_1365 = arith.addf %add3A_1340, %exp3A_1358 : vector<16xf32>
          %get3A_1366 = arith.constant 38 : i32
          %get3A_1367 = arith.index_cast %get3A_1366 : i32 to index
          %get3A_1368 = arith.index_cast %mul3A_37 : i32 to index
          %get3A_1369 = tpu.vector_load %arg4[%get3A_1367, %get3A_1368] {strides = array<i32>} : memref<64x256xf32, #tpu.memory_space<vmem>>, vector<1x16xf32>,
          %get3A_1370 = vector.shape_cast %get3A_1369 : vector<1x16xf32> to vector<16xf32>
          %sub3A_1371 = arith.subf %get3A_1370, %max3A_418 : vector<16xf32>
          %mul3A_1372 = arith.constant 1.593750e+01 : f32
          %mul3A_1373 = vector.broadcast %mul3A_1372 : f32 to vector<16xf32>
          %mul3A_1374 = arith.mulf %sub3A_1371, %mul3A_1373 : vector<16xf32>
          %sub3A_1375 = arith.constant 5.000000e-01 : f32
          %sub3A_1376 = vector.broadcast %sub3A_1375 : f32 to vector<16xf32>
          %sub3A_1377 = arith.subf %mul3A_1374, %sub3A_1376 : vector<16xf32>
          %convert_element_type3A_1378 = arith.fptosi %sub3A_1377 : vector<16xf32> to vector<16xi32>
          %convert_element_type3A_1379 = arith.sitofp %convert_element_type3A_1378 : vector<16xi32> to vector<16xf32>
          %mul3A_1380 = arith.constant 6.274510e-02 : f32
          %mul3A_1381 = vector.broadcast %mul3A_1380 : f32 to vector<16xf32>
          %mul3A_1382 = arith.mulf %convert_element_type3A_1379, %mul3A_1381 : vector<16xf32>
          %exp3A_1383 = math.exp %mul3A_1382 : vector<16xf32>
          %swap3A_1384 = arith.constant 38 : i32
          %swap3A_1385 = arith.index_cast %swap3A_1384 : i32 to index
          %swap3A_1386 = arith.index_cast %mul3A_37 : i32 to index
          %swap3A_1387 = tpu.vector_load %arg5[%swap3A_1385, %swap3A_1386] {strides = array<i32>} : memref<64x256xf32, #tpu.memory_space<vmem>>, vector<1x16xf32>,
          %swap3A_1388 = vector.shape_cast %swap3A_1387 : vector<1x16xf32> to vector<16xf32>
          %swap3A_1389 = vector.shape_cast %exp3A_1383 : vector<16xf32> to vector<1x16xf32>
          tpu.vector_store %arg5[%swap3A_1385, %swap3A_1386], %swap3A_1389 {strides = array<i32>} : memref<64x256xf32, #tpu.memory_space<vmem>>, vector<1x16xf32>,
          %add3A_1390 = arith.addf %add3A_1365, %exp3A_1383 : vector<16xf32>
          %get3A_1391 = arith.constant 39 : i32
          %get3A_1392 = arith.index_cast %get3A_1391 : i32 to index
          %get3A_1393 = arith.index_cast %mul3A_37 : i32 to index
          %get3A_1394 = tpu.vector_load %arg4[%get3A_1392, %get3A_1393] {strides = array<i32>} : memref<64x256xf32, #tpu.memory_space<vmem>>, vector<1x16xf32>,
          %get3A_1395 = vector.shape_cast %get3A_1394 : vector<1x16xf32> to vector<16xf32>
          %sub3A_1396 = arith.subf %get3A_1395, %max3A_418 : vector<16xf32>
          %mul3A_1397 = arith.constant 1.593750e+01 : f32
          %mul3A_1398 = vector.broadcast %mul3A_1397 : f32 to vector<16xf32>
          %mul3A_1399 = arith.mulf %sub3A_1396, %mul3A_1398 : vector<16xf32>
          %sub3A_1400 = arith.constant 5.000000e-01 : f32
          %sub3A_1401 = vector.broadcast %sub3A_1400 : f32 to vector<16xf32>
          %sub3A_1402 = arith.subf %mul3A_1399, %sub3A_1401 : vector<16xf32>
          %convert_element_type3A_1403 = arith.fptosi %sub3A_1402 : vector<16xf32> to vector<16xi32>
          %convert_element_type3A_1404 = arith.sitofp %convert_element_type3A_1403 : vector<16xi32> to vector<16xf32>
          %mul3A_1405 = arith.constant 6.274510e-02 : f32
          %mul3A_1406 = vector.broadcast %mul3A_1405 : f32 to vector<16xf32>
          %mul3A_1407 = arith.mulf %convert_element_type3A_1404, %mul3A_1406 : vector<16xf32>
          %exp3A_1408 = math.exp %mul3A_1407 : vector<16xf32>
          %swap3A_1409 = arith.constant 39 : i32
          %swap3A_1410 = arith.index_cast %swap3A_1409 : i32 to index
          %swap3A_1411 = arith.index_cast %mul3A_37 : i32 to index
          %swap3A_1412 = tpu.vector_load %arg5[%swap3A_1410, %swap3A_1411] {strides = array<i32>} : memref<64x256xf32, #tpu.memory_space<vmem>>, vector<1x16xf32>,
          %swap3A_1413 = vector.shape_cast %swap3A_1412 : vector<1x16xf32> to vector<16xf32>
          %swap3A_1414 = vector.shape_cast %exp3A_1408 : vector<16xf32> to vector<1x16xf32>
          tpu.vector_store %arg5[%swap3A_1410, %swap3A_1411], %swap3A_1414 {strides = array<i32>} : memref<64x256xf32, #tpu.memory_space<vmem>>, vector<1x16xf32>,
          %add3A_1415 = arith.addf %add3A_1390, %exp3A_1408 : vector<16xf32>
          %get3A_1416 = arith.constant 40 : i32
          %get3A_1417 = arith.index_cast %get3A_1416 : i32 to index
          %get3A_1418 = arith.index_cast %mul3A_37 : i32 to index
          %get3A_1419 = tpu.vector_load %arg4[%get3A_1417, %get3A_1418] {strides = array<i32>} : memref<64x256xf32, #tpu.memory_space<vmem>>, vector<1x16xf32>,
          %get3A_1420 = vector.shape_cast %get3A_1419 : vector<1x16xf32> to vector<16xf32>
          %sub3A_1421 = arith.subf %get3A_1420, %max3A_418 : vector<16xf32>
          %mul3A_1422 = arith.constant 1.593750e+01 : f32
          %mul3A_1423 = vector.broadcast %mul3A_1422 : f32 to vector<16xf32>
          %mul3A_1424 = arith.mulf %sub3A_1421, %mul3A_1423 : vector<16xf32>
          %sub3A_1425 = arith.constant 5.000000e-01 : f32
          %sub3A_1426 = vector.broadcast %sub3A_1425 : f32 to vector<16xf32>
          %sub3A_1427 = arith.subf %mul3A_1424, %sub3A_1426 : vector<16xf32>
          %convert_element_type3A_1428 = arith.fptosi %sub3A_1427 : vector<16xf32> to vector<16xi32>
          %convert_element_type3A_1429 = arith.sitofp %convert_element_type3A_1428 : vector<16xi32> to vector<16xf32>
          %mul3A_1430 = arith.constant 6.274510e-02 : f32
          %mul3A_1431 = vector.broadcast %mul3A_1430 : f32 to vector<16xf32>
          %mul3A_1432 = arith.mulf %convert_element_type3A_1429, %mul3A_1431 : vector<16xf32>
          %exp3A_1433 = math.exp %mul3A_1432 : vector<16xf32>
          %swap3A_1434 = arith.constant 40 : i32
          %swap3A_1435 = arith.index_cast %swap3A_1434 : i32 to index
          %swap3A_1436 = arith.index_cast %mul3A_37 : i32 to index
          %swap3A_1437 = tpu.vector_load %arg5[%swap3A_1435, %swap3A_1436] {strides = array<i32>} : memref<64x256xf32, #tpu.memory_space<vmem>>, vector<1x16xf32>,
          %swap3A_1438 = vector.shape_cast %swap3A_1437 : vector<1x16xf32> to vector<16xf32>
          %swap3A_1439 = vector.shape_cast %exp3A_1433 : vector<16xf32> to vector<1x16xf32>
          tpu.vector_store %arg5[%swap3A_1435, %swap3A_1436], %swap3A_1439 {strides = array<i32>} : memref<64x256xf32, #tpu.memory_space<vmem>>, vector<1x16xf32>,
          %add3A_1440 = arith.addf %add3A_1415, %exp3A_1433 : vector<16xf32>
          %get3A_1441 = arith.constant 41 : i32
          %get3A_1442 = arith.index_cast %get3A_1441 : i32 to index
          %get3A_1443 = arith.index_cast %mul3A_37 : i32 to index
          %get3A_1444 = tpu.vector_load %arg4[%get3A_1442, %get3A_1443] {strides = array<i32>} : memref<64x256xf32, #tpu.memory_space<vmem>>, vector<1x16xf32>,
          %get3A_1445 = vector.shape_cast %get3A_1444 : vector<1x16xf32> to vector<16xf32>
          %sub3A_1446 = arith.subf %get3A_1445, %max3A_418 : vector<16xf32>
          %mul3A_1447 = arith.constant 1.593750e+01 : f32
          %mul3A_1448 = vector.broadcast %mul3A_1447 : f32 to vector<16xf32>
          %mul3A_1449 = arith.mulf %sub3A_1446, %mul3A_1448 : vector<16xf32>
          %sub3A_1450 = arith.constant 5.000000e-01 : f32
          %sub3A_1451 = vector.broadcast %sub3A_1450 : f32 to vector<16xf32>
          %sub3A_1452 = arith.subf %mul3A_1449, %sub3A_1451 : vector<16xf32>
          %convert_element_type3A_1453 = arith.fptosi %sub3A_1452 : vector<16xf32> to vector<16xi32>
          %convert_element_type3A_1454 = arith.sitofp %convert_element_type3A_1453 : vector<16xi32> to vector<16xf32>
          %mul3A_1455 = arith.constant 6.274510e-02 : f32
          %mul3A_1456 = vector.broadcast %mul3A_1455 : f32 to vector<16xf32>
          %mul3A_1457 = arith.mulf %convert_element_type3A_1454, %mul3A_1456 : vector<16xf32>
          %exp3A_1458 = math.exp %mul3A_1457 : vector<16xf32>
          %swap3A_1459 = arith.constant 41 : i32
          %swap3A_1460 = arith.index_cast %swap3A_1459 : i32 to index
          %swap3A_1461 = arith.index_cast %mul3A_37 : i32 to index
          %swap3A_1462 = tpu.vector_load %arg5[%swap3A_1460, %swap3A_1461] {strides = array<i32>} : memref<64x256xf32, #tpu.memory_space<vmem>>, vector<1x16xf32>,
          %swap3A_1463 = vector.shape_cast %swap3A_1462 : vector<1x16xf32> to vector<16xf32>
          %swap3A_1464 = vector.shape_cast %exp3A_1458 : vector<16xf32> to vector<1x16xf32>
          tpu.vector_store %arg5[%swap3A_1460, %swap3A_1461], %swap3A_1464 {strides = array<i32>} : memref<64x256xf32, #tpu.memory_space<vmem>>, vector<1x16xf32>,
          %add3A_1465 = arith.addf %add3A_1440, %exp3A_1458 : vector<16xf32>
          %get3A_1466 = arith.constant 42 : i32
          %get3A_1467 = arith.index_cast %get3A_1466 : i32 to index
          %get3A_1468 = arith.index_cast %mul3A_37 : i32 to index
          %get3A_1469 = tpu.vector_load %arg4[%get3A_1467, %get3A_1468] {strides = array<i32>} : memref<64x256xf32, #tpu.memory_space<vmem>>, vector<1x16xf32>,
          %get3A_1470 = vector.shape_cast %get3A_1469 : vector<1x16xf32> to vector<16xf32>
          %sub3A_1471 = arith.subf %get3A_1470, %max3A_418 : vector<16xf32>
          %mul3A_1472 = arith.constant 1.593750e+01 : f32
          %mul3A_1473 = vector.broadcast %mul3A_1472 : f32 to vector<16xf32>
          %mul3A_1474 = arith.mulf %sub3A_1471, %mul3A_1473 : vector<16xf32>
          %sub3A_1475 = arith.constant 5.000000e-01 : f32
          %sub3A_1476 = vector.broadcast %sub3A_1475 : f32 to vector<16xf32>
          %sub3A_1477 = arith.subf %mul3A_1474, %sub3A_1476 : vector<16xf32>
          %convert_element_type3A_1478 = arith.fptosi %sub3A_1477 : vector<16xf32> to vector<16xi32>
          %convert_element_type3A_1479 = arith.sitofp %convert_element_type3A_1478 : vector<16xi32> to vector<16xf32>
          %mul3A_1480 = arith.constant 6.274510e-02 : f32
          %mul3A_1481 = vector.broadcast %mul3A_1480 : f32 to vector<16xf32>
          %mul3A_1482 = arith.mulf %convert_element_type3A_1479, %mul3A_1481 : vector<16xf32>
          %exp3A_1483 = math.exp %mul3A_1482 : vector<16xf32>
          %swap3A_1484 = arith.constant 42 : i32
          %swap3A_1485 = arith.index_cast %swap3A_1484 : i32 to index
          %swap3A_1486 = arith.index_cast %mul3A_37 : i32 to index
          %swap3A_1487 = tpu.vector_load %arg5[%swap3A_1485, %swap3A_1486] {strides = array<i32>} : memref<64x256xf32, #tpu.memory_space<vmem>>, vector<1x16xf32>,
          %swap3A_1488 = vector.shape_cast %swap3A_1487 : vector<1x16xf32> to vector<16xf32>
          %swap3A_1489 = vector.shape_cast %exp3A_1483 : vector<16xf32> to vector<1x16xf32>
          tpu.vector_store %arg5[%swap3A_1485, %swap3A_1486], %swap3A_1489 {strides = array<i32>} : memref<64x256xf32, #tpu.memory_space<vmem>>, vector<1x16xf32>,
          %add3A_1490 = arith.addf %add3A_1465, %exp3A_1483 : vector<16xf32>
          %get3A_1491 = arith.constant 43 : i32
          %get3A_1492 = arith.index_cast %get3A_1491 : i32 to index
          %get3A_1493 = arith.index_cast %mul3A_37 : i32 to index
          %get3A_1494 = tpu.vector_load %arg4[%get3A_1492, %get3A_1493] {strides = array<i32>} : memref<64x256xf32, #tpu.memory_space<vmem>>, vector<1x16xf32>,
          %get3A_1495 = vector.shape_cast %get3A_1494 : vector<1x16xf32> to vector<16xf32>
          %sub3A_1496 = arith.subf %get3A_1495, %max3A_418 : vector<16xf32>
          %mul3A_1497 = arith.constant 1.593750e+01 : f32
          %mul3A_1498 = vector.broadcast %mul3A_1497 : f32 to vector<16xf32>
          %mul3A_1499 = arith.mulf %sub3A_1496, %mul3A_1498 : vector<16xf32>
          %sub3A_1500 = arith.constant 5.000000e-01 : f32
          %sub3A_1501 = vector.broadcast %sub3A_1500 : f32 to vector<16xf32>
          %sub3A_1502 = arith.subf %mul3A_1499, %sub3A_1501 : vector<16xf32>
          %convert_element_type3A_1503 = arith.fptosi %sub3A_1502 : vector<16xf32> to vector<16xi32>
          %convert_element_type3A_1504 = arith.sitofp %convert_element_type3A_1503 : vector<16xi32> to vector<16xf32>
          %mul3A_1505 = arith.constant 6.274510e-02 : f32
          %mul3A_1506 = vector.broadcast %mul3A_1505 : f32 to vector<16xf32>
          %mul3A_1507 = arith.mulf %convert_element_type3A_1504, %mul3A_1506 : vector<16xf32>
          %exp3A_1508 = math.exp %mul3A_1507 : vector<16xf32>
          %swap3A_1509 = arith.constant 43 : i32
          %swap3A_1510 = arith.index_cast %swap3A_1509 : i32 to index
          %swap3A_1511 = arith.index_cast %mul3A_37 : i32 to index
          %swap3A_1512 = tpu.vector_load %arg5[%swap3A_1510, %swap3A_1511] {strides = array<i32>} : memref<64x256xf32, #tpu.memory_space<vmem>>, vector<1x16xf32>,
          %swap3A_1513 = vector.shape_cast %swap3A_1512 : vector<1x16xf32> to vector<16xf32>
          %swap3A_1514 = vector.shape_cast %exp3A_1508 : vector<16xf32> to vector<1x16xf32>
          tpu.vector_store %arg5[%swap3A_1510, %swap3A_1511], %swap3A_1514 {strides = array<i32>} : memref<64x256xf32, #tpu.memory_space<vmem>>, vector<1x16xf32>,
          %add3A_1515 = arith.addf %add3A_1490, %exp3A_1508 : vector<16xf32>
          %get3A_1516 = arith.constant 44 : i32
          %get3A_1517 = arith.index_cast %get3A_1516 : i32 to index
          %get3A_1518 = arith.index_cast %mul3A_37 : i32 to index
          %get3A_1519 = tpu.vector_load %arg4[%get3A_1517, %get3A_1518] {strides = array<i32>} : memref<64x256xf32, #tpu.memory_space<vmem>>, vector<1x16xf32>,
          %get3A_1520 = vector.shape_cast %get3A_1519 : vector<1x16xf32> to vector<16xf32>
          %sub3A_1521 = arith.subf %get3A_1520, %max3A_418 : vector<16xf32>
          %mul3A_1522 = arith.constant 1.593750e+01 : f32
          %mul3A_1523 = vector.broadcast %mul3A_1522 : f32 to vector<16xf32>
          %mul3A_1524 = arith.mulf %sub3A_1521, %mul3A_1523 : vector<16xf32>
          %sub3A_1525 = arith.constant 5.000000e-01 : f32
          %sub3A_1526 = vector.broadcast %sub3A_1525 : f32 to vector<16xf32>
          %sub3A_1527 = arith.subf %mul3A_1524, %sub3A_1526 : vector<16xf32>
          %convert_element_type3A_1528 = arith.fptosi %sub3A_1527 : vector<16xf32> to vector<16xi32>
          %convert_element_type3A_1529 = arith.sitofp %convert_element_type3A_1528 : vector<16xi32> to vector<16xf32>
          %mul3A_1530 = arith.constant 6.274510e-02 : f32
          %mul3A_1531 = vector.broadcast %mul3A_1530 : f32 to vector<16xf32>
          %mul3A_1532 = arith.mulf %convert_element_type3A_1529, %mul3A_1531 : vector<16xf32>
          %exp3A_1533 = math.exp %mul3A_1532 : vector<16xf32>
          %swap3A_1534 = arith.constant 44 : i32
          %swap3A_1535 = arith.index_cast %swap3A_1534 : i32 to index
          %swap3A_1536 = arith.index_cast %mul3A_37 : i32 to index
          %swap3A_1537 = tpu.vector_load %arg5[%swap3A_1535, %swap3A_1536] {strides = array<i32>} : memref<64x256xf32, #tpu.memory_space<vmem>>, vector<1x16xf32>,
          %swap3A_1538 = vector.shape_cast %swap3A_1537 : vector<1x16xf32> to vector<16xf32>
          %swap3A_1539 = vector.shape_cast %exp3A_1533 : vector<16xf32> to vector<1x16xf32>
          tpu.vector_store %arg5[%swap3A_1535, %swap3A_1536], %swap3A_1539 {strides = array<i32>} : memref<64x256xf32, #tpu.memory_space<vmem>>, vector<1x16xf32>,
          %add3A_1540 = arith.addf %add3A_1515, %exp3A_1533 : vector<16xf32>
          %get3A_1541 = arith.constant 45 : i32
          %get3A_1542 = arith.index_cast %get3A_1541 : i32 to index
          %get3A_1543 = arith.index_cast %mul3A_37 : i32 to index
          %get3A_1544 = tpu.vector_load %arg4[%get3A_1542, %get3A_1543] {strides = array<i32>} : memref<64x256xf32, #tpu.memory_space<vmem>>, vector<1x16xf32>,
          %get3A_1545 = vector.shape_cast %get3A_1544 : vector<1x16xf32> to vector<16xf32>
          %sub3A_1546 = arith.subf %get3A_1545, %max3A_418 : vector<16xf32>
          %mul3A_1547 = arith.constant 1.593750e+01 : f32
          %mul3A_1548 = vector.broadcast %mul3A_1547 : f32 to vector<16xf32>
          %mul3A_1549 = arith.mulf %sub3A_1546, %mul3A_1548 : vector<16xf32>
          %sub3A_1550 = arith.constant 5.000000e-01 : f32
          %sub3A_1551 = vector.broadcast %sub3A_1550 : f32 to vector<16xf32>
          %sub3A_1552 = arith.subf %mul3A_1549, %sub3A_1551 : vector<16xf32>
          %convert_element_type3A_1553 = arith.fptosi %sub3A_1552 : vector<16xf32> to vector<16xi32>
          %convert_element_type3A_1554 = arith.sitofp %convert_element_type3A_1553 : vector<16xi32> to vector<16xf32>
          %mul3A_1555 = arith.constant 6.274510e-02 : f32
          %mul3A_1556 = vector.broadcast %mul3A_1555 : f32 to vector<16xf32>
          %mul3A_1557 = arith.mulf %convert_element_type3A_1554, %mul3A_1556 : vector<16xf32>
          %exp3A_1558 = math.exp %mul3A_1557 : vector<16xf32>
          %swap3A_1559 = arith.constant 45 : i32
          %swap3A_1560 = arith.index_cast %swap3A_1559 : i32 to index
          %swap3A_1561 = arith.index_cast %mul3A_37 : i32 to index
          %swap3A_1562 = tpu.vector_load %arg5[%swap3A_1560, %swap3A_1561] {strides = array<i32>} : memref<64x256xf32, #tpu.memory_space<vmem>>, vector<1x16xf32>,
          %swap3A_1563 = vector.shape_cast %swap3A_1562 : vector<1x16xf32> to vector<16xf32>
          %swap3A_1564 = vector.shape_cast %exp3A_1558 : vector<16xf32> to vector<1x16xf32>
          tpu.vector_store %arg5[%swap3A_1560, %swap3A_1561], %swap3A_1564 {strides = array<i32>} : memref<64x256xf32, #tpu.memory_space<vmem>>, vector<1x16xf32>,
          %add3A_1565 = arith.addf %add3A_1540, %exp3A_1558 : vector<16xf32>
          %get3A_1566 = arith.constant 46 : i32
          %get3A_1567 = arith.index_cast %get3A_1566 : i32 to index
          %get3A_1568 = arith.index_cast %mul3A_37 : i32 to index
          %get3A_1569 = tpu.vector_load %arg4[%get3A_1567, %get3A_1568] {strides = array<i32>} : memref<64x256xf32, #tpu.memory_space<vmem>>, vector<1x16xf32>,
          %get3A_1570 = vector.shape_cast %get3A_1569 : vector<1x16xf32> to vector<16xf32>
          %sub3A_1571 = arith.subf %get3A_1570, %max3A_418 : vector<16xf32>
          %mul3A_1572 = arith.constant 1.593750e+01 : f32
          %mul3A_1573 = vector.broadcast %mul3A_1572 : f32 to vector<16xf32>
          %mul3A_1574 = arith.mulf %sub3A_1571, %mul3A_1573 : vector<16xf32>
          %sub3A_1575 = arith.constant 5.000000e-01 : f32
          %sub3A_1576 = vector.broadcast %sub3A_1575 : f32 to vector<16xf32>
          %sub3A_1577 = arith.subf %mul3A_1574, %sub3A_1576 : vector<16xf32>
          %convert_element_type3A_1578 = arith.fptosi %sub3A_1577 : vector<16xf32> to vector<16xi32>
          %convert_element_type3A_1579 = arith.sitofp %convert_element_type3A_1578 : vector<16xi32> to vector<16xf32>
          %mul3A_1580 = arith.constant 6.274510e-02 : f32
          %mul3A_1581 = vector.broadcast %mul3A_1580 : f32 to vector<16xf32>
          %mul3A_1582 = arith.mulf %convert_element_type3A_1579, %mul3A_1581 : vector<16xf32>
          %exp3A_1583 = math.exp %mul3A_1582 : vector<16xf32>
          %swap3A_1584 = arith.constant 46 : i32
          %swap3A_1585 = arith.index_cast %swap3A_1584 : i32 to index
          %swap3A_1586 = arith.index_cast %mul3A_37 : i32 to index
          %swap3A_1587 = tpu.vector_load %arg5[%swap3A_1585, %swap3A_1586] {strides = array<i32>} : memref<64x256xf32, #tpu.memory_space<vmem>>, vector<1x16xf32>,
          %swap3A_1588 = vector.shape_cast %swap3A_1587 : vector<1x16xf32> to vector<16xf32>
          %swap3A_1589 = vector.shape_cast %exp3A_1583 : vector<16xf32> to vector<1x16xf32>
          tpu.vector_store %arg5[%swap3A_1585, %swap3A_1586], %swap3A_1589 {strides = array<i32>} : memref<64x256xf32, #tpu.memory_space<vmem>>, vector<1x16xf32>,
          %add3A_1590 = arith.addf %add3A_1565, %exp3A_1583 : vector<16xf32>
          %get3A_1591 = arith.constant 47 : i32
          %get3A_1592 = arith.index_cast %get3A_1591 : i32 to index
          %get3A_1593 = arith.index_cast %mul3A_37 : i32 to index
          %get3A_1594 = tpu.vector_load %arg4[%get3A_1592, %get3A_1593] {strides = array<i32>} : memref<64x256xf32, #tpu.memory_space<vmem>>, vector<1x16xf32>,
          %get3A_1595 = vector.shape_cast %get3A_1594 : vector<1x16xf32> to vector<16xf32>
          %sub3A_1596 = arith.subf %get3A_1595, %max3A_418 : vector<16xf32>
          %mul3A_1597 = arith.constant 1.593750e+01 : f32
          %mul3A_1598 = vector.broadcast %mul3A_1597 : f32 to vector<16xf32>
          %mul3A_1599 = arith.mulf %sub3A_1596, %mul3A_1598 : vector<16xf32>
          %sub3A_1600 = arith.constant 5.000000e-01 : f32
          %sub3A_1601 = vector.broadcast %sub3A_1600 : f32 to vector<16xf32>
          %sub3A_1602 = arith.subf %mul3A_1599, %sub3A_1601 : vector<16xf32>
          %convert_element_type3A_1603 = arith.fptosi %sub3A_1602 : vector<16xf32> to vector<16xi32>
          %convert_element_type3A_1604 = arith.sitofp %convert_element_type3A_1603 : vector<16xi32> to vector<16xf32>
          %mul3A_1605 = arith.constant 6.274510e-02 : f32
          %mul3A_1606 = vector.broadcast %mul3A_1605 : f32 to vector<16xf32>
          %mul3A_1607 = arith.mulf %convert_element_type3A_1604, %mul3A_1606 : vector<16xf32>
          %exp3A_1608 = math.exp %mul3A_1607 : vector<16xf32>
          %swap3A_1609 = arith.constant 47 : i32
          %swap3A_1610 = arith.index_cast %swap3A_1609 : i32 to index
          %swap3A_1611 = arith.index_cast %mul3A_37 : i32 to index
          %swap3A_1612 = tpu.vector_load %arg5[%swap3A_1610, %swap3A_1611] {strides = array<i32>} : memref<64x256xf32, #tpu.memory_space<vmem>>, vector<1x16xf32>,
          %swap3A_1613 = vector.shape_cast %swap3A_1612 : vector<1x16xf32> to vector<16xf32>
          %swap3A_1614 = vector.shape_cast %exp3A_1608 : vector<16xf32> to vector<1x16xf32>
          tpu.vector_store %arg5[%swap3A_1610, %swap3A_1611], %swap3A_1614 {strides = array<i32>} : memref<64x256xf32, #tpu.memory_space<vmem>>, vector<1x16xf32>,
          %add3A_1615 = arith.addf %add3A_1590, %exp3A_1608 : vector<16xf32>
          %get3A_1616 = arith.constant 48 : i32
          %get3A_1617 = arith.index_cast %get3A_1616 : i32 to index
          %get3A_1618 = arith.index_cast %mul3A_37 : i32 to index
          %get3A_1619 = tpu.vector_load %arg4[%get3A_1617, %get3A_1618] {strides = array<i32>} : memref<64x256xf32, #tpu.memory_space<vmem>>, vector<1x16xf32>,
          %get3A_1620 = vector.shape_cast %get3A_1619 : vector<1x16xf32> to vector<16xf32>
          %sub3A_1621 = arith.subf %get3A_1620, %max3A_418 : vector<16xf32>
          %mul3A_1622 = arith.constant 1.593750e+01 : f32
          %mul3A_1623 = vector.broadcast %mul3A_1622 : f32 to vector<16xf32>
          %mul3A_1624 = arith.mulf %sub3A_1621, %mul3A_1623 : vector<16xf32>
          %sub3A_1625 = arith.constant 5.000000e-01 : f32
          %sub3A_1626 = vector.broadcast %sub3A_1625 : f32 to vector<16xf32>
          %sub3A_1627 = arith.subf %mul3A_1624, %sub3A_1626 : vector<16xf32>
          %convert_element_type3A_1628 = arith.fptosi %sub3A_1627 : vector<16xf32> to vector<16xi32>
          %convert_element_type3A_1629 = arith.sitofp %convert_element_type3A_1628 : vector<16xi32> to vector<16xf32>
          %mul3A_1630 = arith.constant 6.274510e-02 : f32
          %mul3A_1631 = vector.broadcast %mul3A_1630 : f32 to vector<16xf32>
          %mul3A_1632 = arith.mulf %convert_element_type3A_1629, %mul3A_1631 : vector<16xf32>
          %exp3A_1633 = math.exp %mul3A_1632 : vector<16xf32>
          %swap3A_1634 = arith.constant 48 : i32
          %swap3A_1635 = arith.index_cast %swap3A_1634 : i32 to index
          %swap3A_1636 = arith.index_cast %mul3A_37 : i32 to index
          %swap3A_1637 = tpu.vector_load %arg5[%swap3A_1635, %swap3A_1636] {strides = array<i32>} : memref<64x256xf32, #tpu.memory_space<vmem>>, vector<1x16xf32>,
          %swap3A_1638 = vector.shape_cast %swap3A_1637 : vector<1x16xf32> to vector<16xf32>
          %swap3A_1639 = vector.shape_cast %exp3A_1633 : vector<16xf32> to vector<1x16xf32>
          tpu.vector_store %arg5[%swap3A_1635, %swap3A_1636], %swap3A_1639 {strides = array<i32>} : memref<64x256xf32, #tpu.memory_space<vmem>>, vector<1x16xf32>,
          %add3A_1640 = arith.addf %add3A_1615, %exp3A_1633 : vector<16xf32>
          %get3A_1641 = arith.constant 49 : i32
          %get3A_1642 = arith.index_cast %get3A_1641 : i32 to index
          %get3A_1643 = arith.index_cast %mul3A_37 : i32 to index
          %get3A_1644 = tpu.vector_load %arg4[%get3A_1642, %get3A_1643] {strides = array<i32>} : memref<64x256xf32, #tpu.memory_space<vmem>>, vector<1x16xf32>,
          %get3A_1645 = vector.shape_cast %get3A_1644 : vector<1x16xf32> to vector<16xf32>
          %sub3A_1646 = arith.subf %get3A_1645, %max3A_418 : vector<16xf32>
          %mul3A_1647 = arith.constant 1.593750e+01 : f32
          %mul3A_1648 = vector.broadcast %mul3A_1647 : f32 to vector<16xf32>
          %mul3A_1649 = arith.mulf %sub3A_1646, %mul3A_1648 : vector<16xf32>
          %sub3A_1650 = arith.constant 5.000000e-01 : f32
          %sub3A_1651 = vector.broadcast %sub3A_1650 : f32 to vector<16xf32>
          %sub3A_1652 = arith.subf %mul3A_1649, %sub3A_1651 : vector<16xf32>
          %convert_element_type3A_1653 = arith.fptosi %sub3A_1652 : vector<16xf32> to vector<16xi32>
          %convert_element_type3A_1654 = arith.sitofp %convert_element_type3A_1653 : vector<16xi32> to vector<16xf32>
          %mul3A_1655 = arith.constant 6.274510e-02 : f32
          %mul3A_1656 = vector.broadcast %mul3A_1655 : f32 to vector<16xf32>
          %mul3A_1657 = arith.mulf %convert_element_type3A_1654, %mul3A_1656 : vector<16xf32>
          %exp3A_1658 = math.exp %mul3A_1657 : vector<16xf32>
          %swap3A_1659 = arith.constant 49 : i32
          %swap3A_1660 = arith.index_cast %swap3A_1659 : i32 to index
          %swap3A_1661 = arith.index_cast %mul3A_37 : i32 to index
          %swap3A_1662 = tpu.vector_load %arg5[%swap3A_1660, %swap3A_1661] {strides = array<i32>} : memref<64x256xf32, #tpu.memory_space<vmem>>, vector<1x16xf32>,
          %swap3A_1663 = vector.shape_cast %swap3A_1662 : vector<1x16xf32> to vector<16xf32>
          %swap3A_1664 = vector.shape_cast %exp3A_1658 : vector<16xf32> to vector<1x16xf32>
          tpu.vector_store %arg5[%swap3A_1660, %swap3A_1661], %swap3A_1664 {strides = array<i32>} : memref<64x256xf32, #tpu.memory_space<vmem>>, vector<1x16xf32>,
          %add3A_1665 = arith.addf %add3A_1640, %exp3A_1658 : vector<16xf32>
          %get3A_1666 = arith.constant 50 : i32
          %get3A_1667 = arith.index_cast %get3A_1666 : i32 to index
          %get3A_1668 = arith.index_cast %mul3A_37 : i32 to index
          %get3A_1669 = tpu.vector_load %arg4[%get3A_1667, %get3A_1668] {strides = array<i32>} : memref<64x256xf32, #tpu.memory_space<vmem>>, vector<1x16xf32>,
          %get3A_1670 = vector.shape_cast %get3A_1669 : vector<1x16xf32> to vector<16xf32>
          %sub3A_1671 = arith.subf %get3A_1670, %max3A_418 : vector<16xf32>
          %mul3A_1672 = arith.constant 1.593750e+01 : f32
          %mul3A_1673 = vector.broadcast %mul3A_1672 : f32 to vector<16xf32>
          %mul3A_1674 = arith.mulf %sub3A_1671, %mul3A_1673 : vector<16xf32>
          %sub3A_1675 = arith.constant 5.000000e-01 : f32
          %sub3A_1676 = vector.broadcast %sub3A_1675 : f32 to vector<16xf32>
          %sub3A_1677 = arith.subf %mul3A_1674, %sub3A_1676 : vector<16xf32>
          %convert_element_type3A_1678 = arith.fptosi %sub3A_1677 : vector<16xf32> to vector<16xi32>
          %convert_element_type3A_1679 = arith.sitofp %convert_element_type3A_1678 : vector<16xi32> to vector<16xf32>
          %mul3A_1680 = arith.constant 6.274510e-02 : f32
          %mul3A_1681 = vector.broadcast %mul3A_1680 : f32 to vector<16xf32>
          %mul3A_1682 = arith.mulf %convert_element_type3A_1679, %mul3A_1681 : vector<16xf32>
          %exp3A_1683 = math.exp %mul3A_1682 : vector<16xf32>
          %swap3A_1684 = arith.constant 50 : i32
          %swap3A_1685 = arith.index_cast %swap3A_1684 : i32 to index
          %swap3A_1686 = arith.index_cast %mul3A_37 : i32 to index
          %swap3A_1687 = tpu.vector_load %arg5[%swap3A_1685, %swap3A_1686] {strides = array<i32>} : memref<64x256xf32, #tpu.memory_space<vmem>>, vector<1x16xf32>,
          %swap3A_1688 = vector.shape_cast %swap3A_1687 : vector<1x16xf32> to vector<16xf32>
          %swap3A_1689 = vector.shape_cast %exp3A_1683 : vector<16xf32> to vector<1x16xf32>
          tpu.vector_store %arg5[%swap3A_1685, %swap3A_1686], %swap3A_1689 {strides = array<i32>} : memref<64x256xf32, #tpu.memory_space<vmem>>, vector<1x16xf32>,
          %add3A_1690 = arith.addf %add3A_1665, %exp3A_1683 : vector<16xf32>
          %get3A_1691 = arith.constant 51 : i32
          %get3A_1692 = arith.index_cast %get3A_1691 : i32 to index
          %get3A_1693 = arith.index_cast %mul3A_37 : i32 to index
          %get3A_1694 = tpu.vector_load %arg4[%get3A_1692, %get3A_1693] {strides = array<i32>} : memref<64x256xf32, #tpu.memory_space<vmem>>, vector<1x16xf32>,
          %get3A_1695 = vector.shape_cast %get3A_1694 : vector<1x16xf32> to vector<16xf32>
          %sub3A_1696 = arith.subf %get3A_1695, %max3A_418 : vector<16xf32>
          %mul3A_1697 = arith.constant 1.593750e+01 : f32
          %mul3A_1698 = vector.broadcast %mul3A_1697 : f32 to vector<16xf32>
          %mul3A_1699 = arith.mulf %sub3A_1696, %mul3A_1698 : vector<16xf32>
          %sub3A_1700 = arith.constant 5.000000e-01 : f32
          %sub3A_1701 = vector.broadcast %sub3A_1700 : f32 to vector<16xf32>
          %sub3A_1702 = arith.subf %mul3A_1699, %sub3A_1701 : vector<16xf32>
          %convert_element_type3A_1703 = arith.fptosi %sub3A_1702 : vector<16xf32> to vector<16xi32>
          %convert_element_type3A_1704 = arith.sitofp %convert_element_type3A_1703 : vector<16xi32> to vector<16xf32>
          %mul3A_1705 = arith.constant 6.274510e-02 : f32
          %mul3A_1706 = vector.broadcast %mul3A_1705 : f32 to vector<16xf32>
          %mul3A_1707 = arith.mulf %convert_element_type3A_1704, %mul3A_1706 : vector<16xf32>
          %exp3A_1708 = math.exp %mul3A_1707 : vector<16xf32>
          %swap3A_1709 = arith.constant 51 : i32
          %swap3A_1710 = arith.index_cast %swap3A_1709 : i32 to index
          %swap3A_1711 = arith.index_cast %mul3A_37 : i32 to index
          %swap3A_1712 = tpu.vector_load %arg5[%swap3A_1710, %swap3A_1711] {strides = array<i32>} : memref<64x256xf32, #tpu.memory_space<vmem>>, vector<1x16xf32>,
          %swap3A_1713 = vector.shape_cast %swap3A_1712 : vector<1x16xf32> to vector<16xf32>
          %swap3A_1714 = vector.shape_cast %exp3A_1708 : vector<16xf32> to vector<1x16xf32>
          tpu.vector_store %arg5[%swap3A_1710, %swap3A_1711], %swap3A_1714 {strides = array<i32>} : memref<64x256xf32, #tpu.memory_space<vmem>>, vector<1x16xf32>,
          %add3A_1715 = arith.addf %add3A_1690, %exp3A_1708 : vector<16xf32>
          %get3A_1716 = arith.constant 52 : i32
          %get3A_1717 = arith.index_cast %get3A_1716 : i32 to index
          %get3A_1718 = arith.index_cast %mul3A_37 : i32 to index
          %get3A_1719 = tpu.vector_load %arg4[%get3A_1717, %get3A_1718] {strides = array<i32>} : memref<64x256xf32, #tpu.memory_space<vmem>>, vector<1x16xf32>,
          %get3A_1720 = vector.shape_cast %get3A_1719 : vector<1x16xf32> to vector<16xf32>
          %sub3A_1721 = arith.subf %get3A_1720, %max3A_418 : vector<16xf32>
          %mul3A_1722 = arith.constant 1.593750e+01 : f32
          %mul3A_1723 = vector.broadcast %mul3A_1722 : f32 to vector<16xf32>
          %mul3A_1724 = arith.mulf %sub3A_1721, %mul3A_1723 : vector<16xf32>
          %sub3A_1725 = arith.constant 5.000000e-01 : f32
          %sub3A_1726 = vector.broadcast %sub3A_1725 : f32 to vector<16xf32>
          %sub3A_1727 = arith.subf %mul3A_1724, %sub3A_1726 : vector<16xf32>
          %convert_element_type3A_1728 = arith.fptosi %sub3A_1727 : vector<16xf32> to vector<16xi32>
          %convert_element_type3A_1729 = arith.sitofp %convert_element_type3A_1728 : vector<16xi32> to vector<16xf32>
          %mul3A_1730 = arith.constant 6.274510e-02 : f32
          %mul3A_1731 = vector.broadcast %mul3A_1730 : f32 to vector<16xf32>
          %mul3A_1732 = arith.mulf %convert_element_type3A_1729, %mul3A_1731 : vector<16xf32>
          %exp3A_1733 = math.exp %mul3A_1732 : vector<16xf32>
          %swap3A_1734 = arith.constant 52 : i32
          %swap3A_1735 = arith.index_cast %swap3A_1734 : i32 to index
          %swap3A_1736 = arith.index_cast %mul3A_37 : i32 to index
          %swap3A_1737 = tpu.vector_load %arg5[%swap3A_1735, %swap3A_1736] {strides = array<i32>} : memref<64x256xf32, #tpu.memory_space<vmem>>, vector<1x16xf32>,
          %swap3A_1738 = vector.shape_cast %swap3A_1737 : vector<1x16xf32> to vector<16xf32>
          %swap3A_1739 = vector.shape_cast %exp3A_1733 : vector<16xf32> to vector<1x16xf32>
          tpu.vector_store %arg5[%swap3A_1735, %swap3A_1736], %swap3A_1739 {strides = array<i32>} : memref<64x256xf32, #tpu.memory_space<vmem>>, vector<1x16xf32>,
          %add3A_1740 = arith.addf %add3A_1715, %exp3A_1733 : vector<16xf32>
          %get3A_1741 = arith.constant 53 : i32
          %get3A_1742 = arith.index_cast %get3A_1741 : i32 to index
          %get3A_1743 = arith.index_cast %mul3A_37 : i32 to index
          %get3A_1744 = tpu.vector_load %arg4[%get3A_1742, %get3A_1743] {strides = array<i32>} : memref<64x256xf32, #tpu.memory_space<vmem>>, vector<1x16xf32>,
          %get3A_1745 = vector.shape_cast %get3A_1744 : vector<1x16xf32> to vector<16xf32>
          %sub3A_1746 = arith.subf %get3A_1745, %max3A_418 : vector<16xf32>
          %mul3A_1747 = arith.constant 1.593750e+01 : f32
          %mul3A_1748 = vector.broadcast %mul3A_1747 : f32 to vector<16xf32>
          %mul3A_1749 = arith.mulf %sub3A_1746, %mul3A_1748 : vector<16xf32>
          %sub3A_1750 = arith.constant 5.000000e-01 : f32
          %sub3A_1751 = vector.broadcast %sub3A_1750 : f32 to vector<16xf32>
          %sub3A_1752 = arith.subf %mul3A_1749, %sub3A_1751 : vector<16xf32>
          %convert_element_type3A_1753 = arith.fptosi %sub3A_1752 : vector<16xf32> to vector<16xi32>
          %convert_element_type3A_1754 = arith.sitofp %convert_element_type3A_1753 : vector<16xi32> to vector<16xf32>
          %mul3A_1755 = arith.constant 6.274510e-02 : f32
          %mul3A_1756 = vector.broadcast %mul3A_1755 : f32 to vector<16xf32>
          %mul3A_1757 = arith.mulf %convert_element_type3A_1754, %mul3A_1756 : vector<16xf32>
          %exp3A_1758 = math.exp %mul3A_1757 : vector<16xf32>
          %swap3A_1759 = arith.constant 53 : i32
          %swap3A_1760 = arith.index_cast %swap3A_1759 : i32 to index
          %swap3A_1761 = arith.index_cast %mul3A_37 : i32 to index
          %swap3A_1762 = tpu.vector_load %arg5[%swap3A_1760, %swap3A_1761] {strides = array<i32>} : memref<64x256xf32, #tpu.memory_space<vmem>>, vector<1x16xf32>,
          %swap3A_1763 = vector.shape_cast %swap3A_1762 : vector<1x16xf32> to vector<16xf32>
          %swap3A_1764 = vector.shape_cast %exp3A_1758 : vector<16xf32> to vector<1x16xf32>
          tpu.vector_store %arg5[%swap3A_1760, %swap3A_1761], %swap3A_1764 {strides = array<i32>} : memref<64x256xf32, #tpu.memory_space<vmem>>, vector<1x16xf32>,
          %add3A_1765 = arith.addf %add3A_1740, %exp3A_1758 : vector<16xf32>
          %get3A_1766 = arith.constant 54 : i32
          %get3A_1767 = arith.index_cast %get3A_1766 : i32 to index
          %get3A_1768 = arith.index_cast %mul3A_37 : i32 to index
          %get3A_1769 = tpu.vector_load %arg4[%get3A_1767, %get3A_1768] {strides = array<i32>} : memref<64x256xf32, #tpu.memory_space<vmem>>, vector<1x16xf32>,
          %get3A_1770 = vector.shape_cast %get3A_1769 : vector<1x16xf32> to vector<16xf32>
          %sub3A_1771 = arith.subf %get3A_1770, %max3A_418 : vector<16xf32>
          %mul3A_1772 = arith.constant 1.593750e+01 : f32
          %mul3A_1773 = vector.broadcast %mul3A_1772 : f32 to vector<16xf32>
          %mul3A_1774 = arith.mulf %sub3A_1771, %mul3A_1773 : vector<16xf32>
          %sub3A_1775 = arith.constant 5.000000e-01 : f32
          %sub3A_1776 = vector.broadcast %sub3A_1775 : f32 to vector<16xf32>
          %sub3A_1777 = arith.subf %mul3A_1774, %sub3A_1776 : vector<16xf32>
          %convert_element_type3A_1778 = arith.fptosi %sub3A_1777 : vector<16xf32> to vector<16xi32>
          %convert_element_type3A_1779 = arith.sitofp %convert_element_type3A_1778 : vector<16xi32> to vector<16xf32>
          %mul3A_1780 = arith.constant 6.274510e-02 : f32
          %mul3A_1781 = vector.broadcast %mul3A_1780 : f32 to vector<16xf32>
          %mul3A_1782 = arith.mulf %convert_element_type3A_1779, %mul3A_1781 : vector<16xf32>
          %exp3A_1783 = math.exp %mul3A_1782 : vector<16xf32>
          %swap3A_1784 = arith.constant 54 : i32
          %swap3A_1785 = arith.index_cast %swap3A_1784 : i32 to index
          %swap3A_1786 = arith.index_cast %mul3A_37 : i32 to index
          %swap3A_1787 = tpu.vector_load %arg5[%swap3A_1785, %swap3A_1786] {strides = array<i32>} : memref<64x256xf32, #tpu.memory_space<vmem>>, vector<1x16xf32>,
          %swap3A_1788 = vector.shape_cast %swap3A_1787 : vector<1x16xf32> to vector<16xf32>
          %swap3A_1789 = vector.shape_cast %exp3A_1783 : vector<16xf32> to vector<1x16xf32>
          tpu.vector_store %arg5[%swap3A_1785, %swap3A_1786], %swap3A_1789 {strides = array<i32>} : memref<64x256xf32, #tpu.memory_space<vmem>>, vector<1x16xf32>,
          %add3A_1790 = arith.addf %add3A_1765, %exp3A_1783 : vector<16xf32>
          %get3A_1791 = arith.constant 55 : i32
          %get3A_1792 = arith.index_cast %get3A_1791 : i32 to index
          %get3A_1793 = arith.index_cast %mul3A_37 : i32 to index
          %get3A_1794 = tpu.vector_load %arg4[%get3A_1792, %get3A_1793] {strides = array<i32>} : memref<64x256xf32, #tpu.memory_space<vmem>>, vector<1x16xf32>,
          %get3A_1795 = vector.shape_cast %get3A_1794 : vector<1x16xf32> to vector<16xf32>
          %sub3A_1796 = arith.subf %get3A_1795, %max3A_418 : vector<16xf32>
          %mul3A_1797 = arith.constant 1.593750e+01 : f32
          %mul3A_1798 = vector.broadcast %mul3A_1797 : f32 to vector<16xf32>
          %mul3A_1799 = arith.mulf %sub3A_1796, %mul3A_1798 : vector<16xf32>
          %sub3A_1800 = arith.constant 5.000000e-01 : f32
          %sub3A_1801 = vector.broadcast %sub3A_1800 : f32 to vector<16xf32>
          %sub3A_1802 = arith.subf %mul3A_1799, %sub3A_1801 : vector<16xf32>
          %convert_element_type3A_1803 = arith.fptosi %sub3A_1802 : vector<16xf32> to vector<16xi32>
          %convert_element_type3A_1804 = arith.sitofp %convert_element_type3A_1803 : vector<16xi32> to vector<16xf32>
          %mul3A_1805 = arith.constant 6.274510e-02 : f32
          %mul3A_1806 = vector.broadcast %mul3A_1805 : f32 to vector<16xf32>
          %mul3A_1807 = arith.mulf %convert_element_type3A_1804, %mul3A_1806 : vector<16xf32>
          %exp3A_1808 = math.exp %mul3A_1807 : vector<16xf32>
          %swap3A_1809 = arith.constant 55 : i32
          %swap3A_1810 = arith.index_cast %swap3A_1809 : i32 to index
          %swap3A_1811 = arith.index_cast %mul3A_37 : i32 to index
          %swap3A_1812 = tpu.vector_load %arg5[%swap3A_1810, %swap3A_1811] {strides = array<i32>} : memref<64x256xf32, #tpu.memory_space<vmem>>, vector<1x16xf32>,
          %swap3A_1813 = vector.shape_cast %swap3A_1812 : vector<1x16xf32> to vector<16xf32>
          %swap3A_1814 = vector.shape_cast %exp3A_1808 : vector<16xf32> to vector<1x16xf32>
          tpu.vector_store %arg5[%swap3A_1810, %swap3A_1811], %swap3A_1814 {strides = array<i32>} : memref<64x256xf32, #tpu.memory_space<vmem>>, vector<1x16xf32>,
          %add3A_1815 = arith.addf %add3A_1790, %exp3A_1808 : vector<16xf32>
          %get3A_1816 = arith.constant 56 : i32
          %get3A_1817 = arith.index_cast %get3A_1816 : i32 to index
          %get3A_1818 = arith.index_cast %mul3A_37 : i32 to index
          %get3A_1819 = tpu.vector_load %arg4[%get3A_1817, %get3A_1818] {strides = array<i32>} : memref<64x256xf32, #tpu.memory_space<vmem>>, vector<1x16xf32>,
          %get3A_1820 = vector.shape_cast %get3A_1819 : vector<1x16xf32> to vector<16xf32>
          %sub3A_1821 = arith.subf %get3A_1820, %max3A_418 : vector<16xf32>
          %mul3A_1822 = arith.constant 1.593750e+01 : f32
          %mul3A_1823 = vector.broadcast %mul3A_1822 : f32 to vector<16xf32>
          %mul3A_1824 = arith.mulf %sub3A_1821, %mul3A_1823 : vector<16xf32>
          %sub3A_1825 = arith.constant 5.000000e-01 : f32
          %sub3A_1826 = vector.broadcast %sub3A_1825 : f32 to vector<16xf32>
          %sub3A_1827 = arith.subf %mul3A_1824, %sub3A_1826 : vector<16xf32>
          %convert_element_type3A_1828 = arith.fptosi %sub3A_1827 : vector<16xf32> to vector<16xi32>
          %convert_element_type3A_1829 = arith.sitofp %convert_element_type3A_1828 : vector<16xi32> to vector<16xf32>
          %mul3A_1830 = arith.constant 6.274510e-02 : f32
          %mul3A_1831 = vector.broadcast %mul3A_1830 : f32 to vector<16xf32>
          %mul3A_1832 = arith.mulf %convert_element_type3A_1829, %mul3A_1831 : vector<16xf32>
          %exp3A_1833 = math.exp %mul3A_1832 : vector<16xf32>
          %swap3A_1834 = arith.constant 56 : i32
          %swap3A_1835 = arith.index_cast %swap3A_1834 : i32 to index
          %swap3A_1836 = arith.index_cast %mul3A_37 : i32 to index
          %swap3A_1837 = tpu.vector_load %arg5[%swap3A_1835, %swap3A_1836] {strides = array<i32>} : memref<64x256xf32, #tpu.memory_space<vmem>>, vector<1x16xf32>,
          %swap3A_1838 = vector.shape_cast %swap3A_1837 : vector<1x16xf32> to vector<16xf32>
          %swap3A_1839 = vector.shape_cast %exp3A_1833 : vector<16xf32> to vector<1x16xf32>
          tpu.vector_store %arg5[%swap3A_1835, %swap3A_1836], %swap3A_1839 {strides = array<i32>} : memref<64x256xf32, #tpu.memory_space<vmem>>, vector<1x16xf32>,
          %add3A_1840 = arith.addf %add3A_1815, %exp3A_1833 : vector<16xf32>
          %get3A_1841 = arith.constant 57 : i32
          %get3A_1842 = arith.index_cast %get3A_1841 : i32 to index
          %get3A_1843 = arith.index_cast %mul3A_37 : i32 to index
          %get3A_1844 = tpu.vector_load %arg4[%get3A_1842, %get3A_1843] {strides = array<i32>} : memref<64x256xf32, #tpu.memory_space<vmem>>, vector<1x16xf32>,
          %get3A_1845 = vector.shape_cast %get3A_1844 : vector<1x16xf32> to vector<16xf32>
          %sub3A_1846 = arith.subf %get3A_1845, %max3A_418 : vector<16xf32>
          %mul3A_1847 = arith.constant 1.593750e+01 : f32
          %mul3A_1848 = vector.broadcast %mul3A_1847 : f32 to vector<16xf32>
          %mul3A_1849 = arith.mulf %sub3A_1846, %mul3A_1848 : vector<16xf32>
          %sub3A_1850 = arith.constant 5.000000e-01 : f32
          %sub3A_1851 = vector.broadcast %sub3A_1850 : f32 to vector<16xf32>
          %sub3A_1852 = arith.subf %mul3A_1849, %sub3A_1851 : vector<16xf32>
          %convert_element_type3A_1853 = arith.fptosi %sub3A_1852 : vector<16xf32> to vector<16xi32>
          %convert_element_type3A_1854 = arith.sitofp %convert_element_type3A_1853 : vector<16xi32> to vector<16xf32>
          %mul3A_1855 = arith.constant 6.274510e-02 : f32
          %mul3A_1856 = vector.broadcast %mul3A_1855 : f32 to vector<16xf32>
          %mul3A_1857 = arith.mulf %convert_element_type3A_1854, %mul3A_1856 : vector<16xf32>
          %exp3A_1858 = math.exp %mul3A_1857 : vector<16xf32>
          %swap3A_1859 = arith.constant 57 : i32
          %swap3A_1860 = arith.index_cast %swap3A_1859 : i32 to index
          %swap3A_1861 = arith.index_cast %mul3A_37 : i32 to index
          %swap3A_1862 = tpu.vector_load %arg5[%swap3A_1860, %swap3A_1861] {strides = array<i32>} : memref<64x256xf32, #tpu.memory_space<vmem>>, vector<1x16xf32>,
          %swap3A_1863 = vector.shape_cast %swap3A_1862 : vector<1x16xf32> to vector<16xf32>
          %swap3A_1864 = vector.shape_cast %exp3A_1858 : vector<16xf32> to vector<1x16xf32>
          tpu.vector_store %arg5[%swap3A_1860, %swap3A_1861], %swap3A_1864 {strides = array<i32>} : memref<64x256xf32, #tpu.memory_space<vmem>>, vector<1x16xf32>,
          %add3A_1865 = arith.addf %add3A_1840, %exp3A_1858 : vector<16xf32>
          %get3A_1866 = arith.constant 58 : i32
          %get3A_1867 = arith.index_cast %get3A_1866 : i32 to index
          %get3A_1868 = arith.index_cast %mul3A_37 : i32 to index
          %get3A_1869 = tpu.vector_load %arg4[%get3A_1867, %get3A_1868] {strides = array<i32>} : memref<64x256xf32, #tpu.memory_space<vmem>>, vector<1x16xf32>,
          %get3A_1870 = vector.shape_cast %get3A_1869 : vector<1x16xf32> to vector<16xf32>
          %sub3A_1871 = arith.subf %get3A_1870, %max3A_418 : vector<16xf32>
          %mul3A_1872 = arith.constant 1.593750e+01 : f32
          %mul3A_1873 = vector.broadcast %mul3A_1872 : f32 to vector<16xf32>
          %mul3A_1874 = arith.mulf %sub3A_1871, %mul3A_1873 : vector<16xf32>
          %sub3A_1875 = arith.constant 5.000000e-01 : f32
          %sub3A_1876 = vector.broadcast %sub3A_1875 : f32 to vector<16xf32>
          %sub3A_1877 = arith.subf %mul3A_1874, %sub3A_1876 : vector<16xf32>
          %convert_element_type3A_1878 = arith.fptosi %sub3A_1877 : vector<16xf32> to vector<16xi32>
          %convert_element_type3A_1879 = arith.sitofp %convert_element_type3A_1878 : vector<16xi32> to vector<16xf32>
          %mul3A_1880 = arith.constant 6.274510e-02 : f32
          %mul3A_1881 = vector.broadcast %mul3A_1880 : f32 to vector<16xf32>
          %mul3A_1882 = arith.mulf %convert_element_type3A_1879, %mul3A_1881 : vector<16xf32>
          %exp3A_1883 = math.exp %mul3A_1882 : vector<16xf32>
          %swap3A_1884 = arith.constant 58 : i32
          %swap3A_1885 = arith.index_cast %swap3A_1884 : i32 to index
          %swap3A_1886 = arith.index_cast %mul3A_37 : i32 to index
          %swap3A_1887 = tpu.vector_load %arg5[%swap3A_1885, %swap3A_1886] {strides = array<i32>} : memref<64x256xf32, #tpu.memory_space<vmem>>, vector<1x16xf32>,
          %swap3A_1888 = vector.shape_cast %swap3A_1887 : vector<1x16xf32> to vector<16xf32>
          %swap3A_1889 = vector.shape_cast %exp3A_1883 : vector<16xf32> to vector<1x16xf32>
          tpu.vector_store %arg5[%swap3A_1885, %swap3A_1886], %swap3A_1889 {strides = array<i32>} : memref<64x256xf32, #tpu.memory_space<vmem>>, vector<1x16xf32>,
          %add3A_1890 = arith.addf %add3A_1865, %exp3A_1883 : vector<16xf32>
          %get3A_1891 = arith.constant 59 : i32
          %get3A_1892 = arith.index_cast %get3A_1891 : i32 to index
          %get3A_1893 = arith.index_cast %mul3A_37 : i32 to index
          %get3A_1894 = tpu.vector_load %arg4[%get3A_1892, %get3A_1893] {strides = array<i32>} : memref<64x256xf32, #tpu.memory_space<vmem>>, vector<1x16xf32>,
          %get3A_1895 = vector.shape_cast %get3A_1894 : vector<1x16xf32> to vector<16xf32>
          %sub3A_1896 = arith.subf %get3A_1895, %max3A_418 : vector<16xf32>
          %mul3A_1897 = arith.constant 1.593750e+01 : f32
          %mul3A_1898 = vector.broadcast %mul3A_1897 : f32 to vector<16xf32>
          %mul3A_1899 = arith.mulf %sub3A_1896, %mul3A_1898 : vector<16xf32>
          %sub3A_1900 = arith.constant 5.000000e-01 : f32
          %sub3A_1901 = vector.broadcast %sub3A_1900 : f32 to vector<16xf32>
          %sub3A_1902 = arith.subf %mul3A_1899, %sub3A_1901 : vector<16xf32>
          %convert_element_type3A_1903 = arith.fptosi %sub3A_1902 : vector<16xf32> to vector<16xi32>
          %convert_element_type3A_1904 = arith.sitofp %convert_element_type3A_1903 : vector<16xi32> to vector<16xf32>
          %mul3A_1905 = arith.constant 6.274510e-02 : f32
          %mul3A_1906 = vector.broadcast %mul3A_1905 : f32 to vector<16xf32>
          %mul3A_1907 = arith.mulf %convert_element_type3A_1904, %mul3A_1906 : vector<16xf32>
          %exp3A_1908 = math.exp %mul3A_1907 : vector<16xf32>
          %swap3A_1909 = arith.constant 59 : i32
          %swap3A_1910 = arith.index_cast %swap3A_1909 : i32 to index
          %swap3A_1911 = arith.index_cast %mul3A_37 : i32 to index
          %swap3A_1912 = tpu.vector_load %arg5[%swap3A_1910, %swap3A_1911] {strides = array<i32>} : memref<64x256xf32, #tpu.memory_space<vmem>>, vector<1x16xf32>,
          %swap3A_1913 = vector.shape_cast %swap3A_1912 : vector<1x16xf32> to vector<16xf32>
          %swap3A_1914 = vector.shape_cast %exp3A_1908 : vector<16xf32> to vector<1x16xf32>
          tpu.vector_store %arg5[%swap3A_1910, %swap3A_1911], %swap3A_1914 {strides = array<i32>} : memref<64x256xf32, #tpu.memory_space<vmem>>, vector<1x16xf32>,
          %add3A_1915 = arith.addf %add3A_1890, %exp3A_1908 : vector<16xf32>
          %get3A_1916 = arith.constant 60 : i32
          %get3A_1917 = arith.index_cast %get3A_1916 : i32 to index
          %get3A_1918 = arith.index_cast %mul3A_37 : i32 to index
          %get3A_1919 = tpu.vector_load %arg4[%get3A_1917, %get3A_1918] {strides = array<i32>} : memref<64x256xf32, #tpu.memory_space<vmem>>, vector<1x16xf32>,
          %get3A_1920 = vector.shape_cast %get3A_1919 : vector<1x16xf32> to vector<16xf32>
          %sub3A_1921 = arith.subf %get3A_1920, %max3A_418 : vector<16xf32>
          %mul3A_1922 = arith.constant 1.593750e+01 : f32
          %mul3A_1923 = vector.broadcast %mul3A_1922 : f32 to vector<16xf32>
          %mul3A_1924 = arith.mulf %sub3A_1921, %mul3A_1923 : vector<16xf32>
          %sub3A_1925 = arith.constant 5.000000e-01 : f32
          %sub3A_1926 = vector.broadcast %sub3A_1925 : f32 to vector<16xf32>
          %sub3A_1927 = arith.subf %mul3A_1924, %sub3A_1926 : vector<16xf32>
          %convert_element_type3A_1928 = arith.fptosi %sub3A_1927 : vector<16xf32> to vector<16xi32>
          %convert_element_type3A_1929 = arith.sitofp %convert_element_type3A_1928 : vector<16xi32> to vector<16xf32>
          %mul3A_1930 = arith.constant 6.274510e-02 : f32
          %mul3A_1931 = vector.broadcast %mul3A_1930 : f32 to vector<16xf32>
          %mul3A_1932 = arith.mulf %convert_element_type3A_1929, %mul3A_1931 : vector<16xf32>
          %exp3A_1933 = math.exp %mul3A_1932 : vector<16xf32>
          %swap3A_1934 = arith.constant 60 : i32
          %swap3A_1935 = arith.index_cast %swap3A_1934 : i32 to index
          %swap3A_1936 = arith.index_cast %mul3A_37 : i32 to index
          %swap3A_1937 = tpu.vector_load %arg5[%swap3A_1935, %swap3A_1936] {strides = array<i32>} : memref<64x256xf32, #tpu.memory_space<vmem>>, vector<1x16xf32>,
          %swap3A_1938 = vector.shape_cast %swap3A_1937 : vector<1x16xf32> to vector<16xf32>
          %swap3A_1939 = vector.shape_cast %exp3A_1933 : vector<16xf32> to vector<1x16xf32>
          tpu.vector_store %arg5[%swap3A_1935, %swap3A_1936], %swap3A_1939 {strides = array<i32>} : memref<64x256xf32, #tpu.memory_space<vmem>>, vector<1x16xf32>,
          %add3A_1940 = arith.addf %add3A_1915, %exp3A_1933 : vector<16xf32>
          %get3A_1941 = arith.constant 61 : i32
          %get3A_1942 = arith.index_cast %get3A_1941 : i32 to index
          %get3A_1943 = arith.index_cast %mul3A_37 : i32 to index
          %get3A_1944 = tpu.vector_load %arg4[%get3A_1942, %get3A_1943] {strides = array<i32>} : memref<64x256xf32, #tpu.memory_space<vmem>>, vector<1x16xf32>,
          %get3A_1945 = vector.shape_cast %get3A_1944 : vector<1x16xf32> to vector<16xf32>
          %sub3A_1946 = arith.subf %get3A_1945, %max3A_418 : vector<16xf32>
          %mul3A_1947 = arith.constant 1.593750e+01 : f32
          %mul3A_1948 = vector.broadcast %mul3A_1947 : f32 to vector<16xf32>
          %mul3A_1949 = arith.mulf %sub3A_1946, %mul3A_1948 : vector<16xf32>
          %sub3A_1950 = arith.constant 5.000000e-01 : f32
          %sub3A_1951 = vector.broadcast %sub3A_1950 : f32 to vector<16xf32>
          %sub3A_1952 = arith.subf %mul3A_1949, %sub3A_1951 : vector<16xf32>
          %convert_element_type3A_1953 = arith.fptosi %sub3A_1952 : vector<16xf32> to vector<16xi32>
          %convert_element_type3A_1954 = arith.sitofp %convert_element_type3A_1953 : vector<16xi32> to vector<16xf32>
          %mul3A_1955 = arith.constant 6.274510e-02 : f32
          %mul3A_1956 = vector.broadcast %mul3A_1955 : f32 to vector<16xf32>
          %mul3A_1957 = arith.mulf %convert_element_type3A_1954, %mul3A_1956 : vector<16xf32>
          %exp3A_1958 = math.exp %mul3A_1957 : vector<16xf32>
          %swap3A_1959 = arith.constant 61 : i32
          %swap3A_1960 = arith.index_cast %swap3A_1959 : i32 to index
          %swap3A_1961 = arith.index_cast %mul3A_37 : i32 to index
          %swap3A_1962 = tpu.vector_load %arg5[%swap3A_1960, %swap3A_1961] {strides = array<i32>} : memref<64x256xf32, #tpu.memory_space<vmem>>, vector<1x16xf32>,
          %swap3A_1963 = vector.shape_cast %swap3A_1962 : vector<1x16xf32> to vector<16xf32>
          %swap3A_1964 = vector.shape_cast %exp3A_1958 : vector<16xf32> to vector<1x16xf32>
          tpu.vector_store %arg5[%swap3A_1960, %swap3A_1961], %swap3A_1964 {strides = array<i32>} : memref<64x256xf32, #tpu.memory_space<vmem>>, vector<1x16xf32>,
          %add3A_1965 = arith.addf %add3A_1940, %exp3A_1958 : vector<16xf32>
          %get3A_1966 = arith.constant 62 : i32
          %get3A_1967 = arith.index_cast %get3A_1966 : i32 to index
          %get3A_1968 = arith.index_cast %mul3A_37 : i32 to index
          %get3A_1969 = tpu.vector_load %arg4[%get3A_1967, %get3A_1968] {strides = array<i32>} : memref<64x256xf32, #tpu.memory_space<vmem>>, vector<1x16xf32>,
          %get3A_1970 = vector.shape_cast %get3A_1969 : vector<1x16xf32> to vector<16xf32>
          %sub3A_1971 = arith.subf %get3A_1970, %max3A_418 : vector<16xf32>
          %mul3A_1972 = arith.constant 1.593750e+01 : f32
          %mul3A_1973 = vector.broadcast %mul3A_1972 : f32 to vector<16xf32>
          %mul3A_1974 = arith.mulf %sub3A_1971, %mul3A_1973 : vector<16xf32>
          %sub3A_1975 = arith.constant 5.000000e-01 : f32
          %sub3A_1976 = vector.broadcast %sub3A_1975 : f32 to vector<16xf32>
          %sub3A_1977 = arith.subf %mul3A_1974, %sub3A_1976 : vector<16xf32>
          %convert_element_type3A_1978 = arith.fptosi %sub3A_1977 : vector<16xf32> to vector<16xi32>
          %convert_element_type3A_1979 = arith.sitofp %convert_element_type3A_1978 : vector<16xi32> to vector<16xf32>
          %mul3A_1980 = arith.constant 6.274510e-02 : f32
          %mul3A_1981 = vector.broadcast %mul3A_1980 : f32 to vector<16xf32>
          %mul3A_1982 = arith.mulf %convert_element_type3A_1979, %mul3A_1981 : vector<16xf32>
          %exp3A_1983 = math.exp %mul3A_1982 : vector<16xf32>
          %swap3A_1984 = arith.constant 62 : i32
          %swap3A_1985 = arith.index_cast %swap3A_1984 : i32 to index
          %swap3A_1986 = arith.index_cast %mul3A_37 : i32 to index
          %swap3A_1987 = tpu.vector_load %arg5[%swap3A_1985, %swap3A_1986] {strides = array<i32>} : memref<64x256xf32, #tpu.memory_space<vmem>>, vector<1x16xf32>,
          %swap3A_1988 = vector.shape_cast %swap3A_1987 : vector<1x16xf32> to vector<16xf32>
          %swap3A_1989 = vector.shape_cast %exp3A_1983 : vector<16xf32> to vector<1x16xf32>
          tpu.vector_store %arg5[%swap3A_1985, %swap3A_1986], %swap3A_1989 {strides = array<i32>} : memref<64x256xf32, #tpu.memory_space<vmem>>, vector<1x16xf32>,
          %add3A_1990 = arith.addf %add3A_1965, %exp3A_1983 : vector<16xf32>
          %get3A_1991 = arith.constant 63 : i32
          %get3A_1992 = arith.index_cast %get3A_1991 : i32 to index
          %get3A_1993 = arith.index_cast %mul3A_37 : i32 to index
          %get3A_1994 = tpu.vector_load %arg4[%get3A_1992, %get3A_1993] {strides = array<i32>} : memref<64x256xf32, #tpu.memory_space<vmem>>, vector<1x16xf32>,
          %get3A_1995 = vector.shape_cast %get3A_1994 : vector<1x16xf32> to vector<16xf32>
          %sub3A_1996 = arith.subf %get3A_1995, %max3A_418 : vector<16xf32>
          %mul3A_1997 = arith.constant 1.593750e+01 : f32
          %mul3A_1998 = vector.broadcast %mul3A_1997 : f32 to vector<16xf32>
          %mul3A_1999 = arith.mulf %sub3A_1996, %mul3A_1998 : vector<16xf32>
          %sub3A_2000 = arith.constant 5.000000e-01 : f32
          %sub3A_2001 = vector.broadcast %sub3A_2000 : f32 to vector<16xf32>
          %sub3A_2002 = arith.subf %mul3A_1999, %sub3A_2001 : vector<16xf32>
          %convert_element_type3A_2003 = arith.fptosi %sub3A_2002 : vector<16xf32> to vector<16xi32>
          %convert_element_type3A_2004 = arith.sitofp %convert_element_type3A_2003 : vector<16xi32> to vector<16xf32>
          %mul3A_2005 = arith.constant 6.274510e-02 : f32
          %mul3A_2006 = vector.broadcast %mul3A_2005 : f32 to vector<16xf32>
          %mul3A_2007 = arith.mulf %convert_element_type3A_2004, %mul3A_2006 : vector<16xf32>
          %exp3A_2008 = math.exp %mul3A_2007 : vector<16xf32>
          %swap3A_2009 = arith.constant 63 : i32
          %swap3A_2010 = arith.index_cast %swap3A_2009 : i32 to index
          %swap3A_2011 = arith.index_cast %mul3A_37 : i32 to index
          %swap3A_2012 = tpu.vector_load %arg5[%swap3A_2010, %swap3A_2011] {strides = array<i32>} : memref<64x256xf32, #tpu.memory_space<vmem>>, vector<1x16xf32>,
          %swap3A_2013 = vector.shape_cast %swap3A_2012 : vector<1x16xf32> to vector<16xf32>
          %swap3A_2014 = vector.shape_cast %exp3A_2008 : vector<16xf32> to vector<1x16xf32>
          tpu.vector_store %arg5[%swap3A_2010, %swap3A_2011], %swap3A_2014 {strides = array<i32>} : memref<64x256xf32, #tpu.memory_space<vmem>>, vector<1x16xf32>,
          %add3A_2015 = arith.addf %add3A_1990, %exp3A_2008 : vector<16xf32>
          %div3A = arith.constant 2.550000e+02 : f32
          %div3A_2016 = vector.broadcast %div3A : f32 to vector<16xf32>
          %div3A_2017 = arith.divf %div3A_2016, %add3A_2015 : vector<16xf32>
          %get3A_2018 = arith.constant 0 : i32
          %get3A_2019 = arith.index_cast %get3A_2018 : i32 to index
          %get3A_2020 = arith.index_cast %mul3A_37 : i32 to index
          %get3A_2021 = tpu.vector_load %arg5[%get3A_2019, %get3A_2020] {strides = array<i32>} : memref<64x256xf32, #tpu.memory_space<vmem>>, vector<1x16xf32>,
          %get3A_2022 = vector.shape_cast %get3A_2021 : vector<1x16xf32> to vector<16xf32>
          %mul3A_2023 = arith.mulf %get3A_2022, %div3A_2017 : vector<16xf32>
          %add3A_2024 = arith.constant 5.000000e-01 : f32
          %add3A_2025 = vector.broadcast %add3A_2024 : f32 to vector<16xf32>
          %add3A_2026 = arith.addf %mul3A_2023, %add3A_2025 : vector<16xf32>
          %convert_element_type3A_2027 = arith.fptosi %add3A_2026 : vector<16xf32> to vector<16xi32>
          %convert_element_type3A_2028 = arith.sitofp %convert_element_type3A_2027 : vector<16xi32> to vector<16xf32>
          %mul3A_2029 = arith.constant 0.00392156886 : f32
          %mul3A_2030 = vector.broadcast %mul3A_2029 : f32 to vector<16xf32>
          %mul3A_2031 = arith.mulf %convert_element_type3A_2028, %mul3A_2030 : vector<16xf32>
          %swap3A_2032 = arith.constant 0 : i32
          %swap3A_2033 = arith.index_cast %swap3A_2032 : i32 to index
          %swap3A_2034 = arith.index_cast %mul3A_37 : i32 to index
          %swap3A_2035 = tpu.vector_load %arg5[%swap3A_2033, %swap3A_2034] {strides = array<i32>} : memref<64x256xf32, #tpu.memory_space<vmem>>, vector<1x16xf32>,
          %swap3A_2036 = vector.shape_cast %swap3A_2035 : vector<1x16xf32> to vector<16xf32>
          %swap3A_2037 = vector.shape_cast %mul3A_2031 : vector<16xf32> to vector<1x16xf32>
          tpu.vector_store %arg5[%swap3A_2033, %swap3A_2034], %swap3A_2037 {strides = array<i32>} : memref<64x256xf32, #tpu.memory_space<vmem>>, vector<1x16xf32>,
          %get3A_2038 = arith.constant 1 : i32
          %get3A_2039 = arith.index_cast %get3A_2038 : i32 to index
          %get3A_2040 = arith.index_cast %mul3A_37 : i32 to index
          %get3A_2041 = tpu.vector_load %arg5[%get3A_2039, %get3A_2040] {strides = array<i32>} : memref<64x256xf32, #tpu.memory_space<vmem>>, vector<1x16xf32>,
          %get3A_2042 = vector.shape_cast %get3A_2041 : vector<1x16xf32> to vector<16xf32>
          %mul3A_2043 = arith.mulf %get3A_2042, %div3A_2017 : vector<16xf32>
          %add3A_2044 = arith.constant 5.000000e-01 : f32
          %add3A_2045 = vector.broadcast %add3A_2044 : f32 to vector<16xf32>
          %add3A_2046 = arith.addf %mul3A_2043, %add3A_2045 : vector<16xf32>
          %convert_element_type3A_2047 = arith.fptosi %add3A_2046 : vector<16xf32> to vector<16xi32>
          %convert_element_type3A_2048 = arith.sitofp %convert_element_type3A_2047 : vector<16xi32> to vector<16xf32>
          %mul3A_2049 = arith.constant 0.00392156886 : f32
          %mul3A_2050 = vector.broadcast %mul3A_2049 : f32 to vector<16xf32>
          %mul3A_2051 = arith.mulf %convert_element_type3A_2048, %mul3A_2050 : vector<16xf32>
          %swap3A_2052 = arith.constant 1 : i32
          %swap3A_2053 = arith.index_cast %swap3A_2052 : i32 to index
          %swap3A_2054 = arith.index_cast %mul3A_37 : i32 to index
          %swap3A_2055 = tpu.vector_load %arg5[%swap3A_2053, %swap3A_2054] {strides = array<i32>} : memref<64x256xf32, #tpu.memory_space<vmem>>, vector<1x16xf32>,
          %swap3A_2056 = vector.shape_cast %swap3A_2055 : vector<1x16xf32> to vector<16xf32>
          %swap3A_2057 = vector.shape_cast %mul3A_2051 : vector<16xf32> to vector<1x16xf32>
          tpu.vector_store %arg5[%swap3A_2053, %swap3A_2054], %swap3A_2057 {strides = array<i32>} : memref<64x256xf32, #tpu.memory_space<vmem>>, vector<1x16xf32>,
          %get3A_2058 = arith.constant 2 : i32
          %get3A_2059 = arith.index_cast %get3A_2058 : i32 to index
          %get3A_2060 = arith.index_cast %mul3A_37 : i32 to index
          %get3A_2061 = tpu.vector_load %arg5[%get3A_2059, %get3A_2060] {strides = array<i32>} : memref<64x256xf32, #tpu.memory_space<vmem>>, vector<1x16xf32>,
          %get3A_2062 = vector.shape_cast %get3A_2061 : vector<1x16xf32> to vector<16xf32>
          %mul3A_2063 = arith.mulf %get3A_2062, %div3A_2017 : vector<16xf32>
          %add3A_2064 = arith.constant 5.000000e-01 : f32
          %add3A_2065 = vector.broadcast %add3A_2064 : f32 to vector<16xf32>
          %add3A_2066 = arith.addf %mul3A_2063, %add3A_2065 : vector<16xf32>
          %convert_element_type3A_2067 = arith.fptosi %add3A_2066 : vector<16xf32> to vector<16xi32>
          %convert_element_type3A_2068 = arith.sitofp %convert_element_type3A_2067 : vector<16xi32> to vector<16xf32>
          %mul3A_2069 = arith.constant 0.00392156886 : f32
          %mul3A_2070 = vector.broadcast %mul3A_2069 : f32 to vector<16xf32>
          %mul3A_2071 = arith.mulf %convert_element_type3A_2068, %mul3A_2070 : vector<16xf32>
          %swap3A_2072 = arith.constant 2 : i32
          %swap3A_2073 = arith.index_cast %swap3A_2072 : i32 to index
          %swap3A_2074 = arith.index_cast %mul3A_37 : i32 to index
          %swap3A_2075 = tpu.vector_load %arg5[%swap3A_2073, %swap3A_2074] {strides = array<i32>} : memref<64x256xf32, #tpu.memory_space<vmem>>, vector<1x16xf32>,
          %swap3A_2076 = vector.shape_cast %swap3A_2075 : vector<1x16xf32> to vector<16xf32>
          %swap3A_2077 = vector.shape_cast %mul3A_2071 : vector<16xf32> to vector<1x16xf32>
          tpu.vector_store %arg5[%swap3A_2073, %swap3A_2074], %swap3A_2077 {strides = array<i32>} : memref<64x256xf32, #tpu.memory_space<vmem>>, vector<1x16xf32>,
          %get3A_2078 = arith.constant 3 : i32
          %get3A_2079 = arith.index_cast %get3A_2078 : i32 to index
          %get3A_2080 = arith.index_cast %mul3A_37 : i32 to index
          %get3A_2081 = tpu.vector_load %arg5[%get3A_2079, %get3A_2080] {strides = array<i32>} : memref<64x256xf32, #tpu.memory_space<vmem>>, vector<1x16xf32>,
          %get3A_2082 = vector.shape_cast %get3A_2081 : vector<1x16xf32> to vector<16xf32>
          %mul3A_2083 = arith.mulf %get3A_2082, %div3A_2017 : vector<16xf32>
          %add3A_2084 = arith.constant 5.000000e-01 : f32
          %add3A_2085 = vector.broadcast %add3A_2084 : f32 to vector<16xf32>
          %add3A_2086 = arith.addf %mul3A_2083, %add3A_2085 : vector<16xf32>
          %convert_element_type3A_2087 = arith.fptosi %add3A_2086 : vector<16xf32> to vector<16xi32>
          %convert_element_type3A_2088 = arith.sitofp %convert_element_type3A_2087 : vector<16xi32> to vector<16xf32>
          %mul3A_2089 = arith.constant 0.00392156886 : f32
          %mul3A_2090 = vector.broadcast %mul3A_2089 : f32 to vector<16xf32>
          %mul3A_2091 = arith.mulf %convert_element_type3A_2088, %mul3A_2090 : vector<16xf32>
          %swap3A_2092 = arith.constant 3 : i32
          %swap3A_2093 = arith.index_cast %swap3A_2092 : i32 to index
          %swap3A_2094 = arith.index_cast %mul3A_37 : i32 to index
          %swap3A_2095 = tpu.vector_load %arg5[%swap3A_2093, %swap3A_2094] {strides = array<i32>} : memref<64x256xf32, #tpu.memory_space<vmem>>, vector<1x16xf32>,
          %swap3A_2096 = vector.shape_cast %swap3A_2095 : vector<1x16xf32> to vector<16xf32>
          %swap3A_2097 = vector.shape_cast %mul3A_2091 : vector<16xf32> to vector<1x16xf32>
          tpu.vector_store %arg5[%swap3A_2093, %swap3A_2094], %swap3A_2097 {strides = array<i32>} : memref<64x256xf32, #tpu.memory_space<vmem>>, vector<1x16xf32>,
          %get3A_2098 = arith.constant 4 : i32
          %get3A_2099 = arith.index_cast %get3A_2098 : i32 to index
          %get3A_2100 = arith.index_cast %mul3A_37 : i32 to index
          %get3A_2101 = tpu.vector_load %arg5[%get3A_2099, %get3A_2100] {strides = array<i32>} : memref<64x256xf32, #tpu.memory_space<vmem>>, vector<1x16xf32>,
          %get3A_2102 = vector.shape_cast %get3A_2101 : vector<1x16xf32> to vector<16xf32>
          %mul3A_2103 = arith.mulf %get3A_2102, %div3A_2017 : vector<16xf32>
          %add3A_2104 = arith.constant 5.000000e-01 : f32
          %add3A_2105 = vector.broadcast %add3A_2104 : f32 to vector<16xf32>
          %add3A_2106 = arith.addf %mul3A_2103, %add3A_2105 : vector<16xf32>
          %convert_element_type3A_2107 = arith.fptosi %add3A_2106 : vector<16xf32> to vector<16xi32>
          %convert_element_type3A_2108 = arith.sitofp %convert_element_type3A_2107 : vector<16xi32> to vector<16xf32>
          %mul3A_2109 = arith.constant 0.00392156886 : f32
          %mul3A_2110 = vector.broadcast %mul3A_2109 : f32 to vector<16xf32>
          %mul3A_2111 = arith.mulf %convert_element_type3A_2108, %mul3A_2110 : vector<16xf32>
          %swap3A_2112 = arith.constant 4 : i32
          %swap3A_2113 = arith.index_cast %swap3A_2112 : i32 to index
          %swap3A_2114 = arith.index_cast %mul3A_37 : i32 to index
          %swap3A_2115 = tpu.vector_load %arg5[%swap3A_2113, %swap3A_2114] {strides = array<i32>} : memref<64x256xf32, #tpu.memory_space<vmem>>, vector<1x16xf32>,
          %swap3A_2116 = vector.shape_cast %swap3A_2115 : vector<1x16xf32> to vector<16xf32>
          %swap3A_2117 = vector.shape_cast %mul3A_2111 : vector<16xf32> to vector<1x16xf32>
          tpu.vector_store %arg5[%swap3A_2113, %swap3A_2114], %swap3A_2117 {strides = array<i32>} : memref<64x256xf32, #tpu.memory_space<vmem>>, vector<1x16xf32>,
          %get3A_2118 = arith.constant 5 : i32
          %get3A_2119 = arith.index_cast %get3A_2118 : i32 to index
          %get3A_2120 = arith.index_cast %mul3A_37 : i32 to index
          %get3A_2121 = tpu.vector_load %arg5[%get3A_2119, %get3A_2120] {strides = array<i32>} : memref<64x256xf32, #tpu.memory_space<vmem>>, vector<1x16xf32>,
          %get3A_2122 = vector.shape_cast %get3A_2121 : vector<1x16xf32> to vector<16xf32>
          %mul3A_2123 = arith.mulf %get3A_2122, %div3A_2017 : vector<16xf32>
          %add3A_2124 = arith.constant 5.000000e-01 : f32
          %add3A_2125 = vector.broadcast %add3A_2124 : f32 to vector<16xf32>
          %add3A_2126 = arith.addf %mul3A_2123, %add3A_2125 : vector<16xf32>
          %convert_element_type3A_2127 = arith.fptosi %add3A_2126 : vector<16xf32> to vector<16xi32>
          %convert_element_type3A_2128 = arith.sitofp %convert_element_type3A_2127 : vector<16xi32> to vector<16xf32>
          %mul3A_2129 = arith.constant 0.00392156886 : f32
          %mul3A_2130 = vector.broadcast %mul3A_2129 : f32 to vector<16xf32>
          %mul3A_2131 = arith.mulf %convert_element_type3A_2128, %mul3A_2130 : vector<16xf32>
          %swap3A_2132 = arith.constant 5 : i32
          %swap3A_2133 = arith.index_cast %swap3A_2132 : i32 to index
          %swap3A_2134 = arith.index_cast %mul3A_37 : i32 to index
          %swap3A_2135 = tpu.vector_load %arg5[%swap3A_2133, %swap3A_2134] {strides = array<i32>} : memref<64x256xf32, #tpu.memory_space<vmem>>, vector<1x16xf32>,
          %swap3A_2136 = vector.shape_cast %swap3A_2135 : vector<1x16xf32> to vector<16xf32>
          %swap3A_2137 = vector.shape_cast %mul3A_2131 : vector<16xf32> to vector<1x16xf32>
          tpu.vector_store %arg5[%swap3A_2133, %swap3A_2134], %swap3A_2137 {strides = array<i32>} : memref<64x256xf32, #tpu.memory_space<vmem>>, vector<1x16xf32>,
          %get3A_2138 = arith.constant 6 : i32
          %get3A_2139 = arith.index_cast %get3A_2138 : i32 to index
          %get3A_2140 = arith.index_cast %mul3A_37 : i32 to index
          %get3A_2141 = tpu.vector_load %arg5[%get3A_2139, %get3A_2140] {strides = array<i32>} : memref<64x256xf32, #tpu.memory_space<vmem>>, vector<1x16xf32>,
          %get3A_2142 = vector.shape_cast %get3A_2141 : vector<1x16xf32> to vector<16xf32>
          %mul3A_2143 = arith.mulf %get3A_2142, %div3A_2017 : vector<16xf32>
          %add3A_2144 = arith.constant 5.000000e-01 : f32
          %add3A_2145 = vector.broadcast %add3A_2144 : f32 to vector<16xf32>
          %add3A_2146 = arith.addf %mul3A_2143, %add3A_2145 : vector<16xf32>
          %convert_element_type3A_2147 = arith.fptosi %add3A_2146 : vector<16xf32> to vector<16xi32>
          %convert_element_type3A_2148 = arith.sitofp %convert_element_type3A_2147 : vector<16xi32> to vector<16xf32>
          %mul3A_2149 = arith.constant 0.00392156886 : f32
          %mul3A_2150 = vector.broadcast %mul3A_2149 : f32 to vector<16xf32>
          %mul3A_2151 = arith.mulf %convert_element_type3A_2148, %mul3A_2150 : vector<16xf32>
          %swap3A_2152 = arith.constant 6 : i32
          %swap3A_2153 = arith.index_cast %swap3A_2152 : i32 to index
          %swap3A_2154 = arith.index_cast %mul3A_37 : i32 to index
          %swap3A_2155 = tpu.vector_load %arg5[%swap3A_2153, %swap3A_2154] {strides = array<i32>} : memref<64x256xf32, #tpu.memory_space<vmem>>, vector<1x16xf32>,
          %swap3A_2156 = vector.shape_cast %swap3A_2155 : vector<1x16xf32> to vector<16xf32>
          %swap3A_2157 = vector.shape_cast %mul3A_2151 : vector<16xf32> to vector<1x16xf32>
          tpu.vector_store %arg5[%swap3A_2153, %swap3A_2154], %swap3A_2157 {strides = array<i32>} : memref<64x256xf32, #tpu.memory_space<vmem>>, vector<1x16xf32>,
          %get3A_2158 = arith.constant 7 : i32
          %get3A_2159 = arith.index_cast %get3A_2158 : i32 to index
          %get3A_2160 = arith.index_cast %mul3A_37 : i32 to index
          %get3A_2161 = tpu.vector_load %arg5[%get3A_2159, %get3A_2160] {strides = array<i32>} : memref<64x256xf32, #tpu.memory_space<vmem>>, vector<1x16xf32>,
          %get3A_2162 = vector.shape_cast %get3A_2161 : vector<1x16xf32> to vector<16xf32>
          %mul3A_2163 = arith.mulf %get3A_2162, %div3A_2017 : vector<16xf32>
          %add3A_2164 = arith.constant 5.000000e-01 : f32
          %add3A_2165 = vector.broadcast %add3A_2164 : f32 to vector<16xf32>
          %add3A_2166 = arith.addf %mul3A_2163, %add3A_2165 : vector<16xf32>
          %convert_element_type3A_2167 = arith.fptosi %add3A_2166 : vector<16xf32> to vector<16xi32>
          %convert_element_type3A_2168 = arith.sitofp %convert_element_type3A_2167 : vector<16xi32> to vector<16xf32>
          %mul3A_2169 = arith.constant 0.00392156886 : f32
          %mul3A_2170 = vector.broadcast %mul3A_2169 : f32 to vector<16xf32>
          %mul3A_2171 = arith.mulf %convert_element_type3A_2168, %mul3A_2170 : vector<16xf32>
          %swap3A_2172 = arith.constant 7 : i32
          %swap3A_2173 = arith.index_cast %swap3A_2172 : i32 to index
          %swap3A_2174 = arith.index_cast %mul3A_37 : i32 to index
          %swap3A_2175 = tpu.vector_load %arg5[%swap3A_2173, %swap3A_2174] {strides = array<i32>} : memref<64x256xf32, #tpu.memory_space<vmem>>, vector<1x16xf32>,
          %swap3A_2176 = vector.shape_cast %swap3A_2175 : vector<1x16xf32> to vector<16xf32>
          %swap3A_2177 = vector.shape_cast %mul3A_2171 : vector<16xf32> to vector<1x16xf32>
          tpu.vector_store %arg5[%swap3A_2173, %swap3A_2174], %swap3A_2177 {strides = array<i32>} : memref<64x256xf32, #tpu.memory_space<vmem>>, vector<1x16xf32>,
          %get3A_2178 = arith.constant 8 : i32
          %get3A_2179 = arith.index_cast %get3A_2178 : i32 to index
          %get3A_2180 = arith.index_cast %mul3A_37 : i32 to index
          %get3A_2181 = tpu.vector_load %arg5[%get3A_2179, %get3A_2180] {strides = array<i32>} : memref<64x256xf32, #tpu.memory_space<vmem>>, vector<1x16xf32>,
          %get3A_2182 = vector.shape_cast %get3A_2181 : vector<1x16xf32> to vector<16xf32>
          %mul3A_2183 = arith.mulf %get3A_2182, %div3A_2017 : vector<16xf32>
          %add3A_2184 = arith.constant 5.000000e-01 : f32
          %add3A_2185 = vector.broadcast %add3A_2184 : f32 to vector<16xf32>
          %add3A_2186 = arith.addf %mul3A_2183, %add3A_2185 : vector<16xf32>
          %convert_element_type3A_2187 = arith.fptosi %add3A_2186 : vector<16xf32> to vector<16xi32>
          %convert_element_type3A_2188 = arith.sitofp %convert_element_type3A_2187 : vector<16xi32> to vector<16xf32>
          %mul3A_2189 = arith.constant 0.00392156886 : f32
          %mul3A_2190 = vector.broadcast %mul3A_2189 : f32 to vector<16xf32>
          %mul3A_2191 = arith.mulf %convert_element_type3A_2188, %mul3A_2190 : vector<16xf32>
          %swap3A_2192 = arith.constant 8 : i32
          %swap3A_2193 = arith.index_cast %swap3A_2192 : i32 to index
          %swap3A_2194 = arith.index_cast %mul3A_37 : i32 to index
          %swap3A_2195 = tpu.vector_load %arg5[%swap3A_2193, %swap3A_2194] {strides = array<i32>} : memref<64x256xf32, #tpu.memory_space<vmem>>, vector<1x16xf32>,
          %swap3A_2196 = vector.shape_cast %swap3A_2195 : vector<1x16xf32> to vector<16xf32>
          %swap3A_2197 = vector.shape_cast %mul3A_2191 : vector<16xf32> to vector<1x16xf32>
          tpu.vector_store %arg5[%swap3A_2193, %swap3A_2194], %swap3A_2197 {strides = array<i32>} : memref<64x256xf32, #tpu.memory_space<vmem>>, vector<1x16xf32>,
          %get3A_2198 = arith.constant 9 : i32
          %get3A_2199 = arith.index_cast %get3A_2198 : i32 to index
          %get3A_2200 = arith.index_cast %mul3A_37 : i32 to index
          %get3A_2201 = tpu.vector_load %arg5[%get3A_2199, %get3A_2200] {strides = array<i32>} : memref<64x256xf32, #tpu.memory_space<vmem>>, vector<1x16xf32>,
          %get3A_2202 = vector.shape_cast %get3A_2201 : vector<1x16xf32> to vector<16xf32>
          %mul3A_2203 = arith.mulf %get3A_2202, %div3A_2017 : vector<16xf32>
          %add3A_2204 = arith.constant 5.000000e-01 : f32
          %add3A_2205 = vector.broadcast %add3A_2204 : f32 to vector<16xf32>
          %add3A_2206 = arith.addf %mul3A_2203, %add3A_2205 : vector<16xf32>
          %convert_element_type3A_2207 = arith.fptosi %add3A_2206 : vector<16xf32> to vector<16xi32>
          %convert_element_type3A_2208 = arith.sitofp %convert_element_type3A_2207 : vector<16xi32> to vector<16xf32>
          %mul3A_2209 = arith.constant 0.00392156886 : f32
          %mul3A_2210 = vector.broadcast %mul3A_2209 : f32 to vector<16xf32>
          %mul3A_2211 = arith.mulf %convert_element_type3A_2208, %mul3A_2210 : vector<16xf32>
          %swap3A_2212 = arith.constant 9 : i32
          %swap3A_2213 = arith.index_cast %swap3A_2212 : i32 to index
          %swap3A_2214 = arith.index_cast %mul3A_37 : i32 to index
          %swap3A_2215 = tpu.vector_load %arg5[%swap3A_2213, %swap3A_2214] {strides = array<i32>} : memref<64x256xf32, #tpu.memory_space<vmem>>, vector<1x16xf32>,
          %swap3A_2216 = vector.shape_cast %swap3A_2215 : vector<1x16xf32> to vector<16xf32>
          %swap3A_2217 = vector.shape_cast %mul3A_2211 : vector<16xf32> to vector<1x16xf32>
          tpu.vector_store %arg5[%swap3A_2213, %swap3A_2214], %swap3A_2217 {strides = array<i32>} : memref<64x256xf32, #tpu.memory_space<vmem>>, vector<1x16xf32>,
          %get3A_2218 = arith.constant 10 : i32
          %get3A_2219 = arith.index_cast %get3A_2218 : i32 to index
          %get3A_2220 = arith.index_cast %mul3A_37 : i32 to index
          %get3A_2221 = tpu.vector_load %arg5[%get3A_2219, %get3A_2220] {strides = array<i32>} : memref<64x256xf32, #tpu.memory_space<vmem>>, vector<1x16xf32>,
          %get3A_2222 = vector.shape_cast %get3A_2221 : vector<1x16xf32> to vector<16xf32>
          %mul3A_2223 = arith.mulf %get3A_2222, %div3A_2017 : vector<16xf32>
          %add3A_2224 = arith.constant 5.000000e-01 : f32
          %add3A_2225 = vector.broadcast %add3A_2224 : f32 to vector<16xf32>
          %add3A_2226 = arith.addf %mul3A_2223, %add3A_2225 : vector<16xf32>
          %convert_element_type3A_2227 = arith.fptosi %add3A_2226 : vector<16xf32> to vector<16xi32>
          %convert_element_type3A_2228 = arith.sitofp %convert_element_type3A_2227 : vector<16xi32> to vector<16xf32>
          %mul3A_2229 = arith.constant 0.00392156886 : f32
          %mul3A_2230 = vector.broadcast %mul3A_2229 : f32 to vector<16xf32>
          %mul3A_2231 = arith.mulf %convert_element_type3A_2228, %mul3A_2230 : vector<16xf32>
          %swap3A_2232 = arith.constant 10 : i32
          %swap3A_2233 = arith.index_cast %swap3A_2232 : i32 to index
          %swap3A_2234 = arith.index_cast %mul3A_37 : i32 to index
          %swap3A_2235 = tpu.vector_load %arg5[%swap3A_2233, %swap3A_2234] {strides = array<i32>} : memref<64x256xf32, #tpu.memory_space<vmem>>, vector<1x16xf32>,
          %swap3A_2236 = vector.shape_cast %swap3A_2235 : vector<1x16xf32> to vector<16xf32>
          %swap3A_2237 = vector.shape_cast %mul3A_2231 : vector<16xf32> to vector<1x16xf32>
          tpu.vector_store %arg5[%swap3A_2233, %swap3A_2234], %swap3A_2237 {strides = array<i32>} : memref<64x256xf32, #tpu.memory_space<vmem>>, vector<1x16xf32>,
          %get3A_2238 = arith.constant 11 : i32
          %get3A_2239 = arith.index_cast %get3A_2238 : i32 to index
          %get3A_2240 = arith.index_cast %mul3A_37 : i32 to index
          %get3A_2241 = tpu.vector_load %arg5[%get3A_2239, %get3A_2240] {strides = array<i32>} : memref<64x256xf32, #tpu.memory_space<vmem>>, vector<1x16xf32>,
          %get3A_2242 = vector.shape_cast %get3A_2241 : vector<1x16xf32> to vector<16xf32>
          %mul3A_2243 = arith.mulf %get3A_2242, %div3A_2017 : vector<16xf32>
          %add3A_2244 = arith.constant 5.000000e-01 : f32
          %add3A_2245 = vector.broadcast %add3A_2244 : f32 to vector<16xf32>
          %add3A_2246 = arith.addf %mul3A_2243, %add3A_2245 : vector<16xf32>
          %convert_element_type3A_2247 = arith.fptosi %add3A_2246 : vector<16xf32> to vector<16xi32>
          %convert_element_type3A_2248 = arith.sitofp %convert_element_type3A_2247 : vector<16xi32> to vector<16xf32>
          %mul3A_2249 = arith.constant 0.00392156886 : f32
          %mul3A_2250 = vector.broadcast %mul3A_2249 : f32 to vector<16xf32>
          %mul3A_2251 = arith.mulf %convert_element_type3A_2248, %mul3A_2250 : vector<16xf32>
          %swap3A_2252 = arith.constant 11 : i32
          %swap3A_2253 = arith.index_cast %swap3A_2252 : i32 to index
          %swap3A_2254 = arith.index_cast %mul3A_37 : i32 to index
          %swap3A_2255 = tpu.vector_load %arg5[%swap3A_2253, %swap3A_2254] {strides = array<i32>} : memref<64x256xf32, #tpu.memory_space<vmem>>, vector<1x16xf32>,
          %swap3A_2256 = vector.shape_cast %swap3A_2255 : vector<1x16xf32> to vector<16xf32>
          %swap3A_2257 = vector.shape_cast %mul3A_2251 : vector<16xf32> to vector<1x16xf32>
          tpu.vector_store %arg5[%swap3A_2253, %swap3A_2254], %swap3A_2257 {strides = array<i32>} : memref<64x256xf32, #tpu.memory_space<vmem>>, vector<1x16xf32>,
          %get3A_2258 = arith.constant 12 : i32
          %get3A_2259 = arith.index_cast %get3A_2258 : i32 to index
          %get3A_2260 = arith.index_cast %mul3A_37 : i32 to index
          %get3A_2261 = tpu.vector_load %arg5[%get3A_2259, %get3A_2260] {strides = array<i32>} : memref<64x256xf32, #tpu.memory_space<vmem>>, vector<1x16xf32>,
          %get3A_2262 = vector.shape_cast %get3A_2261 : vector<1x16xf32> to vector<16xf32>
          %mul3A_2263 = arith.mulf %get3A_2262, %div3A_2017 : vector<16xf32>
          %add3A_2264 = arith.constant 5.000000e-01 : f32
          %add3A_2265 = vector.broadcast %add3A_2264 : f32 to vector<16xf32>
          %add3A_2266 = arith.addf %mul3A_2263, %add3A_2265 : vector<16xf32>
          %convert_element_type3A_2267 = arith.fptosi %add3A_2266 : vector<16xf32> to vector<16xi32>
          %convert_element_type3A_2268 = arith.sitofp %convert_element_type3A_2267 : vector<16xi32> to vector<16xf32>
          %mul3A_2269 = arith.constant 0.00392156886 : f32
          %mul3A_2270 = vector.broadcast %mul3A_2269 : f32 to vector<16xf32>
          %mul3A_2271 = arith.mulf %convert_element_type3A_2268, %mul3A_2270 : vector<16xf32>
          %swap3A_2272 = arith.constant 12 : i32
          %swap3A_2273 = arith.index_cast %swap3A_2272 : i32 to index
          %swap3A_2274 = arith.index_cast %mul3A_37 : i32 to index
          %swap3A_2275 = tpu.vector_load %arg5[%swap3A_2273, %swap3A_2274] {strides = array<i32>} : memref<64x256xf32, #tpu.memory_space<vmem>>, vector<1x16xf32>,
          %swap3A_2276 = vector.shape_cast %swap3A_2275 : vector<1x16xf32> to vector<16xf32>
          %swap3A_2277 = vector.shape_cast %mul3A_2271 : vector<16xf32> to vector<1x16xf32>
          tpu.vector_store %arg5[%swap3A_2273, %swap3A_2274], %swap3A_2277 {strides = array<i32>} : memref<64x256xf32, #tpu.memory_space<vmem>>, vector<1x16xf32>,
          %get3A_2278 = arith.constant 13 : i32
          %get3A_2279 = arith.index_cast %get3A_2278 : i32 to index
          %get3A_2280 = arith.index_cast %mul3A_37 : i32 to index
          %get3A_2281 = tpu.vector_load %arg5[%get3A_2279, %get3A_2280] {strides = array<i32>} : memref<64x256xf32, #tpu.memory_space<vmem>>, vector<1x16xf32>,
          %get3A_2282 = vector.shape_cast %get3A_2281 : vector<1x16xf32> to vector<16xf32>
          %mul3A_2283 = arith.mulf %get3A_2282, %div3A_2017 : vector<16xf32>
          %add3A_2284 = arith.constant 5.000000e-01 : f32
          %add3A_2285 = vector.broadcast %add3A_2284 : f32 to vector<16xf32>
          %add3A_2286 = arith.addf %mul3A_2283, %add3A_2285 : vector<16xf32>
          %convert_element_type3A_2287 = arith.fptosi %add3A_2286 : vector<16xf32> to vector<16xi32>
          %convert_element_type3A_2288 = arith.sitofp %convert_element_type3A_2287 : vector<16xi32> to vector<16xf32>
          %mul3A_2289 = arith.constant 0.00392156886 : f32
          %mul3A_2290 = vector.broadcast %mul3A_2289 : f32 to vector<16xf32>
          %mul3A_2291 = arith.mulf %convert_element_type3A_2288, %mul3A_2290 : vector<16xf32>
          %swap3A_2292 = arith.constant 13 : i32
          %swap3A_2293 = arith.index_cast %swap3A_2292 : i32 to index
          %swap3A_2294 = arith.index_cast %mul3A_37 : i32 to index
          %swap3A_2295 = tpu.vector_load %arg5[%swap3A_2293, %swap3A_2294] {strides = array<i32>} : memref<64x256xf32, #tpu.memory_space<vmem>>, vector<1x16xf32>,
          %swap3A_2296 = vector.shape_cast %swap3A_2295 : vector<1x16xf32> to vector<16xf32>
          %swap3A_2297 = vector.shape_cast %mul3A_2291 : vector<16xf32> to vector<1x16xf32>
          tpu.vector_store %arg5[%swap3A_2293, %swap3A_2294], %swap3A_2297 {strides = array<i32>} : memref<64x256xf32, #tpu.memory_space<vmem>>, vector<1x16xf32>,
          %get3A_2298 = arith.constant 14 : i32
          %get3A_2299 = arith.index_cast %get3A_2298 : i32 to index
          %get3A_2300 = arith.index_cast %mul3A_37 : i32 to index
          %get3A_2301 = tpu.vector_load %arg5[%get3A_2299, %get3A_2300] {strides = array<i32>} : memref<64x256xf32, #tpu.memory_space<vmem>>, vector<1x16xf32>,
          %get3A_2302 = vector.shape_cast %get3A_2301 : vector<1x16xf32> to vector<16xf32>
          %mul3A_2303 = arith.mulf %get3A_2302, %div3A_2017 : vector<16xf32>
          %add3A_2304 = arith.constant 5.000000e-01 : f32
          %add3A_2305 = vector.broadcast %add3A_2304 : f32 to vector<16xf32>
          %add3A_2306 = arith.addf %mul3A_2303, %add3A_2305 : vector<16xf32>
          %convert_element_type3A_2307 = arith.fptosi %add3A_2306 : vector<16xf32> to vector<16xi32>
          %convert_element_type3A_2308 = arith.sitofp %convert_element_type3A_2307 : vector<16xi32> to vector<16xf32>
          %mul3A_2309 = arith.constant 0.00392156886 : f32
          %mul3A_2310 = vector.broadcast %mul3A_2309 : f32 to vector<16xf32>
          %mul3A_2311 = arith.mulf %convert_element_type3A_2308, %mul3A_2310 : vector<16xf32>
          %swap3A_2312 = arith.constant 14 : i32
          %swap3A_2313 = arith.index_cast %swap3A_2312 : i32 to index
          %swap3A_2314 = arith.index_cast %mul3A_37 : i32 to index
          %swap3A_2315 = tpu.vector_load %arg5[%swap3A_2313, %swap3A_2314] {strides = array<i32>} : memref<64x256xf32, #tpu.memory_space<vmem>>, vector<1x16xf32>,
          %swap3A_2316 = vector.shape_cast %swap3A_2315 : vector<1x16xf32> to vector<16xf32>
          %swap3A_2317 = vector.shape_cast %mul3A_2311 : vector<16xf32> to vector<1x16xf32>
          tpu.vector_store %arg5[%swap3A_2313, %swap3A_2314], %swap3A_2317 {strides = array<i32>} : memref<64x256xf32, #tpu.memory_space<vmem>>, vector<1x16xf32>,
          %get3A_2318 = arith.constant 15 : i32
          %get3A_2319 = arith.index_cast %get3A_2318 : i32 to index
          %get3A_2320 = arith.index_cast %mul3A_37 : i32 to index
          %get3A_2321 = tpu.vector_load %arg5[%get3A_2319, %get3A_2320] {strides = array<i32>} : memref<64x256xf32, #tpu.memory_space<vmem>>, vector<1x16xf32>,
          %get3A_2322 = vector.shape_cast %get3A_2321 : vector<1x16xf32> to vector<16xf32>
          %mul3A_2323 = arith.mulf %get3A_2322, %div3A_2017 : vector<16xf32>
          %add3A_2324 = arith.constant 5.000000e-01 : f32
          %add3A_2325 = vector.broadcast %add3A_2324 : f32 to vector<16xf32>
          %add3A_2326 = arith.addf %mul3A_2323, %add3A_2325 : vector<16xf32>
          %convert_element_type3A_2327 = arith.fptosi %add3A_2326 : vector<16xf32> to vector<16xi32>
          %convert_element_type3A_2328 = arith.sitofp %convert_element_type3A_2327 : vector<16xi32> to vector<16xf32>
          %mul3A_2329 = arith.constant 0.00392156886 : f32
          %mul3A_2330 = vector.broadcast %mul3A_2329 : f32 to vector<16xf32>
          %mul3A_2331 = arith.mulf %convert_element_type3A_2328, %mul3A_2330 : vector<16xf32>
          %swap3A_2332 = arith.constant 15 : i32
          %swap3A_2333 = arith.index_cast %swap3A_2332 : i32 to index
          %swap3A_2334 = arith.index_cast %mul3A_37 : i32 to index
          %swap3A_2335 = tpu.vector_load %arg5[%swap3A_2333, %swap3A_2334] {strides = array<i32>} : memref<64x256xf32, #tpu.memory_space<vmem>>, vector<1x16xf32>,
          %swap3A_2336 = vector.shape_cast %swap3A_2335 : vector<1x16xf32> to vector<16xf32>
          %swap3A_2337 = vector.shape_cast %mul3A_2331 : vector<16xf32> to vector<1x16xf32>
          tpu.vector_store %arg5[%swap3A_2333, %swap3A_2334], %swap3A_2337 {strides = array<i32>} : memref<64x256xf32, #tpu.memory_space<vmem>>, vector<1x16xf32>,
          %get3A_2338 = arith.constant 16 : i32
          %get3A_2339 = arith.index_cast %get3A_2338 : i32 to index
          %get3A_2340 = arith.index_cast %mul3A_37 : i32 to index
          %get3A_2341 = tpu.vector_load %arg5[%get3A_2339, %get3A_2340] {strides = array<i32>} : memref<64x256xf32, #tpu.memory_space<vmem>>, vector<1x16xf32>,
          %get3A_2342 = vector.shape_cast %get3A_2341 : vector<1x16xf32> to vector<16xf32>
          %mul3A_2343 = arith.mulf %get3A_2342, %div3A_2017 : vector<16xf32>
          %add3A_2344 = arith.constant 5.000000e-01 : f32
          %add3A_2345 = vector.broadcast %add3A_2344 : f32 to vector<16xf32>
          %add3A_2346 = arith.addf %mul3A_2343, %add3A_2345 : vector<16xf32>
          %convert_element_type3A_2347 = arith.fptosi %add3A_2346 : vector<16xf32> to vector<16xi32>
          %convert_element_type3A_2348 = arith.sitofp %convert_element_type3A_2347 : vector<16xi32> to vector<16xf32>
          %mul3A_2349 = arith.constant 0.00392156886 : f32
          %mul3A_2350 = vector.broadcast %mul3A_2349 : f32 to vector<16xf32>
          %mul3A_2351 = arith.mulf %convert_element_type3A_2348, %mul3A_2350 : vector<16xf32>
          %swap3A_2352 = arith.constant 16 : i32
          %swap3A_2353 = arith.index_cast %swap3A_2352 : i32 to index
          %swap3A_2354 = arith.index_cast %mul3A_37 : i32 to index
          %swap3A_2355 = tpu.vector_load %arg5[%swap3A_2353, %swap3A_2354] {strides = array<i32>} : memref<64x256xf32, #tpu.memory_space<vmem>>, vector<1x16xf32>,
          %swap3A_2356 = vector.shape_cast %swap3A_2355 : vector<1x16xf32> to vector<16xf32>
          %swap3A_2357 = vector.shape_cast %mul3A_2351 : vector<16xf32> to vector<1x16xf32>
          tpu.vector_store %arg5[%swap3A_2353, %swap3A_2354], %swap3A_2357 {strides = array<i32>} : memref<64x256xf32, #tpu.memory_space<vmem>>, vector<1x16xf32>,
          %get3A_2358 = arith.constant 17 : i32
          %get3A_2359 = arith.index_cast %get3A_2358 : i32 to index
          %get3A_2360 = arith.index_cast %mul3A_37 : i32 to index
          %get3A_2361 = tpu.vector_load %arg5[%get3A_2359, %get3A_2360] {strides = array<i32>} : memref<64x256xf32, #tpu.memory_space<vmem>>, vector<1x16xf32>,
          %get3A_2362 = vector.shape_cast %get3A_2361 : vector<1x16xf32> to vector<16xf32>
          %mul3A_2363 = arith.mulf %get3A_2362, %div3A_2017 : vector<16xf32>
          %add3A_2364 = arith.constant 5.000000e-01 : f32
          %add3A_2365 = vector.broadcast %add3A_2364 : f32 to vector<16xf32>
          %add3A_2366 = arith.addf %mul3A_2363, %add3A_2365 : vector<16xf32>
          %convert_element_type3A_2367 = arith.fptosi %add3A_2366 : vector<16xf32> to vector<16xi32>
          %convert_element_type3A_2368 = arith.sitofp %convert_element_type3A_2367 : vector<16xi32> to vector<16xf32>
          %mul3A_2369 = arith.constant 0.00392156886 : f32
          %mul3A_2370 = vector.broadcast %mul3A_2369 : f32 to vector<16xf32>
          %mul3A_2371 = arith.mulf %convert_element_type3A_2368, %mul3A_2370 : vector<16xf32>
          %swap3A_2372 = arith.constant 17 : i32
          %swap3A_2373 = arith.index_cast %swap3A_2372 : i32 to index
          %swap3A_2374 = arith.index_cast %mul3A_37 : i32 to index
          %swap3A_2375 = tpu.vector_load %arg5[%swap3A_2373, %swap3A_2374] {strides = array<i32>} : memref<64x256xf32, #tpu.memory_space<vmem>>, vector<1x16xf32>,
          %swap3A_2376 = vector.shape_cast %swap3A_2375 : vector<1x16xf32> to vector<16xf32>
          %swap3A_2377 = vector.shape_cast %mul3A_2371 : vector<16xf32> to vector<1x16xf32>
          tpu.vector_store %arg5[%swap3A_2373, %swap3A_2374], %swap3A_2377 {strides = array<i32>} : memref<64x256xf32, #tpu.memory_space<vmem>>, vector<1x16xf32>,
          %get3A_2378 = arith.constant 18 : i32
          %get3A_2379 = arith.index_cast %get3A_2378 : i32 to index
          %get3A_2380 = arith.index_cast %mul3A_37 : i32 to index
          %get3A_2381 = tpu.vector_load %arg5[%get3A_2379, %get3A_2380] {strides = array<i32>} : memref<64x256xf32, #tpu.memory_space<vmem>>, vector<1x16xf32>,
          %get3A_2382 = vector.shape_cast %get3A_2381 : vector<1x16xf32> to vector<16xf32>
          %mul3A_2383 = arith.mulf %get3A_2382, %div3A_2017 : vector<16xf32>
          %add3A_2384 = arith.constant 5.000000e-01 : f32
          %add3A_2385 = vector.broadcast %add3A_2384 : f32 to vector<16xf32>
          %add3A_2386 = arith.addf %mul3A_2383, %add3A_2385 : vector<16xf32>
          %convert_element_type3A_2387 = arith.fptosi %add3A_2386 : vector<16xf32> to vector<16xi32>
          %convert_element_type3A_2388 = arith.sitofp %convert_element_type3A_2387 : vector<16xi32> to vector<16xf32>
          %mul3A_2389 = arith.constant 0.00392156886 : f32
          %mul3A_2390 = vector.broadcast %mul3A_2389 : f32 to vector<16xf32>
          %mul3A_2391 = arith.mulf %convert_element_type3A_2388, %mul3A_2390 : vector<16xf32>
          %swap3A_2392 = arith.constant 18 : i32
          %swap3A_2393 = arith.index_cast %swap3A_2392 : i32 to index
          %swap3A_2394 = arith.index_cast %mul3A_37 : i32 to index
          %swap3A_2395 = tpu.vector_load %arg5[%swap3A_2393, %swap3A_2394] {strides = array<i32>} : memref<64x256xf32, #tpu.memory_space<vmem>>, vector<1x16xf32>,
          %swap3A_2396 = vector.shape_cast %swap3A_2395 : vector<1x16xf32> to vector<16xf32>
          %swap3A_2397 = vector.shape_cast %mul3A_2391 : vector<16xf32> to vector<1x16xf32>
          tpu.vector_store %arg5[%swap3A_2393, %swap3A_2394], %swap3A_2397 {strides = array<i32>} : memref<64x256xf32, #tpu.memory_space<vmem>>, vector<1x16xf32>,
          %get3A_2398 = arith.constant 19 : i32
          %get3A_2399 = arith.index_cast %get3A_2398 : i32 to index
          %get3A_2400 = arith.index_cast %mul3A_37 : i32 to index
          %get3A_2401 = tpu.vector_load %arg5[%get3A_2399, %get3A_2400] {strides = array<i32>} : memref<64x256xf32, #tpu.memory_space<vmem>>, vector<1x16xf32>,
          %get3A_2402 = vector.shape_cast %get3A_2401 : vector<1x16xf32> to vector<16xf32>
          %mul3A_2403 = arith.mulf %get3A_2402, %div3A_2017 : vector<16xf32>
          %add3A_2404 = arith.constant 5.000000e-01 : f32
          %add3A_2405 = vector.broadcast %add3A_2404 : f32 to vector<16xf32>
          %add3A_2406 = arith.addf %mul3A_2403, %add3A_2405 : vector<16xf32>
          %convert_element_type3A_2407 = arith.fptosi %add3A_2406 : vector<16xf32> to vector<16xi32>
          %convert_element_type3A_2408 = arith.sitofp %convert_element_type3A_2407 : vector<16xi32> to vector<16xf32>
          %mul3A_2409 = arith.constant 0.00392156886 : f32
          %mul3A_2410 = vector.broadcast %mul3A_2409 : f32 to vector<16xf32>
          %mul3A_2411 = arith.mulf %convert_element_type3A_2408, %mul3A_2410 : vector<16xf32>
          %swap3A_2412 = arith.constant 19 : i32
          %swap3A_2413 = arith.index_cast %swap3A_2412 : i32 to index
          %swap3A_2414 = arith.index_cast %mul3A_37 : i32 to index
          %swap3A_2415 = tpu.vector_load %arg5[%swap3A_2413, %swap3A_2414] {strides = array<i32>} : memref<64x256xf32, #tpu.memory_space<vmem>>, vector<1x16xf32>,
          %swap3A_2416 = vector.shape_cast %swap3A_2415 : vector<1x16xf32> to vector<16xf32>
          %swap3A_2417 = vector.shape_cast %mul3A_2411 : vector<16xf32> to vector<1x16xf32>
          tpu.vector_store %arg5[%swap3A_2413, %swap3A_2414], %swap3A_2417 {strides = array<i32>} : memref<64x256xf32, #tpu.memory_space<vmem>>, vector<1x16xf32>,
          %get3A_2418 = arith.constant 20 : i32
          %get3A_2419 = arith.index_cast %get3A_2418 : i32 to index
          %get3A_2420 = arith.index_cast %mul3A_37 : i32 to index
          %get3A_2421 = tpu.vector_load %arg5[%get3A_2419, %get3A_2420] {strides = array<i32>} : memref<64x256xf32, #tpu.memory_space<vmem>>, vector<1x16xf32>,
          %get3A_2422 = vector.shape_cast %get3A_2421 : vector<1x16xf32> to vector<16xf32>
          %mul3A_2423 = arith.mulf %get3A_2422, %div3A_2017 : vector<16xf32>
          %add3A_2424 = arith.constant 5.000000e-01 : f32
          %add3A_2425 = vector.broadcast %add3A_2424 : f32 to vector<16xf32>
          %add3A_2426 = arith.addf %mul3A_2423, %add3A_2425 : vector<16xf32>
          %convert_element_type3A_2427 = arith.fptosi %add3A_2426 : vector<16xf32> to vector<16xi32>
          %convert_element_type3A_2428 = arith.sitofp %convert_element_type3A_2427 : vector<16xi32> to vector<16xf32>
          %mul3A_2429 = arith.constant 0.00392156886 : f32
          %mul3A_2430 = vector.broadcast %mul3A_2429 : f32 to vector<16xf32>
          %mul3A_2431 = arith.mulf %convert_element_type3A_2428, %mul3A_2430 : vector<16xf32>
          %swap3A_2432 = arith.constant 20 : i32
          %swap3A_2433 = arith.index_cast %swap3A_2432 : i32 to index
          %swap3A_2434 = arith.index_cast %mul3A_37 : i32 to index
          %swap3A_2435 = tpu.vector_load %arg5[%swap3A_2433, %swap3A_2434] {strides = array<i32>} : memref<64x256xf32, #tpu.memory_space<vmem>>, vector<1x16xf32>,
          %swap3A_2436 = vector.shape_cast %swap3A_2435 : vector<1x16xf32> to vector<16xf32>
          %swap3A_2437 = vector.shape_cast %mul3A_2431 : vector<16xf32> to vector<1x16xf32>
          tpu.vector_store %arg5[%swap3A_2433, %swap3A_2434], %swap3A_2437 {strides = array<i32>} : memref<64x256xf32, #tpu.memory_space<vmem>>, vector<1x16xf32>,
          %get3A_2438 = arith.constant 21 : i32
          %get3A_2439 = arith.index_cast %get3A_2438 : i32 to index
          %get3A_2440 = arith.index_cast %mul3A_37 : i32 to index
          %get3A_2441 = tpu.vector_load %arg5[%get3A_2439, %get3A_2440] {strides = array<i32>} : memref<64x256xf32, #tpu.memory_space<vmem>>, vector<1x16xf32>,
          %get3A_2442 = vector.shape_cast %get3A_2441 : vector<1x16xf32> to vector<16xf32>
          %mul3A_2443 = arith.mulf %get3A_2442, %div3A_2017 : vector<16xf32>
          %add3A_2444 = arith.constant 5.000000e-01 : f32
          %add3A_2445 = vector.broadcast %add3A_2444 : f32 to vector<16xf32>
          %add3A_2446 = arith.addf %mul3A_2443, %add3A_2445 : vector<16xf32>
          %convert_element_type3A_2447 = arith.fptosi %add3A_2446 : vector<16xf32> to vector<16xi32>
          %convert_element_type3A_2448 = arith.sitofp %convert_element_type3A_2447 : vector<16xi32> to vector<16xf32>
          %mul3A_2449 = arith.constant 0.00392156886 : f32
          %mul3A_2450 = vector.broadcast %mul3A_2449 : f32 to vector<16xf32>
          %mul3A_2451 = arith.mulf %convert_element_type3A_2448, %mul3A_2450 : vector<16xf32>
          %swap3A_2452 = arith.constant 21 : i32
          %swap3A_2453 = arith.index_cast %swap3A_2452 : i32 to index
          %swap3A_2454 = arith.index_cast %mul3A_37 : i32 to index
          %swap3A_2455 = tpu.vector_load %arg5[%swap3A_2453, %swap3A_2454] {strides = array<i32>} : memref<64x256xf32, #tpu.memory_space<vmem>>, vector<1x16xf32>,
          %swap3A_2456 = vector.shape_cast %swap3A_2455 : vector<1x16xf32> to vector<16xf32>
          %swap3A_2457 = vector.shape_cast %mul3A_2451 : vector<16xf32> to vector<1x16xf32>
          tpu.vector_store %arg5[%swap3A_2453, %swap3A_2454], %swap3A_2457 {strides = array<i32>} : memref<64x256xf32, #tpu.memory_space<vmem>>, vector<1x16xf32>,
          %get3A_2458 = arith.constant 22 : i32
          %get3A_2459 = arith.index_cast %get3A_2458 : i32 to index
          %get3A_2460 = arith.index_cast %mul3A_37 : i32 to index
          %get3A_2461 = tpu.vector_load %arg5[%get3A_2459, %get3A_2460] {strides = array<i32>} : memref<64x256xf32, #tpu.memory_space<vmem>>, vector<1x16xf32>,
          %get3A_2462 = vector.shape_cast %get3A_2461 : vector<1x16xf32> to vector<16xf32>
          %mul3A_2463 = arith.mulf %get3A_2462, %div3A_2017 : vector<16xf32>
          %add3A_2464 = arith.constant 5.000000e-01 : f32
          %add3A_2465 = vector.broadcast %add3A_2464 : f32 to vector<16xf32>
          %add3A_2466 = arith.addf %mul3A_2463, %add3A_2465 : vector<16xf32>
          %convert_element_type3A_2467 = arith.fptosi %add3A_2466 : vector<16xf32> to vector<16xi32>
          %convert_element_type3A_2468 = arith.sitofp %convert_element_type3A_2467 : vector<16xi32> to vector<16xf32>
          %mul3A_2469 = arith.constant 0.00392156886 : f32
          %mul3A_2470 = vector.broadcast %mul3A_2469 : f32 to vector<16xf32>
          %mul3A_2471 = arith.mulf %convert_element_type3A_2468, %mul3A_2470 : vector<16xf32>
          %swap3A_2472 = arith.constant 22 : i32
          %swap3A_2473 = arith.index_cast %swap3A_2472 : i32 to index
          %swap3A_2474 = arith.index_cast %mul3A_37 : i32 to index
          %swap3A_2475 = tpu.vector_load %arg5[%swap3A_2473, %swap3A_2474] {strides = array<i32>} : memref<64x256xf32, #tpu.memory_space<vmem>>, vector<1x16xf32>,
          %swap3A_2476 = vector.shape_cast %swap3A_2475 : vector<1x16xf32> to vector<16xf32>
          %swap3A_2477 = vector.shape_cast %mul3A_2471 : vector<16xf32> to vector<1x16xf32>
          tpu.vector_store %arg5[%swap3A_2473, %swap3A_2474], %swap3A_2477 {strides = array<i32>} : memref<64x256xf32, #tpu.memory_space<vmem>>, vector<1x16xf32>,
          %get3A_2478 = arith.constant 23 : i32
          %get3A_2479 = arith.index_cast %get3A_2478 : i32 to index
          %get3A_2480 = arith.index_cast %mul3A_37 : i32 to index
          %get3A_2481 = tpu.vector_load %arg5[%get3A_2479, %get3A_2480] {strides = array<i32>} : memref<64x256xf32, #tpu.memory_space<vmem>>, vector<1x16xf32>,
          %get3A_2482 = vector.shape_cast %get3A_2481 : vector<1x16xf32> to vector<16xf32>
          %mul3A_2483 = arith.mulf %get3A_2482, %div3A_2017 : vector<16xf32>
          %add3A_2484 = arith.constant 5.000000e-01 : f32
          %add3A_2485 = vector.broadcast %add3A_2484 : f32 to vector<16xf32>
          %add3A_2486 = arith.addf %mul3A_2483, %add3A_2485 : vector<16xf32>
          %convert_element_type3A_2487 = arith.fptosi %add3A_2486 : vector<16xf32> to vector<16xi32>
          %convert_element_type3A_2488 = arith.sitofp %convert_element_type3A_2487 : vector<16xi32> to vector<16xf32>
          %mul3A_2489 = arith.constant 0.00392156886 : f32
          %mul3A_2490 = vector.broadcast %mul3A_2489 : f32 to vector<16xf32>
          %mul3A_2491 = arith.mulf %convert_element_type3A_2488, %mul3A_2490 : vector<16xf32>
          %swap3A_2492 = arith.constant 23 : i32
          %swap3A_2493 = arith.index_cast %swap3A_2492 : i32 to index
          %swap3A_2494 = arith.index_cast %mul3A_37 : i32 to index
          %swap3A_2495 = tpu.vector_load %arg5[%swap3A_2493, %swap3A_2494] {strides = array<i32>} : memref<64x256xf32, #tpu.memory_space<vmem>>, vector<1x16xf32>,
          %swap3A_2496 = vector.shape_cast %swap3A_2495 : vector<1x16xf32> to vector<16xf32>
          %swap3A_2497 = vector.shape_cast %mul3A_2491 : vector<16xf32> to vector<1x16xf32>
          tpu.vector_store %arg5[%swap3A_2493, %swap3A_2494], %swap3A_2497 {strides = array<i32>} : memref<64x256xf32, #tpu.memory_space<vmem>>, vector<1x16xf32>,
          %get3A_2498 = arith.constant 24 : i32
          %get3A_2499 = arith.index_cast %get3A_2498 : i32 to index
          %get3A_2500 = arith.index_cast %mul3A_37 : i32 to index
          %get3A_2501 = tpu.vector_load %arg5[%get3A_2499, %get3A_2500] {strides = array<i32>} : memref<64x256xf32, #tpu.memory_space<vmem>>, vector<1x16xf32>,
          %get3A_2502 = vector.shape_cast %get3A_2501 : vector<1x16xf32> to vector<16xf32>
          %mul3A_2503 = arith.mulf %get3A_2502, %div3A_2017 : vector<16xf32>
          %add3A_2504 = arith.constant 5.000000e-01 : f32
          %add3A_2505 = vector.broadcast %add3A_2504 : f32 to vector<16xf32>
          %add3A_2506 = arith.addf %mul3A_2503, %add3A_2505 : vector<16xf32>
          %convert_element_type3A_2507 = arith.fptosi %add3A_2506 : vector<16xf32> to vector<16xi32>
          %convert_element_type3A_2508 = arith.sitofp %convert_element_type3A_2507 : vector<16xi32> to vector<16xf32>
          %mul3A_2509 = arith.constant 0.00392156886 : f32
          %mul3A_2510 = vector.broadcast %mul3A_2509 : f32 to vector<16xf32>
          %mul3A_2511 = arith.mulf %convert_element_type3A_2508, %mul3A_2510 : vector<16xf32>
          %swap3A_2512 = arith.constant 24 : i32
          %swap3A_2513 = arith.index_cast %swap3A_2512 : i32 to index
          %swap3A_2514 = arith.index_cast %mul3A_37 : i32 to index
          %swap3A_2515 = tpu.vector_load %arg5[%swap3A_2513, %swap3A_2514] {strides = array<i32>} : memref<64x256xf32, #tpu.memory_space<vmem>>, vector<1x16xf32>,
          %swap3A_2516 = vector.shape_cast %swap3A_2515 : vector<1x16xf32> to vector<16xf32>
          %swap3A_2517 = vector.shape_cast %mul3A_2511 : vector<16xf32> to vector<1x16xf32>
          tpu.vector_store %arg5[%swap3A_2513, %swap3A_2514], %swap3A_2517 {strides = array<i32>} : memref<64x256xf32, #tpu.memory_space<vmem>>, vector<1x16xf32>,
          %get3A_2518 = arith.constant 25 : i32
          %get3A_2519 = arith.index_cast %get3A_2518 : i32 to index
          %get3A_2520 = arith.index_cast %mul3A_37 : i32 to index
          %get3A_2521 = tpu.vector_load %arg5[%get3A_2519, %get3A_2520] {strides = array<i32>} : memref<64x256xf32, #tpu.memory_space<vmem>>, vector<1x16xf32>,
          %get3A_2522 = vector.shape_cast %get3A_2521 : vector<1x16xf32> to vector<16xf32>
          %mul3A_2523 = arith.mulf %get3A_2522, %div3A_2017 : vector<16xf32>
          %add3A_2524 = arith.constant 5.000000e-01 : f32
          %add3A_2525 = vector.broadcast %add3A_2524 : f32 to vector<16xf32>
          %add3A_2526 = arith.addf %mul3A_2523, %add3A_2525 : vector<16xf32>
          %convert_element_type3A_2527 = arith.fptosi %add3A_2526 : vector<16xf32> to vector<16xi32>
          %convert_element_type3A_2528 = arith.sitofp %convert_element_type3A_2527 : vector<16xi32> to vector<16xf32>
          %mul3A_2529 = arith.constant 0.00392156886 : f32
          %mul3A_2530 = vector.broadcast %mul3A_2529 : f32 to vector<16xf32>
          %mul3A_2531 = arith.mulf %convert_element_type3A_2528, %mul3A_2530 : vector<16xf32>
          %swap3A_2532 = arith.constant 25 : i32
          %swap3A_2533 = arith.index_cast %swap3A_2532 : i32 to index
          %swap3A_2534 = arith.index_cast %mul3A_37 : i32 to index
          %swap3A_2535 = tpu.vector_load %arg5[%swap3A_2533, %swap3A_2534] {strides = array<i32>} : memref<64x256xf32, #tpu.memory_space<vmem>>, vector<1x16xf32>,
          %swap3A_2536 = vector.shape_cast %swap3A_2535 : vector<1x16xf32> to vector<16xf32>
          %swap3A_2537 = vector.shape_cast %mul3A_2531 : vector<16xf32> to vector<1x16xf32>
          tpu.vector_store %arg5[%swap3A_2533, %swap3A_2534], %swap3A_2537 {strides = array<i32>} : memref<64x256xf32, #tpu.memory_space<vmem>>, vector<1x16xf32>,
          %get3A_2538 = arith.constant 26 : i32
          %get3A_2539 = arith.index_cast %get3A_2538 : i32 to index
          %get3A_2540 = arith.index_cast %mul3A_37 : i32 to index
          %get3A_2541 = tpu.vector_load %arg5[%get3A_2539, %get3A_2540] {strides = array<i32>} : memref<64x256xf32, #tpu.memory_space<vmem>>, vector<1x16xf32>,
          %get3A_2542 = vector.shape_cast %get3A_2541 : vector<1x16xf32> to vector<16xf32>
          %mul3A_2543 = arith.mulf %get3A_2542, %div3A_2017 : vector<16xf32>
          %add3A_2544 = arith.constant 5.000000e-01 : f32
          %add3A_2545 = vector.broadcast %add3A_2544 : f32 to vector<16xf32>
          %add3A_2546 = arith.addf %mul3A_2543, %add3A_2545 : vector<16xf32>
          %convert_element_type3A_2547 = arith.fptosi %add3A_2546 : vector<16xf32> to vector<16xi32>
          %convert_element_type3A_2548 = arith.sitofp %convert_element_type3A_2547 : vector<16xi32> to vector<16xf32>
          %mul3A_2549 = arith.constant 0.00392156886 : f32
          %mul3A_2550 = vector.broadcast %mul3A_2549 : f32 to vector<16xf32>
          %mul3A_2551 = arith.mulf %convert_element_type3A_2548, %mul3A_2550 : vector<16xf32>
          %swap3A_2552 = arith.constant 26 : i32
          %swap3A_2553 = arith.index_cast %swap3A_2552 : i32 to index
          %swap3A_2554 = arith.index_cast %mul3A_37 : i32 to index
          %swap3A_2555 = tpu.vector_load %arg5[%swap3A_2553, %swap3A_2554] {strides = array<i32>} : memref<64x256xf32, #tpu.memory_space<vmem>>, vector<1x16xf32>,
          %swap3A_2556 = vector.shape_cast %swap3A_2555 : vector<1x16xf32> to vector<16xf32>
          %swap3A_2557 = vector.shape_cast %mul3A_2551 : vector<16xf32> to vector<1x16xf32>
          tpu.vector_store %arg5[%swap3A_2553, %swap3A_2554], %swap3A_2557 {strides = array<i32>} : memref<64x256xf32, #tpu.memory_space<vmem>>, vector<1x16xf32>,
          %get3A_2558 = arith.constant 27 : i32
          %get3A_2559 = arith.index_cast %get3A_2558 : i32 to index
          %get3A_2560 = arith.index_cast %mul3A_37 : i32 to index
          %get3A_2561 = tpu.vector_load %arg5[%get3A_2559, %get3A_2560] {strides = array<i32>} : memref<64x256xf32, #tpu.memory_space<vmem>>, vector<1x16xf32>,
          %get3A_2562 = vector.shape_cast %get3A_2561 : vector<1x16xf32> to vector<16xf32>
          %mul3A_2563 = arith.mulf %get3A_2562, %div3A_2017 : vector<16xf32>
          %add3A_2564 = arith.constant 5.000000e-01 : f32
          %add3A_2565 = vector.broadcast %add3A_2564 : f32 to vector<16xf32>
          %add3A_2566 = arith.addf %mul3A_2563, %add3A_2565 : vector<16xf32>
          %convert_element_type3A_2567 = arith.fptosi %add3A_2566 : vector<16xf32> to vector<16xi32>
          %convert_element_type3A_2568 = arith.sitofp %convert_element_type3A_2567 : vector<16xi32> to vector<16xf32>
          %mul3A_2569 = arith.constant 0.00392156886 : f32
          %mul3A_2570 = vector.broadcast %mul3A_2569 : f32 to vector<16xf32>
          %mul3A_2571 = arith.mulf %convert_element_type3A_2568, %mul3A_2570 : vector<16xf32>
          %swap3A_2572 = arith.constant 27 : i32
          %swap3A_2573 = arith.index_cast %swap3A_2572 : i32 to index
          %swap3A_2574 = arith.index_cast %mul3A_37 : i32 to index
          %swap3A_2575 = tpu.vector_load %arg5[%swap3A_2573, %swap3A_2574] {strides = array<i32>} : memref<64x256xf32, #tpu.memory_space<vmem>>, vector<1x16xf32>,
          %swap3A_2576 = vector.shape_cast %swap3A_2575 : vector<1x16xf32> to vector<16xf32>
          %swap3A_2577 = vector.shape_cast %mul3A_2571 : vector<16xf32> to vector<1x16xf32>
          tpu.vector_store %arg5[%swap3A_2573, %swap3A_2574], %swap3A_2577 {strides = array<i32>} : memref<64x256xf32, #tpu.memory_space<vmem>>, vector<1x16xf32>,
          %get3A_2578 = arith.constant 28 : i32
          %get3A_2579 = arith.index_cast %get3A_2578 : i32 to index
          %get3A_2580 = arith.index_cast %mul3A_37 : i32 to index
          %get3A_2581 = tpu.vector_load %arg5[%get3A_2579, %get3A_2580] {strides = array<i32>} : memref<64x256xf32, #tpu.memory_space<vmem>>, vector<1x16xf32>,
          %get3A_2582 = vector.shape_cast %get3A_2581 : vector<1x16xf32> to vector<16xf32>
          %mul3A_2583 = arith.mulf %get3A_2582, %div3A_2017 : vector<16xf32>
          %add3A_2584 = arith.constant 5.000000e-01 : f32
          %add3A_2585 = vector.broadcast %add3A_2584 : f32 to vector<16xf32>
          %add3A_2586 = arith.addf %mul3A_2583, %add3A_2585 : vector<16xf32>
          %convert_element_type3A_2587 = arith.fptosi %add3A_2586 : vector<16xf32> to vector<16xi32>
          %convert_element_type3A_2588 = arith.sitofp %convert_element_type3A_2587 : vector<16xi32> to vector<16xf32>
          %mul3A_2589 = arith.constant 0.00392156886 : f32
          %mul3A_2590 = vector.broadcast %mul3A_2589 : f32 to vector<16xf32>
          %mul3A_2591 = arith.mulf %convert_element_type3A_2588, %mul3A_2590 : vector<16xf32>
          %swap3A_2592 = arith.constant 28 : i32
          %swap3A_2593 = arith.index_cast %swap3A_2592 : i32 to index
          %swap3A_2594 = arith.index_cast %mul3A_37 : i32 to index
          %swap3A_2595 = tpu.vector_load %arg5[%swap3A_2593, %swap3A_2594] {strides = array<i32>} : memref<64x256xf32, #tpu.memory_space<vmem>>, vector<1x16xf32>,
          %swap3A_2596 = vector.shape_cast %swap3A_2595 : vector<1x16xf32> to vector<16xf32>
          %swap3A_2597 = vector.shape_cast %mul3A_2591 : vector<16xf32> to vector<1x16xf32>
          tpu.vector_store %arg5[%swap3A_2593, %swap3A_2594], %swap3A_2597 {strides = array<i32>} : memref<64x256xf32, #tpu.memory_space<vmem>>, vector<1x16xf32>,
          %get3A_2598 = arith.constant 29 : i32
          %get3A_2599 = arith.index_cast %get3A_2598 : i32 to index
          %get3A_2600 = arith.index_cast %mul3A_37 : i32 to index
          %get3A_2601 = tpu.vector_load %arg5[%get3A_2599, %get3A_2600] {strides = array<i32>} : memref<64x256xf32, #tpu.memory_space<vmem>>, vector<1x16xf32>,
          %get3A_2602 = vector.shape_cast %get3A_2601 : vector<1x16xf32> to vector<16xf32>
          %mul3A_2603 = arith.mulf %get3A_2602, %div3A_2017 : vector<16xf32>
          %add3A_2604 = arith.constant 5.000000e-01 : f32
          %add3A_2605 = vector.broadcast %add3A_2604 : f32 to vector<16xf32>
          %add3A_2606 = arith.addf %mul3A_2603, %add3A_2605 : vector<16xf32>
          %convert_element_type3A_2607 = arith.fptosi %add3A_2606 : vector<16xf32> to vector<16xi32>
          %convert_element_type3A_2608 = arith.sitofp %convert_element_type3A_2607 : vector<16xi32> to vector<16xf32>
          %mul3A_2609 = arith.constant 0.00392156886 : f32
          %mul3A_2610 = vector.broadcast %mul3A_2609 : f32 to vector<16xf32>
          %mul3A_2611 = arith.mulf %convert_element_type3A_2608, %mul3A_2610 : vector<16xf32>
          %swap3A_2612 = arith.constant 29 : i32
          %swap3A_2613 = arith.index_cast %swap3A_2612 : i32 to index
          %swap3A_2614 = arith.index_cast %mul3A_37 : i32 to index
          %swap3A_2615 = tpu.vector_load %arg5[%swap3A_2613, %swap3A_2614] {strides = array<i32>} : memref<64x256xf32, #tpu.memory_space<vmem>>, vector<1x16xf32>,
          %swap3A_2616 = vector.shape_cast %swap3A_2615 : vector<1x16xf32> to vector<16xf32>
          %swap3A_2617 = vector.shape_cast %mul3A_2611 : vector<16xf32> to vector<1x16xf32>
          tpu.vector_store %arg5[%swap3A_2613, %swap3A_2614], %swap3A_2617 {strides = array<i32>} : memref<64x256xf32, #tpu.memory_space<vmem>>, vector<1x16xf32>,
          %get3A_2618 = arith.constant 30 : i32
          %get3A_2619 = arith.index_cast %get3A_2618 : i32 to index
          %get3A_2620 = arith.index_cast %mul3A_37 : i32 to index
          %get3A_2621 = tpu.vector_load %arg5[%get3A_2619, %get3A_2620] {strides = array<i32>} : memref<64x256xf32, #tpu.memory_space<vmem>>, vector<1x16xf32>,
          %get3A_2622 = vector.shape_cast %get3A_2621 : vector<1x16xf32> to vector<16xf32>
          %mul3A_2623 = arith.mulf %get3A_2622, %div3A_2017 : vector<16xf32>
          %add3A_2624 = arith.constant 5.000000e-01 : f32
          %add3A_2625 = vector.broadcast %add3A_2624 : f32 to vector<16xf32>
          %add3A_2626 = arith.addf %mul3A_2623, %add3A_2625 : vector<16xf32>
          %convert_element_type3A_2627 = arith.fptosi %add3A_2626 : vector<16xf32> to vector<16xi32>
          %convert_element_type3A_2628 = arith.sitofp %convert_element_type3A_2627 : vector<16xi32> to vector<16xf32>
          %mul3A_2629 = arith.constant 0.00392156886 : f32
          %mul3A_2630 = vector.broadcast %mul3A_2629 : f32 to vector<16xf32>
          %mul3A_2631 = arith.mulf %convert_element_type3A_2628, %mul3A_2630 : vector<16xf32>
          %swap3A_2632 = arith.constant 30 : i32
          %swap3A_2633 = arith.index_cast %swap3A_2632 : i32 to index
          %swap3A_2634 = arith.index_cast %mul3A_37 : i32 to index
          %swap3A_2635 = tpu.vector_load %arg5[%swap3A_2633, %swap3A_2634] {strides = array<i32>} : memref<64x256xf32, #tpu.memory_space<vmem>>, vector<1x16xf32>,
          %swap3A_2636 = vector.shape_cast %swap3A_2635 : vector<1x16xf32> to vector<16xf32>
          %swap3A_2637 = vector.shape_cast %mul3A_2631 : vector<16xf32> to vector<1x16xf32>
          tpu.vector_store %arg5[%swap3A_2633, %swap3A_2634], %swap3A_2637 {strides = array<i32>} : memref<64x256xf32, #tpu.memory_space<vmem>>, vector<1x16xf32>,
          %get3A_2638 = arith.constant 31 : i32
          %get3A_2639 = arith.index_cast %get3A_2638 : i32 to index
          %get3A_2640 = arith.index_cast %mul3A_37 : i32 to index
          %get3A_2641 = tpu.vector_load %arg5[%get3A_2639, %get3A_2640] {strides = array<i32>} : memref<64x256xf32, #tpu.memory_space<vmem>>, vector<1x16xf32>,
          %get3A_2642 = vector.shape_cast %get3A_2641 : vector<1x16xf32> to vector<16xf32>
          %mul3A_2643 = arith.mulf %get3A_2642, %div3A_2017 : vector<16xf32>
          %add3A_2644 = arith.constant 5.000000e-01 : f32
          %add3A_2645 = vector.broadcast %add3A_2644 : f32 to vector<16xf32>
          %add3A_2646 = arith.addf %mul3A_2643, %add3A_2645 : vector<16xf32>
          %convert_element_type3A_2647 = arith.fptosi %add3A_2646 : vector<16xf32> to vector<16xi32>
          %convert_element_type3A_2648 = arith.sitofp %convert_element_type3A_2647 : vector<16xi32> to vector<16xf32>
          %mul3A_2649 = arith.constant 0.00392156886 : f32
          %mul3A_2650 = vector.broadcast %mul3A_2649 : f32 to vector<16xf32>
          %mul3A_2651 = arith.mulf %convert_element_type3A_2648, %mul3A_2650 : vector<16xf32>
          %swap3A_2652 = arith.constant 31 : i32
          %swap3A_2653 = arith.index_cast %swap3A_2652 : i32 to index
          %swap3A_2654 = arith.index_cast %mul3A_37 : i32 to index
          %swap3A_2655 = tpu.vector_load %arg5[%swap3A_2653, %swap3A_2654] {strides = array<i32>} : memref<64x256xf32, #tpu.memory_space<vmem>>, vector<1x16xf32>,
          %swap3A_2656 = vector.shape_cast %swap3A_2655 : vector<1x16xf32> to vector<16xf32>
          %swap3A_2657 = vector.shape_cast %mul3A_2651 : vector<16xf32> to vector<1x16xf32>
          tpu.vector_store %arg5[%swap3A_2653, %swap3A_2654], %swap3A_2657 {strides = array<i32>} : memref<64x256xf32, #tpu.memory_space<vmem>>, vector<1x16xf32>,
          %get3A_2658 = arith.constant 32 : i32
          %get3A_2659 = arith.index_cast %get3A_2658 : i32 to index
          %get3A_2660 = arith.index_cast %mul3A_37 : i32 to index
          %get3A_2661 = tpu.vector_load %arg5[%get3A_2659, %get3A_2660] {strides = array<i32>} : memref<64x256xf32, #tpu.memory_space<vmem>>, vector<1x16xf32>,
          %get3A_2662 = vector.shape_cast %get3A_2661 : vector<1x16xf32> to vector<16xf32>
          %mul3A_2663 = arith.mulf %get3A_2662, %div3A_2017 : vector<16xf32>
          %add3A_2664 = arith.constant 5.000000e-01 : f32
          %add3A_2665 = vector.broadcast %add3A_2664 : f32 to vector<16xf32>
          %add3A_2666 = arith.addf %mul3A_2663, %add3A_2665 : vector<16xf32>
          %convert_element_type3A_2667 = arith.fptosi %add3A_2666 : vector<16xf32> to vector<16xi32>
          %convert_element_type3A_2668 = arith.sitofp %convert_element_type3A_2667 : vector<16xi32> to vector<16xf32>
          %mul3A_2669 = arith.constant 0.00392156886 : f32
          %mul3A_2670 = vector.broadcast %mul3A_2669 : f32 to vector<16xf32>
          %mul3A_2671 = arith.mulf %convert_element_type3A_2668, %mul3A_2670 : vector<16xf32>
          %swap3A_2672 = arith.constant 32 : i32
          %swap3A_2673 = arith.index_cast %swap3A_2672 : i32 to index
          %swap3A_2674 = arith.index_cast %mul3A_37 : i32 to index
          %swap3A_2675 = tpu.vector_load %arg5[%swap3A_2673, %swap3A_2674] {strides = array<i32>} : memref<64x256xf32, #tpu.memory_space<vmem>>, vector<1x16xf32>,
          %swap3A_2676 = vector.shape_cast %swap3A_2675 : vector<1x16xf32> to vector<16xf32>
          %swap3A_2677 = vector.shape_cast %mul3A_2671 : vector<16xf32> to vector<1x16xf32>
          tpu.vector_store %arg5[%swap3A_2673, %swap3A_2674], %swap3A_2677 {strides = array<i32>} : memref<64x256xf32, #tpu.memory_space<vmem>>, vector<1x16xf32>,
          %get3A_2678 = arith.constant 33 : i32
          %get3A_2679 = arith.index_cast %get3A_2678 : i32 to index
          %get3A_2680 = arith.index_cast %mul3A_37 : i32 to index
          %get3A_2681 = tpu.vector_load %arg5[%get3A_2679, %get3A_2680] {strides = array<i32>} : memref<64x256xf32, #tpu.memory_space<vmem>>, vector<1x16xf32>,
          %get3A_2682 = vector.shape_cast %get3A_2681 : vector<1x16xf32> to vector<16xf32>
          %mul3A_2683 = arith.mulf %get3A_2682, %div3A_2017 : vector<16xf32>
          %add3A_2684 = arith.constant 5.000000e-01 : f32
          %add3A_2685 = vector.broadcast %add3A_2684 : f32 to vector<16xf32>
          %add3A_2686 = arith.addf %mul3A_2683, %add3A_2685 : vector<16xf32>
          %convert_element_type3A_2687 = arith.fptosi %add3A_2686 : vector<16xf32> to vector<16xi32>
          %convert_element_type3A_2688 = arith.sitofp %convert_element_type3A_2687 : vector<16xi32> to vector<16xf32>
          %mul3A_2689 = arith.constant 0.00392156886 : f32
          %mul3A_2690 = vector.broadcast %mul3A_2689 : f32 to vector<16xf32>
          %mul3A_2691 = arith.mulf %convert_element_type3A_2688, %mul3A_2690 : vector<16xf32>
          %swap3A_2692 = arith.constant 33 : i32
          %swap3A_2693 = arith.index_cast %swap3A_2692 : i32 to index
          %swap3A_2694 = arith.index_cast %mul3A_37 : i32 to index
          %swap3A_2695 = tpu.vector_load %arg5[%swap3A_2693, %swap3A_2694] {strides = array<i32>} : memref<64x256xf32, #tpu.memory_space<vmem>>, vector<1x16xf32>,
          %swap3A_2696 = vector.shape_cast %swap3A_2695 : vector<1x16xf32> to vector<16xf32>
          %swap3A_2697 = vector.shape_cast %mul3A_2691 : vector<16xf32> to vector<1x16xf32>
          tpu.vector_store %arg5[%swap3A_2693, %swap3A_2694], %swap3A_2697 {strides = array<i32>} : memref<64x256xf32, #tpu.memory_space<vmem>>, vector<1x16xf32>,
          %get3A_2698 = arith.constant 34 : i32
          %get3A_2699 = arith.index_cast %get3A_2698 : i32 to index
          %get3A_2700 = arith.index_cast %mul3A_37 : i32 to index
          %get3A_2701 = tpu.vector_load %arg5[%get3A_2699, %get3A_2700] {strides = array<i32>} : memref<64x256xf32, #tpu.memory_space<vmem>>, vector<1x16xf32>,
          %get3A_2702 = vector.shape_cast %get3A_2701 : vector<1x16xf32> to vector<16xf32>
          %mul3A_2703 = arith.mulf %get3A_2702, %div3A_2017 : vector<16xf32>
          %add3A_2704 = arith.constant 5.000000e-01 : f32
          %add3A_2705 = vector.broadcast %add3A_2704 : f32 to vector<16xf32>
          %add3A_2706 = arith.addf %mul3A_2703, %add3A_2705 : vector<16xf32>
          %convert_element_type3A_2707 = arith.fptosi %add3A_2706 : vector<16xf32> to vector<16xi32>
          %convert_element_type3A_2708 = arith.sitofp %convert_element_type3A_2707 : vector<16xi32> to vector<16xf32>
          %mul3A_2709 = arith.constant 0.00392156886 : f32
          %mul3A_2710 = vector.broadcast %mul3A_2709 : f32 to vector<16xf32>
          %mul3A_2711 = arith.mulf %convert_element_type3A_2708, %mul3A_2710 : vector<16xf32>
          %swap3A_2712 = arith.constant 34 : i32
          %swap3A_2713 = arith.index_cast %swap3A_2712 : i32 to index
          %swap3A_2714 = arith.index_cast %mul3A_37 : i32 to index
          %swap3A_2715 = tpu.vector_load %arg5[%swap3A_2713, %swap3A_2714] {strides = array<i32>} : memref<64x256xf32, #tpu.memory_space<vmem>>, vector<1x16xf32>,
          %swap3A_2716 = vector.shape_cast %swap3A_2715 : vector<1x16xf32> to vector<16xf32>
          %swap3A_2717 = vector.shape_cast %mul3A_2711 : vector<16xf32> to vector<1x16xf32>
          tpu.vector_store %arg5[%swap3A_2713, %swap3A_2714], %swap3A_2717 {strides = array<i32>} : memref<64x256xf32, #tpu.memory_space<vmem>>, vector<1x16xf32>,
          %get3A_2718 = arith.constant 35 : i32
          %get3A_2719 = arith.index_cast %get3A_2718 : i32 to index
          %get3A_2720 = arith.index_cast %mul3A_37 : i32 to index
          %get3A_2721 = tpu.vector_load %arg5[%get3A_2719, %get3A_2720] {strides = array<i32>} : memref<64x256xf32, #tpu.memory_space<vmem>>, vector<1x16xf32>,
          %get3A_2722 = vector.shape_cast %get3A_2721 : vector<1x16xf32> to vector<16xf32>
          %mul3A_2723 = arith.mulf %get3A_2722, %div3A_2017 : vector<16xf32>
          %add3A_2724 = arith.constant 5.000000e-01 : f32
          %add3A_2725 = vector.broadcast %add3A_2724 : f32 to vector<16xf32>
          %add3A_2726 = arith.addf %mul3A_2723, %add3A_2725 : vector<16xf32>
          %convert_element_type3A_2727 = arith.fptosi %add3A_2726 : vector<16xf32> to vector<16xi32>
          %convert_element_type3A_2728 = arith.sitofp %convert_element_type3A_2727 : vector<16xi32> to vector<16xf32>
          %mul3A_2729 = arith.constant 0.00392156886 : f32
          %mul3A_2730 = vector.broadcast %mul3A_2729 : f32 to vector<16xf32>
          %mul3A_2731 = arith.mulf %convert_element_type3A_2728, %mul3A_2730 : vector<16xf32>
          %swap3A_2732 = arith.constant 35 : i32
          %swap3A_2733 = arith.index_cast %swap3A_2732 : i32 to index
          %swap3A_2734 = arith.index_cast %mul3A_37 : i32 to index
          %swap3A_2735 = tpu.vector_load %arg5[%swap3A_2733, %swap3A_2734] {strides = array<i32>} : memref<64x256xf32, #tpu.memory_space<vmem>>, vector<1x16xf32>,
          %swap3A_2736 = vector.shape_cast %swap3A_2735 : vector<1x16xf32> to vector<16xf32>
          %swap3A_2737 = vector.shape_cast %mul3A_2731 : vector<16xf32> to vector<1x16xf32>
          tpu.vector_store %arg5[%swap3A_2733, %swap3A_2734], %swap3A_2737 {strides = array<i32>} : memref<64x256xf32, #tpu.memory_space<vmem>>, vector<1x16xf32>,
          %get3A_2738 = arith.constant 36 : i32
          %get3A_2739 = arith.index_cast %get3A_2738 : i32 to index
          %get3A_2740 = arith.index_cast %mul3A_37 : i32 to index
          %get3A_2741 = tpu.vector_load %arg5[%get3A_2739, %get3A_2740] {strides = array<i32>} : memref<64x256xf32, #tpu.memory_space<vmem>>, vector<1x16xf32>,
          %get3A_2742 = vector.shape_cast %get3A_2741 : vector<1x16xf32> to vector<16xf32>
          %mul3A_2743 = arith.mulf %get3A_2742, %div3A_2017 : vector<16xf32>
          %add3A_2744 = arith.constant 5.000000e-01 : f32
          %add3A_2745 = vector.broadcast %add3A_2744 : f32 to vector<16xf32>
          %add3A_2746 = arith.addf %mul3A_2743, %add3A_2745 : vector<16xf32>
          %convert_element_type3A_2747 = arith.fptosi %add3A_2746 : vector<16xf32> to vector<16xi32>
          %convert_element_type3A_2748 = arith.sitofp %convert_element_type3A_2747 : vector<16xi32> to vector<16xf32>
          %mul3A_2749 = arith.constant 0.00392156886 : f32
          %mul3A_2750 = vector.broadcast %mul3A_2749 : f32 to vector<16xf32>
          %mul3A_2751 = arith.mulf %convert_element_type3A_2748, %mul3A_2750 : vector<16xf32>
          %swap3A_2752 = arith.constant 36 : i32
          %swap3A_2753 = arith.index_cast %swap3A_2752 : i32 to index
          %swap3A_2754 = arith.index_cast %mul3A_37 : i32 to index
          %swap3A_2755 = tpu.vector_load %arg5[%swap3A_2753, %swap3A_2754] {strides = array<i32>} : memref<64x256xf32, #tpu.memory_space<vmem>>, vector<1x16xf32>,
          %swap3A_2756 = vector.shape_cast %swap3A_2755 : vector<1x16xf32> to vector<16xf32>
          %swap3A_2757 = vector.shape_cast %mul3A_2751 : vector<16xf32> to vector<1x16xf32>
          tpu.vector_store %arg5[%swap3A_2753, %swap3A_2754], %swap3A_2757 {strides = array<i32>} : memref<64x256xf32, #tpu.memory_space<vmem>>, vector<1x16xf32>,
          %get3A_2758 = arith.constant 37 : i32
          %get3A_2759 = arith.index_cast %get3A_2758 : i32 to index
          %get3A_2760 = arith.index_cast %mul3A_37 : i32 to index
          %get3A_2761 = tpu.vector_load %arg5[%get3A_2759, %get3A_2760] {strides = array<i32>} : memref<64x256xf32, #tpu.memory_space<vmem>>, vector<1x16xf32>,
          %get3A_2762 = vector.shape_cast %get3A_2761 : vector<1x16xf32> to vector<16xf32>
          %mul3A_2763 = arith.mulf %get3A_2762, %div3A_2017 : vector<16xf32>
          %add3A_2764 = arith.constant 5.000000e-01 : f32
          %add3A_2765 = vector.broadcast %add3A_2764 : f32 to vector<16xf32>
          %add3A_2766 = arith.addf %mul3A_2763, %add3A_2765 : vector<16xf32>
          %convert_element_type3A_2767 = arith.fptosi %add3A_2766 : vector<16xf32> to vector<16xi32>
          %convert_element_type3A_2768 = arith.sitofp %convert_element_type3A_2767 : vector<16xi32> to vector<16xf32>
          %mul3A_2769 = arith.constant 0.00392156886 : f32
          %mul3A_2770 = vector.broadcast %mul3A_2769 : f32 to vector<16xf32>
          %mul3A_2771 = arith.mulf %convert_element_type3A_2768, %mul3A_2770 : vector<16xf32>
          %swap3A_2772 = arith.constant 37 : i32
          %swap3A_2773 = arith.index_cast %swap3A_2772 : i32 to index
          %swap3A_2774 = arith.index_cast %mul3A_37 : i32 to index
          %swap3A_2775 = tpu.vector_load %arg5[%swap3A_2773, %swap3A_2774] {strides = array<i32>} : memref<64x256xf32, #tpu.memory_space<vmem>>, vector<1x16xf32>,
          %swap3A_2776 = vector.shape_cast %swap3A_2775 : vector<1x16xf32> to vector<16xf32>
          %swap3A_2777 = vector.shape_cast %mul3A_2771 : vector<16xf32> to vector<1x16xf32>
          tpu.vector_store %arg5[%swap3A_2773, %swap3A_2774], %swap3A_2777 {strides = array<i32>} : memref<64x256xf32, #tpu.memory_space<vmem>>, vector<1x16xf32>,
          %get3A_2778 = arith.constant 38 : i32
          %get3A_2779 = arith.index_cast %get3A_2778 : i32 to index
          %get3A_2780 = arith.index_cast %mul3A_37 : i32 to index
          %get3A_2781 = tpu.vector_load %arg5[%get3A_2779, %get3A_2780] {strides = array<i32>} : memref<64x256xf32, #tpu.memory_space<vmem>>, vector<1x16xf32>,
          %get3A_2782 = vector.shape_cast %get3A_2781 : vector<1x16xf32> to vector<16xf32>
          %mul3A_2783 = arith.mulf %get3A_2782, %div3A_2017 : vector<16xf32>
          %add3A_2784 = arith.constant 5.000000e-01 : f32
          %add3A_2785 = vector.broadcast %add3A_2784 : f32 to vector<16xf32>
          %add3A_2786 = arith.addf %mul3A_2783, %add3A_2785 : vector<16xf32>
          %convert_element_type3A_2787 = arith.fptosi %add3A_2786 : vector<16xf32> to vector<16xi32>
          %convert_element_type3A_2788 = arith.sitofp %convert_element_type3A_2787 : vector<16xi32> to vector<16xf32>
          %mul3A_2789 = arith.constant 0.00392156886 : f32
          %mul3A_2790 = vector.broadcast %mul3A_2789 : f32 to vector<16xf32>
          %mul3A_2791 = arith.mulf %convert_element_type3A_2788, %mul3A_2790 : vector<16xf32>
          %swap3A_2792 = arith.constant 38 : i32
          %swap3A_2793 = arith.index_cast %swap3A_2792 : i32 to index
          %swap3A_2794 = arith.index_cast %mul3A_37 : i32 to index
          %swap3A_2795 = tpu.vector_load %arg5[%swap3A_2793, %swap3A_2794] {strides = array<i32>} : memref<64x256xf32, #tpu.memory_space<vmem>>, vector<1x16xf32>,
          %swap3A_2796 = vector.shape_cast %swap3A_2795 : vector<1x16xf32> to vector<16xf32>
          %swap3A_2797 = vector.shape_cast %mul3A_2791 : vector<16xf32> to vector<1x16xf32>
          tpu.vector_store %arg5[%swap3A_2793, %swap3A_2794], %swap3A_2797 {strides = array<i32>} : memref<64x256xf32, #tpu.memory_space<vmem>>, vector<1x16xf32>,
          %get3A_2798 = arith.constant 39 : i32
          %get3A_2799 = arith.index_cast %get3A_2798 : i32 to index
          %get3A_2800 = arith.index_cast %mul3A_37 : i32 to index
          %get3A_2801 = tpu.vector_load %arg5[%get3A_2799, %get3A_2800] {strides = array<i32>} : memref<64x256xf32, #tpu.memory_space<vmem>>, vector<1x16xf32>,
          %get3A_2802 = vector.shape_cast %get3A_2801 : vector<1x16xf32> to vector<16xf32>
          %mul3A_2803 = arith.mulf %get3A_2802, %div3A_2017 : vector<16xf32>
          %add3A_2804 = arith.constant 5.000000e-01 : f32
          %add3A_2805 = vector.broadcast %add3A_2804 : f32 to vector<16xf32>
          %add3A_2806 = arith.addf %mul3A_2803, %add3A_2805 : vector<16xf32>
          %convert_element_type3A_2807 = arith.fptosi %add3A_2806 : vector<16xf32> to vector<16xi32>
          %convert_element_type3A_2808 = arith.sitofp %convert_element_type3A_2807 : vector<16xi32> to vector<16xf32>
          %mul3A_2809 = arith.constant 0.00392156886 : f32
          %mul3A_2810 = vector.broadcast %mul3A_2809 : f32 to vector<16xf32>
          %mul3A_2811 = arith.mulf %convert_element_type3A_2808, %mul3A_2810 : vector<16xf32>
          %swap3A_2812 = arith.constant 39 : i32
          %swap3A_2813 = arith.index_cast %swap3A_2812 : i32 to index
          %swap3A_2814 = arith.index_cast %mul3A_37 : i32 to index
          %swap3A_2815 = tpu.vector_load %arg5[%swap3A_2813, %swap3A_2814] {strides = array<i32>} : memref<64x256xf32, #tpu.memory_space<vmem>>, vector<1x16xf32>,
          %swap3A_2816 = vector.shape_cast %swap3A_2815 : vector<1x16xf32> to vector<16xf32>
          %swap3A_2817 = vector.shape_cast %mul3A_2811 : vector<16xf32> to vector<1x16xf32>
          tpu.vector_store %arg5[%swap3A_2813, %swap3A_2814], %swap3A_2817 {strides = array<i32>} : memref<64x256xf32, #tpu.memory_space<vmem>>, vector<1x16xf32>,
          %get3A_2818 = arith.constant 40 : i32
          %get3A_2819 = arith.index_cast %get3A_2818 : i32 to index
          %get3A_2820 = arith.index_cast %mul3A_37 : i32 to index
          %get3A_2821 = tpu.vector_load %arg5[%get3A_2819, %get3A_2820] {strides = array<i32>} : memref<64x256xf32, #tpu.memory_space<vmem>>, vector<1x16xf32>,
          %get3A_2822 = vector.shape_cast %get3A_2821 : vector<1x16xf32> to vector<16xf32>
          %mul3A_2823 = arith.mulf %get3A_2822, %div3A_2017 : vector<16xf32>
          %add3A_2824 = arith.constant 5.000000e-01 : f32
          %add3A_2825 = vector.broadcast %add3A_2824 : f32 to vector<16xf32>
          %add3A_2826 = arith.addf %mul3A_2823, %add3A_2825 : vector<16xf32>
          %convert_element_type3A_2827 = arith.fptosi %add3A_2826 : vector<16xf32> to vector<16xi32>
          %convert_element_type3A_2828 = arith.sitofp %convert_element_type3A_2827 : vector<16xi32> to vector<16xf32>
          %mul3A_2829 = arith.constant 0.00392156886 : f32
          %mul3A_2830 = vector.broadcast %mul3A_2829 : f32 to vector<16xf32>
          %mul3A_2831 = arith.mulf %convert_element_type3A_2828, %mul3A_2830 : vector<16xf32>
          %swap3A_2832 = arith.constant 40 : i32
          %swap3A_2833 = arith.index_cast %swap3A_2832 : i32 to index
          %swap3A_2834 = arith.index_cast %mul3A_37 : i32 to index
          %swap3A_2835 = tpu.vector_load %arg5[%swap3A_2833, %swap3A_2834] {strides = array<i32>} : memref<64x256xf32, #tpu.memory_space<vmem>>, vector<1x16xf32>,
          %swap3A_2836 = vector.shape_cast %swap3A_2835 : vector<1x16xf32> to vector<16xf32>
          %swap3A_2837 = vector.shape_cast %mul3A_2831 : vector<16xf32> to vector<1x16xf32>
          tpu.vector_store %arg5[%swap3A_2833, %swap3A_2834], %swap3A_2837 {strides = array<i32>} : memref<64x256xf32, #tpu.memory_space<vmem>>, vector<1x16xf32>,
          %get3A_2838 = arith.constant 41 : i32
          %get3A_2839 = arith.index_cast %get3A_2838 : i32 to index
          %get3A_2840 = arith.index_cast %mul3A_37 : i32 to index
          %get3A_2841 = tpu.vector_load %arg5[%get3A_2839, %get3A_2840] {strides = array<i32>} : memref<64x256xf32, #tpu.memory_space<vmem>>, vector<1x16xf32>,
          %get3A_2842 = vector.shape_cast %get3A_2841 : vector<1x16xf32> to vector<16xf32>
          %mul3A_2843 = arith.mulf %get3A_2842, %div3A_2017 : vector<16xf32>
          %add3A_2844 = arith.constant 5.000000e-01 : f32
          %add3A_2845 = vector.broadcast %add3A_2844 : f32 to vector<16xf32>
          %add3A_2846 = arith.addf %mul3A_2843, %add3A_2845 : vector<16xf32>
          %convert_element_type3A_2847 = arith.fptosi %add3A_2846 : vector<16xf32> to vector<16xi32>
          %convert_element_type3A_2848 = arith.sitofp %convert_element_type3A_2847 : vector<16xi32> to vector<16xf32>
          %mul3A_2849 = arith.constant 0.00392156886 : f32
          %mul3A_2850 = vector.broadcast %mul3A_2849 : f32 to vector<16xf32>
          %mul3A_2851 = arith.mulf %convert_element_type3A_2848, %mul3A_2850 : vector<16xf32>
          %swap3A_2852 = arith.constant 41 : i32
          %swap3A_2853 = arith.index_cast %swap3A_2852 : i32 to index
          %swap3A_2854 = arith.index_cast %mul3A_37 : i32 to index
          %swap3A_2855 = tpu.vector_load %arg5[%swap3A_2853, %swap3A_2854] {strides = array<i32>} : memref<64x256xf32, #tpu.memory_space<vmem>>, vector<1x16xf32>,
          %swap3A_2856 = vector.shape_cast %swap3A_2855 : vector<1x16xf32> to vector<16xf32>
          %swap3A_2857 = vector.shape_cast %mul3A_2851 : vector<16xf32> to vector<1x16xf32>
          tpu.vector_store %arg5[%swap3A_2853, %swap3A_2854], %swap3A_2857 {strides = array<i32>} : memref<64x256xf32, #tpu.memory_space<vmem>>, vector<1x16xf32>,
          %get3A_2858 = arith.constant 42 : i32
          %get3A_2859 = arith.index_cast %get3A_2858 : i32 to index
          %get3A_2860 = arith.index_cast %mul3A_37 : i32 to index
          %get3A_2861 = tpu.vector_load %arg5[%get3A_2859, %get3A_2860] {strides = array<i32>} : memref<64x256xf32, #tpu.memory_space<vmem>>, vector<1x16xf32>,
          %get3A_2862 = vector.shape_cast %get3A_2861 : vector<1x16xf32> to vector<16xf32>
          %mul3A_2863 = arith.mulf %get3A_2862, %div3A_2017 : vector<16xf32>
          %add3A_2864 = arith.constant 5.000000e-01 : f32
          %add3A_2865 = vector.broadcast %add3A_2864 : f32 to vector<16xf32>
          %add3A_2866 = arith.addf %mul3A_2863, %add3A_2865 : vector<16xf32>
          %convert_element_type3A_2867 = arith.fptosi %add3A_2866 : vector<16xf32> to vector<16xi32>
          %convert_element_type3A_2868 = arith.sitofp %convert_element_type3A_2867 : vector<16xi32> to vector<16xf32>
          %mul3A_2869 = arith.constant 0.00392156886 : f32
          %mul3A_2870 = vector.broadcast %mul3A_2869 : f32 to vector<16xf32>
          %mul3A_2871 = arith.mulf %convert_element_type3A_2868, %mul3A_2870 : vector<16xf32>
          %swap3A_2872 = arith.constant 42 : i32
          %swap3A_2873 = arith.index_cast %swap3A_2872 : i32 to index
          %swap3A_2874 = arith.index_cast %mul3A_37 : i32 to index
          %swap3A_2875 = tpu.vector_load %arg5[%swap3A_2873, %swap3A_2874] {strides = array<i32>} : memref<64x256xf32, #tpu.memory_space<vmem>>, vector<1x16xf32>,
          %swap3A_2876 = vector.shape_cast %swap3A_2875 : vector<1x16xf32> to vector<16xf32>
          %swap3A_2877 = vector.shape_cast %mul3A_2871 : vector<16xf32> to vector<1x16xf32>
          tpu.vector_store %arg5[%swap3A_2873, %swap3A_2874], %swap3A_2877 {strides = array<i32>} : memref<64x256xf32, #tpu.memory_space<vmem>>, vector<1x16xf32>,
          %get3A_2878 = arith.constant 43 : i32
          %get3A_2879 = arith.index_cast %get3A_2878 : i32 to index
          %get3A_2880 = arith.index_cast %mul3A_37 : i32 to index
          %get3A_2881 = tpu.vector_load %arg5[%get3A_2879, %get3A_2880] {strides = array<i32>} : memref<64x256xf32, #tpu.memory_space<vmem>>, vector<1x16xf32>,
          %get3A_2882 = vector.shape_cast %get3A_2881 : vector<1x16xf32> to vector<16xf32>
          %mul3A_2883 = arith.mulf %get3A_2882, %div3A_2017 : vector<16xf32>
          %add3A_2884 = arith.constant 5.000000e-01 : f32
          %add3A_2885 = vector.broadcast %add3A_2884 : f32 to vector<16xf32>
          %add3A_2886 = arith.addf %mul3A_2883, %add3A_2885 : vector<16xf32>
          %convert_element_type3A_2887 = arith.fptosi %add3A_2886 : vector<16xf32> to vector<16xi32>
          %convert_element_type3A_2888 = arith.sitofp %convert_element_type3A_2887 : vector<16xi32> to vector<16xf32>
          %mul3A_2889 = arith.constant 0.00392156886 : f32
          %mul3A_2890 = vector.broadcast %mul3A_2889 : f32 to vector<16xf32>
          %mul3A_2891 = arith.mulf %convert_element_type3A_2888, %mul3A_2890 : vector<16xf32>
          %swap3A_2892 = arith.constant 43 : i32
          %swap3A_2893 = arith.index_cast %swap3A_2892 : i32 to index
          %swap3A_2894 = arith.index_cast %mul3A_37 : i32 to index
          %swap3A_2895 = tpu.vector_load %arg5[%swap3A_2893, %swap3A_2894] {strides = array<i32>} : memref<64x256xf32, #tpu.memory_space<vmem>>, vector<1x16xf32>,
          %swap3A_2896 = vector.shape_cast %swap3A_2895 : vector<1x16xf32> to vector<16xf32>
          %swap3A_2897 = vector.shape_cast %mul3A_2891 : vector<16xf32> to vector<1x16xf32>
          tpu.vector_store %arg5[%swap3A_2893, %swap3A_2894], %swap3A_2897 {strides = array<i32>} : memref<64x256xf32, #tpu.memory_space<vmem>>, vector<1x16xf32>,
          %get3A_2898 = arith.constant 44 : i32
          %get3A_2899 = arith.index_cast %get3A_2898 : i32 to index
          %get3A_2900 = arith.index_cast %mul3A_37 : i32 to index
          %get3A_2901 = tpu.vector_load %arg5[%get3A_2899, %get3A_2900] {strides = array<i32>} : memref<64x256xf32, #tpu.memory_space<vmem>>, vector<1x16xf32>,
          %get3A_2902 = vector.shape_cast %get3A_2901 : vector<1x16xf32> to vector<16xf32>
          %mul3A_2903 = arith.mulf %get3A_2902, %div3A_2017 : vector<16xf32>
          %add3A_2904 = arith.constant 5.000000e-01 : f32
          %add3A_2905 = vector.broadcast %add3A_2904 : f32 to vector<16xf32>
          %add3A_2906 = arith.addf %mul3A_2903, %add3A_2905 : vector<16xf32>
          %convert_element_type3A_2907 = arith.fptosi %add3A_2906 : vector<16xf32> to vector<16xi32>
          %convert_element_type3A_2908 = arith.sitofp %convert_element_type3A_2907 : vector<16xi32> to vector<16xf32>
          %mul3A_2909 = arith.constant 0.00392156886 : f32
          %mul3A_2910 = vector.broadcast %mul3A_2909 : f32 to vector<16xf32>
          %mul3A_2911 = arith.mulf %convert_element_type3A_2908, %mul3A_2910 : vector<16xf32>
          %swap3A_2912 = arith.constant 44 : i32
          %swap3A_2913 = arith.index_cast %swap3A_2912 : i32 to index
          %swap3A_2914 = arith.index_cast %mul3A_37 : i32 to index
          %swap3A_2915 = tpu.vector_load %arg5[%swap3A_2913, %swap3A_2914] {strides = array<i32>} : memref<64x256xf32, #tpu.memory_space<vmem>>, vector<1x16xf32>,
          %swap3A_2916 = vector.shape_cast %swap3A_2915 : vector<1x16xf32> to vector<16xf32>
          %swap3A_2917 = vector.shape_cast %mul3A_2911 : vector<16xf32> to vector<1x16xf32>
          tpu.vector_store %arg5[%swap3A_2913, %swap3A_2914], %swap3A_2917 {strides = array<i32>} : memref<64x256xf32, #tpu.memory_space<vmem>>, vector<1x16xf32>,
          %get3A_2918 = arith.constant 45 : i32
          %get3A_2919 = arith.index_cast %get3A_2918 : i32 to index
          %get3A_2920 = arith.index_cast %mul3A_37 : i32 to index
          %get3A_2921 = tpu.vector_load %arg5[%get3A_2919, %get3A_2920] {strides = array<i32>} : memref<64x256xf32, #tpu.memory_space<vmem>>, vector<1x16xf32>,
          %get3A_2922 = vector.shape_cast %get3A_2921 : vector<1x16xf32> to vector<16xf32>
          %mul3A_2923 = arith.mulf %get3A_2922, %div3A_2017 : vector<16xf32>
          %add3A_2924 = arith.constant 5.000000e-01 : f32
          %add3A_2925 = vector.broadcast %add3A_2924 : f32 to vector<16xf32>
          %add3A_2926 = arith.addf %mul3A_2923, %add3A_2925 : vector<16xf32>
          %convert_element_type3A_2927 = arith.fptosi %add3A_2926 : vector<16xf32> to vector<16xi32>
          %convert_element_type3A_2928 = arith.sitofp %convert_element_type3A_2927 : vector<16xi32> to vector<16xf32>
          %mul3A_2929 = arith.constant 0.00392156886 : f32
          %mul3A_2930 = vector.broadcast %mul3A_2929 : f32 to vector<16xf32>
          %mul3A_2931 = arith.mulf %convert_element_type3A_2928, %mul3A_2930 : vector<16xf32>
          %swap3A_2932 = arith.constant 45 : i32
          %swap3A_2933 = arith.index_cast %swap3A_2932 : i32 to index
          %swap3A_2934 = arith.index_cast %mul3A_37 : i32 to index
          %swap3A_2935 = tpu.vector_load %arg5[%swap3A_2933, %swap3A_2934] {strides = array<i32>} : memref<64x256xf32, #tpu.memory_space<vmem>>, vector<1x16xf32>,
          %swap3A_2936 = vector.shape_cast %swap3A_2935 : vector<1x16xf32> to vector<16xf32>
          %swap3A_2937 = vector.shape_cast %mul3A_2931 : vector<16xf32> to vector<1x16xf32>
          tpu.vector_store %arg5[%swap3A_2933, %swap3A_2934], %swap3A_2937 {strides = array<i32>} : memref<64x256xf32, #tpu.memory_space<vmem>>, vector<1x16xf32>,
          %get3A_2938 = arith.constant 46 : i32
          %get3A_2939 = arith.index_cast %get3A_2938 : i32 to index
          %get3A_2940 = arith.index_cast %mul3A_37 : i32 to index
          %get3A_2941 = tpu.vector_load %arg5[%get3A_2939, %get3A_2940] {strides = array<i32>} : memref<64x256xf32, #tpu.memory_space<vmem>>, vector<1x16xf32>,
          %get3A_2942 = vector.shape_cast %get3A_2941 : vector<1x16xf32> to vector<16xf32>
          %mul3A_2943 = arith.mulf %get3A_2942, %div3A_2017 : vector<16xf32>
          %add3A_2944 = arith.constant 5.000000e-01 : f32
          %add3A_2945 = vector.broadcast %add3A_2944 : f32 to vector<16xf32>
          %add3A_2946 = arith.addf %mul3A_2943, %add3A_2945 : vector<16xf32>
          %convert_element_type3A_2947 = arith.fptosi %add3A_2946 : vector<16xf32> to vector<16xi32>
          %convert_element_type3A_2948 = arith.sitofp %convert_element_type3A_2947 : vector<16xi32> to vector<16xf32>
          %mul3A_2949 = arith.constant 0.00392156886 : f32
          %mul3A_2950 = vector.broadcast %mul3A_2949 : f32 to vector<16xf32>
          %mul3A_2951 = arith.mulf %convert_element_type3A_2948, %mul3A_2950 : vector<16xf32>
          %swap3A_2952 = arith.constant 46 : i32
          %swap3A_2953 = arith.index_cast %swap3A_2952 : i32 to index
          %swap3A_2954 = arith.index_cast %mul3A_37 : i32 to index
          %swap3A_2955 = tpu.vector_load %arg5[%swap3A_2953, %swap3A_2954] {strides = array<i32>} : memref<64x256xf32, #tpu.memory_space<vmem>>, vector<1x16xf32>,
          %swap3A_2956 = vector.shape_cast %swap3A_2955 : vector<1x16xf32> to vector<16xf32>
          %swap3A_2957 = vector.shape_cast %mul3A_2951 : vector<16xf32> to vector<1x16xf32>
          tpu.vector_store %arg5[%swap3A_2953, %swap3A_2954], %swap3A_2957 {strides = array<i32>} : memref<64x256xf32, #tpu.memory_space<vmem>>, vector<1x16xf32>,
          %get3A_2958 = arith.constant 47 : i32
          %get3A_2959 = arith.index_cast %get3A_2958 : i32 to index
          %get3A_2960 = arith.index_cast %mul3A_37 : i32 to index
          %get3A_2961 = tpu.vector_load %arg5[%get3A_2959, %get3A_2960] {strides = array<i32>} : memref<64x256xf32, #tpu.memory_space<vmem>>, vector<1x16xf32>,
          %get3A_2962 = vector.shape_cast %get3A_2961 : vector<1x16xf32> to vector<16xf32>
          %mul3A_2963 = arith.mulf %get3A_2962, %div3A_2017 : vector<16xf32>
          %add3A_2964 = arith.constant 5.000000e-01 : f32
          %add3A_2965 = vector.broadcast %add3A_2964 : f32 to vector<16xf32>
          %add3A_2966 = arith.addf %mul3A_2963, %add3A_2965 : vector<16xf32>
          %convert_element_type3A_2967 = arith.fptosi %add3A_2966 : vector<16xf32> to vector<16xi32>
          %convert_element_type3A_2968 = arith.sitofp %convert_element_type3A_2967 : vector<16xi32> to vector<16xf32>
          %mul3A_2969 = arith.constant 0.00392156886 : f32
          %mul3A_2970 = vector.broadcast %mul3A_2969 : f32 to vector<16xf32>
          %mul3A_2971 = arith.mulf %convert_element_type3A_2968, %mul3A_2970 : vector<16xf32>
          %swap3A_2972 = arith.constant 47 : i32
          %swap3A_2973 = arith.index_cast %swap3A_2972 : i32 to index
          %swap3A_2974 = arith.index_cast %mul3A_37 : i32 to index
          %swap3A_2975 = tpu.vector_load %arg5[%swap3A_2973, %swap3A_2974] {strides = array<i32>} : memref<64x256xf32, #tpu.memory_space<vmem>>, vector<1x16xf32>,
          %swap3A_2976 = vector.shape_cast %swap3A_2975 : vector<1x16xf32> to vector<16xf32>
          %swap3A_2977 = vector.shape_cast %mul3A_2971 : vector<16xf32> to vector<1x16xf32>
          tpu.vector_store %arg5[%swap3A_2973, %swap3A_2974], %swap3A_2977 {strides = array<i32>} : memref<64x256xf32, #tpu.memory_space<vmem>>, vector<1x16xf32>,
          %get3A_2978 = arith.constant 48 : i32
          %get3A_2979 = arith.index_cast %get3A_2978 : i32 to index
          %get3A_2980 = arith.index_cast %mul3A_37 : i32 to index
          %get3A_2981 = tpu.vector_load %arg5[%get3A_2979, %get3A_2980] {strides = array<i32>} : memref<64x256xf32, #tpu.memory_space<vmem>>, vector<1x16xf32>,
          %get3A_2982 = vector.shape_cast %get3A_2981 : vector<1x16xf32> to vector<16xf32>
          %mul3A_2983 = arith.mulf %get3A_2982, %div3A_2017 : vector<16xf32>
          %add3A_2984 = arith.constant 5.000000e-01 : f32
          %add3A_2985 = vector.broadcast %add3A_2984 : f32 to vector<16xf32>
          %add3A_2986 = arith.addf %mul3A_2983, %add3A_2985 : vector<16xf32>
          %convert_element_type3A_2987 = arith.fptosi %add3A_2986 : vector<16xf32> to vector<16xi32>
          %convert_element_type3A_2988 = arith.sitofp %convert_element_type3A_2987 : vector<16xi32> to vector<16xf32>
          %mul3A_2989 = arith.constant 0.00392156886 : f32
          %mul3A_2990 = vector.broadcast %mul3A_2989 : f32 to vector<16xf32>
          %mul3A_2991 = arith.mulf %convert_element_type3A_2988, %mul3A_2990 : vector<16xf32>
          %swap3A_2992 = arith.constant 48 : i32
          %swap3A_2993 = arith.index_cast %swap3A_2992 : i32 to index
          %swap3A_2994 = arith.index_cast %mul3A_37 : i32 to index
          %swap3A_2995 = tpu.vector_load %arg5[%swap3A_2993, %swap3A_2994] {strides = array<i32>} : memref<64x256xf32, #tpu.memory_space<vmem>>, vector<1x16xf32>,
          %swap3A_2996 = vector.shape_cast %swap3A_2995 : vector<1x16xf32> to vector<16xf32>
          %swap3A_2997 = vector.shape_cast %mul3A_2991 : vector<16xf32> to vector<1x16xf32>
          tpu.vector_store %arg5[%swap3A_2993, %swap3A_2994], %swap3A_2997 {strides = array<i32>} : memref<64x256xf32, #tpu.memory_space<vmem>>, vector<1x16xf32>,
          %get3A_2998 = arith.constant 49 : i32
          %get3A_2999 = arith.index_cast %get3A_2998 : i32 to index
          %get3A_3000 = arith.index_cast %mul3A_37 : i32 to index
          %get3A_3001 = tpu.vector_load %arg5[%get3A_2999, %get3A_3000] {strides = array<i32>} : memref<64x256xf32, #tpu.memory_space<vmem>>, vector<1x16xf32>,
          %get3A_3002 = vector.shape_cast %get3A_3001 : vector<1x16xf32> to vector<16xf32>
          %mul3A_3003 = arith.mulf %get3A_3002, %div3A_2017 : vector<16xf32>
          %add3A_3004 = arith.constant 5.000000e-01 : f32
          %add3A_3005 = vector.broadcast %add3A_3004 : f32 to vector<16xf32>
          %add3A_3006 = arith.addf %mul3A_3003, %add3A_3005 : vector<16xf32>
          %convert_element_type3A_3007 = arith.fptosi %add3A_3006 : vector<16xf32> to vector<16xi32>
          %convert_element_type3A_3008 = arith.sitofp %convert_element_type3A_3007 : vector<16xi32> to vector<16xf32>
          %mul3A_3009 = arith.constant 0.00392156886 : f32
          %mul3A_3010 = vector.broadcast %mul3A_3009 : f32 to vector<16xf32>
          %mul3A_3011 = arith.mulf %convert_element_type3A_3008, %mul3A_3010 : vector<16xf32>
          %swap3A_3012 = arith.constant 49 : i32
          %swap3A_3013 = arith.index_cast %swap3A_3012 : i32 to index
          %swap3A_3014 = arith.index_cast %mul3A_37 : i32 to index
          %swap3A_3015 = tpu.vector_load %arg5[%swap3A_3013, %swap3A_3014] {strides = array<i32>} : memref<64x256xf32, #tpu.memory_space<vmem>>, vector<1x16xf32>,
          %swap3A_3016 = vector.shape_cast %swap3A_3015 : vector<1x16xf32> to vector<16xf32>
          %swap3A_3017 = vector.shape_cast %mul3A_3011 : vector<16xf32> to vector<1x16xf32>
          tpu.vector_store %arg5[%swap3A_3013, %swap3A_3014], %swap3A_3017 {strides = array<i32>} : memref<64x256xf32, #tpu.memory_space<vmem>>, vector<1x16xf32>,
          %get3A_3018 = arith.constant 50 : i32
          %get3A_3019 = arith.index_cast %get3A_3018 : i32 to index
          %get3A_3020 = arith.index_cast %mul3A_37 : i32 to index
          %get3A_3021 = tpu.vector_load %arg5[%get3A_3019, %get3A_3020] {strides = array<i32>} : memref<64x256xf32, #tpu.memory_space<vmem>>, vector<1x16xf32>,
          %get3A_3022 = vector.shape_cast %get3A_3021 : vector<1x16xf32> to vector<16xf32>
          %mul3A_3023 = arith.mulf %get3A_3022, %div3A_2017 : vector<16xf32>
          %add3A_3024 = arith.constant 5.000000e-01 : f32
          %add3A_3025 = vector.broadcast %add3A_3024 : f32 to vector<16xf32>
          %add3A_3026 = arith.addf %mul3A_3023, %add3A_3025 : vector<16xf32>
          %convert_element_type3A_3027 = arith.fptosi %add3A_3026 : vector<16xf32> to vector<16xi32>
          %convert_element_type3A_3028 = arith.sitofp %convert_element_type3A_3027 : vector<16xi32> to vector<16xf32>
          %mul3A_3029 = arith.constant 0.00392156886 : f32
          %mul3A_3030 = vector.broadcast %mul3A_3029 : f32 to vector<16xf32>
          %mul3A_3031 = arith.mulf %convert_element_type3A_3028, %mul3A_3030 : vector<16xf32>
          %swap3A_3032 = arith.constant 50 : i32
          %swap3A_3033 = arith.index_cast %swap3A_3032 : i32 to index
          %swap3A_3034 = arith.index_cast %mul3A_37 : i32 to index
          %swap3A_3035 = tpu.vector_load %arg5[%swap3A_3033, %swap3A_3034] {strides = array<i32>} : memref<64x256xf32, #tpu.memory_space<vmem>>, vector<1x16xf32>,
          %swap3A_3036 = vector.shape_cast %swap3A_3035 : vector<1x16xf32> to vector<16xf32>
          %swap3A_3037 = vector.shape_cast %mul3A_3031 : vector<16xf32> to vector<1x16xf32>
          tpu.vector_store %arg5[%swap3A_3033, %swap3A_3034], %swap3A_3037 {strides = array<i32>} : memref<64x256xf32, #tpu.memory_space<vmem>>, vector<1x16xf32>,
          %get3A_3038 = arith.constant 51 : i32
          %get3A_3039 = arith.index_cast %get3A_3038 : i32 to index
          %get3A_3040 = arith.index_cast %mul3A_37 : i32 to index
          %get3A_3041 = tpu.vector_load %arg5[%get3A_3039, %get3A_3040] {strides = array<i32>} : memref<64x256xf32, #tpu.memory_space<vmem>>, vector<1x16xf32>,
          %get3A_3042 = vector.shape_cast %get3A_3041 : vector<1x16xf32> to vector<16xf32>
          %mul3A_3043 = arith.mulf %get3A_3042, %div3A_2017 : vector<16xf32>
          %add3A_3044 = arith.constant 5.000000e-01 : f32
          %add3A_3045 = vector.broadcast %add3A_3044 : f32 to vector<16xf32>
          %add3A_3046 = arith.addf %mul3A_3043, %add3A_3045 : vector<16xf32>
          %convert_element_type3A_3047 = arith.fptosi %add3A_3046 : vector<16xf32> to vector<16xi32>
          %convert_element_type3A_3048 = arith.sitofp %convert_element_type3A_3047 : vector<16xi32> to vector<16xf32>
          %mul3A_3049 = arith.constant 0.00392156886 : f32
          %mul3A_3050 = vector.broadcast %mul3A_3049 : f32 to vector<16xf32>
          %mul3A_3051 = arith.mulf %convert_element_type3A_3048, %mul3A_3050 : vector<16xf32>
          %swap3A_3052 = arith.constant 51 : i32
          %swap3A_3053 = arith.index_cast %swap3A_3052 : i32 to index
          %swap3A_3054 = arith.index_cast %mul3A_37 : i32 to index
          %swap3A_3055 = tpu.vector_load %arg5[%swap3A_3053, %swap3A_3054] {strides = array<i32>} : memref<64x256xf32, #tpu.memory_space<vmem>>, vector<1x16xf32>,
          %swap3A_3056 = vector.shape_cast %swap3A_3055 : vector<1x16xf32> to vector<16xf32>
          %swap3A_3057 = vector.shape_cast %mul3A_3051 : vector<16xf32> to vector<1x16xf32>
          tpu.vector_store %arg5[%swap3A_3053, %swap3A_3054], %swap3A_3057 {strides = array<i32>} : memref<64x256xf32, #tpu.memory_space<vmem>>, vector<1x16xf32>,
          %get3A_3058 = arith.constant 52 : i32
          %get3A_3059 = arith.index_cast %get3A_3058 : i32 to index
          %get3A_3060 = arith.index_cast %mul3A_37 : i32 to index
          %get3A_3061 = tpu.vector_load %arg5[%get3A_3059, %get3A_3060] {strides = array<i32>} : memref<64x256xf32, #tpu.memory_space<vmem>>, vector<1x16xf32>,
          %get3A_3062 = vector.shape_cast %get3A_3061 : vector<1x16xf32> to vector<16xf32>
          %mul3A_3063 = arith.mulf %get3A_3062, %div3A_2017 : vector<16xf32>
          %add3A_3064 = arith.constant 5.000000e-01 : f32
          %add3A_3065 = vector.broadcast %add3A_3064 : f32 to vector<16xf32>
          %add3A_3066 = arith.addf %mul3A_3063, %add3A_3065 : vector<16xf32>
          %convert_element_type3A_3067 = arith.fptosi %add3A_3066 : vector<16xf32> to vector<16xi32>
          %convert_element_type3A_3068 = arith.sitofp %convert_element_type3A_3067 : vector<16xi32> to vector<16xf32>
          %mul3A_3069 = arith.constant 0.00392156886 : f32
          %mul3A_3070 = vector.broadcast %mul3A_3069 : f32 to vector<16xf32>
          %mul3A_3071 = arith.mulf %convert_element_type3A_3068, %mul3A_3070 : vector<16xf32>
          %swap3A_3072 = arith.constant 52 : i32
          %swap3A_3073 = arith.index_cast %swap3A_3072 : i32 to index
          %swap3A_3074 = arith.index_cast %mul3A_37 : i32 to index
          %swap3A_3075 = tpu.vector_load %arg5[%swap3A_3073, %swap3A_3074] {strides = array<i32>} : memref<64x256xf32, #tpu.memory_space<vmem>>, vector<1x16xf32>,
          %swap3A_3076 = vector.shape_cast %swap3A_3075 : vector<1x16xf32> to vector<16xf32>
          %swap3A_3077 = vector.shape_cast %mul3A_3071 : vector<16xf32> to vector<1x16xf32>
          tpu.vector_store %arg5[%swap3A_3073, %swap3A_3074], %swap3A_3077 {strides = array<i32>} : memref<64x256xf32, #tpu.memory_space<vmem>>, vector<1x16xf32>,
          %get3A_3078 = arith.constant 53 : i32
          %get3A_3079 = arith.index_cast %get3A_3078 : i32 to index
          %get3A_3080 = arith.index_cast %mul3A_37 : i32 to index
          %get3A_3081 = tpu.vector_load %arg5[%get3A_3079, %get3A_3080] {strides = array<i32>} : memref<64x256xf32, #tpu.memory_space<vmem>>, vector<1x16xf32>,
          %get3A_3082 = vector.shape_cast %get3A_3081 : vector<1x16xf32> to vector<16xf32>
          %mul3A_3083 = arith.mulf %get3A_3082, %div3A_2017 : vector<16xf32>
          %add3A_3084 = arith.constant 5.000000e-01 : f32
          %add3A_3085 = vector.broadcast %add3A_3084 : f32 to vector<16xf32>
          %add3A_3086 = arith.addf %mul3A_3083, %add3A_3085 : vector<16xf32>
          %convert_element_type3A_3087 = arith.fptosi %add3A_3086 : vector<16xf32> to vector<16xi32>
          %convert_element_type3A_3088 = arith.sitofp %convert_element_type3A_3087 : vector<16xi32> to vector<16xf32>
          %mul3A_3089 = arith.constant 0.00392156886 : f32
          %mul3A_3090 = vector.broadcast %mul3A_3089 : f32 to vector<16xf32>
          %mul3A_3091 = arith.mulf %convert_element_type3A_3088, %mul3A_3090 : vector<16xf32>
          %swap3A_3092 = arith.constant 53 : i32
          %swap3A_3093 = arith.index_cast %swap3A_3092 : i32 to index
          %swap3A_3094 = arith.index_cast %mul3A_37 : i32 to index
          %swap3A_3095 = tpu.vector_load %arg5[%swap3A_3093, %swap3A_3094] {strides = array<i32>} : memref<64x256xf32, #tpu.memory_space<vmem>>, vector<1x16xf32>,
          %swap3A_3096 = vector.shape_cast %swap3A_3095 : vector<1x16xf32> to vector<16xf32>
          %swap3A_3097 = vector.shape_cast %mul3A_3091 : vector<16xf32> to vector<1x16xf32>
          tpu.vector_store %arg5[%swap3A_3093, %swap3A_3094], %swap3A_3097 {strides = array<i32>} : memref<64x256xf32, #tpu.memory_space<vmem>>, vector<1x16xf32>,
          %get3A_3098 = arith.constant 54 : i32
          %get3A_3099 = arith.index_cast %get3A_3098 : i32 to index
          %get3A_3100 = arith.index_cast %mul3A_37 : i32 to index
          %get3A_3101 = tpu.vector_load %arg5[%get3A_3099, %get3A_3100] {strides = array<i32>} : memref<64x256xf32, #tpu.memory_space<vmem>>, vector<1x16xf32>,
          %get3A_3102 = vector.shape_cast %get3A_3101 : vector<1x16xf32> to vector<16xf32>
          %mul3A_3103 = arith.mulf %get3A_3102, %div3A_2017 : vector<16xf32>
          %add3A_3104 = arith.constant 5.000000e-01 : f32
          %add3A_3105 = vector.broadcast %add3A_3104 : f32 to vector<16xf32>
          %add3A_3106 = arith.addf %mul3A_3103, %add3A_3105 : vector<16xf32>
          %convert_element_type3A_3107 = arith.fptosi %add3A_3106 : vector<16xf32> to vector<16xi32>
          %convert_element_type3A_3108 = arith.sitofp %convert_element_type3A_3107 : vector<16xi32> to vector<16xf32>
          %mul3A_3109 = arith.constant 0.00392156886 : f32
          %mul3A_3110 = vector.broadcast %mul3A_3109 : f32 to vector<16xf32>
          %mul3A_3111 = arith.mulf %convert_element_type3A_3108, %mul3A_3110 : vector<16xf32>
          %swap3A_3112 = arith.constant 54 : i32
          %swap3A_3113 = arith.index_cast %swap3A_3112 : i32 to index
          %swap3A_3114 = arith.index_cast %mul3A_37 : i32 to index
          %swap3A_3115 = tpu.vector_load %arg5[%swap3A_3113, %swap3A_3114] {strides = array<i32>} : memref<64x256xf32, #tpu.memory_space<vmem>>, vector<1x16xf32>,
          %swap3A_3116 = vector.shape_cast %swap3A_3115 : vector<1x16xf32> to vector<16xf32>
          %swap3A_3117 = vector.shape_cast %mul3A_3111 : vector<16xf32> to vector<1x16xf32>
          tpu.vector_store %arg5[%swap3A_3113, %swap3A_3114], %swap3A_3117 {strides = array<i32>} : memref<64x256xf32, #tpu.memory_space<vmem>>, vector<1x16xf32>,
          %get3A_3118 = arith.constant 55 : i32
          %get3A_3119 = arith.index_cast %get3A_3118 : i32 to index
          %get3A_3120 = arith.index_cast %mul3A_37 : i32 to index
          %get3A_3121 = tpu.vector_load %arg5[%get3A_3119, %get3A_3120] {strides = array<i32>} : memref<64x256xf32, #tpu.memory_space<vmem>>, vector<1x16xf32>,
          %get3A_3122 = vector.shape_cast %get3A_3121 : vector<1x16xf32> to vector<16xf32>
          %mul3A_3123 = arith.mulf %get3A_3122, %div3A_2017 : vector<16xf32>
          %add3A_3124 = arith.constant 5.000000e-01 : f32
          %add3A_3125 = vector.broadcast %add3A_3124 : f32 to vector<16xf32>
          %add3A_3126 = arith.addf %mul3A_3123, %add3A_3125 : vector<16xf32>
          %convert_element_type3A_3127 = arith.fptosi %add3A_3126 : vector<16xf32> to vector<16xi32>
          %convert_element_type3A_3128 = arith.sitofp %convert_element_type3A_3127 : vector<16xi32> to vector<16xf32>
          %mul3A_3129 = arith.constant 0.00392156886 : f32
          %mul3A_3130 = vector.broadcast %mul3A_3129 : f32 to vector<16xf32>
          %mul3A_3131 = arith.mulf %convert_element_type3A_3128, %mul3A_3130 : vector<16xf32>
          %swap3A_3132 = arith.constant 55 : i32
          %swap3A_3133 = arith.index_cast %swap3A_3132 : i32 to index
          %swap3A_3134 = arith.index_cast %mul3A_37 : i32 to index
          %swap3A_3135 = tpu.vector_load %arg5[%swap3A_3133, %swap3A_3134] {strides = array<i32>} : memref<64x256xf32, #tpu.memory_space<vmem>>, vector<1x16xf32>,
          %swap3A_3136 = vector.shape_cast %swap3A_3135 : vector<1x16xf32> to vector<16xf32>
          %swap3A_3137 = vector.shape_cast %mul3A_3131 : vector<16xf32> to vector<1x16xf32>
          tpu.vector_store %arg5[%swap3A_3133, %swap3A_3134], %swap3A_3137 {strides = array<i32>} : memref<64x256xf32, #tpu.memory_space<vmem>>, vector<1x16xf32>,
          %get3A_3138 = arith.constant 56 : i32
          %get3A_3139 = arith.index_cast %get3A_3138 : i32 to index
          %get3A_3140 = arith.index_cast %mul3A_37 : i32 to index
          %get3A_3141 = tpu.vector_load %arg5[%get3A_3139, %get3A_3140] {strides = array<i32>} : memref<64x256xf32, #tpu.memory_space<vmem>>, vector<1x16xf32>,
          %get3A_3142 = vector.shape_cast %get3A_3141 : vector<1x16xf32> to vector<16xf32>
          %mul3A_3143 = arith.mulf %get3A_3142, %div3A_2017 : vector<16xf32>
          %add3A_3144 = arith.constant 5.000000e-01 : f32
          %add3A_3145 = vector.broadcast %add3A_3144 : f32 to vector<16xf32>
          %add3A_3146 = arith.addf %mul3A_3143, %add3A_3145 : vector<16xf32>
          %convert_element_type3A_3147 = arith.fptosi %add3A_3146 : vector<16xf32> to vector<16xi32>
          %convert_element_type3A_3148 = arith.sitofp %convert_element_type3A_3147 : vector<16xi32> to vector<16xf32>
          %mul3A_3149 = arith.constant 0.00392156886 : f32
          %mul3A_3150 = vector.broadcast %mul3A_3149 : f32 to vector<16xf32>
          %mul3A_3151 = arith.mulf %convert_element_type3A_3148, %mul3A_3150 : vector<16xf32>
          %swap3A_3152 = arith.constant 56 : i32
          %swap3A_3153 = arith.index_cast %swap3A_3152 : i32 to index
          %swap3A_3154 = arith.index_cast %mul3A_37 : i32 to index
          %swap3A_3155 = tpu.vector_load %arg5[%swap3A_3153, %swap3A_3154] {strides = array<i32>} : memref<64x256xf32, #tpu.memory_space<vmem>>, vector<1x16xf32>,
          %swap3A_3156 = vector.shape_cast %swap3A_3155 : vector<1x16xf32> to vector<16xf32>
          %swap3A_3157 = vector.shape_cast %mul3A_3151 : vector<16xf32> to vector<1x16xf32>
          tpu.vector_store %arg5[%swap3A_3153, %swap3A_3154], %swap3A_3157 {strides = array<i32>} : memref<64x256xf32, #tpu.memory_space<vmem>>, vector<1x16xf32>,
          %get3A_3158 = arith.constant 57 : i32
          %get3A_3159 = arith.index_cast %get3A_3158 : i32 to index
          %get3A_3160 = arith.index_cast %mul3A_37 : i32 to index
          %get3A_3161 = tpu.vector_load %arg5[%get3A_3159, %get3A_3160] {strides = array<i32>} : memref<64x256xf32, #tpu.memory_space<vmem>>, vector<1x16xf32>,
          %get3A_3162 = vector.shape_cast %get3A_3161 : vector<1x16xf32> to vector<16xf32>
          %mul3A_3163 = arith.mulf %get3A_3162, %div3A_2017 : vector<16xf32>
          %add3A_3164 = arith.constant 5.000000e-01 : f32
          %add3A_3165 = vector.broadcast %add3A_3164 : f32 to vector<16xf32>
          %add3A_3166 = arith.addf %mul3A_3163, %add3A_3165 : vector<16xf32>
          %convert_element_type3A_3167 = arith.fptosi %add3A_3166 : vector<16xf32> to vector<16xi32>
          %convert_element_type3A_3168 = arith.sitofp %convert_element_type3A_3167 : vector<16xi32> to vector<16xf32>
          %mul3A_3169 = arith.constant 0.00392156886 : f32
          %mul3A_3170 = vector.broadcast %mul3A_3169 : f32 to vector<16xf32>
          %mul3A_3171 = arith.mulf %convert_element_type3A_3168, %mul3A_3170 : vector<16xf32>
          %swap3A_3172 = arith.constant 57 : i32
          %swap3A_3173 = arith.index_cast %swap3A_3172 : i32 to index
          %swap3A_3174 = arith.index_cast %mul3A_37 : i32 to index
          %swap3A_3175 = tpu.vector_load %arg5[%swap3A_3173, %swap3A_3174] {strides = array<i32>} : memref<64x256xf32, #tpu.memory_space<vmem>>, vector<1x16xf32>,
          %swap3A_3176 = vector.shape_cast %swap3A_3175 : vector<1x16xf32> to vector<16xf32>
          %swap3A_3177 = vector.shape_cast %mul3A_3171 : vector<16xf32> to vector<1x16xf32>
          tpu.vector_store %arg5[%swap3A_3173, %swap3A_3174], %swap3A_3177 {strides = array<i32>} : memref<64x256xf32, #tpu.memory_space<vmem>>, vector<1x16xf32>,
          %get3A_3178 = arith.constant 58 : i32
          %get3A_3179 = arith.index_cast %get3A_3178 : i32 to index
          %get3A_3180 = arith.index_cast %mul3A_37 : i32 to index
          %get3A_3181 = tpu.vector_load %arg5[%get3A_3179, %get3A_3180] {strides = array<i32>} : memref<64x256xf32, #tpu.memory_space<vmem>>, vector<1x16xf32>,
          %get3A_3182 = vector.shape_cast %get3A_3181 : vector<1x16xf32> to vector<16xf32>
          %mul3A_3183 = arith.mulf %get3A_3182, %div3A_2017 : vector<16xf32>
          %add3A_3184 = arith.constant 5.000000e-01 : f32
          %add3A_3185 = vector.broadcast %add3A_3184 : f32 to vector<16xf32>
          %add3A_3186 = arith.addf %mul3A_3183, %add3A_3185 : vector<16xf32>
          %convert_element_type3A_3187 = arith.fptosi %add3A_3186 : vector<16xf32> to vector<16xi32>
          %convert_element_type3A_3188 = arith.sitofp %convert_element_type3A_3187 : vector<16xi32> to vector<16xf32>
          %mul3A_3189 = arith.constant 0.00392156886 : f32
          %mul3A_3190 = vector.broadcast %mul3A_3189 : f32 to vector<16xf32>
          %mul3A_3191 = arith.mulf %convert_element_type3A_3188, %mul3A_3190 : vector<16xf32>
          %swap3A_3192 = arith.constant 58 : i32
          %swap3A_3193 = arith.index_cast %swap3A_3192 : i32 to index
          %swap3A_3194 = arith.index_cast %mul3A_37 : i32 to index
          %swap3A_3195 = tpu.vector_load %arg5[%swap3A_3193, %swap3A_3194] {strides = array<i32>} : memref<64x256xf32, #tpu.memory_space<vmem>>, vector<1x16xf32>,
          %swap3A_3196 = vector.shape_cast %swap3A_3195 : vector<1x16xf32> to vector<16xf32>
          %swap3A_3197 = vector.shape_cast %mul3A_3191 : vector<16xf32> to vector<1x16xf32>
          tpu.vector_store %arg5[%swap3A_3193, %swap3A_3194], %swap3A_3197 {strides = array<i32>} : memref<64x256xf32, #tpu.memory_space<vmem>>, vector<1x16xf32>,
          %get3A_3198 = arith.constant 59 : i32
          %get3A_3199 = arith.index_cast %get3A_3198 : i32 to index
          %get3A_3200 = arith.index_cast %mul3A_37 : i32 to index
          %get3A_3201 = tpu.vector_load %arg5[%get3A_3199, %get3A_3200] {strides = array<i32>} : memref<64x256xf32, #tpu.memory_space<vmem>>, vector<1x16xf32>,
          %get3A_3202 = vector.shape_cast %get3A_3201 : vector<1x16xf32> to vector<16xf32>
          %mul3A_3203 = arith.mulf %get3A_3202, %div3A_2017 : vector<16xf32>
          %add3A_3204 = arith.constant 5.000000e-01 : f32
          %add3A_3205 = vector.broadcast %add3A_3204 : f32 to vector<16xf32>
          %add3A_3206 = arith.addf %mul3A_3203, %add3A_3205 : vector<16xf32>
          %convert_element_type3A_3207 = arith.fptosi %add3A_3206 : vector<16xf32> to vector<16xi32>
          %convert_element_type3A_3208 = arith.sitofp %convert_element_type3A_3207 : vector<16xi32> to vector<16xf32>
          %mul3A_3209 = arith.constant 0.00392156886 : f32
          %mul3A_3210 = vector.broadcast %mul3A_3209 : f32 to vector<16xf32>
          %mul3A_3211 = arith.mulf %convert_element_type3A_3208, %mul3A_3210 : vector<16xf32>
          %swap3A_3212 = arith.constant 59 : i32
          %swap3A_3213 = arith.index_cast %swap3A_3212 : i32 to index
          %swap3A_3214 = arith.index_cast %mul3A_37 : i32 to index
          %swap3A_3215 = tpu.vector_load %arg5[%swap3A_3213, %swap3A_3214] {strides = array<i32>} : memref<64x256xf32, #tpu.memory_space<vmem>>, vector<1x16xf32>,
          %swap3A_3216 = vector.shape_cast %swap3A_3215 : vector<1x16xf32> to vector<16xf32>
          %swap3A_3217 = vector.shape_cast %mul3A_3211 : vector<16xf32> to vector<1x16xf32>
          tpu.vector_store %arg5[%swap3A_3213, %swap3A_3214], %swap3A_3217 {strides = array<i32>} : memref<64x256xf32, #tpu.memory_space<vmem>>, vector<1x16xf32>,
          %get3A_3218 = arith.constant 60 : i32
          %get3A_3219 = arith.index_cast %get3A_3218 : i32 to index
          %get3A_3220 = arith.index_cast %mul3A_37 : i32 to index
          %get3A_3221 = tpu.vector_load %arg5[%get3A_3219, %get3A_3220] {strides = array<i32>} : memref<64x256xf32, #tpu.memory_space<vmem>>, vector<1x16xf32>,
          %get3A_3222 = vector.shape_cast %get3A_3221 : vector<1x16xf32> to vector<16xf32>
          %mul3A_3223 = arith.mulf %get3A_3222, %div3A_2017 : vector<16xf32>
          %add3A_3224 = arith.constant 5.000000e-01 : f32
          %add3A_3225 = vector.broadcast %add3A_3224 : f32 to vector<16xf32>
          %add3A_3226 = arith.addf %mul3A_3223, %add3A_3225 : vector<16xf32>
          %convert_element_type3A_3227 = arith.fptosi %add3A_3226 : vector<16xf32> to vector<16xi32>
          %convert_element_type3A_3228 = arith.sitofp %convert_element_type3A_3227 : vector<16xi32> to vector<16xf32>
          %mul3A_3229 = arith.constant 0.00392156886 : f32
          %mul3A_3230 = vector.broadcast %mul3A_3229 : f32 to vector<16xf32>
          %mul3A_3231 = arith.mulf %convert_element_type3A_3228, %mul3A_3230 : vector<16xf32>
          %swap3A_3232 = arith.constant 60 : i32
          %swap3A_3233 = arith.index_cast %swap3A_3232 : i32 to index
          %swap3A_3234 = arith.index_cast %mul3A_37 : i32 to index
          %swap3A_3235 = tpu.vector_load %arg5[%swap3A_3233, %swap3A_3234] {strides = array<i32>} : memref<64x256xf32, #tpu.memory_space<vmem>>, vector<1x16xf32>,
          %swap3A_3236 = vector.shape_cast %swap3A_3235 : vector<1x16xf32> to vector<16xf32>
          %swap3A_3237 = vector.shape_cast %mul3A_3231 : vector<16xf32> to vector<1x16xf32>
          tpu.vector_store %arg5[%swap3A_3233, %swap3A_3234], %swap3A_3237 {strides = array<i32>} : memref<64x256xf32, #tpu.memory_space<vmem>>, vector<1x16xf32>,
          %get3A_3238 = arith.constant 61 : i32
          %get3A_3239 = arith.index_cast %get3A_3238 : i32 to index
          %get3A_3240 = arith.index_cast %mul3A_37 : i32 to index
          %get3A_3241 = tpu.vector_load %arg5[%get3A_3239, %get3A_3240] {strides = array<i32>} : memref<64x256xf32, #tpu.memory_space<vmem>>, vector<1x16xf32>,
          %get3A_3242 = vector.shape_cast %get3A_3241 : vector<1x16xf32> to vector<16xf32>
          %mul3A_3243 = arith.mulf %get3A_3242, %div3A_2017 : vector<16xf32>
          %add3A_3244 = arith.constant 5.000000e-01 : f32
          %add3A_3245 = vector.broadcast %add3A_3244 : f32 to vector<16xf32>
          %add3A_3246 = arith.addf %mul3A_3243, %add3A_3245 : vector<16xf32>
          %convert_element_type3A_3247 = arith.fptosi %add3A_3246 : vector<16xf32> to vector<16xi32>
          %convert_element_type3A_3248 = arith.sitofp %convert_element_type3A_3247 : vector<16xi32> to vector<16xf32>
          %mul3A_3249 = arith.constant 0.00392156886 : f32
          %mul3A_3250 = vector.broadcast %mul3A_3249 : f32 to vector<16xf32>
          %mul3A_3251 = arith.mulf %convert_element_type3A_3248, %mul3A_3250 : vector<16xf32>
          %swap3A_3252 = arith.constant 61 : i32
          %swap3A_3253 = arith.index_cast %swap3A_3252 : i32 to index
          %swap3A_3254 = arith.index_cast %mul3A_37 : i32 to index
          %swap3A_3255 = tpu.vector_load %arg5[%swap3A_3253, %swap3A_3254] {strides = array<i32>} : memref<64x256xf32, #tpu.memory_space<vmem>>, vector<1x16xf32>,
          %swap3A_3256 = vector.shape_cast %swap3A_3255 : vector<1x16xf32> to vector<16xf32>
          %swap3A_3257 = vector.shape_cast %mul3A_3251 : vector<16xf32> to vector<1x16xf32>
          tpu.vector_store %arg5[%swap3A_3253, %swap3A_3254], %swap3A_3257 {strides = array<i32>} : memref<64x256xf32, #tpu.memory_space<vmem>>, vector<1x16xf32>,
          %get3A_3258 = arith.constant 62 : i32
          %get3A_3259 = arith.index_cast %get3A_3258 : i32 to index
          %get3A_3260 = arith.index_cast %mul3A_37 : i32 to index
          %get3A_3261 = tpu.vector_load %arg5[%get3A_3259, %get3A_3260] {strides = array<i32>} : memref<64x256xf32, #tpu.memory_space<vmem>>, vector<1x16xf32>,
          %get3A_3262 = vector.shape_cast %get3A_3261 : vector<1x16xf32> to vector<16xf32>
          %mul3A_3263 = arith.mulf %get3A_3262, %div3A_2017 : vector<16xf32>
          %add3A_3264 = arith.constant 5.000000e-01 : f32
          %add3A_3265 = vector.broadcast %add3A_3264 : f32 to vector<16xf32>
          %add3A_3266 = arith.addf %mul3A_3263, %add3A_3265 : vector<16xf32>
          %convert_element_type3A_3267 = arith.fptosi %add3A_3266 : vector<16xf32> to vector<16xi32>
          %convert_element_type3A_3268 = arith.sitofp %convert_element_type3A_3267 : vector<16xi32> to vector<16xf32>
          %mul3A_3269 = arith.constant 0.00392156886 : f32
          %mul3A_3270 = vector.broadcast %mul3A_3269 : f32 to vector<16xf32>
          %mul3A_3271 = arith.mulf %convert_element_type3A_3268, %mul3A_3270 : vector<16xf32>
          %swap3A_3272 = arith.constant 62 : i32
          %swap3A_3273 = arith.index_cast %swap3A_3272 : i32 to index
          %swap3A_3274 = arith.index_cast %mul3A_37 : i32 to index
          %swap3A_3275 = tpu.vector_load %arg5[%swap3A_3273, %swap3A_3274] {strides = array<i32>} : memref<64x256xf32, #tpu.memory_space<vmem>>, vector<1x16xf32>,
          %swap3A_3276 = vector.shape_cast %swap3A_3275 : vector<1x16xf32> to vector<16xf32>
          %swap3A_3277 = vector.shape_cast %mul3A_3271 : vector<16xf32> to vector<1x16xf32>
          tpu.vector_store %arg5[%swap3A_3273, %swap3A_3274], %swap3A_3277 {strides = array<i32>} : memref<64x256xf32, #tpu.memory_space<vmem>>, vector<1x16xf32>,
          %get3A_3278 = arith.constant 63 : i32
          %get3A_3279 = arith.index_cast %get3A_3278 : i32 to index
          %get3A_3280 = arith.index_cast %mul3A_37 : i32 to index
          %get3A_3281 = tpu.vector_load %arg5[%get3A_3279, %get3A_3280] {strides = array<i32>} : memref<64x256xf32, #tpu.memory_space<vmem>>, vector<1x16xf32>,
          %get3A_3282 = vector.shape_cast %get3A_3281 : vector<1x16xf32> to vector<16xf32>
          %mul3A_3283 = arith.mulf %get3A_3282, %div3A_2017 : vector<16xf32>
          %add3A_3284 = arith.constant 5.000000e-01 : f32
          %add3A_3285 = vector.broadcast %add3A_3284 : f32 to vector<16xf32>
          %add3A_3286 = arith.addf %mul3A_3283, %add3A_3285 : vector<16xf32>
          %convert_element_type3A_3287 = arith.fptosi %add3A_3286 : vector<16xf32> to vector<16xi32>
          %convert_element_type3A_3288 = arith.sitofp %convert_element_type3A_3287 : vector<16xi32> to vector<16xf32>
          %mul3A_3289 = arith.constant 0.00392156886 : f32
          %mul3A_3290 = vector.broadcast %mul3A_3289 : f32 to vector<16xf32>
          %mul3A_3291 = arith.mulf %convert_element_type3A_3288, %mul3A_3290 : vector<16xf32>
          %swap3A_3292 = arith.constant 63 : i32
          %swap3A_3293 = arith.index_cast %swap3A_3292 : i32 to index
          %swap3A_3294 = arith.index_cast %mul3A_37 : i32 to index
          %swap3A_3295 = tpu.vector_load %arg5[%swap3A_3293, %swap3A_3294] {strides = array<i32>} : memref<64x256xf32, #tpu.memory_space<vmem>>, vector<1x16xf32>,
          %swap3A_3296 = vector.shape_cast %swap3A_3295 : vector<1x16xf32> to vector<16xf32>
          %swap3A_3297 = vector.shape_cast %mul3A_3291 : vector<16xf32> to vector<1x16xf32>
          tpu.vector_store %arg5[%swap3A_3293, %swap3A_3294], %swap3A_3297 {strides = array<i32>} : memref<64x256xf32, #tpu.memory_space<vmem>>, vector<1x16xf32>,
          %scan3A_3298 = arith.constant 0 : i32
          scf.yield %scan3A_3298 : i32
        }
        %scan3A_30 = arith.constant 16 : i32
        %mul3A_31 = arith.constant 256 : i32
        %mul3A_32 = arith.muli %scan3A_19, %mul3A_31 : i32
        "tpu.region"() ({
          %run_scoped3A = tpu.sem_alloc : memref<!tpu.dma_semaphore, #tpu.memory_space<semaphore_mem>>
          %dma_start3A = arith.constant 0 : i32
          %dma_start3A_34 = tpu.memref_slice %arg3[%add3A_21, %dma_start3A, %mul3A_32] : memref<1024x64x1024xf32, #tpu.memory_space<hbm>> -> memref<1x64x256xf32, #tpu.memory_space<hbm>>
          %dma_start3A_35 = tpu.memref_squeeze %dma_start3A_34 : memref<1x64x256xf32, #tpu.memory_space<hbm>> -> memref<64x256xf32, #tpu.memory_space<hbm>>
          %dma_start3A_36 = arith.constant 0 : i32
          %dma_start3A_37 = tpu.memref_slice %arg3[%add3A_21, %dma_start3A_36, %mul3A_32] : memref<1024x64x1024xf32, #tpu.memory_space<hbm>> -> memref<1x64x256xf32, #tpu.memory_space<hbm>>
          %dma_start3A_38 = tpu.memref_squeeze %dma_start3A_37 : memref<1x64x256xf32, #tpu.memory_space<hbm>> -> memref<64x256xf32, #tpu.memory_space<hbm>>
          tpu.enqueue_dma source(%arg5 : memref<64x256xf32, #tpu.memory_space<vmem>>) target(%dma_start3A_38 : memref<64x256xf32, #tpu.memory_space<hbm>>) target_semaphore(%run_scoped3A : memref<!tpu.dma_semaphore, #tpu.memory_space<semaphore_mem>>)
          %dma_wait3A = arith.constant 0 : i32
          %dma_wait3A_39 = tpu.memref_slice %arg3[%add3A_21, %dma_wait3A, %mul3A_32] : memref<1024x64x1024xf32, #tpu.memory_space<hbm>> -> memref<1x64x256xf32, #tpu.memory_space<hbm>>
          %dma_wait3A_40 = tpu.memref_squeeze %dma_wait3A_39 : memref<1x64x256xf32, #tpu.memory_space<hbm>> -> memref<64x256xf32, #tpu.memory_space<hbm>>
          %dma_wait3A_41 = arith.constant 0 : i32
          %dma_wait3A_42 = tpu.memref_slice %arg3[%add3A_21, %dma_wait3A_41, %mul3A_32] : memref<1024x64x1024xf32, #tpu.memory_space<hbm>> -> memref<1x64x256xf32, #tpu.memory_space<hbm>>
          %dma_wait3A_43 = tpu.memref_squeeze %dma_wait3A_42 : memref<1x64x256xf32, #tpu.memory_space<hbm>> -> memref<64x256xf32, #tpu.memory_space<hbm>>
          tpu.wait_dma2 semaphore(%run_scoped3A : memref<!tpu.dma_semaphore, #tpu.memory_space<semaphore_mem>>) src(%arg5 : memref<64x256xf32, #tpu.memory_space<vmem>>) dst(%dma_wait3A_43 : memref<64x256xf32, #tpu.memory_space<hbm>>)
          tpu.yield
        }) : () -> ()
        %scan3A_33 = arith.constant 0 : i32
        scf.yield %scan3A_33 : i32
      }
      %scan3A_17 = arith.constant 4 : i32
      %scan3A_18 = arith.constant 0 : i32
      scf.yield %scan3A_18 : i32
    }
    %scan3A_8 = arith.constant 32 : i32
    return
  }
}

</mosaic_0001>

<sc_bundles>
// kernel: kernel.3.cloned.1.call-start
scs
__scs_entry_jumppad:
0x0: {  	(pc) =	sbr.rel $0x88, $3  }
0x1: {  	(tag) =	ssettag $0x0;
	lr =	simm.s32 $0x1  }
0x2: {  	[smem:$0x3FA0] =	sst lr;
	_ =	strace $0xD0000000  }
0x3: {  	_ = 	snop  }
0x4: {  	_ = 	snop  }
0x5: {  	_ = 	snop  }
0x6: {  	_ = 	snop  }
0x7: {  	_ = 	snop  }
__scs_overlays_trampoline_lowered:
0x8: {  	[smem:$0x3FAF] =	sst s0  }
0x9: {  	[smem:$0x3FB0] =	sst s1  }
0xa: {  	[smem:$0x3FB1] =	sst s2  }
0xb: {  	[smem:$0x3FB2] =	sst s3  }
0xc: {  	[smem:$0x3FB3] =	sst s4  }
0xd: {  	[smem:$0x3FB4] =	sst s5  }
0xe: {  	[smem:$0x3FB5] =	sst s6  }
0xf: {  	[smem:$0x3FB6] =	sst s7  }
0x10: {  	[smem:$0x3FB7] =	sst s8  }
0x11: {  	[smem:$0x3FB8] =	sst s9;
	s0 =	simm.s32 @!p0 $0x0  }
0x12: {  	s1 =	sld [smem:$0x3F9E];
	s0 =	simm.s32 @p0 $0x1  }
0x13: {  	[smem:$0x3FB9] =	sst s0;
	s0 =	simm.s32 @!p1 $0x0  }
0x14: {  	s2 =	sld [smem:$0x3F9D];
	s0 =	simm.s32 @p1 $0x1  }
0x15: {  	[smem:$0x3FBA] =	sst s0;
	s0 =	simm.s32 @!p2 $0x0  }
0x16: {  	s3 =	sld [smem:$0x3FDB];
	s0 =	simm.s32 @p2 $0x1  }
0x17: {  	s4 =	simm.s32 $0x1BF5;
	[smem:$0x3FBC] =	sst s0  }
0x18: {  	s0 =	sld [smem:$0x3F9F];
	_ =	swait.ge [sflag:s4], $0x0  }
0x19: {  	s7 =	sld [smem:$0x3FA0]  }
0x1a: {  	s8 =	sadd.s32 $0xFFFFE003, lr  }
0x1b: {  	s9 =	sadd.s32 $0xFFFFFEF7, lr;
	s5 =	simm.s32 $0xFFFFFFFF;
	p2 =	slt.u32 s8, $0xFFFFF086  }
0x1c: {  	p1 =	slt.u32 s9, $0xF7A;
	s5 =	simm.s32 @!p2 $0x0  }
0x1d: {  	s5 =	simm.s32 @p1 $0x1;
	p0 =	seq.s32 s7, s2  }
0x1e: {  	s7 =	smul.u32 @!p0 $0xF7A, s2;
	p2 =	seq.s32 @!p0 s5, $0x0  }
0x1f: {  	s9 =	smul.u32 $0xF7A, s1;
	s8 =	simm.s32 @!p0 $0x1BF5;
	p2 =	por !p2, p0  }
0x20: {  	[sflag:s8] =	ssyncset.s32 @!p0 $0xFFFFF086;
	s6 =	sadd.s32 @!p0 s3, s7;
	s7 =	simm.s32 @!p0 $0x108  }
0x21: {  	s3 =	sadd.s32 s3, s9;
	s6 =	sadd.s32 @!p0 $0x88, s6;
	s7 =	simm.s32 @p2 $0x1082  }
0x22: {  	[simem:s7], [sflag:s8] =	dma.local @!p0 [hbm:s6], $0xF7A  }
0x23: {  	s9 =	sor.u32 $0xD0000000, s2;
	s6 =	simm.s32 $0x108;
	_ =	swait.ge @!p0 [sflag:s8], $0x0  }
0x24: {  	s3 =	sadd.s32 $0x88, s3;
	s6 =	simm.s32 @!p1 $0x1082;
	[sflag:s4] =	ssyncset.s32 $0xFFFFF086  }
0x25: {  	[simem:s6], [sflag:s4] =	dma.local [hbm:s3], $0xF7A  }
0x26: {  	[smem:$0x3FA0] =	sst s1;
	(tag) =	ssettag s2;
	_ =	strace s9  }
0x27: {  	s1 =	sld [smem:$0x3FB0]  }
0x28: {  	s2 =	sld [smem:$0x3FB1]  }
0x29: {  	s4 =	sld [smem:$0x3FB3]  }
0x2a: {  	p0 =	seq.s32 s5, $0x0;
	s5 =	sld [smem:$0x3FB4]  }
0x2b: {  	s6 =	sld [smem:$0x3FB5]  }
0x2c: {  	s7 =	sld [smem:$0x3FB6]  }
0x2d: {  	s3 =	simm.s32 $0x108;
	s8 =	sld [smem:$0x3FB7]  }
0x2e: {  	s3 =	simm.s32 @!p0 $0x1082;
	s9 =	sld [smem:$0x3FB8]  }
0x2f: {  	lr =	sadd.s32 s0, s3;
	s0 =	sld [smem:$0x3FAF]  }
0x30: {  	s3 =	sld [smem:$0x3FB2]  }
0x31: {  	[smem:$0x3FBB] =	sst s10  }
0x32: {  	s10 =	sld [smem:$0x3FB9];
	_ =	sdelay $0x3  }
0x33: {  	p0 =	seq.s32 s10, $0x1;
	s10 =	sld [smem:$0x3FBB];
	_ =	sdelay $0x3  }
0x34: {  	[smem:$0x3FBB] =	sst s10  }
0x35: {  	s10 =	sld [smem:$0x3FBA];
	_ =	sdelay $0x3  }
0x36: {  	p1 =	seq.s32 s10, $0x1;
	s10 =	sld [smem:$0x3FBB];
	_ =	sdelay $0x3  }
0x37: {  	[smem:$0x3FBB] =	sst s10  }
0x38: {  	s10 =	sld [smem:$0x3FBC]  }
0x39: {  	_ = 	snop;
	(pc) =	sbr.ind lr, $3  }
0x3a: {  	_ = 	snop  }
0x3b: {  	_ = 	snop  }
0x3c: {  	p2 =	seq.s32 s10, $0x1;
	s10 =	sld [smem:$0x3FBB]  }
0x3d: {  	_ =	shalt  }
0x3e: {  	_ =	shalt  }
0x3f: {  	_ =	shalt  }
0x40: {  	_ =	shalt  }
0x41: {  	_ =	shalt  }
0x42: {  	_ =	shalt  }
0x43: {  	_ =	shalt  }
0x44: {  	_ =	shalt  }
0x45: {  	_ =	shalt  }
0x46: {  	_ =	shalt  }
0x47: {  	_ =	shalt  }
0x48: {  	_ =	shalt  }
0x49: {  	_ =	shalt  }
0x4a: {  	_ =	shalt  }
0x4b: {  	_ =	shalt  }
0x4c: {  	_ =	shalt  }
0x4d: {  	_ =	shalt  }
0x4e: {  	_ =	shalt  }
0x4f: {  	_ =	shalt  }
0x50: {  	_ =	shalt  }
0x51: {  	_ =	shalt  }
0x52: {  	_ =	shalt  }
0x53: {  	_ =	shalt  }
0x54: {  	_ =	shalt  }
0x55: {  	_ =	shalt  }
0x56: {  	_ =	shalt  }
0x57: {  	_ =	shalt  }
0x58: {  	_ =	shalt  }
0x59: {  	_ =	shalt  }
0x5a: {  	_ =	shalt  }
0x5b: {  	_ =	shalt  }
0x5c: {  	_ =	shalt  }
0x5d: {  	_ =	shalt  }
0x5e: {  	_ =	shalt  }
0x5f: {  	_ =	shalt  }
0x60: {  	_ =	shalt  }
0x61: {  	_ =	shalt  }
0x62: {  	_ =	shalt  }
0x63: {  	_ =	shalt  }
0x64: {  	_ =	shalt  }
0x65: {  	_ =	shalt  }
0x66: {  	_ =	shalt  }
0x67: {  	_ =	shalt  }
0x68: {  	_ =	shalt  }
0x69: {  	_ =	shalt  }
0x6a: {  	_ =	shalt  }
0x6b: {  	_ =	shalt  }
0x6c: {  	_ =	shalt  }
0x6d: {  	_ =	shalt  }
0x6e: {  	_ =	shalt  }
0x6f: {  	_ =	shalt  }
0x70: {  	_ =	shalt  }
0x71: {  	_ =	shalt  }
0x72: {  	_ =	shalt  }
0x73: {  	_ =	shalt  }
0x74: {  	_ =	shalt  }
0x75: {  	_ =	shalt  }
0x76: {  	_ =	shalt  }
0x77: {  	_ =	shalt  }
0x78: {  	_ =	shalt  }
0x79: {  	_ =	shalt  }
0x7a: {  	_ =	shalt  }
0x7b: {  	_ =	shalt  }
0x7c: {  	_ =	shalt  }
0x7d: {  	_ =	shalt  }
0x7e: {  	_ =	shalt  }
0x7f: {  	_ =	shalt  }
0x80: {  	_ =	shalt  }
0x81: {  	_ =	shalt  }
0x82: {  	_ =	shalt  }
0x83: {  	_ =	shalt  }
0x84: {  	_ =	shalt  }
0x85: {  	_ =	shalt  }
0x86: {  	_ =	shalt  }
0x87: {  	_ =	shalt  }
.Lfunc_end0:
.L_simem_size_0:
called_computation_lowered:
.L_overlay_start_0:
0x88: {  	s2 =	sld [smem:$0x3FD9]  }
0x89: {  	s3 =	sld [smem:$0x3FFE];
	_ =	sdelay $0x1  }
0x8a: {  	s1 =	srdreg.scid  }
0x8b: {  	s0 =	sand.u32 $0x1, s1  }
0x8c: {  	s18 =	sshll.u32 s0, $0xA;
	s2 =	sadd.s32 s3, s2  }
0x8d: {  	s2 =	sadd.s32 s2, s18  }
0x8e: {  	[smem:$0x3FC7] =	sst s2  }
0x8f: {  	_ = 	snop  }
0x90: {  	s2 =	sld [smem:$0x3FC9]  }
0x91: {  	s19 =	sld [smem:$0x3FD0];
	(tm) =	ssettm $0x1  }
0x92: {  	s4 =	sld [smem:$0x3FFB];
	_ =	sdelay $0x3  }
0x93: {  	_ =	strace s4  }
0x94: {  	s4 =	sld [smem:$0x3FFC];
	_ =	sdelay $0x3  }
0x95: {  	_ =	strace s4  }
0x96: {  	s4 =	sld [smem:$0x3FFD];
	_ =	sdelay $0x3  }
0x97: {  	_ =	strace s4  }
0x98: {  	_ =	strace $0x8FFFFFFF  }
0x99: {  	s20 =	sld [smem:$0x3FDB];
	_ =	sdelay $0x1  }
0x9a: {  	s5 =	simm.s32 $_scs_section_size  }
0x9b: {  	s6 =	simm.s32 $_size__tile_overlayer_lowered;
	s7 =	simm.s32 $_tile_overlayer_lowered  }
0x9c: {  	s23 =	simm.s32 $0x1BFF;
	s22 =	sshll.u32 s7, $0x1;
	s4 =	sadd.s32 s5, s20  }
0x9d: {  	s8 =	simm.s32 $0x0;
	s21 =	sshll.u32 s6, $0x1;
	s6 =	sadd.s32 s22, s4  }
0x9e: {  	[timem:s8], [sflag:s23] =	dma.local [hbm:s6], s21  }
0x9f: {  	_ =	swait.ge [sflag:s23], s21  }
0xa0: {  	s5 =	ssub.s32 $0x0, s21;
	[sflag:s23] =	ssyncset.done $0x0  }
0xa1: {  	[sflag:s23] =	ssyncadd.s32 s5;
	_ =	sdelay $0x1  }
0xa2: {  	s24 =	simm.s32 $0x1B8B  }
0xa3: {  	_ =	swait.ge [sflag:s24], $0x1  }
0xa4: {  	[sflag:s24] =	ssyncset.done $0x0  }
0xa5: {  	s25 =	simm.s32 $0x1B8E;
	[sflag:s24] =	ssyncadd.s32 $0xFFFFFFFF  }
0xa6: {  	s26 =	simm.s32 $execute0_lowered;
	[smem:$0x3FD2] =	sst s25  }
0xa7: {  	s5 =	sshll.u32 s26, $0x1;
	_ =	strace $0x80000046;
	[dreg:$0x1] =	wrdreg $0xFFFFFFFF  }
0xa8: {  	s28 =	simm.s32 $_size_execute0_lowered;
	s4 =	sadd.s32 s4, s5;
	[dreg:$0x0] =	wrdreg $0x0  }
0xa9: {  	s5 =	sshll.u32 s28, $0x1;
	[dreg:$0x2] =	wrdreg s4  }
0xaa: {  	[dreg:$0x3] =	wrdreg s5  }
0xab: {  	[dreg:$0x4] =	wrdreg $0xC0  }
0xac: {  	_ =	task [dreg:s8], $0x5FFFF  }
0xad: {  	[dreg:$0x1] =	wrdreg $0xFFFFFFFF  }
0xae: {  	[dreg:$0x0] =	wrdreg $0x60  }
0xaf: {  	[dreg:$0x2] =	wrdreg s2  }
0xb0: {  	[dreg:$0x3] =	wrdreg s19  }
0xb1: {  	[dreg:$0x4] =	wrdreg $0x9  }
0xb2: {  	_ =	task.clear_ibuf [dreg:s8], $0x5FFFF;
	_ =	strace $0x90000046  }
0xb3: {  	s29 =	simm.s32 $0x9;
	_ =	strace $0x80000048  }
0xb4: {  	_ =	swait.ge [sflag:s29], $0x1  }
0xb5: {  	[sflag:s29] =	ssyncadd.s32 $0xFFFFFFFF  }
0xb6: {  	_ =	strace $0x90000048  }
0xb7: {  	_ =	sfence  }
0xb8: {  	s30 =	sld [smem:$0x0];
	_ =	sdelay $0x2  }
0xb9: {  	s31 =	sshll.u32 s1, $0xD;
	s1 =	sshrl.u32 s1, $0x2  }
0xba: {  	s3 =	sand.u32 $0x4000, s31;
	s1 =	sadd.s32 s1, s30  }
0xbb: {  	s0 =	sor.u32 s3, s0;
	s1 =	sshll.u32 s1, $0x11  }
0xbc: {  	s0 =	sor.u32 s1, s0  }
0xbd: {  	s0 =	sadd.s32 $0x8F2B, s0  }
0xbe: {  	[sflag:s0] =	ssyncadd.remote.s32 $0x1  }
0xbf: {  	_ =	sfence.sel $0xFFFF  }
0xc0: {  	[dreg:$0x0] =	wrdreg $0xFFFFFFFF;
	(pc) =	sbr.abs _section_cstart, $3  }
0xc1: {  	[dreg:$0x1] =	wrdreg $0xFFFFFFFF  }
0xc2: {  	_ =	task.clear_ibuf [dreg:s8], $0x2FFFF;
	_ =	strace $0x9FFFFFFF  }
0xc3: {  	(tm) =	ssettm $0x7FFFFFFF  }
tec
execute0_lowered:
.L_overlay_start_1:
0x0: {  	(tag) =	ssettag $0x1  }
0x1: {  	s0 =	srdreg.scid  }
0x2: {  	s3 =	simm.s32 $0x0;
	s0 =	sand.u32 $0x1, s0  }
0x3: {  	s4 =	stileid.u32;
	[smem:$0x7FF] =	sst s3;
	s1 =	ssub.s32 $0x2, s0  }
0x4: {  	s30 =	sshll.u32 s4, $0x6;
	s0 =	sshll.u32 s0, $0x5;
	s2 =	sshrl.u32 s1, $0x1  }
0x5: {  	s4 =	simm.s32 $0x1;
	s0 =	sor.u32 s0, s30;
	s1 =	ssub.s32 s1, s2  }
0x6: {  	_ =	strace $0x80000047;
	[dreg:$0x4] =	wrdreg s0;
	s31 =	smax.u32 s1, $0x1  }
0x7: {  	s2 =	simm.s32 $0x2000;
	s1 =	simm.s32 $0x800;
	[dreg:$0x5] =	wrdreg s31  }
.LBB2_1:
0x8: {  	[dreg:$0x3] =	wrdreg s3;
	s3 =	simm.s32 $0x0  }
.LBB2_2:
0x9: {  	s0 =	rddreg [dreg:$0x4]  }
0xa: {  	s0 =	sadd.s32 s0, s3  }
0xb: {  	[dreg:$0x6] =	wrdreg s3;
	s0 =	sshll.u32 s0, $0xD  }
0xc: {  	[dreg:$0x7] =	wrdreg s0;
	s0 =	simm.s32 $0x0  }
.LBB2_3:
0xd: {  	[dreg:$0x8] =	wrdreg s0  }
0xe: {  	s29 =	sshll.u32 s0, $0x8;
	s3 =	rddreg [dreg:$0x7]  }
0xf: {  	s30 =	rddreg [dreg:$0x0];
	s3 =	sadd.s32 s3, s29  }
0x10: {  	s31 =	simm.s32 $0x0;
	[dreg:$0x9] =	wrdreg s3;
	s0 =	sadd.s32 s30, s3  }
0x11: {  	[tilespmem:s31], [sflag:$0x1] =	stream.strided.gather [hbm4b:s0+s1], $0x4000, s2, s1, $0x38;
	[tilespmem:$0x8000] =	vst v63  }
0x12: {  	_ =	swait.ge [sflag:s4], $0x4000  }
0x13: {  	[sflag:s4] =	ssyncset.done $0x0  }
0x14: {  	s25 =	simm.s32 $0x0;
	s17 =	simm.s32 $0x0;
	[sflag:s4] =	ssyncadd.s32 $0xFFFFC000  }
.LBB2_4:
0x15: {  	s0 =	sand.u32 $0xFFFFFC00, s25;
	s1 =	sand.u32 $0x70, s17;
	s2 =	sand.u32 $0x400, s25  }
0x16: {  	s18 =	sor.u32 s1, s2;
	s0 =	sadd.s32 s0, s17  }
0x17: {  	v1 =	vld [tilespmem:s18+$0x0];
	s2 =	sor.u32 $0x80, s0  }
0x18: {  	v0 =	vld [tilespmem:s2+$0x0]  }
0x19: {  	v2 =	vld [tilespmem:s18+$0x100];
	s3 =	sor.u32 $0x180, s0  }
0x1a: {  	v3 =	vld [tilespmem:s3+$0x0]  }
0x1b: {  	v4 =	vld [tilespmem:s18+$0x200];
	s4 =	sor.u32 $0x280, s0  }
0x1c: {  	s1 =	sor.u32 s17, s25;
	v5 =	vld [tilespmem:s4+$0x0]  }
0x1d: {  	v6 =	vld [tilespmem:s18+$0x300];
	s5 =	sor.u32 $0x380, s1;
	v0 =	vmax.f32 v1, v0  }
0x1e: {  	v56 =	vld [tilespmem:s5+$0x0];
	v0 =	vmax.f32 v0, v2  }
0x1f: {  	v57 =	vld [tilespmem:s18+$0x800];
	s14 =	sor.u32 $0x880, s0;
	v0 =	vmax.f32 v0, v3  }
0x20: {  	v58 =	vld [tilespmem:s14+$0x0];
	v0 =	vmax.f32 v0, v4  }
0x21: {  	v59 =	vld [tilespmem:s18+$0x900];
	s15 =	sor.u32 $0x980, s0;
	v0 =	vmax.f32 v0, v5  }
0x22: {  	v60 =	vld [tilespmem:s15+$0x0];
	v0 =	vmax.f32 v0, v6  }
0x23: {  	v61 =	vld [tilespmem:s18+$0xA00];
	s9 =	sor.u32 $0xA80, s0;
	v0 =	vmax.f32 v0, v56  }
0x24: {  	v62 =	vld [tilespmem:s9+$0x0];
	v0 =	vmax.f32 v0, v57  }
0x25: {  	v63 =	vld [tilespmem:s18+$0xB00];
	s12 =	sor.u32 $0xB80, s1;
	v0 =	vmax.f32 v0, v58  }
0x26: {  	v9 =	vld [tilespmem:s12+$0x0];
	v0 =	vmax.f32 v0, v59  }
0x27: {  	v10 =	vld [tilespmem:s18+$0x1000];
	s8 =	sor.u32 $0x1080, s0;
	v0 =	vmax.f32 v0, v60  }
0x28: {  	v11 =	vld [tilespmem:s8+$0x0];
	v0 =	vmax.f32 v0, v61  }
0x29: {  	v12 =	vld [tilespmem:s18+$0x1100];
	s7 =	sor.u32 $0x1180, s0;
	v0 =	vmax.f32 v0, v62  }
0x2a: {  	v13 =	vld [tilespmem:s7+$0x0];
	v0 =	vmax.f32 v0, v63  }
0x2b: {  	v14 =	vld [tilespmem:s18+$0x1200];
	s13 =	sor.u32 $0x1280, s0;
	v0 =	vmax.f32 v0, v9  }
0x2c: {  	v15 =	vld [tilespmem:s13+$0x0];
	v0 =	vmax.f32 v0, v10  }
0x2d: {  	v16 =	vld [tilespmem:s18+$0x1300];
	s10 =	sor.u32 $0x1380, s1;
	v0 =	vmax.f32 v0, v11  }
0x2e: {  	v17 =	vld [tilespmem:s10+$0x0];
	v0 =	vmax.f32 v0, v12  }
0x2f: {  	v18 =	vld [tilespmem:s18+$0x1800];
	s6 =	sor.u32 $0x1880, s0;
	v0 =	vmax.f32 v0, v13  }
0x30: {  	v19 =	vld [tilespmem:s6+$0x0];
	v0 =	vmax.f32 v0, v14  }
0x31: {  	v20 =	vld [tilespmem:s18+$0x1900];
	s11 =	sor.u32 $0x1980, s0;
	v0 =	vmax.f32 v0, v15  }
0x32: {  	v21 =	vld [tilespmem:s11+$0x0];
	v0 =	vmax.f32 v0, v16  }
0x33: {  	v22 =	vld [tilespmem:s18+$0x1A00];
	s19 =	sor.u32 $0x1A80, s0;
	v0 =	vmax.f32 v0, v17  }
0x34: {  	v23 =	vld [tilespmem:s19+$0x0];
	v0 =	vmax.f32 v0, v18  }
0x35: {  	v24 =	vld [tilespmem:s18+$0x1B00];
	s20 =	sor.u32 $0x1B80, s1;
	v0 =	vmax.f32 v0, v19  }
0x36: {  	v25 =	vld [tilespmem:s20+$0x0];
	v0 =	vmax.f32 v0, v20  }
0x37: {  	v26 =	vld [tilespmem:s18+$0x2000];
	s21 =	sor.u32 $0x2080, s0;
	v0 =	vmax.f32 v0, v21  }
0x38: {  	v27 =	vld [tilespmem:s21+$0x0];
	v0 =	vmax.f32 v0, v22  }
0x39: {  	v28 =	vld [tilespmem:s18+$0x2100];
	s22 =	sor.u32 $0x2180, s0;
	v0 =	vmax.f32 v0, v23  }
0x3a: {  	v29 =	vld [tilespmem:s22+$0x0];
	v0 =	vmax.f32 v0, v24  }
0x3b: {  	v30 =	vld [tilespmem:s18+$0x2200];
	s23 =	sor.u32 $0x2280, s0;
	v0 =	vmax.f32 v0, v25  }
0x3c: {  	v31 =	vld [tilespmem:s23+$0x0];
	v0 =	vmax.f32 v0, v26  }
0x3d: {  	v32 =	vld [tilespmem:s18+$0x2300];
	s26 =	sor.u32 $0x2380, s1;
	v0 =	vmax.f32 v0, v27  }
0x3e: {  	v33 =	vld [tilespmem:s26+$0x0];
	v0 =	vmax.f32 v0, v28  }
0x3f: {  	v34 =	vld [tilespmem:s18+$0x2800];
	s31 =	sor.u32 $0x2880, s0;
	v0 =	vmax.f32 v0, v29  }
0x40: {  	v35 =	vld [tilespmem:s31+$0x0];
	v0 =	vmax.f32 v0, v30  }
0x41: {  	v36 =	vld [tilespmem:s18+$0x2900];
	s30 =	sor.u32 $0x2980, s0;
	v0 =	vmax.f32 v0, v31  }
0x42: {  	v37 =	vld [tilespmem:s30+$0x0];
	v0 =	vmax.f32 v0, v32  }
0x43: {  	v38 =	vld [tilespmem:s18+$0x2A00];
	s24 =	sor.u32 $0x2A80, s0;
	v0 =	vmax.f32 v0, v33  }
0x44: {  	v39 =	vld [tilespmem:s24+$0x0];
	v0 =	vmax.f32 v0, v34  }
0x45: {  	v40 =	vld [tilespmem:s18+$0x2B00];
	s28 =	sor.u32 $0x2B80, s1;
	v0 =	vmax.f32 v0, v35  }
0x46: {  	v41 =	vld [tilespmem:s28+$0x0];
	v0 =	vmax.f32 v0, v36  }
0x47: {  	v42 =	vld [tilespmem:s18+$0x3000];
	s29 =	sor.u32 $0x3080, s0;
	v0 =	vmax.f32 v0, v37  }
0x48: {  	v43 =	vld [tilespmem:s29+$0x0];
	v0 =	vmax.f32 v0, v38  }
0x49: {  	v44 =	vld [tilespmem:s18+$0x3100];
	s16 =	sor.u32 $0x3180, s0;
	v0 =	vmax.f32 v0, v39  }
0x4a: {  	v45 =	vld [tilespmem:s16+$0x0];
	v0 =	vmax.f32 v0, v40  }
0x4b: {  	v46 =	vld [tilespmem:s18+$0x3200];
	[dreg:$0xf] =	wrdreg s16;
	s16 =	sor.u32 $0x3280, s0;
	v0 =	vmax.f32 v0, v41  }
0x4c: {  	v47 =	vld [tilespmem:s16+$0x0];
	v0 =	vmax.f32 v0, v42  }
0x4d: {  	v48 =	vld [tilespmem:s18+$0x3300];
	[dreg:$0xe] =	wrdreg s16;
	s16 =	sor.u32 $0x3380, s1;
	v0 =	vmax.f32 v0, v43  }
0x4e: {  	v49 =	vld [tilespmem:s16+$0x0];
	v0 =	vmax.f32 v0, v44  }
0x4f: {  	v50 =	vld [tilespmem:s18+$0x3800];
	[dreg:$0xd] =	wrdreg s16;
	s16 =	sor.u32 $0x3880, s0;
	v0 =	vmax.f32 v0, v45  }
0x50: {  	v51 =	vld [tilespmem:s16+$0x0];
	v0 =	vmax.f32 v0, v46  }
0x51: {  	v52 =	vld [tilespmem:s18+$0x3900];
	[dreg:$0xc] =	wrdreg s16;
	s16 =	sor.u32 $0x3980, s0;
	v0 =	vmax.f32 v0, v47  }
0x52: {  	v53 =	vld [tilespmem:s16+$0x0];
	v0 =	vmax.f32 v0, v48  }
0x53: {  	v54 =	vld [tilespmem:s18+$0x3A00];
	s0 =	sor.u32 $0x3A80, s0;
	v0 =	vmax.f32 v0, v49  }
0x54: {  	v55 =	vld [tilespmem:s0+$0x0];
	v0 =	vmax.f32 v0, v50  }
0x55: {  	s1 =	sor.u32 $0x3B80, s1;
	v56 =	vld [tilespmem:s18+$0x3B00];
	v0 =	vmax.f32 v0, v51  }
0x56: {  	v57 =	vld [tilespmem:s1+$0x0];
	v0 =	vmax.f32 v0, v52  }
0x57: {  	v0 =	vmax.f32 v0, v53  }
0x58: {  	v0 =	vmax.f32 v0, v54  }
0x59: {  	v0 =	vmax.f32 v0, v55  }
0x5a: {  	v0 =	vmax.f32 v0, v56  }
0x5b: {  	v0 =	vmax.f32 v0, v57  }
0x5c: {  	v1 =	vsub.f32 v1, v0;
	_ =	sdelay $0x1  }
0x5d: {  	v1 =	vmul.f32 $1.593750000e+01, v1;
	_ =	sdelay $0x1  }
0x5e: {  	v1 =	vadd.f32 $-5.000000000e-01, v1;
	_ =	sdelay $0x1  }
0x5f: {  	v1 =	vtrunc.f32 v1  }
0x60: {  	v1 =	vcvt.f32.s32 v1;
	_ =	sdelay $0x1  }
0x61: {  	v1 =	vcvt.s32.f32 v1;
	_ =	sdelay $0x1  }
0x62: {  	v1 =	vmul.f32 $6.274510170e-02, v1;
	_ =	sdelay $0x1  }
0x63: {  	v1 =	vmul.f32 $1.442695020e+00, v1;
	_ =	sdelay $0x1  }
0x64: {  	(erf) = vpow2.f32 v1;
	_ =	sdelay $0x8  }
0x65: {  	v1 =	vpop (erf)  }
0x66: {  	[tilespmem:s18+$0x4000] =	vst v1  }
0x67: {  	v58 =	vld [tilespmem:s2+$0x0];
	_ =	sdelay $0x4  }
0x68: {  	v2 =	vsub.f32 v58, v0;
	_ =	sdelay $0x1  }
0x69: {  	v2 =	vmul.f32 $1.593750000e+01, v2;
	_ =	sdelay $0x1  }
0x6a: {  	v2 =	vadd.f32 $-5.000000000e-01, v2;
	_ =	sdelay $0x1  }
0x6b: {  	v2 =	vtrunc.f32 v2  }
0x6c: {  	v2 =	vcvt.f32.s32 v2;
	_ =	sdelay $0x1  }
0x6d: {  	v2 =	vcvt.s32.f32 v2;
	_ =	sdelay $0x1  }
0x6e: {  	v2 =	vmul.f32 $6.274510170e-02, v2;
	_ =	sdelay $0x1  }
0x6f: {  	v2 =	vmul.f32 $1.442695020e+00, v2;
	_ =	sdelay $0x1  }
0x70: {  	(erf) = vpow2.f32 v2;
	_ =	sdelay $0x8  }
0x71: {  	v2 =	vpop (erf)  }
0x72: {  	[tilespmem:s2+$0x4000] =	vst v2  }
0x73: {  	v59 =	vld [tilespmem:s18+$0x100];
	_ =	sdelay $0x4  }
0x74: {  	v3 =	vsub.f32 v59, v0;
	_ =	sdelay $0x1  }
0x75: {  	v3 =	vmul.f32 $1.593750000e+01, v3;
	_ =	sdelay $0x1  }
0x76: {  	v3 =	vadd.f32 $-5.000000000e-01, v3;
	_ =	sdelay $0x1  }
0x77: {  	v3 =	vtrunc.f32 v3  }
0x78: {  	v3 =	vcvt.f32.s32 v3;
	_ =	sdelay $0x1  }
0x79: {  	v3 =	vcvt.s32.f32 v3;
	_ =	sdelay $0x1  }
0x7a: {  	v3 =	vmul.f32 $6.274510170e-02, v3;
	_ =	sdelay $0x1  }
0x7b: {  	v3 =	vmul.f32 $1.442695020e+00, v3;
	_ =	sdelay $0x1  }
0x7c: {  	(erf) = vpow2.f32 v3;
	_ =	sdelay $0x8  }
0x7d: {  	v3 =	vpop (erf)  }
0x7e: {  	[tilespmem:s18+$0x4100] =	vst v3  }
0x7f: {  	v60 =	vld [tilespmem:s3+$0x0];
	_ =	sdelay $0x4  }
0x80: {  	v4 =	vsub.f32 v60, v0;
	_ =	sdelay $0x1  }
0x81: {  	v4 =	vmul.f32 $1.593750000e+01, v4;
	_ =	sdelay $0x1  }
0x82: {  	v4 =	vadd.f32 $-5.000000000e-01, v4;
	_ =	sdelay $0x1  }
0x83: {  	v4 =	vtrunc.f32 v4  }
0x84: {  	v4 =	vcvt.f32.s32 v4;
	_ =	sdelay $0x1  }
0x85: {  	v4 =	vcvt.s32.f32 v4;
	_ =	sdelay $0x1  }
0x86: {  	v4 =	vmul.f32 $6.274510170e-02, v4;
	_ =	sdelay $0x1  }
0x87: {  	v4 =	vmul.f32 $1.442695020e+00, v4;
	_ =	sdelay $0x1  }
0x88: {  	(erf) = vpow2.f32 v4;
	_ =	sdelay $0x8  }
0x89: {  	v4 =	vpop (erf)  }
0x8a: {  	[tilespmem:s3+$0x4000] =	vst v4  }
0x8b: {  	v61 =	vld [tilespmem:s18+$0x200];
	_ =	sdelay $0x4  }
0x8c: {  	v5 =	vsub.f32 v61, v0;
	_ =	sdelay $0x1  }
0x8d: {  	v5 =	vmul.f32 $1.593750000e+01, v5;
	_ =	sdelay $0x1  }
0x8e: {  	v5 =	vadd.f32 $-5.000000000e-01, v5;
	_ =	sdelay $0x1  }
0x8f: {  	v5 =	vtrunc.f32 v5  }
0x90: {  	v5 =	vcvt.f32.s32 v5;
	_ =	sdelay $0x1  }
0x91: {  	v5 =	vcvt.s32.f32 v5;
	_ =	sdelay $0x1  }
0x92: {  	v5 =	vmul.f32 $6.274510170e-02, v5;
	_ =	sdelay $0x1  }
0x93: {  	v5 =	vmul.f32 $1.442695020e+00, v5;
	_ =	sdelay $0x1  }
0x94: {  	(erf) = vpow2.f32 v5;
	_ =	sdelay $0x8  }
0x95: {  	v5 =	vpop (erf)  }
0x96: {  	[tilespmem:s18+$0x4200] =	vst v5  }
0x97: {  	v62 =	vld [tilespmem:s4+$0x0];
	_ =	sdelay $0x4  }
0x98: {  	v6 =	vsub.f32 v62, v0;
	_ =	sdelay $0x1  }
0x99: {  	v6 =	vmul.f32 $1.593750000e+01, v6;
	_ =	sdelay $0x1  }
0x9a: {  	v6 =	vadd.f32 $-5.000000000e-01, v6;
	_ =	sdelay $0x1  }
0x9b: {  	v6 =	vtrunc.f32 v6  }
0x9c: {  	v6 =	vcvt.f32.s32 v6;
	_ =	sdelay $0x1  }
0x9d: {  	v6 =	vcvt.s32.f32 v6;
	_ =	sdelay $0x1  }
0x9e: {  	v6 =	vmul.f32 $6.274510170e-02, v6;
	_ =	sdelay $0x1  }
0x9f: {  	v6 =	vmul.f32 $1.442695020e+00, v6;
	_ =	sdelay $0x1  }
0xa0: {  	(erf) = vpow2.f32 v6;
	_ =	sdelay $0x8  }
0xa1: {  	v6 =	vpop (erf)  }
0xa2: {  	[tilespmem:s4+$0x4000] =	vst v6  }
0xa3: {  	v7 =	vld [tilespmem:s18+$0x300];
	_ =	sdelay $0x4  }
0xa4: {  	v7 =	vsub.f32 v7, v0;
	_ =	sdelay $0x1  }
0xa5: {  	v7 =	vmul.f32 $1.593750000e+01, v7;
	_ =	sdelay $0x1  }
0xa6: {  	v7 =	vadd.f32 $-5.000000000e-01, v7;
	_ =	sdelay $0x1  }
0xa7: {  	v7 =	vtrunc.f32 v7  }
0xa8: {  	v7 =	vcvt.f32.s32 v7;
	_ =	sdelay $0x1  }
0xa9: {  	v7 =	vcvt.s32.f32 v7;
	_ =	sdelay $0x1  }
0xaa: {  	v7 =	vmul.f32 $6.274510170e-02, v7;
	_ =	sdelay $0x1  }
0xab: {  	v7 =	vmul.f32 $1.442695020e+00, v7;
	_ =	sdelay $0x1  }
0xac: {  	(erf) = vpow2.f32 v7;
	_ =	sdelay $0x8  }
0xad: {  	v7 =	vpop (erf)  }
0xae: {  	[tilespmem:s18+$0x4300] =	vst v7  }
0xaf: {  	v8 =	vld [tilespmem:s5+$0x0];
	_ =	sdelay $0x4  }
0xb0: {  	v8 =	vsub.f32 v8, v0;
	_ =	sdelay $0x1  }
0xb1: {  	v8 =	vmul.f32 $1.593750000e+01, v8;
	_ =	sdelay $0x1  }
0xb2: {  	v8 =	vadd.f32 $-5.000000000e-01, v8;
	_ =	sdelay $0x1  }
0xb3: {  	v8 =	vtrunc.f32 v8  }
0xb4: {  	v8 =	vcvt.f32.s32 v8;
	_ =	sdelay $0x1  }
0xb5: {  	v8 =	vcvt.s32.f32 v8;
	_ =	sdelay $0x1  }
0xb6: {  	v8 =	vmul.f32 $6.274510170e-02, v8;
	_ =	sdelay $0x1  }
0xb7: {  	v8 =	vmul.f32 $1.442695020e+00, v8;
	_ =	sdelay $0x1  }
0xb8: {  	(erf) = vpow2.f32 v8;
	_ =	sdelay $0x8  }
0xb9: {  	v8 =	vpop (erf)  }
0xba: {  	[tilespmem:s5+$0x4000] =	vst v8  }
0xbb: {  	v9 =	vld [tilespmem:s18+$0x800];
	_ =	sdelay $0x4  }
0xbc: {  	v9 =	vsub.f32 v9, v0;
	_ =	sdelay $0x1  }
0xbd: {  	v9 =	vmul.f32 $1.593750000e+01, v9;
	_ =	sdelay $0x1  }
0xbe: {  	v9 =	vadd.f32 $-5.000000000e-01, v9;
	_ =	sdelay $0x1  }
0xbf: {  	v9 =	vtrunc.f32 v9  }
0xc0: {  	v9 =	vcvt.f32.s32 v9;
	_ =	sdelay $0x1  }
0xc1: {  	v9 =	vcvt.s32.f32 v9;
	_ =	sdelay $0x1  }
0xc2: {  	v9 =	vmul.f32 $6.274510170e-02, v9;
	_ =	sdelay $0x1  }
0xc3: {  	v9 =	vmul.f32 $1.442695020e+00, v9;
	_ =	sdelay $0x1  }
0xc4: {  	(erf) = vpow2.f32 v9;
	_ =	sdelay $0x8  }
0xc5: {  	v9 =	vpop (erf)  }
0xc6: {  	[tilespmem:s18+$0x4800] =	vst v9  }
0xc7: {  	v10 =	vld [tilespmem:s14+$0x0];
	_ =	sdelay $0x4  }
0xc8: {  	v10 =	vsub.f32 v10, v0;
	_ =	sdelay $0x1  }
0xc9: {  	v10 =	vmul.f32 $1.593750000e+01, v10;
	_ =	sdelay $0x1  }
0xca: {  	v10 =	vadd.f32 $-5.000000000e-01, v10;
	_ =	sdelay $0x1  }
0xcb: {  	v10 =	vtrunc.f32 v10  }
0xcc: {  	v10 =	vcvt.f32.s32 v10;
	_ =	sdelay $0x1  }
0xcd: {  	v10 =	vcvt.s32.f32 v10;
	_ =	sdelay $0x1  }
0xce: {  	v10 =	vmul.f32 $6.274510170e-02, v10;
	_ =	sdelay $0x1  }
0xcf: {  	v10 =	vmul.f32 $1.442695020e+00, v10;
	_ =	sdelay $0x1  }
0xd0: {  	(erf) = vpow2.f32 v10;
	_ =	sdelay $0x8  }
0xd1: {  	v10 =	vpop (erf)  }
0xd2: {  	[tilespmem:s14+$0x4000] =	vst v10  }
0xd3: {  	v11 =	vld [tilespmem:s18+$0x900];
	_ =	sdelay $0x4  }
0xd4: {  	v11 =	vsub.f32 v11, v0;
	_ =	sdelay $0x1  }
0xd5: {  	v11 =	vmul.f32 $1.593750000e+01, v11;
	_ =	sdelay $0x1  }
0xd6: {  	v11 =	vadd.f32 $-5.000000000e-01, v11;
	_ =	sdelay $0x1  }
0xd7: {  	v11 =	vtrunc.f32 v11  }
0xd8: {  	v11 =	vcvt.f32.s32 v11;
	_ =	sdelay $0x1  }
0xd9: {  	v11 =	vcvt.s32.f32 v11;
	_ =	sdelay $0x1  }
0xda: {  	v11 =	vmul.f32 $6.274510170e-02, v11;
	_ =	sdelay $0x1  }
0xdb: {  	v11 =	vmul.f32 $1.442695020e+00, v11;
	_ =	sdelay $0x1  }
0xdc: {  	(erf) = vpow2.f32 v11;
	_ =	sdelay $0x8  }
0xdd: {  	v11 =	vpop (erf)  }
0xde: {  	[tilespmem:s18+$0x4900] =	vst v11  }
0xdf: {  	v12 =	vld [tilespmem:s15+$0x0];
	_ =	sdelay $0x4  }
0xe0: {  	v12 =	vsub.f32 v12, v0;
	_ =	sdelay $0x1  }
0xe1: {  	v12 =	vmul.f32 $1.593750000e+01, v12;
	_ =	sdelay $0x1  }
0xe2: {  	v12 =	vadd.f32 $-5.000000000e-01, v12;
	_ =	sdelay $0x1  }
0xe3: {  	v12 =	vtrunc.f32 v12  }
0xe4: {  	v12 =	vcvt.f32.s32 v12;
	_ =	sdelay $0x1  }
0xe5: {  	v12 =	vcvt.s32.f32 v12;
	_ =	sdelay $0x1  }
0xe6: {  	v12 =	vmul.f32 $6.274510170e-02, v12;
	_ =	sdelay $0x1  }
0xe7: {  	v12 =	vmul.f32 $1.442695020e+00, v12;
	_ =	sdelay $0x1  }
0xe8: {  	(erf) = vpow2.f32 v12;
	_ =	sdelay $0x8  }
0xe9: {  	v12 =	vpop (erf)  }
0xea: {  	[tilespmem:s15+$0x4000] =	vst v12  }
0xeb: {  	v13 =	vld [tilespmem:s18+$0xA00];
	_ =	sdelay $0x4  }
0xec: {  	v13 =	vsub.f32 v13, v0;
	_ =	sdelay $0x1  }
0xed: {  	v13 =	vmul.f32 $1.593750000e+01, v13;
	_ =	sdelay $0x1  }
0xee: {  	v13 =	vadd.f32 $-5.000000000e-01, v13;
	_ =	sdelay $0x1  }
0xef: {  	v13 =	vtrunc.f32 v13  }
0xf0: {  	v13 =	vcvt.f32.s32 v13;
	_ =	sdelay $0x1  }
0xf1: {  	v13 =	vcvt.s32.f32 v13;
	_ =	sdelay $0x1  }
0xf2: {  	v13 =	vmul.f32 $6.274510170e-02, v13;
	_ =	sdelay $0x1  }
0xf3: {  	v13 =	vmul.f32 $1.442695020e+00, v13;
	_ =	sdelay $0x1  }
0xf4: {  	(erf) = vpow2.f32 v13;
	_ =	sdelay $0x8  }
0xf5: {  	v13 =	vpop (erf)  }
0xf6: {  	[tilespmem:s18+$0x4A00] =	vst v13  }
0xf7: {  	v14 =	vld [tilespmem:s9+$0x0];
	_ =	sdelay $0x4  }
0xf8: {  	v14 =	vsub.f32 v14, v0;
	_ =	sdelay $0x1  }
0xf9: {  	v14 =	vmul.f32 $1.593750000e+01, v14;
	_ =	sdelay $0x1  }
0xfa: {  	v14 =	vadd.f32 $-5.000000000e-01, v14;
	_ =	sdelay $0x1  }
0xfb: {  	v14 =	vtrunc.f32 v14  }
0xfc: {  	v14 =	vcvt.f32.s32 v14;
	_ =	sdelay $0x1  }
0xfd: {  	v14 =	vcvt.s32.f32 v14;
	_ =	sdelay $0x1  }
0xfe: {  	v14 =	vmul.f32 $6.274510170e-02, v14;
	_ =	sdelay $0x1  }
0xff: {  	v14 =	vmul.f32 $1.442695020e+00, v14;
	_ =	sdelay $0x1  }
0x100: {  	(erf) = vpow2.f32 v14;
	_ =	sdelay $0x8  }
0x101: {  	v14 =	vpop (erf)  }
0x102: {  	[tilespmem:s9+$0x4000] =	vst v14  }
0x103: {  	v15 =	vld [tilespmem:s18+$0xB00];
	_ =	sdelay $0x4  }
0x104: {  	v15 =	vsub.f32 v15, v0;
	_ =	sdelay $0x1  }
0x105: {  	v15 =	vmul.f32 $1.593750000e+01, v15;
	_ =	sdelay $0x1  }
0x106: {  	v15 =	vadd.f32 $-5.000000000e-01, v15;
	_ =	sdelay $0x1  }
0x107: {  	v15 =	vtrunc.f32 v15  }
0x108: {  	v15 =	vcvt.f32.s32 v15;
	_ =	sdelay $0x1  }
0x109: {  	v15 =	vcvt.s32.f32 v15;
	_ =	sdelay $0x1  }
0x10a: {  	v15 =	vmul.f32 $6.274510170e-02, v15;
	_ =	sdelay $0x1  }
0x10b: {  	v15 =	vmul.f32 $1.442695020e+00, v15;
	_ =	sdelay $0x1  }
0x10c: {  	(erf) = vpow2.f32 v15;
	_ =	sdelay $0x8  }
0x10d: {  	v15 =	vpop (erf)  }
0x10e: {  	[tilespmem:s18+$0x4B00] =	vst v15  }
0x10f: {  	v16 =	vld [tilespmem:s12+$0x0];
	_ =	sdelay $0x4  }
0x110: {  	v16 =	vsub.f32 v16, v0;
	_ =	sdelay $0x1  }
0x111: {  	v16 =	vmul.f32 $1.593750000e+01, v16;
	_ =	sdelay $0x1  }
0x112: {  	v16 =	vadd.f32 $-5.000000000e-01, v16;
	_ =	sdelay $0x1  }
0x113: {  	v16 =	vtrunc.f32 v16  }
0x114: {  	v16 =	vcvt.f32.s32 v16;
	_ =	sdelay $0x1  }
0x115: {  	v16 =	vcvt.s32.f32 v16;
	_ =	sdelay $0x1  }
0x116: {  	v16 =	vmul.f32 $6.274510170e-02, v16;
	_ =	sdelay $0x1  }
0x117: {  	v16 =	vmul.f32 $1.442695020e+00, v16;
	_ =	sdelay $0x1  }
0x118: {  	(erf) = vpow2.f32 v16;
	_ =	sdelay $0x8  }
0x119: {  	v16 =	vpop (erf)  }
0x11a: {  	[tilespmem:s12+$0x4000] =	vst v16  }
0x11b: {  	v17 =	vld [tilespmem:s18+$0x1000];
	_ =	sdelay $0x4  }
0x11c: {  	v17 =	vsub.f32 v17, v0;
	_ =	sdelay $0x1  }
0x11d: {  	v17 =	vmul.f32 $1.593750000e+01, v17;
	_ =	sdelay $0x1  }
0x11e: {  	v17 =	vadd.f32 $-5.000000000e-01, v17;
	_ =	sdelay $0x1  }
0x11f: {  	v17 =	vtrunc.f32 v17  }
0x120: {  	v17 =	vcvt.f32.s32 v17;
	_ =	sdelay $0x1  }
0x121: {  	v17 =	vcvt.s32.f32 v17;
	_ =	sdelay $0x1  }
0x122: {  	v17 =	vmul.f32 $6.274510170e-02, v17;
	_ =	sdelay $0x1  }
0x123: {  	v17 =	vmul.f32 $1.442695020e+00, v17;
	_ =	sdelay $0x1  }
0x124: {  	(erf) = vpow2.f32 v17;
	_ =	sdelay $0x8  }
0x125: {  	v17 =	vpop (erf)  }
0x126: {  	[tilespmem:s18+$0x5000] =	vst v17  }
0x127: {  	v18 =	vld [tilespmem:s8+$0x0];
	_ =	sdelay $0x4  }
0x128: {  	v18 =	vsub.f32 v18, v0;
	_ =	sdelay $0x1  }
0x129: {  	v18 =	vmul.f32 $1.593750000e+01, v18;
	_ =	sdelay $0x1  }
0x12a: {  	v18 =	vadd.f32 $-5.000000000e-01, v18;
	_ =	sdelay $0x1  }
0x12b: {  	v18 =	vtrunc.f32 v18  }
0x12c: {  	v18 =	vcvt.f32.s32 v18;
	_ =	sdelay $0x1  }
0x12d: {  	v18 =	vcvt.s32.f32 v18;
	_ =	sdelay $0x1  }
0x12e: {  	v18 =	vmul.f32 $6.274510170e-02, v18;
	_ =	sdelay $0x1  }
0x12f: {  	v18 =	vmul.f32 $1.442695020e+00, v18;
	_ =	sdelay $0x1  }
0x130: {  	(erf) = vpow2.f32 v18;
	_ =	sdelay $0x8  }
0x131: {  	v18 =	vpop (erf)  }
0x132: {  	[tilespmem:s8+$0x4000] =	vst v18  }
0x133: {  	v19 =	vld [tilespmem:s18+$0x1100];
	_ =	sdelay $0x4  }
0x134: {  	v19 =	vsub.f32 v19, v0;
	_ =	sdelay $0x1  }
0x135: {  	v19 =	vmul.f32 $1.593750000e+01, v19;
	_ =	sdelay $0x1  }
0x136: {  	v19 =	vadd.f32 $-5.000000000e-01, v19;
	_ =	sdelay $0x1  }
0x137: {  	v19 =	vtrunc.f32 v19  }
0x138: {  	v19 =	vcvt.f32.s32 v19;
	_ =	sdelay $0x1  }
0x139: {  	v19 =	vcvt.s32.f32 v19;
	_ =	sdelay $0x1  }
0x13a: {  	v19 =	vmul.f32 $6.274510170e-02, v19;
	_ =	sdelay $0x1  }
0x13b: {  	v19 =	vmul.f32 $1.442695020e+00, v19;
	_ =	sdelay $0x1  }
0x13c: {  	(erf) = vpow2.f32 v19;
	_ =	sdelay $0x8  }
0x13d: {  	v19 =	vpop (erf)  }
0x13e: {  	[tilespmem:s18+$0x5100] =	vst v19  }
0x13f: {  	v20 =	vld [tilespmem:s7+$0x0];
	_ =	sdelay $0x4  }
0x140: {  	v20 =	vsub.f32 v20, v0;
	_ =	sdelay $0x1  }
0x141: {  	v20 =	vmul.f32 $1.593750000e+01, v20;
	_ =	sdelay $0x1  }
0x142: {  	v20 =	vadd.f32 $-5.000000000e-01, v20;
	_ =	sdelay $0x1  }
0x143: {  	v20 =	vtrunc.f32 v20  }
0x144: {  	v20 =	vcvt.f32.s32 v20;
	_ =	sdelay $0x1  }
0x145: {  	v20 =	vcvt.s32.f32 v20;
	_ =	sdelay $0x1  }
0x146: {  	v20 =	vmul.f32 $6.274510170e-02, v20;
	_ =	sdelay $0x1  }
0x147: {  	v20 =	vmul.f32 $1.442695020e+00, v20;
	_ =	sdelay $0x1  }
0x148: {  	(erf) = vpow2.f32 v20;
	_ =	sdelay $0x8  }
0x149: {  	v20 =	vpop (erf)  }
0x14a: {  	[tilespmem:s7+$0x4000] =	vst v20  }
0x14b: {  	v21 =	vld [tilespmem:s18+$0x1200];
	_ =	sdelay $0x4  }
0x14c: {  	v21 =	vsub.f32 v21, v0;
	_ =	sdelay $0x1  }
0x14d: {  	v21 =	vmul.f32 $1.593750000e+01, v21;
	_ =	sdelay $0x1  }
0x14e: {  	v21 =	vadd.f32 $-5.000000000e-01, v21;
	_ =	sdelay $0x1  }
0x14f: {  	v21 =	vtrunc.f32 v21  }
0x150: {  	v21 =	vcvt.f32.s32 v21;
	_ =	sdelay $0x1  }
0x151: {  	v21 =	vcvt.s32.f32 v21;
	_ =	sdelay $0x1  }
0x152: {  	v21 =	vmul.f32 $6.274510170e-02, v21;
	_ =	sdelay $0x1  }
0x153: {  	v21 =	vmul.f32 $1.442695020e+00, v21;
	_ =	sdelay $0x1  }
0x154: {  	(erf) = vpow2.f32 v21;
	_ =	sdelay $0x8  }
0x155: {  	v21 =	vpop (erf)  }
0x156: {  	[tilespmem:s18+$0x5200] =	vst v21  }
0x157: {  	v22 =	vld [tilespmem:s13+$0x0];
	_ =	sdelay $0x4  }
0x158: {  	v22 =	vsub.f32 v22, v0;
	_ =	sdelay $0x1  }
0x159: {  	v22 =	vmul.f32 $1.593750000e+01, v22;
	_ =	sdelay $0x1  }
0x15a: {  	v22 =	vadd.f32 $-5.000000000e-01, v22;
	_ =	sdelay $0x1  }
0x15b: {  	v22 =	vtrunc.f32 v22  }
0x15c: {  	v22 =	vcvt.f32.s32 v22;
	_ =	sdelay $0x1  }
0x15d: {  	v22 =	vcvt.s32.f32 v22;
	_ =	sdelay $0x1  }
0x15e: {  	v22 =	vmul.f32 $6.274510170e-02, v22;
	_ =	sdelay $0x1  }
0x15f: {  	v22 =	vmul.f32 $1.442695020e+00, v22;
	_ =	sdelay $0x1  }
0x160: {  	(erf) = vpow2.f32 v22;
	_ =	sdelay $0x8  }
0x161: {  	v22 =	vpop (erf)  }
0x162: {  	[tilespmem:s13+$0x4000] =	vst v22  }
0x163: {  	v23 =	vld [tilespmem:s18+$0x1300];
	_ =	sdelay $0x4  }
0x164: {  	v23 =	vsub.f32 v23, v0;
	_ =	sdelay $0x1  }
0x165: {  	v23 =	vmul.f32 $1.593750000e+01, v23;
	_ =	sdelay $0x1  }
0x166: {  	v23 =	vadd.f32 $-5.000000000e-01, v23;
	_ =	sdelay $0x1  }
0x167: {  	v23 =	vtrunc.f32 v23  }
0x168: {  	v23 =	vcvt.f32.s32 v23;
	_ =	sdelay $0x1  }
0x169: {  	v23 =	vcvt.s32.f32 v23;
	_ =	sdelay $0x1  }
0x16a: {  	v23 =	vmul.f32 $6.274510170e-02, v23;
	_ =	sdelay $0x1  }
0x16b: {  	v23 =	vmul.f32 $1.442695020e+00, v23;
	_ =	sdelay $0x1  }
0x16c: {  	(erf) = vpow2.f32 v23;
	_ =	sdelay $0x8  }
0x16d: {  	v23 =	vpop (erf)  }
0x16e: {  	[tilespmem:s18+$0x5300] =	vst v23  }
0x16f: {  	v24 =	vld [tilespmem:s10+$0x0];
	_ =	sdelay $0x4  }
0x170: {  	v24 =	vsub.f32 v24, v0;
	_ =	sdelay $0x1  }
0x171: {  	v24 =	vmul.f32 $1.593750000e+01, v24;
	_ =	sdelay $0x1  }
0x172: {  	v24 =	vadd.f32 $-5.000000000e-01, v24;
	_ =	sdelay $0x1  }
0x173: {  	v24 =	vtrunc.f32 v24  }
0x174: {  	v24 =	vcvt.f32.s32 v24;
	_ =	sdelay $0x1  }
0x175: {  	v24 =	vcvt.s32.f32 v24;
	_ =	sdelay $0x1  }
0x176: {  	v24 =	vmul.f32 $6.274510170e-02, v24;
	_ =	sdelay $0x1  }
0x177: {  	v24 =	vmul.f32 $1.442695020e+00, v24;
	_ =	sdelay $0x1  }
0x178: {  	(erf) = vpow2.f32 v24;
	_ =	sdelay $0x8  }
0x179: {  	v24 =	vpop (erf)  }
0x17a: {  	[tilespmem:s10+$0x4000] =	vst v24  }
0x17b: {  	v25 =	vld [tilespmem:s18+$0x1800];
	_ =	sdelay $0x4  }
0x17c: {  	v25 =	vsub.f32 v25, v0;
	_ =	sdelay $0x1  }
0x17d: {  	v25 =	vmul.f32 $1.593750000e+01, v25;
	_ =	sdelay $0x1  }
0x17e: {  	v25 =	vadd.f32 $-5.000000000e-01, v25;
	_ =	sdelay $0x1  }
0x17f: {  	v25 =	vtrunc.f32 v25  }
0x180: {  	v25 =	vcvt.f32.s32 v25;
	_ =	sdelay $0x1  }
0x181: {  	v25 =	vcvt.s32.f32 v25;
	_ =	sdelay $0x1  }
0x182: {  	v25 =	vmul.f32 $6.274510170e-02, v25;
	_ =	sdelay $0x1  }
0x183: {  	v25 =	vmul.f32 $1.442695020e+00, v25;
	_ =	sdelay $0x1  }
0x184: {  	(erf) = vpow2.f32 v25;
	_ =	sdelay $0x8  }
0x185: {  	v25 =	vpop (erf)  }
0x186: {  	[tilespmem:s18+$0x5800] =	vst v25  }
0x187: {  	v26 =	vld [tilespmem:s6+$0x0];
	_ =	sdelay $0x4  }
0x188: {  	v26 =	vsub.f32 v26, v0;
	_ =	sdelay $0x1  }
0x189: {  	v26 =	vmul.f32 $1.593750000e+01, v26;
	_ =	sdelay $0x1  }
0x18a: {  	v26 =	vadd.f32 $-5.000000000e-01, v26;
	_ =	sdelay $0x1  }
0x18b: {  	v26 =	vtrunc.f32 v26  }
0x18c: {  	v26 =	vcvt.f32.s32 v26;
	_ =	sdelay $0x1  }
0x18d: {  	v26 =	vcvt.s32.f32 v26;
	_ =	sdelay $0x1  }
0x18e: {  	v26 =	vmul.f32 $6.274510170e-02, v26;
	_ =	sdelay $0x1  }
0x18f: {  	v26 =	vmul.f32 $1.442695020e+00, v26;
	_ =	sdelay $0x1  }
0x190: {  	(erf) = vpow2.f32 v26;
	_ =	sdelay $0x8  }
0x191: {  	v26 =	vpop (erf)  }
0x192: {  	[tilespmem:s6+$0x4000] =	vst v26  }
0x193: {  	v27 =	vld [tilespmem:s18+$0x1900];
	_ =	sdelay $0x4  }
0x194: {  	v27 =	vsub.f32 v27, v0;
	_ =	sdelay $0x1  }
0x195: {  	v27 =	vmul.f32 $1.593750000e+01, v27;
	_ =	sdelay $0x1  }
0x196: {  	v27 =	vadd.f32 $-5.000000000e-01, v27;
	_ =	sdelay $0x1  }
0x197: {  	v27 =	vtrunc.f32 v27  }
0x198: {  	v27 =	vcvt.f32.s32 v27;
	_ =	sdelay $0x1  }
0x199: {  	v27 =	vcvt.s32.f32 v27;
	_ =	sdelay $0x1  }
0x19a: {  	v27 =	vmul.f32 $6.274510170e-02, v27;
	_ =	sdelay $0x1  }
0x19b: {  	v27 =	vmul.f32 $1.442695020e+00, v27;
	_ =	sdelay $0x1  }
0x19c: {  	(erf) = vpow2.f32 v27;
	_ =	sdelay $0x8  }
0x19d: {  	v27 =	vpop (erf)  }
0x19e: {  	[tilespmem:s18+$0x5900] =	vst v27  }
0x19f: {  	v28 =	vld [tilespmem:s11+$0x0];
	_ =	sdelay $0x4  }
0x1a0: {  	v28 =	vsub.f32 v28, v0;
	_ =	sdelay $0x1  }
0x1a1: {  	v28 =	vmul.f32 $1.593750000e+01, v28;
	_ =	sdelay $0x1  }
0x1a2: {  	v28 =	vadd.f32 $-5.000000000e-01, v28;
	_ =	sdelay $0x1  }
0x1a3: {  	v28 =	vtrunc.f32 v28  }
0x1a4: {  	v28 =	vcvt.f32.s32 v28;
	_ =	sdelay $0x1  }
0x1a5: {  	v28 =	vcvt.s32.f32 v28;
	_ =	sdelay $0x1  }
0x1a6: {  	v28 =	vmul.f32 $6.274510170e-02, v28;
	_ =	sdelay $0x1  }
0x1a7: {  	v28 =	vmul.f32 $1.442695020e+00, v28;
	_ =	sdelay $0x1  }
0x1a8: {  	(erf) = vpow2.f32 v28;
	_ =	sdelay $0x8  }
0x1a9: {  	v28 =	vpop (erf)  }
0x1aa: {  	[tilespmem:s11+$0x4000] =	vst v28  }
0x1ab: {  	v29 =	vld [tilespmem:s18+$0x1A00];
	_ =	sdelay $0x4  }
0x1ac: {  	v29 =	vsub.f32 v29, v0;
	_ =	sdelay $0x1  }
0x1ad: {  	v29 =	vmul.f32 $1.593750000e+01, v29;
	_ =	sdelay $0x1  }
0x1ae: {  	v29 =	vadd.f32 $-5.000000000e-01, v29;
	_ =	sdelay $0x1  }
0x1af: {  	v29 =	vtrunc.f32 v29  }
0x1b0: {  	v29 =	vcvt.f32.s32 v29;
	_ =	sdelay $0x1  }
0x1b1: {  	v29 =	vcvt.s32.f32 v29;
	_ =	sdelay $0x1  }
0x1b2: {  	v29 =	vmul.f32 $6.274510170e-02, v29;
	_ =	sdelay $0x1  }
0x1b3: {  	v29 =	vmul.f32 $1.442695020e+00, v29;
	_ =	sdelay $0x1  }
0x1b4: {  	(erf) = vpow2.f32 v29;
	_ =	sdelay $0x8  }
0x1b5: {  	v29 =	vpop (erf)  }
0x1b6: {  	[tilespmem:s18+$0x5A00] =	vst v29  }
0x1b7: {  	v30 =	vld [tilespmem:s19+$0x0];
	_ =	sdelay $0x4  }
0x1b8: {  	v30 =	vsub.f32 v30, v0;
	_ =	sdelay $0x1  }
0x1b9: {  	v30 =	vmul.f32 $1.593750000e+01, v30;
	_ =	sdelay $0x1  }
0x1ba: {  	v30 =	vadd.f32 $-5.000000000e-01, v30;
	_ =	sdelay $0x1  }
0x1bb: {  	v30 =	vtrunc.f32 v30  }
0x1bc: {  	v30 =	vcvt.f32.s32 v30;
	_ =	sdelay $0x1  }
0x1bd: {  	v30 =	vcvt.s32.f32 v30;
	_ =	sdelay $0x1  }
0x1be: {  	v30 =	vmul.f32 $6.274510170e-02, v30;
	_ =	sdelay $0x1  }
0x1bf: {  	v30 =	vmul.f32 $1.442695020e+00, v30;
	_ =	sdelay $0x1  }
0x1c0: {  	(erf) = vpow2.f32 v30;
	_ =	sdelay $0x8  }
0x1c1: {  	v30 =	vpop (erf)  }
0x1c2: {  	[tilespmem:s19+$0x4000] =	vst v30  }
0x1c3: {  	v31 =	vld [tilespmem:s18+$0x1B00];
	_ =	sdelay $0x4  }
0x1c4: {  	v31 =	vsub.f32 v31, v0;
	_ =	sdelay $0x1  }
0x1c5: {  	v31 =	vmul.f32 $1.593750000e+01, v31;
	_ =	sdelay $0x1  }
0x1c6: {  	v31 =	vadd.f32 $-5.000000000e-01, v31;
	_ =	sdelay $0x1  }
0x1c7: {  	v31 =	vtrunc.f32 v31  }
0x1c8: {  	v31 =	vcvt.f32.s32 v31;
	_ =	sdelay $0x1  }
0x1c9: {  	v31 =	vcvt.s32.f32 v31;
	_ =	sdelay $0x1  }
0x1ca: {  	v31 =	vmul.f32 $6.274510170e-02, v31;
	_ =	sdelay $0x1  }
0x1cb: {  	v31 =	vmul.f32 $1.442695020e+00, v31;
	_ =	sdelay $0x1  }
0x1cc: {  	(erf) = vpow2.f32 v31;
	_ =	sdelay $0x8  }
0x1cd: {  	v31 =	vpop (erf)  }
0x1ce: {  	[tilespmem:s18+$0x5B00] =	vst v31  }
0x1cf: {  	v32 =	vld [tilespmem:s20+$0x0];
	_ =	sdelay $0x4  }
0x1d0: {  	v32 =	vsub.f32 v32, v0;
	_ =	sdelay $0x1  }
0x1d1: {  	v32 =	vmul.f32 $1.593750000e+01, v32;
	_ =	sdelay $0x1  }
0x1d2: {  	v32 =	vadd.f32 $-5.000000000e-01, v32;
	_ =	sdelay $0x1  }
0x1d3: {  	v32 =	vtrunc.f32 v32  }
0x1d4: {  	v32 =	vcvt.f32.s32 v32;
	_ =	sdelay $0x1  }
0x1d5: {  	v32 =	vcvt.s32.f32 v32;
	_ =	sdelay $0x1  }
0x1d6: {  	v32 =	vmul.f32 $6.274510170e-02, v32;
	_ =	sdelay $0x1  }
0x1d7: {  	v32 =	vmul.f32 $1.442695020e+00, v32;
	_ =	sdelay $0x1  }
0x1d8: {  	(erf) = vpow2.f32 v32;
	_ =	sdelay $0x8  }
0x1d9: {  	v32 =	vpop (erf)  }
0x1da: {  	[tilespmem:s20+$0x4000] =	vst v32  }
0x1db: {  	v33 =	vld [tilespmem:s18+$0x2000];
	_ =	sdelay $0x4  }
0x1dc: {  	v33 =	vsub.f32 v33, v0;
	_ =	sdelay $0x1  }
0x1dd: {  	v33 =	vmul.f32 $1.593750000e+01, v33;
	_ =	sdelay $0x1  }
0x1de: {  	v33 =	vadd.f32 $-5.000000000e-01, v33;
	_ =	sdelay $0x1  }
0x1df: {  	v33 =	vtrunc.f32 v33  }
0x1e0: {  	v33 =	vcvt.f32.s32 v33;
	_ =	sdelay $0x1  }
0x1e1: {  	v33 =	vcvt.s32.f32 v33;
	_ =	sdelay $0x1  }
0x1e2: {  	v33 =	vmul.f32 $6.274510170e-02, v33;
	_ =	sdelay $0x1  }
0x1e3: {  	v33 =	vmul.f32 $1.442695020e+00, v33;
	_ =	sdelay $0x1  }
0x1e4: {  	(erf) = vpow2.f32 v33;
	_ =	sdelay $0x8  }
0x1e5: {  	v33 =	vpop (erf)  }
0x1e6: {  	[tilespmem:s18+$0x6000] =	vst v33  }
0x1e7: {  	v34 =	vld [tilespmem:s21+$0x0];
	_ =	sdelay $0x4  }
0x1e8: {  	v34 =	vsub.f32 v34, v0;
	_ =	sdelay $0x1  }
0x1e9: {  	v34 =	vmul.f32 $1.593750000e+01, v34;
	_ =	sdelay $0x1  }
0x1ea: {  	v34 =	vadd.f32 $-5.000000000e-01, v34;
	_ =	sdelay $0x1  }
0x1eb: {  	v34 =	vtrunc.f32 v34  }
0x1ec: {  	v34 =	vcvt.f32.s32 v34;
	_ =	sdelay $0x1  }
0x1ed: {  	v34 =	vcvt.s32.f32 v34;
	_ =	sdelay $0x1  }
0x1ee: {  	v34 =	vmul.f32 $6.274510170e-02, v34;
	_ =	sdelay $0x1  }
0x1ef: {  	v34 =	vmul.f32 $1.442695020e+00, v34;
	_ =	sdelay $0x1  }
0x1f0: {  	(erf) = vpow2.f32 v34;
	_ =	sdelay $0x8  }
0x1f1: {  	v34 =	vpop (erf)  }
0x1f2: {  	[tilespmem:s21+$0x4000] =	vst v34  }
0x1f3: {  	v35 =	vld [tilespmem:s18+$0x2100];
	_ =	sdelay $0x4  }
0x1f4: {  	v35 =	vsub.f32 v35, v0;
	_ =	sdelay $0x1  }
0x1f5: {  	v35 =	vmul.f32 $1.593750000e+01, v35;
	_ =	sdelay $0x1  }
0x1f6: {  	v35 =	vadd.f32 $-5.000000000e-01, v35;
	_ =	sdelay $0x1  }
0x1f7: {  	v35 =	vtrunc.f32 v35  }
0x1f8: {  	v35 =	vcvt.f32.s32 v35;
	_ =	sdelay $0x1  }
0x1f9: {  	v35 =	vcvt.s32.f32 v35;
	_ =	sdelay $0x1  }
0x1fa: {  	v35 =	vmul.f32 $6.274510170e-02, v35;
	_ =	sdelay $0x1  }
0x1fb: {  	v35 =	vmul.f32 $1.442695020e+00, v35;
	_ =	sdelay $0x1  }
0x1fc: {  	(erf) = vpow2.f32 v35;
	_ =	sdelay $0x8  }
0x1fd: {  	v35 =	vpop (erf)  }
0x1fe: {  	[tilespmem:s18+$0x6100] =	vst v35  }
0x1ff: {  	v36 =	vld [tilespmem:s22+$0x0];
	_ =	sdelay $0x4  }
0x200: {  	v36 =	vsub.f32 v36, v0;
	_ =	sdelay $0x1  }
0x201: {  	v36 =	vmul.f32 $1.593750000e+01, v36;
	_ =	sdelay $0x1  }
0x202: {  	v36 =	vadd.f32 $-5.000000000e-01, v36;
	_ =	sdelay $0x1  }
0x203: {  	v36 =	vtrunc.f32 v36  }
0x204: {  	v36 =	vcvt.f32.s32 v36;
	_ =	sdelay $0x1  }
0x205: {  	v36 =	vcvt.s32.f32 v36;
	_ =	sdelay $0x1  }
0x206: {  	v36 =	vmul.f32 $6.274510170e-02, v36;
	_ =	sdelay $0x1  }
0x207: {  	v36 =	vmul.f32 $1.442695020e+00, v36;
	_ =	sdelay $0x1  }
0x208: {  	(erf) = vpow2.f32 v36;
	_ =	sdelay $0x8  }
0x209: {  	v36 =	vpop (erf)  }
0x20a: {  	[tilespmem:s22+$0x4000] =	vst v36  }
0x20b: {  	v37 =	vld [tilespmem:s18+$0x2200];
	_ =	sdelay $0x4  }
0x20c: {  	v37 =	vsub.f32 v37, v0;
	_ =	sdelay $0x1  }
0x20d: {  	v37 =	vmul.f32 $1.593750000e+01, v37;
	_ =	sdelay $0x1  }
0x20e: {  	v37 =	vadd.f32 $-5.000000000e-01, v37;
	_ =	sdelay $0x1  }
0x20f: {  	v37 =	vtrunc.f32 v37  }
0x210: {  	v37 =	vcvt.f32.s32 v37;
	_ =	sdelay $0x1  }
0x211: {  	v37 =	vcvt.s32.f32 v37;
	_ =	sdelay $0x1  }
0x212: {  	v37 =	vmul.f32 $6.274510170e-02, v37;
	_ =	sdelay $0x1  }
0x213: {  	v37 =	vmul.f32 $1.442695020e+00, v37;
	_ =	sdelay $0x1  }
0x214: {  	(erf) = vpow2.f32 v37;
	_ =	sdelay $0x8  }
0x215: {  	v37 =	vpop (erf)  }
0x216: {  	[tilespmem:s18+$0x6200] =	vst v37  }
0x217: {  	v38 =	vld [tilespmem:s23+$0x0];
	_ =	sdelay $0x4  }
0x218: {  	v38 =	vsub.f32 v38, v0;
	_ =	sdelay $0x1  }
0x219: {  	v38 =	vmul.f32 $1.593750000e+01, v38;
	_ =	sdelay $0x1  }
0x21a: {  	v38 =	vadd.f32 $-5.000000000e-01, v38;
	_ =	sdelay $0x1  }
0x21b: {  	v38 =	vtrunc.f32 v38  }
0x21c: {  	v38 =	vcvt.f32.s32 v38;
	_ =	sdelay $0x1  }
0x21d: {  	v38 =	vcvt.s32.f32 v38;
	_ =	sdelay $0x1  }
0x21e: {  	v38 =	vmul.f32 $6.274510170e-02, v38;
	_ =	sdelay $0x1  }
0x21f: {  	v38 =	vmul.f32 $1.442695020e+00, v38;
	_ =	sdelay $0x1  }
0x220: {  	(erf) = vpow2.f32 v38;
	_ =	sdelay $0x8  }
0x221: {  	v38 =	vpop (erf)  }
0x222: {  	[tilespmem:s23+$0x4000] =	vst v38  }
0x223: {  	v39 =	vld [tilespmem:s18+$0x2300];
	_ =	sdelay $0x4  }
0x224: {  	v39 =	vsub.f32 v39, v0;
	_ =	sdelay $0x1  }
0x225: {  	v39 =	vmul.f32 $1.593750000e+01, v39;
	_ =	sdelay $0x1  }
0x226: {  	v39 =	vadd.f32 $-5.000000000e-01, v39;
	_ =	sdelay $0x1  }
0x227: {  	v39 =	vtrunc.f32 v39  }
0x228: {  	v39 =	vcvt.f32.s32 v39;
	_ =	sdelay $0x1  }
0x229: {  	v39 =	vcvt.s32.f32 v39;
	_ =	sdelay $0x1  }
0x22a: {  	v39 =	vmul.f32 $6.274510170e-02, v39;
	_ =	sdelay $0x1  }
0x22b: {  	v39 =	vmul.f32 $1.442695020e+00, v39;
	_ =	sdelay $0x1  }
0x22c: {  	(erf) = vpow2.f32 v39;
	_ =	sdelay $0x8  }
0x22d: {  	v39 =	vpop (erf)  }
0x22e: {  	[tilespmem:s18+$0x6300] =	vst v39  }
0x22f: {  	v40 =	vld [tilespmem:s26+$0x0];
	_ =	sdelay $0x4  }
0x230: {  	v40 =	vsub.f32 v40, v0;
	_ =	sdelay $0x1  }
0x231: {  	v40 =	vmul.f32 $1.593750000e+01, v40;
	_ =	sdelay $0x1  }
0x232: {  	v40 =	vadd.f32 $-5.000000000e-01, v40;
	_ =	sdelay $0x1  }
0x233: {  	v40 =	vtrunc.f32 v40  }
0x234: {  	v40 =	vcvt.f32.s32 v40;
	_ =	sdelay $0x1  }
0x235: {  	v40 =	vcvt.s32.f32 v40;
	_ =	sdelay $0x1  }
0x236: {  	v40 =	vmul.f32 $6.274510170e-02, v40;
	_ =	sdelay $0x1  }
0x237: {  	v40 =	vmul.f32 $1.442695020e+00, v40;
	_ =	sdelay $0x1  }
0x238: {  	(erf) = vpow2.f32 v40;
	_ =	sdelay $0x8  }
0x239: {  	v40 =	vpop (erf)  }
0x23a: {  	[tilespmem:s26+$0x4000] =	vst v40  }
0x23b: {  	v41 =	vld [tilespmem:s18+$0x2800];
	_ =	sdelay $0x4  }
0x23c: {  	v41 =	vsub.f32 v41, v0;
	_ =	sdelay $0x1  }
0x23d: {  	v41 =	vmul.f32 $1.593750000e+01, v41;
	_ =	sdelay $0x1  }
0x23e: {  	v41 =	vadd.f32 $-5.000000000e-01, v41;
	_ =	sdelay $0x1  }
0x23f: {  	v41 =	vtrunc.f32 v41  }
0x240: {  	v41 =	vcvt.f32.s32 v41;
	_ =	sdelay $0x1  }
0x241: {  	v41 =	vcvt.s32.f32 v41;
	_ =	sdelay $0x1  }
0x242: {  	v41 =	vmul.f32 $6.274510170e-02, v41;
	_ =	sdelay $0x1  }
0x243: {  	v41 =	vmul.f32 $1.442695020e+00, v41;
	_ =	sdelay $0x1  }
0x244: {  	(erf) = vpow2.f32 v41;
	_ =	sdelay $0x8  }
0x245: {  	v41 =	vpop (erf)  }
0x246: {  	[tilespmem:s18+$0x6800] =	vst v41  }
0x247: {  	v42 =	vld [tilespmem:s31+$0x0];
	_ =	sdelay $0x4  }
0x248: {  	v42 =	vsub.f32 v42, v0;
	_ =	sdelay $0x1  }
0x249: {  	v42 =	vmul.f32 $1.593750000e+01, v42;
	_ =	sdelay $0x1  }
0x24a: {  	v42 =	vadd.f32 $-5.000000000e-01, v42;
	_ =	sdelay $0x1  }
0x24b: {  	v42 =	vtrunc.f32 v42  }
0x24c: {  	v42 =	vcvt.f32.s32 v42;
	_ =	sdelay $0x1  }
0x24d: {  	v42 =	vcvt.s32.f32 v42;
	_ =	sdelay $0x1  }
0x24e: {  	v42 =	vmul.f32 $6.274510170e-02, v42;
	_ =	sdelay $0x1  }
0x24f: {  	v42 =	vmul.f32 $1.442695020e+00, v42;
	_ =	sdelay $0x1  }
0x250: {  	(erf) = vpow2.f32 v42;
	_ =	sdelay $0x8  }
0x251: {  	v42 =	vpop (erf)  }
0x252: {  	[tilespmem:s31+$0x4000] =	vst v42  }
0x253: {  	v43 =	vld [tilespmem:s18+$0x2900];
	_ =	sdelay $0x4  }
0x254: {  	v43 =	vsub.f32 v43, v0;
	_ =	sdelay $0x1  }
0x255: {  	v43 =	vmul.f32 $1.593750000e+01, v43;
	_ =	sdelay $0x1  }
0x256: {  	v43 =	vadd.f32 $-5.000000000e-01, v43;
	_ =	sdelay $0x1  }
0x257: {  	v43 =	vtrunc.f32 v43  }
0x258: {  	v43 =	vcvt.f32.s32 v43;
	_ =	sdelay $0x1  }
0x259: {  	v43 =	vcvt.s32.f32 v43;
	_ =	sdelay $0x1  }
0x25a: {  	v43 =	vmul.f32 $6.274510170e-02, v43;
	_ =	sdelay $0x1  }
0x25b: {  	v43 =	vmul.f32 $1.442695020e+00, v43;
	_ =	sdelay $0x1  }
0x25c: {  	(erf) = vpow2.f32 v43;
	_ =	sdelay $0x8  }
0x25d: {  	v43 =	vpop (erf)  }
0x25e: {  	[tilespmem:s18+$0x6900] =	vst v43  }
0x25f: {  	v44 =	vld [tilespmem:s30+$0x0];
	_ =	sdelay $0x4  }
0x260: {  	v44 =	vsub.f32 v44, v0;
	_ =	sdelay $0x1  }
0x261: {  	v44 =	vmul.f32 $1.593750000e+01, v44;
	_ =	sdelay $0x1  }
0x262: {  	v44 =	vadd.f32 $-5.000000000e-01, v44;
	_ =	sdelay $0x1  }
0x263: {  	v44 =	vtrunc.f32 v44  }
0x264: {  	v44 =	vcvt.f32.s32 v44;
	_ =	sdelay $0x1  }
0x265: {  	v44 =	vcvt.s32.f32 v44;
	_ =	sdelay $0x1  }
0x266: {  	v44 =	vmul.f32 $6.274510170e-02, v44;
	_ =	sdelay $0x1  }
0x267: {  	v44 =	vmul.f32 $1.442695020e+00, v44;
	_ =	sdelay $0x1  }
0x268: {  	(erf) = vpow2.f32 v44;
	_ =	sdelay $0x8  }
0x269: {  	v44 =	vpop (erf)  }
0x26a: {  	[tilespmem:s30+$0x4000] =	vst v44  }
0x26b: {  	v45 =	vld [tilespmem:s18+$0x2A00];
	_ =	sdelay $0x4  }
0x26c: {  	v45 =	vsub.f32 v45, v0;
	_ =	sdelay $0x1  }
0x26d: {  	v45 =	vmul.f32 $1.593750000e+01, v45;
	_ =	sdelay $0x1  }
0x26e: {  	v45 =	vadd.f32 $-5.000000000e-01, v45;
	_ =	sdelay $0x1  }
0x26f: {  	v45 =	vtrunc.f32 v45  }
0x270: {  	v45 =	vcvt.f32.s32 v45;
	_ =	sdelay $0x1  }
0x271: {  	v45 =	vcvt.s32.f32 v45;
	_ =	sdelay $0x1  }
0x272: {  	v45 =	vmul.f32 $6.274510170e-02, v45;
	_ =	sdelay $0x1  }
0x273: {  	v45 =	vmul.f32 $1.442695020e+00, v45;
	_ =	sdelay $0x1  }
0x274: {  	(erf) = vpow2.f32 v45;
	_ =	sdelay $0x8  }
0x275: {  	v45 =	vpop (erf)  }
0x276: {  	[tilespmem:s18+$0x6A00] =	vst v45  }
0x277: {  	v46 =	vld [tilespmem:s24+$0x0];
	_ =	sdelay $0x4  }
0x278: {  	v46 =	vsub.f32 v46, v0;
	_ =	sdelay $0x1  }
0x279: {  	v46 =	vmul.f32 $1.593750000e+01, v46;
	_ =	sdelay $0x1  }
0x27a: {  	v46 =	vadd.f32 $-5.000000000e-01, v46;
	_ =	sdelay $0x1  }
0x27b: {  	v46 =	vtrunc.f32 v46  }
0x27c: {  	v46 =	vcvt.f32.s32 v46;
	_ =	sdelay $0x1  }
0x27d: {  	v46 =	vcvt.s32.f32 v46;
	_ =	sdelay $0x1  }
0x27e: {  	v46 =	vmul.f32 $6.274510170e-02, v46;
	_ =	sdelay $0x1  }
0x27f: {  	v46 =	vmul.f32 $1.442695020e+00, v46;
	_ =	sdelay $0x1  }
0x280: {  	(erf) = vpow2.f32 v46;
	_ =	sdelay $0x8  }
0x281: {  	v46 =	vpop (erf)  }
0x282: {  	[tilespmem:s24+$0x4000] =	vst v46  }
0x283: {  	v47 =	vld [tilespmem:s18+$0x2B00];
	_ =	sdelay $0x4  }
0x284: {  	v47 =	vsub.f32 v47, v0;
	_ =	sdelay $0x1  }
0x285: {  	v47 =	vmul.f32 $1.593750000e+01, v47;
	_ =	sdelay $0x1  }
0x286: {  	v47 =	vadd.f32 $-5.000000000e-01, v47;
	_ =	sdelay $0x1  }
0x287: {  	v47 =	vtrunc.f32 v47  }
0x288: {  	v47 =	vcvt.f32.s32 v47;
	_ =	sdelay $0x1  }
0x289: {  	v47 =	vcvt.s32.f32 v47;
	_ =	sdelay $0x1  }
0x28a: {  	v47 =	vmul.f32 $6.274510170e-02, v47;
	_ =	sdelay $0x1  }
0x28b: {  	v47 =	vmul.f32 $1.442695020e+00, v47;
	_ =	sdelay $0x1  }
0x28c: {  	(erf) = vpow2.f32 v47;
	_ =	sdelay $0x8  }
0x28d: {  	v47 =	vpop (erf)  }
0x28e: {  	[tilespmem:s18+$0x6B00] =	vst v47  }
0x28f: {  	v48 =	vld [tilespmem:s28+$0x0];
	_ =	sdelay $0x4  }
0x290: {  	v48 =	vsub.f32 v48, v0;
	_ =	sdelay $0x1  }
0x291: {  	v48 =	vmul.f32 $1.593750000e+01, v48;
	_ =	sdelay $0x1  }
0x292: {  	v48 =	vadd.f32 $-5.000000000e-01, v48;
	_ =	sdelay $0x1  }
0x293: {  	v48 =	vtrunc.f32 v48  }
0x294: {  	v48 =	vcvt.f32.s32 v48;
	_ =	sdelay $0x1  }
0x295: {  	v48 =	vcvt.s32.f32 v48;
	_ =	sdelay $0x1  }
0x296: {  	v48 =	vmul.f32 $6.274510170e-02, v48;
	_ =	sdelay $0x1  }
0x297: {  	v48 =	vmul.f32 $1.442695020e+00, v48;
	_ =	sdelay $0x1  }
0x298: {  	(erf) = vpow2.f32 v48;
	_ =	sdelay $0x8  }
0x299: {  	v48 =	vpop (erf)  }
0x29a: {  	[tilespmem:s28+$0x4000] =	vst v48  }
0x29b: {  	v49 =	vld [tilespmem:s18+$0x3000];
	_ =	sdelay $0x4  }
0x29c: {  	v49 =	vsub.f32 v49, v0;
	_ =	sdelay $0x1  }
0x29d: {  	v49 =	vmul.f32 $1.593750000e+01, v49;
	_ =	sdelay $0x1  }
0x29e: {  	v49 =	vadd.f32 $-5.000000000e-01, v49;
	_ =	sdelay $0x1  }
0x29f: {  	v49 =	vtrunc.f32 v49  }
0x2a0: {  	v49 =	vcvt.f32.s32 v49;
	_ =	sdelay $0x1  }
0x2a1: {  	v49 =	vcvt.s32.f32 v49;
	_ =	sdelay $0x1  }
0x2a2: {  	v49 =	vmul.f32 $6.274510170e-02, v49;
	_ =	sdelay $0x1  }
0x2a3: {  	v49 =	vmul.f32 $1.442695020e+00, v49;
	_ =	sdelay $0x1  }
0x2a4: {  	(erf) = vpow2.f32 v49;
	_ =	sdelay $0x8  }
0x2a5: {  	v49 =	vpop (erf)  }
0x2a6: {  	[tilespmem:s18+$0x7000] =	vst v49  }
0x2a7: {  	v50 =	vld [tilespmem:s29+$0x0];
	_ =	sdelay $0x4  }
0x2a8: {  	v50 =	vsub.f32 v50, v0;
	_ =	sdelay $0x1  }
0x2a9: {  	v50 =	vmul.f32 $1.593750000e+01, v50;
	_ =	sdelay $0x1  }
0x2aa: {  	v50 =	vadd.f32 $-5.000000000e-01, v50;
	_ =	sdelay $0x1  }
0x2ab: {  	v50 =	vtrunc.f32 v50  }
0x2ac: {  	v50 =	vcvt.f32.s32 v50;
	_ =	sdelay $0x1  }
0x2ad: {  	v50 =	vcvt.s32.f32 v50;
	_ =	sdelay $0x1  }
0x2ae: {  	v50 =	vmul.f32 $6.274510170e-02, v50;
	_ =	sdelay $0x1  }
0x2af: {  	v50 =	vmul.f32 $1.442695020e+00, v50;
	_ =	sdelay $0x1  }
0x2b0: {  	(erf) = vpow2.f32 v50;
	_ =	sdelay $0x8  }
0x2b1: {  	v50 =	vpop (erf)  }
0x2b2: {  	[tilespmem:s29+$0x4000] =	vst v50  }
0x2b3: {  	v51 =	vld [tilespmem:s18+$0x3100];
	_ =	sdelay $0x4  }
0x2b4: {  	v51 =	vsub.f32 v51, v0;
	_ =	sdelay $0x1  }
0x2b5: {  	v51 =	vmul.f32 $1.593750000e+01, v51;
	_ =	sdelay $0x1  }
0x2b6: {  	v51 =	vadd.f32 $-5.000000000e-01, v51;
	_ =	sdelay $0x1  }
0x2b7: {  	v51 =	vtrunc.f32 v51  }
0x2b8: {  	v51 =	vcvt.f32.s32 v51;
	_ =	sdelay $0x1  }
0x2b9: {  	v51 =	vcvt.s32.f32 v51;
	_ =	sdelay $0x1  }
0x2ba: {  	v51 =	vmul.f32 $6.274510170e-02, v51;
	_ =	sdelay $0x1  }
0x2bb: {  	v51 =	vmul.f32 $1.442695020e+00, v51;
	_ =	sdelay $0x1  }
0x2bc: {  	(erf) = vpow2.f32 v51;
	_ =	sdelay $0x8  }
0x2bd: {  	[dreg:$0xa] =	wrdreg s1;
	v51 =	vpop (erf)  }
0x2be: {  	s1 =	rddreg [dreg:$0xf];
	[tilespmem:s18+$0x7100] =	vst v51  }
0x2bf: {  	v52 =	vld [tilespmem:s1+$0x0];
	_ =	sdelay $0x4  }
0x2c0: {  	v52 =	vsub.f32 v52, v0;
	_ =	sdelay $0x1  }
0x2c1: {  	v52 =	vmul.f32 $1.593750000e+01, v52;
	_ =	sdelay $0x1  }
0x2c2: {  	v52 =	vadd.f32 $-5.000000000e-01, v52;
	_ =	sdelay $0x1  }
0x2c3: {  	v52 =	vtrunc.f32 v52  }
0x2c4: {  	v52 =	vcvt.f32.s32 v52;
	_ =	sdelay $0x1  }
0x2c5: {  	v52 =	vcvt.s32.f32 v52;
	_ =	sdelay $0x1  }
0x2c6: {  	v52 =	vmul.f32 $6.274510170e-02, v52;
	_ =	sdelay $0x1  }
0x2c7: {  	v52 =	vmul.f32 $1.442695020e+00, v52;
	_ =	sdelay $0x1  }
0x2c8: {  	(erf) = vpow2.f32 v52;
	_ =	sdelay $0x8  }
0x2c9: {  	v52 =	vpop (erf)  }
0x2ca: {  	[tilespmem:s1+$0x4000] =	vst v52  }
0x2cb: {  	v53 =	vld [tilespmem:s18+$0x3200];
	_ =	sdelay $0x4  }
0x2cc: {  	v53 =	vsub.f32 v53, v0;
	_ =	sdelay $0x1  }
0x2cd: {  	v53 =	vmul.f32 $1.593750000e+01, v53;
	_ =	sdelay $0x1  }
0x2ce: {  	v53 =	vadd.f32 $-5.000000000e-01, v53;
	_ =	sdelay $0x1  }
0x2cf: {  	v53 =	vtrunc.f32 v53  }
0x2d0: {  	v53 =	vcvt.f32.s32 v53;
	_ =	sdelay $0x1  }
0x2d1: {  	v53 =	vcvt.s32.f32 v53;
	_ =	sdelay $0x1  }
0x2d2: {  	v53 =	vmul.f32 $6.274510170e-02, v53;
	_ =	sdelay $0x1  }
0x2d3: {  	v53 =	vmul.f32 $1.442695020e+00, v53;
	_ =	sdelay $0x1  }
0x2d4: {  	(erf) = vpow2.f32 v53;
	_ =	sdelay $0x8  }
0x2d5: {  	[dreg:$0x12] =	wrdreg s29;
	v53 =	vpop (erf)  }
0x2d6: {  	s29 =	rddreg [dreg:$0xe];
	[tilespmem:s18+$0x7200] =	vst v53  }
0x2d7: {  	v54 =	vld [tilespmem:s29+$0x0];
	_ =	sdelay $0x4  }
0x2d8: {  	v54 =	vsub.f32 v54, v0;
	_ =	sdelay $0x1  }
0x2d9: {  	v54 =	vmul.f32 $1.593750000e+01, v54;
	_ =	sdelay $0x1  }
0x2da: {  	v54 =	vadd.f32 $-5.000000000e-01, v54;
	_ =	sdelay $0x1  }
0x2db: {  	v54 =	vtrunc.f32 v54  }
0x2dc: {  	v54 =	vcvt.f32.s32 v54;
	_ =	sdelay $0x1  }
0x2dd: {  	v54 =	vcvt.s32.f32 v54;
	_ =	sdelay $0x1  }
0x2de: {  	v54 =	vmul.f32 $6.274510170e-02, v54;
	_ =	sdelay $0x1  }
0x2df: {  	v54 =	vmul.f32 $1.442695020e+00, v54;
	_ =	sdelay $0x1  }
0x2e0: {  	(erf) = vpow2.f32 v54;
	_ =	sdelay $0x8  }
0x2e1: {  	v54 =	vpop (erf)  }
0x2e2: {  	[tilespmem:s29+$0x4000] =	vst v54  }
0x2e3: {  	v55 =	vld [tilespmem:s18+$0x3300];
	_ =	sdelay $0x4  }
0x2e4: {  	v55 =	vsub.f32 v55, v0;
	_ =	sdelay $0x1  }
0x2e5: {  	v55 =	vmul.f32 $1.593750000e+01, v55;
	_ =	sdelay $0x1  }
0x2e6: {  	v55 =	vadd.f32 $-5.000000000e-01, v55;
	_ =	sdelay $0x1  }
0x2e7: {  	v55 =	vtrunc.f32 v55  }
0x2e8: {  	v55 =	vcvt.f32.s32 v55;
	_ =	sdelay $0x1  }
0x2e9: {  	v55 =	vcvt.s32.f32 v55;
	_ =	sdelay $0x1  }
0x2ea: {  	v55 =	vmul.f32 $6.274510170e-02, v55;
	_ =	sdelay $0x1  }
0x2eb: {  	v55 =	vmul.f32 $1.442695020e+00, v55;
	_ =	sdelay $0x1  }
0x2ec: {  	(erf) = vpow2.f32 v55;
	_ =	sdelay $0x8  }
0x2ed: {  	[dreg:$0x11] =	wrdreg s28;
	v55 =	vpop (erf)  }
0x2ee: {  	s28 =	rddreg [dreg:$0xd];
	[tilespmem:s18+$0x7300] =	vst v55  }
0x2ef: {  	v56 =	vld [tilespmem:s28+$0x0];
	_ =	sdelay $0x4  }
0x2f0: {  	v56 =	vsub.f32 v56, v0;
	_ =	sdelay $0x1  }
0x2f1: {  	v56 =	vmul.f32 $1.593750000e+01, v56;
	_ =	sdelay $0x1  }
0x2f2: {  	v56 =	vadd.f32 $-5.000000000e-01, v56;
	_ =	sdelay $0x1  }
0x2f3: {  	v56 =	vtrunc.f32 v56  }
0x2f4: {  	v56 =	vcvt.f32.s32 v56;
	_ =	sdelay $0x1  }
0x2f5: {  	v56 =	vcvt.s32.f32 v56;
	_ =	sdelay $0x1  }
0x2f6: {  	v56 =	vmul.f32 $6.274510170e-02, v56;
	_ =	sdelay $0x1  }
0x2f7: {  	v56 =	vmul.f32 $1.442695020e+00, v56;
	_ =	sdelay $0x1  }
0x2f8: {  	(erf) = vpow2.f32 v56;
	_ =	sdelay $0x8  }
0x2f9: {  	v56 =	vpop (erf)  }
0x2fa: {  	[tilespmem:s28+$0x4000] =	vst v56  }
0x2fb: {  	v57 =	vld [tilespmem:s18+$0x3800];
	_ =	sdelay $0x4  }
0x2fc: {  	v57 =	vsub.f32 v57, v0;
	_ =	sdelay $0x1  }
0x2fd: {  	v57 =	vmul.f32 $1.593750000e+01, v57;
	_ =	sdelay $0x1  }
0x2fe: {  	v57 =	vadd.f32 $-5.000000000e-01, v57;
	_ =	sdelay $0x1  }
0x2ff: {  	v57 =	vtrunc.f32 v57  }
0x300: {  	v57 =	vcvt.f32.s32 v57;
	_ =	sdelay $0x1  }
0x301: {  	v57 =	vcvt.s32.f32 v57;
	_ =	sdelay $0x1  }
0x302: {  	v57 =	vmul.f32 $6.274510170e-02, v57;
	_ =	sdelay $0x1  }
0x303: {  	v57 =	vmul.f32 $1.442695020e+00, v57;
	_ =	sdelay $0x1  }
0x304: {  	(erf) = vpow2.f32 v57;
	_ =	sdelay $0x8  }
0x305: {  	[dreg:$0x10] =	wrdreg s24;
	v57 =	vpop (erf)  }
0x306: {  	s24 =	rddreg [dreg:$0xc];
	[tilespmem:s18+$0x7800] =	vst v57  }
0x307: {  	v58 =	vld [tilespmem:s24+$0x0];
	_ =	sdelay $0x4  }
0x308: {  	v58 =	vsub.f32 v58, v0;
	_ =	sdelay $0x1  }
0x309: {  	v58 =	vmul.f32 $1.593750000e+01, v58;
	_ =	sdelay $0x1  }
0x30a: {  	v58 =	vadd.f32 $-5.000000000e-01, v58;
	_ =	sdelay $0x1  }
0x30b: {  	v58 =	vtrunc.f32 v58  }
0x30c: {  	v58 =	vcvt.f32.s32 v58;
	_ =	sdelay $0x1  }
0x30d: {  	v58 =	vcvt.s32.f32 v58;
	_ =	sdelay $0x1  }
0x30e: {  	v58 =	vmul.f32 $6.274510170e-02, v58;
	_ =	sdelay $0x1  }
0x30f: {  	v58 =	vmul.f32 $1.442695020e+00, v58;
	_ =	sdelay $0x1  }
0x310: {  	(erf) = vpow2.f32 v58;
	_ =	sdelay $0x8  }
0x311: {  	v58 =	vpop (erf)  }
0x312: {  	[tilespmem:s24+$0x4000] =	vst v58  }
0x313: {  	v59 =	vld [tilespmem:s18+$0x3900];
	_ =	sdelay $0x4  }
0x314: {  	v59 =	vsub.f32 v59, v0;
	_ =	sdelay $0x1  }
0x315: {  	v59 =	vmul.f32 $1.593750000e+01, v59;
	_ =	sdelay $0x1  }
0x316: {  	v59 =	vadd.f32 $-5.000000000e-01, v59;
	_ =	sdelay $0x1  }
0x317: {  	v59 =	vtrunc.f32 v59  }
0x318: {  	v59 =	vcvt.f32.s32 v59;
	_ =	sdelay $0x1  }
0x319: {  	v59 =	vcvt.s32.f32 v59;
	_ =	sdelay $0x1  }
0x31a: {  	v59 =	vmul.f32 $6.274510170e-02, v59;
	_ =	sdelay $0x1  }
0x31b: {  	v59 =	vmul.f32 $1.442695020e+00, v59;
	_ =	sdelay $0x1  }
0x31c: {  	(erf) = vpow2.f32 v59;
	_ =	sdelay $0x8  }
0x31d: {  	v59 =	vpop (erf)  }
0x31e: {  	[tilespmem:s18+$0x7900] =	vst v59  }
0x31f: {  	v60 =	vld [tilespmem:s16+$0x0];
	_ =	sdelay $0x4  }
0x320: {  	v60 =	vsub.f32 v60, v0;
	_ =	sdelay $0x1  }
0x321: {  	v60 =	vmul.f32 $1.593750000e+01, v60;
	_ =	sdelay $0x1  }
0x322: {  	v60 =	vadd.f32 $-5.000000000e-01, v60;
	_ =	sdelay $0x1  }
0x323: {  	v60 =	vtrunc.f32 v60  }
0x324: {  	v60 =	vcvt.f32.s32 v60;
	_ =	sdelay $0x1  }
0x325: {  	v60 =	vcvt.s32.f32 v60;
	_ =	sdelay $0x1  }
0x326: {  	v60 =	vmul.f32 $6.274510170e-02, v60;
	_ =	sdelay $0x1  }
0x327: {  	v60 =	vmul.f32 $1.442695020e+00, v60;
	_ =	sdelay $0x1  }
0x328: {  	(erf) = vpow2.f32 v60;
	_ =	sdelay $0x7  }
0x329: {  	v1 =	vadd.f32 $0.0e+00, v1  }
0x32a: {  	v60 =	vpop (erf)  }
0x32b: {  	v1 =	vadd.f32 v2, v1;
	[tilespmem:s16+$0x4000] =	vst v60  }
0x32c: {  	v63 =	vld [tilespmem:s18+$0x3A00]  }
0x32d: {  	v1 =	vadd.f32 v3, v1;
	_ =	sdelay $0x1  }
0x32e: {  	v1 =	vadd.f32 v4, v1;
	_ =	sdelay $0x1  }
0x32f: {  	v1 =	vadd.f32 v5, v1;
	v2 =	vsub.f32 v63, v0;
	_ =	sdelay $0x1  }
0x330: {  	v1 =	vadd.f32 v6, v1;
	v2 =	vmul.f32 $1.593750000e+01, v2;
	_ =	sdelay $0x1  }
0x331: {  	v1 =	vadd.f32 v7, v1;
	v2 =	vadd.f32 $-5.000000000e-01, v2;
	_ =	sdelay $0x1  }
0x332: {  	v1 =	vadd.f32 v8, v1;
	v2 =	vtrunc.f32 v2  }
0x333: {  	v2 =	vcvt.f32.s32 v2  }
0x334: {  	v1 =	vadd.f32 v9, v1  }
0x335: {  	v2 =	vcvt.s32.f32 v2  }
0x336: {  	v1 =	vadd.f32 v10, v1  }
0x337: {  	v2 =	vmul.f32 $6.274510170e-02, v2  }
0x338: {  	v1 =	vadd.f32 v11, v1  }
0x339: {  	v2 =	vmul.f32 $1.442695020e+00, v2  }
0x33a: {  	v1 =	vadd.f32 v12, v1  }
0x33b: {  	(erf) = vpow2.f32 v2  }
0x33c: {  	v1 =	vadd.f32 v13, v1;
	_ =	sdelay $0x1  }
0x33d: {  	v1 =	vadd.f32 v14, v1;
	_ =	sdelay $0x1  }
0x33e: {  	v1 =	vadd.f32 v15, v1;
	_ =	sdelay $0x1  }
0x33f: {  	v1 =	vadd.f32 v16, v1;
	_ =	sdelay $0x1  }
0x340: {  	[dreg:$0xb] =	wrdreg s0;
	v1 =	vadd.f32 v17, v1;
	v2 =	vpop (erf)  }
0x341: {  	s1 =	rddreg [dreg:$0xb];
	[tilespmem:s18+$0x7A00] =	vst v2  }
0x342: {  	v1 =	vadd.f32 v18, v1;
	v18 =	vld [tilespmem:s1+$0x0];
	_ =	sdelay $0x1  }
0x343: {  	v1 =	vadd.f32 v19, v1;
	_ =	sdelay $0x1  }
0x344: {  	v1 =	vadd.f32 v20, v1  }
0x345: {  	v3 =	vsub.f32 v18, v0  }
0x346: {  	v1 =	vadd.f32 v21, v1  }
0x347: {  	v3 =	vmul.f32 $1.593750000e+01, v3  }
0x348: {  	v1 =	vadd.f32 v22, v1  }
0x349: {  	v3 =	vadd.f32 $-5.000000000e-01, v3  }
0x34a: {  	v1 =	vadd.f32 v23, v1  }
0x34b: {  	v3 =	vtrunc.f32 v3  }
0x34c: {  	v1 =	vadd.f32 v24, v1;
	v3 =	vcvt.f32.s32 v3;
	_ =	sdelay $0x1  }
0x34d: {  	v1 =	vadd.f32 v25, v1;
	v3 =	vcvt.s32.f32 v3;
	_ =	sdelay $0x1  }
0x34e: {  	v1 =	vadd.f32 v26, v1;
	v3 =	vmul.f32 $6.274510170e-02, v3;
	_ =	sdelay $0x1  }
0x34f: {  	v1 =	vadd.f32 v27, v1;
	v3 =	vmul.f32 $1.442695020e+00, v3;
	_ =	sdelay $0x1  }
0x350: {  	v1 =	vadd.f32 v28, v1;
	(erf) = vpow2.f32 v3;
	_ =	sdelay $0x1  }
0x351: {  	v1 =	vadd.f32 v29, v1;
	_ =	sdelay $0x1  }
0x352: {  	v1 =	vadd.f32 v30, v1;
	_ =	sdelay $0x1  }
0x353: {  	v1 =	vadd.f32 v31, v1;
	_ =	sdelay $0x1  }
0x354: {  	v1 =	vadd.f32 v32, v1  }
0x355: {  	v3 =	vpop (erf)  }
0x356: {  	v1 =	vadd.f32 v33, v1;
	[tilespmem:s1+$0x4000] =	vst v3  }
0x357: {  	v33 =	vld [tilespmem:s18+$0x3B00]  }
0x358: {  	v1 =	vadd.f32 v34, v1;
	_ =	sdelay $0x1  }
0x359: {  	v1 =	vadd.f32 v35, v1;
	_ =	sdelay $0x1  }
0x35a: {  	v1 =	vadd.f32 v36, v1;
	v4 =	vsub.f32 v33, v0;
	_ =	sdelay $0x1  }
0x35b: {  	v1 =	vadd.f32 v37, v1;
	v4 =	vmul.f32 $1.593750000e+01, v4;
	_ =	sdelay $0x1  }
0x35c: {  	v1 =	vadd.f32 v38, v1;
	v4 =	vadd.f32 $-5.000000000e-01, v4;
	_ =	sdelay $0x1  }
0x35d: {  	v1 =	vadd.f32 v39, v1;
	v4 =	vtrunc.f32 v4  }
0x35e: {  	v4 =	vcvt.f32.s32 v4  }
0x35f: {  	v1 =	vadd.f32 v40, v1  }
0x360: {  	v4 =	vcvt.s32.f32 v4  }
0x361: {  	v1 =	vadd.f32 v41, v1  }
0x362: {  	v4 =	vmul.f32 $6.274510170e-02, v4  }
0x363: {  	v1 =	vadd.f32 v42, v1  }
0x364: {  	v4 =	vmul.f32 $1.442695020e+00, v4  }
0x365: {  	v1 =	vadd.f32 v43, v1  }
0x366: {  	(erf) = vpow2.f32 v4  }
0x367: {  	v1 =	vadd.f32 v44, v1;
	_ =	sdelay $0x1  }
0x368: {  	v1 =	vadd.f32 v45, v1;
	_ =	sdelay $0x1  }
0x369: {  	v1 =	vadd.f32 v46, v1;
	_ =	sdelay $0x1  }
0x36a: {  	v1 =	vadd.f32 v47, v1;
	_ =	sdelay $0x1  }
0x36b: {  	v1 =	vadd.f32 v48, v1;
	v4 =	vpop (erf)  }
0x36c: {  	s0 =	smov.u32 s16;
	s16 =	rddreg [dreg:$0xa];
	[tilespmem:s18+$0x7B00] =	vst v4  }
0x36d: {  	v1 =	vadd.f32 v49, v1;
	v49 =	vld [tilespmem:s16+$0x0];
	_ =	sdelay $0x1  }
0x36e: {  	v1 =	vadd.f32 v50, v1;
	_ =	sdelay $0x1  }
0x36f: {  	v1 =	vadd.f32 v51, v1  }
0x370: {  	v0 =	vsub.f32 v49, v0  }
0x371: {  	v1 =	vadd.f32 v52, v1  }
0x372: {  	v0 =	vmul.f32 $1.593750000e+01, v0  }
0x373: {  	v1 =	vadd.f32 v53, v1  }
0x374: {  	v0 =	vadd.f32 $-5.000000000e-01, v0  }
0x375: {  	v1 =	vadd.f32 v54, v1  }
0x376: {  	v0 =	vtrunc.f32 v0  }
0x377: {  	v1 =	vadd.f32 v55, v1;
	v0 =	vcvt.f32.s32 v0;
	_ =	sdelay $0x1  }
0x378: {  	v1 =	vadd.f32 v56, v1;
	v0 =	vcvt.s32.f32 v0;
	_ =	sdelay $0x1  }
0x379: {  	v1 =	vadd.f32 v57, v1;
	v0 =	vmul.f32 $6.274510170e-02, v0;
	_ =	sdelay $0x1  }
0x37a: {  	v1 =	vadd.f32 v58, v1;
	v0 =	vmul.f32 $1.442695020e+00, v0;
	_ =	sdelay $0x1  }
0x37b: {  	v1 =	vadd.f32 v59, v1;
	(erf) = vpow2.f32 v0;
	_ =	sdelay $0x1  }
0x37c: {  	v61 =	vadd.f32 v60, v1;
	_ =	sdelay $0x1  }
0x37d: {  	v0 =	vadd.f32 v2, v61;
	_ =	sdelay $0x1  }
0x37e: {  	v0 =	vadd.f32 v3, v0;
	_ =	sdelay $0x1  }
0x37f: {  	v0 =	vadd.f32 v4, v0  }
0x380: {  	v62 =	vpop (erf)  }
0x381: {  	v0 =	vadd.f32 v62, v0;
	_ =	sdelay $0x1  }
0x382: {  	(erf) = vrcp.f32 v0;
	_ =	sdelay $0x6  }
0x383: {  	v63 =	vld [tilespmem:s18+$0x4000];
	_ =	sdelay $0x1  }
0x384: {  	v0 =	vpop (erf)  }
0x385: {  	v0 =	vmul.f32 $2.550000000e+02, v0;
	_ =	sdelay $0x1  }
0x386: {  	v2 =	vmul.f32 v0, v63;
	_ =	sdelay $0x1  }
0x387: {  	v2 =	vadd.f32 $5.000000000e-01, v2;
	_ =	sdelay $0x1  }
0x388: {  	v2 =	vtrunc.f32 v2  }
0x389: {  	v2 =	vcvt.f32.s32 v2;
	_ =	sdelay $0x1  }
0x38a: {  	v2 =	vcvt.s32.f32 v2;
	_ =	sdelay $0x1  }
0x38b: {  	v2 =	vmul.f32 $3.921568860e-03, v2  }
0x38c: {  	[tilespmem:s16+$0x4000] =	vst v62  }
0x38d: {  	[tilespmem:s18+$0x4000] =	vst v2  }
0x38e: {  	v1 =	vld [tilespmem:s2+$0x4000];
	_ =	sdelay $0x4  }
0x38f: {  	v1 =	vmul.f32 v0, v1;
	_ =	sdelay $0x1  }
0x390: {  	v1 =	vadd.f32 $5.000000000e-01, v1;
	_ =	sdelay $0x1  }
0x391: {  	v1 =	vtrunc.f32 v1  }
0x392: {  	v1 =	vcvt.f32.s32 v1;
	_ =	sdelay $0x1  }
0x393: {  	v1 =	vcvt.s32.f32 v1;
	_ =	sdelay $0x1  }
0x394: {  	v1 =	vmul.f32 $3.921568860e-03, v1;
	_ =	sdelay $0x1  }
0x395: {  	[tilespmem:s2+$0x4000] =	vst v1  }
0x396: {  	v1 =	vld [tilespmem:s18+$0x4100];
	_ =	sdelay $0x4  }
0x397: {  	v1 =	vmul.f32 v0, v1;
	_ =	sdelay $0x1  }
0x398: {  	v1 =	vadd.f32 $5.000000000e-01, v1;
	_ =	sdelay $0x1  }
0x399: {  	v1 =	vtrunc.f32 v1  }
0x39a: {  	v1 =	vcvt.f32.s32 v1;
	_ =	sdelay $0x1  }
0x39b: {  	v1 =	vcvt.s32.f32 v1;
	_ =	sdelay $0x1  }
0x39c: {  	v1 =	vmul.f32 $3.921568860e-03, v1;
	_ =	sdelay $0x1  }
0x39d: {  	[tilespmem:s18+$0x4100] =	vst v1  }
0x39e: {  	v1 =	vld [tilespmem:s3+$0x4000];
	_ =	sdelay $0x4  }
0x39f: {  	v1 =	vmul.f32 v0, v1;
	_ =	sdelay $0x1  }
0x3a0: {  	v1 =	vadd.f32 $5.000000000e-01, v1;
	_ =	sdelay $0x1  }
0x3a1: {  	v1 =	vtrunc.f32 v1  }
0x3a2: {  	v1 =	vcvt.f32.s32 v1;
	_ =	sdelay $0x1  }
0x3a3: {  	v1 =	vcvt.s32.f32 v1;
	_ =	sdelay $0x1  }
0x3a4: {  	v1 =	vmul.f32 $3.921568860e-03, v1;
	_ =	sdelay $0x1  }
0x3a5: {  	[tilespmem:s3+$0x4000] =	vst v1  }
0x3a6: {  	v1 =	vld [tilespmem:s18+$0x4200];
	_ =	sdelay $0x4  }
0x3a7: {  	v1 =	vmul.f32 v0, v1;
	_ =	sdelay $0x1  }
0x3a8: {  	v1 =	vadd.f32 $5.000000000e-01, v1;
	_ =	sdelay $0x1  }
0x3a9: {  	v1 =	vtrunc.f32 v1  }
0x3aa: {  	v1 =	vcvt.f32.s32 v1;
	_ =	sdelay $0x1  }
0x3ab: {  	v1 =	vcvt.s32.f32 v1;
	_ =	sdelay $0x1  }
0x3ac: {  	v1 =	vmul.f32 $3.921568860e-03, v1;
	_ =	sdelay $0x1  }
0x3ad: {  	[tilespmem:s18+$0x4200] =	vst v1  }
0x3ae: {  	v1 =	vld [tilespmem:s4+$0x4000];
	_ =	sdelay $0x4  }
0x3af: {  	v1 =	vmul.f32 v1, v0;
	_ =	sdelay $0x1  }
0x3b0: {  	v1 =	vadd.f32 $5.000000000e-01, v1;
	_ =	sdelay $0x1  }
0x3b1: {  	v1 =	vtrunc.f32 v1  }
0x3b2: {  	v1 =	vcvt.f32.s32 v1;
	_ =	sdelay $0x1  }
0x3b3: {  	v1 =	vcvt.s32.f32 v1;
	_ =	sdelay $0x1  }
0x3b4: {  	v1 =	vmul.f32 $3.921568860e-03, v1;
	_ =	sdelay $0x1  }
0x3b5: {  	[tilespmem:s4+$0x4000] =	vst v1  }
0x3b6: {  	v1 =	vld [tilespmem:s18+$0x4300];
	_ =	sdelay $0x4  }
0x3b7: {  	v1 =	vmul.f32 v1, v0;
	_ =	sdelay $0x1  }
0x3b8: {  	v1 =	vadd.f32 $5.000000000e-01, v1;
	_ =	sdelay $0x1  }
0x3b9: {  	v1 =	vtrunc.f32 v1  }
0x3ba: {  	v1 =	vcvt.f32.s32 v1;
	_ =	sdelay $0x1  }
0x3bb: {  	v1 =	vcvt.s32.f32 v1;
	_ =	sdelay $0x1  }
0x3bc: {  	v1 =	vmul.f32 $3.921568860e-03, v1;
	_ =	sdelay $0x1  }
0x3bd: {  	[tilespmem:s18+$0x4300] =	vst v1  }
0x3be: {  	v1 =	vld [tilespmem:s5+$0x4000];
	_ =	sdelay $0x4  }
0x3bf: {  	v1 =	vmul.f32 v1, v0;
	_ =	sdelay $0x1  }
0x3c0: {  	v1 =	vadd.f32 $5.000000000e-01, v1;
	_ =	sdelay $0x1  }
0x3c1: {  	v1 =	vtrunc.f32 v1  }
0x3c2: {  	v1 =	vcvt.f32.s32 v1;
	_ =	sdelay $0x1  }
0x3c3: {  	v1 =	vcvt.s32.f32 v1;
	_ =	sdelay $0x1  }
0x3c4: {  	v1 =	vmul.f32 $3.921568860e-03, v1;
	_ =	sdelay $0x1  }
0x3c5: {  	[tilespmem:s5+$0x4000] =	vst v1  }
0x3c6: {  	v1 =	vld [tilespmem:s18+$0x4800];
	_ =	sdelay $0x4  }
0x3c7: {  	v1 =	vmul.f32 v1, v0;
	_ =	sdelay $0x1  }
0x3c8: {  	v1 =	vadd.f32 $5.000000000e-01, v1;
	_ =	sdelay $0x1  }
0x3c9: {  	v1 =	vtrunc.f32 v1  }
0x3ca: {  	v1 =	vcvt.f32.s32 v1;
	_ =	sdelay $0x1  }
0x3cb: {  	v1 =	vcvt.s32.f32 v1;
	_ =	sdelay $0x1  }
0x3cc: {  	v1 =	vmul.f32 $3.921568860e-03, v1;
	_ =	sdelay $0x1  }
0x3cd: {  	[tilespmem:s18+$0x4800] =	vst v1  }
0x3ce: {  	v1 =	vld [tilespmem:s14+$0x4000];
	_ =	sdelay $0x4  }
0x3cf: {  	v1 =	vmul.f32 v1, v0;
	_ =	sdelay $0x1  }
0x3d0: {  	v1 =	vadd.f32 $5.000000000e-01, v1;
	_ =	sdelay $0x1  }
0x3d1: {  	v1 =	vtrunc.f32 v1  }
0x3d2: {  	v1 =	vcvt.f32.s32 v1;
	_ =	sdelay $0x1  }
0x3d3: {  	v1 =	vcvt.s32.f32 v1;
	_ =	sdelay $0x1  }
0x3d4: {  	v1 =	vmul.f32 $3.921568860e-03, v1;
	_ =	sdelay $0x1  }
0x3d5: {  	[tilespmem:s14+$0x4000] =	vst v1  }
0x3d6: {  	v1 =	vld [tilespmem:s18+$0x4900];
	_ =	sdelay $0x4  }
0x3d7: {  	v1 =	vmul.f32 v1, v0;
	_ =	sdelay $0x1  }
0x3d8: {  	v1 =	vadd.f32 $5.000000000e-01, v1;
	_ =	sdelay $0x1  }
0x3d9: {  	v1 =	vtrunc.f32 v1  }
0x3da: {  	v1 =	vcvt.f32.s32 v1;
	_ =	sdelay $0x1  }
0x3db: {  	v1 =	vcvt.s32.f32 v1;
	_ =	sdelay $0x1  }
0x3dc: {  	v1 =	vmul.f32 $3.921568860e-03, v1;
	_ =	sdelay $0x1  }
0x3dd: {  	[tilespmem:s18+$0x4900] =	vst v1  }
0x3de: {  	v1 =	vld [tilespmem:s15+$0x4000];
	_ =	sdelay $0x4  }
0x3df: {  	v1 =	vmul.f32 v1, v0;
	_ =	sdelay $0x1  }
0x3e0: {  	v1 =	vadd.f32 $5.000000000e-01, v1;
	_ =	sdelay $0x1  }
0x3e1: {  	v1 =	vtrunc.f32 v1  }
0x3e2: {  	v1 =	vcvt.f32.s32 v1;
	_ =	sdelay $0x1  }
0x3e3: {  	v1 =	vcvt.s32.f32 v1;
	_ =	sdelay $0x1  }
0x3e4: {  	v1 =	vmul.f32 $3.921568860e-03, v1;
	_ =	sdelay $0x1  }
0x3e5: {  	[tilespmem:s15+$0x4000] =	vst v1  }
0x3e6: {  	v1 =	vld [tilespmem:s18+$0x4A00];
	_ =	sdelay $0x4  }
0x3e7: {  	v1 =	vmul.f32 v1, v0;
	_ =	sdelay $0x1  }
0x3e8: {  	v1 =	vadd.f32 $5.000000000e-01, v1;
	_ =	sdelay $0x1  }
0x3e9: {  	v1 =	vtrunc.f32 v1  }
0x3ea: {  	v1 =	vcvt.f32.s32 v1;
	_ =	sdelay $0x1  }
0x3eb: {  	v1 =	vcvt.s32.f32 v1;
	_ =	sdelay $0x1  }
0x3ec: {  	v1 =	vmul.f32 $3.921568860e-03, v1;
	_ =	sdelay $0x1  }
0x3ed: {  	[tilespmem:s18+$0x4A00] =	vst v1  }
0x3ee: {  	v1 =	vld [tilespmem:s9+$0x4000];
	_ =	sdelay $0x4  }
0x3ef: {  	v1 =	vmul.f32 v1, v0;
	_ =	sdelay $0x1  }
0x3f0: {  	v1 =	vadd.f32 $5.000000000e-01, v1;
	_ =	sdelay $0x1  }
0x3f1: {  	v1 =	vtrunc.f32 v1  }
0x3f2: {  	v1 =	vcvt.f32.s32 v1;
	_ =	sdelay $0x1  }
0x3f3: {  	v1 =	vcvt.s32.f32 v1;
	_ =	sdelay $0x1  }
0x3f4: {  	v1 =	vmul.f32 $3.921568860e-03, v1;
	_ =	sdelay $0x1  }
0x3f5: {  	[tilespmem:s9+$0x4000] =	vst v1  }
0x3f6: {  	v1 =	vld [tilespmem:s18+$0x4B00];
	_ =	sdelay $0x4  }
0x3f7: {  	v1 =	vmul.f32 v1, v0;
	_ =	sdelay $0x1  }
0x3f8: {  	v1 =	vadd.f32 $5.000000000e-01, v1;
	_ =	sdelay $0x1  }
0x3f9: {  	v1 =	vtrunc.f32 v1  }
0x3fa: {  	v1 =	vcvt.f32.s32 v1;
	_ =	sdelay $0x1  }
0x3fb: {  	v1 =	vcvt.s32.f32 v1;
	_ =	sdelay $0x1  }
0x3fc: {  	v1 =	vmul.f32 $3.921568860e-03, v1;
	_ =	sdelay $0x1  }
0x3fd: {  	[tilespmem:s18+$0x4B00] =	vst v1  }
0x3fe: {  	v1 =	vld [tilespmem:s12+$0x4000];
	_ =	sdelay $0x4  }
0x3ff: {  	v1 =	vmul.f32 v1, v0;
	_ =	sdelay $0x1  }
0x400: {  	v1 =	vadd.f32 $5.000000000e-01, v1;
	_ =	sdelay $0x1  }
0x401: {  	v1 =	vtrunc.f32 v1  }
0x402: {  	v1 =	vcvt.f32.s32 v1;
	_ =	sdelay $0x1  }
0x403: {  	v1 =	vcvt.s32.f32 v1;
	_ =	sdelay $0x1  }
0x404: {  	v1 =	vmul.f32 $3.921568860e-03, v1;
	_ =	sdelay $0x1  }
0x405: {  	[tilespmem:s12+$0x4000] =	vst v1  }
0x406: {  	v1 =	vld [tilespmem:s18+$0x5000];
	_ =	sdelay $0x4  }
0x407: {  	v1 =	vmul.f32 v1, v0;
	_ =	sdelay $0x1  }
0x408: {  	v1 =	vadd.f32 $5.000000000e-01, v1;
	_ =	sdelay $0x1  }
0x409: {  	v1 =	vtrunc.f32 v1  }
0x40a: {  	v1 =	vcvt.f32.s32 v1;
	_ =	sdelay $0x1  }
0x40b: {  	v1 =	vcvt.s32.f32 v1;
	_ =	sdelay $0x1  }
0x40c: {  	v1 =	vmul.f32 $3.921568860e-03, v1;
	_ =	sdelay $0x1  }
0x40d: {  	[tilespmem:s18+$0x5000] =	vst v1  }
0x40e: {  	v1 =	vld [tilespmem:s8+$0x4000];
	_ =	sdelay $0x4  }
0x40f: {  	v1 =	vmul.f32 v1, v0;
	_ =	sdelay $0x1  }
0x410: {  	v1 =	vadd.f32 $5.000000000e-01, v1;
	_ =	sdelay $0x1  }
0x411: {  	v1 =	vtrunc.f32 v1  }
0x412: {  	v1 =	vcvt.f32.s32 v1;
	_ =	sdelay $0x1  }
0x413: {  	v1 =	vcvt.s32.f32 v1;
	_ =	sdelay $0x1  }
0x414: {  	v1 =	vmul.f32 $3.921568860e-03, v1;
	_ =	sdelay $0x1  }
0x415: {  	[tilespmem:s8+$0x4000] =	vst v1  }
0x416: {  	v1 =	vld [tilespmem:s18+$0x5100];
	_ =	sdelay $0x4  }
0x417: {  	v1 =	vmul.f32 v1, v0;
	_ =	sdelay $0x1  }
0x418: {  	v1 =	vadd.f32 $5.000000000e-01, v1;
	_ =	sdelay $0x1  }
0x419: {  	v1 =	vtrunc.f32 v1  }
0x41a: {  	v1 =	vcvt.f32.s32 v1;
	_ =	sdelay $0x1  }
0x41b: {  	v1 =	vcvt.s32.f32 v1;
	_ =	sdelay $0x1  }
0x41c: {  	v1 =	vmul.f32 $3.921568860e-03, v1;
	_ =	sdelay $0x1  }
0x41d: {  	[tilespmem:s18+$0x5100] =	vst v1  }
0x41e: {  	v1 =	vld [tilespmem:s7+$0x4000];
	_ =	sdelay $0x4  }
0x41f: {  	v1 =	vmul.f32 v1, v0;
	_ =	sdelay $0x1  }
0x420: {  	v1 =	vadd.f32 $5.000000000e-01, v1;
	_ =	sdelay $0x1  }
0x421: {  	v1 =	vtrunc.f32 v1  }
0x422: {  	v1 =	vcvt.f32.s32 v1;
	_ =	sdelay $0x1  }
0x423: {  	v1 =	vcvt.s32.f32 v1;
	_ =	sdelay $0x1  }
0x424: {  	v1 =	vmul.f32 $3.921568860e-03, v1;
	_ =	sdelay $0x1  }
0x425: {  	[tilespmem:s7+$0x4000] =	vst v1  }
0x426: {  	v1 =	vld [tilespmem:s18+$0x5200];
	_ =	sdelay $0x4  }
0x427: {  	v1 =	vmul.f32 v1, v0;
	_ =	sdelay $0x1  }
0x428: {  	v1 =	vadd.f32 $5.000000000e-01, v1;
	_ =	sdelay $0x1  }
0x429: {  	v1 =	vtrunc.f32 v1  }
0x42a: {  	v1 =	vcvt.f32.s32 v1;
	_ =	sdelay $0x1  }
0x42b: {  	v1 =	vcvt.s32.f32 v1;
	_ =	sdelay $0x1  }
0x42c: {  	v1 =	vmul.f32 $3.921568860e-03, v1;
	_ =	sdelay $0x1  }
0x42d: {  	[tilespmem:s18+$0x5200] =	vst v1  }
0x42e: {  	v1 =	vld [tilespmem:s13+$0x4000];
	_ =	sdelay $0x4  }
0x42f: {  	v1 =	vmul.f32 v1, v0;
	_ =	sdelay $0x1  }
0x430: {  	v1 =	vadd.f32 $5.000000000e-01, v1;
	_ =	sdelay $0x1  }
0x431: {  	v1 =	vtrunc.f32 v1  }
0x432: {  	v1 =	vcvt.f32.s32 v1;
	_ =	sdelay $0x1  }
0x433: {  	v1 =	vcvt.s32.f32 v1;
	_ =	sdelay $0x1  }
0x434: {  	v1 =	vmul.f32 $3.921568860e-03, v1;
	_ =	sdelay $0x1  }
0x435: {  	[tilespmem:s13+$0x4000] =	vst v1  }
0x436: {  	v1 =	vld [tilespmem:s18+$0x5300];
	_ =	sdelay $0x4  }
0x437: {  	v1 =	vmul.f32 v1, v0;
	_ =	sdelay $0x1  }
0x438: {  	v1 =	vadd.f32 $5.000000000e-01, v1;
	_ =	sdelay $0x1  }
0x439: {  	v1 =	vtrunc.f32 v1  }
0x43a: {  	v1 =	vcvt.f32.s32 v1;
	_ =	sdelay $0x1  }
0x43b: {  	v1 =	vcvt.s32.f32 v1;
	_ =	sdelay $0x1  }
0x43c: {  	v1 =	vmul.f32 $3.921568860e-03, v1;
	_ =	sdelay $0x1  }
0x43d: {  	[tilespmem:s18+$0x5300] =	vst v1  }
0x43e: {  	v1 =	vld [tilespmem:s10+$0x4000];
	_ =	sdelay $0x4  }
0x43f: {  	v1 =	vmul.f32 v1, v0;
	_ =	sdelay $0x1  }
0x440: {  	v1 =	vadd.f32 $5.000000000e-01, v1;
	_ =	sdelay $0x1  }
0x441: {  	v1 =	vtrunc.f32 v1  }
0x442: {  	v1 =	vcvt.f32.s32 v1;
	_ =	sdelay $0x1  }
0x443: {  	v1 =	vcvt.s32.f32 v1;
	_ =	sdelay $0x1  }
0x444: {  	v1 =	vmul.f32 $3.921568860e-03, v1;
	_ =	sdelay $0x1  }
0x445: {  	[tilespmem:s10+$0x4000] =	vst v1  }
0x446: {  	v1 =	vld [tilespmem:s18+$0x5800];
	_ =	sdelay $0x4  }
0x447: {  	v1 =	vmul.f32 v1, v0;
	_ =	sdelay $0x1  }
0x448: {  	v1 =	vadd.f32 $5.000000000e-01, v1;
	_ =	sdelay $0x1  }
0x449: {  	v1 =	vtrunc.f32 v1  }
0x44a: {  	v1 =	vcvt.f32.s32 v1;
	_ =	sdelay $0x1  }
0x44b: {  	v1 =	vcvt.s32.f32 v1;
	_ =	sdelay $0x1  }
0x44c: {  	v1 =	vmul.f32 $3.921568860e-03, v1;
	_ =	sdelay $0x1  }
0x44d: {  	[tilespmem:s18+$0x5800] =	vst v1  }
0x44e: {  	v1 =	vld [tilespmem:s6+$0x4000];
	_ =	sdelay $0x4  }
0x44f: {  	v1 =	vmul.f32 v1, v0;
	_ =	sdelay $0x1  }
0x450: {  	v1 =	vadd.f32 $5.000000000e-01, v1;
	_ =	sdelay $0x1  }
0x451: {  	v1 =	vtrunc.f32 v1  }
0x452: {  	v1 =	vcvt.f32.s32 v1;
	_ =	sdelay $0x1  }
0x453: {  	v1 =	vcvt.s32.f32 v1;
	_ =	sdelay $0x1  }
0x454: {  	v1 =	vmul.f32 $3.921568860e-03, v1;
	_ =	sdelay $0x1  }
0x455: {  	[tilespmem:s6+$0x4000] =	vst v1  }
0x456: {  	v1 =	vld [tilespmem:s18+$0x5900];
	_ =	sdelay $0x4  }
0x457: {  	v1 =	vmul.f32 v1, v0;
	_ =	sdelay $0x1  }
0x458: {  	v1 =	vadd.f32 $5.000000000e-01, v1;
	_ =	sdelay $0x1  }
0x459: {  	v1 =	vtrunc.f32 v1  }
0x45a: {  	v1 =	vcvt.f32.s32 v1;
	_ =	sdelay $0x1  }
0x45b: {  	v1 =	vcvt.s32.f32 v1;
	_ =	sdelay $0x1  }
0x45c: {  	v1 =	vmul.f32 $3.921568860e-03, v1;
	_ =	sdelay $0x1  }
0x45d: {  	[tilespmem:s18+$0x5900] =	vst v1  }
0x45e: {  	v1 =	vld [tilespmem:s11+$0x4000];
	_ =	sdelay $0x4  }
0x45f: {  	v1 =	vmul.f32 v1, v0;
	_ =	sdelay $0x1  }
0x460: {  	v1 =	vadd.f32 $5.000000000e-01, v1;
	_ =	sdelay $0x1  }
0x461: {  	v1 =	vtrunc.f32 v1  }
0x462: {  	v1 =	vcvt.f32.s32 v1;
	_ =	sdelay $0x1  }
0x463: {  	v1 =	vcvt.s32.f32 v1;
	_ =	sdelay $0x1  }
0x464: {  	v1 =	vmul.f32 $3.921568860e-03, v1;
	_ =	sdelay $0x1  }
0x465: {  	[tilespmem:s11+$0x4000] =	vst v1  }
0x466: {  	v1 =	vld [tilespmem:s18+$0x5A00];
	_ =	sdelay $0x4  }
0x467: {  	v1 =	vmul.f32 v1, v0;
	_ =	sdelay $0x1  }
0x468: {  	v1 =	vadd.f32 $5.000000000e-01, v1;
	_ =	sdelay $0x1  }
0x469: {  	v1 =	vtrunc.f32 v1  }
0x46a: {  	v1 =	vcvt.f32.s32 v1;
	_ =	sdelay $0x1  }
0x46b: {  	v1 =	vcvt.s32.f32 v1;
	_ =	sdelay $0x1  }
0x46c: {  	v1 =	vmul.f32 $3.921568860e-03, v1;
	_ =	sdelay $0x1  }
0x46d: {  	[tilespmem:s18+$0x5A00] =	vst v1  }
0x46e: {  	v1 =	vld [tilespmem:s19+$0x4000];
	_ =	sdelay $0x4  }
0x46f: {  	v1 =	vmul.f32 v1, v0;
	_ =	sdelay $0x1  }
0x470: {  	v1 =	vadd.f32 $5.000000000e-01, v1;
	_ =	sdelay $0x1  }
0x471: {  	v1 =	vtrunc.f32 v1  }
0x472: {  	v1 =	vcvt.f32.s32 v1;
	_ =	sdelay $0x1  }
0x473: {  	v1 =	vcvt.s32.f32 v1;
	_ =	sdelay $0x1  }
0x474: {  	v1 =	vmul.f32 $3.921568860e-03, v1;
	_ =	sdelay $0x1  }
0x475: {  	[tilespmem:s19+$0x4000] =	vst v1  }
0x476: {  	v1 =	vld [tilespmem:s18+$0x5B00];
	_ =	sdelay $0x4  }
0x477: {  	v1 =	vmul.f32 v1, v0;
	_ =	sdelay $0x1  }
0x478: {  	v1 =	vadd.f32 $5.000000000e-01, v1;
	_ =	sdelay $0x1  }
0x479: {  	v1 =	vtrunc.f32 v1  }
0x47a: {  	v1 =	vcvt.f32.s32 v1;
	_ =	sdelay $0x1  }
0x47b: {  	v1 =	vcvt.s32.f32 v1;
	_ =	sdelay $0x1  }
0x47c: {  	v1 =	vmul.f32 $3.921568860e-03, v1;
	_ =	sdelay $0x1  }
0x47d: {  	[tilespmem:s18+$0x5B00] =	vst v1  }
0x47e: {  	v1 =	vld [tilespmem:s20+$0x4000];
	_ =	sdelay $0x4  }
0x47f: {  	v1 =	vmul.f32 v1, v0;
	_ =	sdelay $0x1  }
0x480: {  	v1 =	vadd.f32 $5.000000000e-01, v1;
	_ =	sdelay $0x1  }
0x481: {  	v1 =	vtrunc.f32 v1  }
0x482: {  	v1 =	vcvt.f32.s32 v1;
	_ =	sdelay $0x1  }
0x483: {  	v1 =	vcvt.s32.f32 v1;
	_ =	sdelay $0x1  }
0x484: {  	v1 =	vmul.f32 $3.921568860e-03, v1;
	_ =	sdelay $0x1  }
0x485: {  	[tilespmem:s20+$0x4000] =	vst v1  }
0x486: {  	v1 =	vld [tilespmem:s18+$0x6000];
	_ =	sdelay $0x4  }
0x487: {  	v1 =	vmul.f32 v1, v0;
	_ =	sdelay $0x1  }
0x488: {  	v1 =	vadd.f32 $5.000000000e-01, v1;
	_ =	sdelay $0x1  }
0x489: {  	v1 =	vtrunc.f32 v1  }
0x48a: {  	v1 =	vcvt.f32.s32 v1;
	_ =	sdelay $0x1  }
0x48b: {  	v1 =	vcvt.s32.f32 v1;
	_ =	sdelay $0x1  }
0x48c: {  	v1 =	vmul.f32 $3.921568860e-03, v1;
	_ =	sdelay $0x1  }
0x48d: {  	[tilespmem:s18+$0x6000] =	vst v1  }
0x48e: {  	v1 =	vld [tilespmem:s21+$0x4000];
	_ =	sdelay $0x4  }
0x48f: {  	v1 =	vmul.f32 v1, v0;
	_ =	sdelay $0x1  }
0x490: {  	v1 =	vadd.f32 $5.000000000e-01, v1;
	_ =	sdelay $0x1  }
0x491: {  	v1 =	vtrunc.f32 v1  }
0x492: {  	v1 =	vcvt.f32.s32 v1;
	_ =	sdelay $0x1  }
0x493: {  	v1 =	vcvt.s32.f32 v1;
	_ =	sdelay $0x1  }
0x494: {  	v1 =	vmul.f32 $3.921568860e-03, v1;
	_ =	sdelay $0x1  }
0x495: {  	[tilespmem:s21+$0x4000] =	vst v1  }
0x496: {  	v1 =	vld [tilespmem:s18+$0x6100];
	_ =	sdelay $0x4  }
0x497: {  	v1 =	vmul.f32 v1, v0;
	_ =	sdelay $0x1  }
0x498: {  	v1 =	vadd.f32 $5.000000000e-01, v1;
	_ =	sdelay $0x1  }
0x499: {  	v1 =	vtrunc.f32 v1  }
0x49a: {  	v1 =	vcvt.f32.s32 v1;
	_ =	sdelay $0x1  }
0x49b: {  	v1 =	vcvt.s32.f32 v1;
	_ =	sdelay $0x1  }
0x49c: {  	v1 =	vmul.f32 $3.921568860e-03, v1;
	_ =	sdelay $0x1  }
0x49d: {  	[tilespmem:s18+$0x6100] =	vst v1  }
0x49e: {  	v1 =	vld [tilespmem:s22+$0x4000];
	_ =	sdelay $0x4  }
0x49f: {  	v1 =	vmul.f32 v1, v0;
	_ =	sdelay $0x1  }
0x4a0: {  	v1 =	vadd.f32 $5.000000000e-01, v1;
	_ =	sdelay $0x1  }
0x4a1: {  	v1 =	vtrunc.f32 v1  }
0x4a2: {  	v1 =	vcvt.f32.s32 v1;
	_ =	sdelay $0x1  }
0x4a3: {  	v1 =	vcvt.s32.f32 v1;
	_ =	sdelay $0x1  }
0x4a4: {  	v1 =	vmul.f32 $3.921568860e-03, v1;
	_ =	sdelay $0x1  }
0x4a5: {  	[tilespmem:s22+$0x4000] =	vst v1  }
0x4a6: {  	v1 =	vld [tilespmem:s18+$0x6200];
	_ =	sdelay $0x4  }
0x4a7: {  	v1 =	vmul.f32 v1, v0;
	_ =	sdelay $0x1  }
0x4a8: {  	v1 =	vadd.f32 $5.000000000e-01, v1;
	_ =	sdelay $0x1  }
0x4a9: {  	v1 =	vtrunc.f32 v1  }
0x4aa: {  	v1 =	vcvt.f32.s32 v1;
	_ =	sdelay $0x1  }
0x4ab: {  	v1 =	vcvt.s32.f32 v1;
	_ =	sdelay $0x1  }
0x4ac: {  	v1 =	vmul.f32 $3.921568860e-03, v1;
	_ =	sdelay $0x1  }
0x4ad: {  	[tilespmem:s18+$0x6200] =	vst v1  }
0x4ae: {  	v1 =	vld [tilespmem:s23+$0x4000];
	_ =	sdelay $0x4  }
0x4af: {  	v1 =	vmul.f32 v1, v0;
	_ =	sdelay $0x1  }
0x4b0: {  	v1 =	vadd.f32 $5.000000000e-01, v1;
	_ =	sdelay $0x1  }
0x4b1: {  	v1 =	vtrunc.f32 v1  }
0x4b2: {  	v1 =	vcvt.f32.s32 v1;
	_ =	sdelay $0x1  }
0x4b3: {  	v1 =	vcvt.s32.f32 v1;
	_ =	sdelay $0x1  }
0x4b4: {  	v1 =	vmul.f32 $3.921568860e-03, v1;
	_ =	sdelay $0x1  }
0x4b5: {  	[tilespmem:s23+$0x4000] =	vst v1  }
0x4b6: {  	v1 =	vld [tilespmem:s18+$0x6300];
	_ =	sdelay $0x4  }
0x4b7: {  	v1 =	vmul.f32 v1, v0;
	_ =	sdelay $0x1  }
0x4b8: {  	v1 =	vadd.f32 $5.000000000e-01, v1;
	_ =	sdelay $0x1  }
0x4b9: {  	v1 =	vtrunc.f32 v1  }
0x4ba: {  	v1 =	vcvt.f32.s32 v1;
	_ =	sdelay $0x1  }
0x4bb: {  	v1 =	vcvt.s32.f32 v1;
	_ =	sdelay $0x1  }
0x4bc: {  	v1 =	vmul.f32 $3.921568860e-03, v1;
	_ =	sdelay $0x1  }
0x4bd: {  	[tilespmem:s18+$0x6300] =	vst v1  }
0x4be: {  	v1 =	vld [tilespmem:s26+$0x4000];
	_ =	sdelay $0x4  }
0x4bf: {  	v1 =	vmul.f32 v1, v0;
	_ =	sdelay $0x1  }
0x4c0: {  	v1 =	vadd.f32 $5.000000000e-01, v1;
	_ =	sdelay $0x1  }
0x4c1: {  	v1 =	vtrunc.f32 v1  }
0x4c2: {  	v1 =	vcvt.f32.s32 v1;
	_ =	sdelay $0x1  }
0x4c3: {  	v1 =	vcvt.s32.f32 v1;
	_ =	sdelay $0x1  }
0x4c4: {  	v1 =	vmul.f32 $3.921568860e-03, v1;
	_ =	sdelay $0x1  }
0x4c5: {  	[tilespmem:s26+$0x4000] =	vst v1  }
0x4c6: {  	v1 =	vld [tilespmem:s18+$0x6800];
	_ =	sdelay $0x4  }
0x4c7: {  	v1 =	vmul.f32 v1, v0;
	_ =	sdelay $0x1  }
0x4c8: {  	v1 =	vadd.f32 $5.000000000e-01, v1;
	_ =	sdelay $0x1  }
0x4c9: {  	v1 =	vtrunc.f32 v1  }
0x4ca: {  	v1 =	vcvt.f32.s32 v1;
	_ =	sdelay $0x1  }
0x4cb: {  	v1 =	vcvt.s32.f32 v1;
	_ =	sdelay $0x1  }
0x4cc: {  	v1 =	vmul.f32 $3.921568860e-03, v1;
	_ =	sdelay $0x1  }
0x4cd: {  	[tilespmem:s18+$0x6800] =	vst v1  }
0x4ce: {  	v1 =	vld [tilespmem:s31+$0x4000];
	_ =	sdelay $0x4  }
0x4cf: {  	v1 =	vmul.f32 v1, v0;
	_ =	sdelay $0x1  }
0x4d0: {  	v1 =	vadd.f32 $5.000000000e-01, v1;
	_ =	sdelay $0x1  }
0x4d1: {  	v1 =	vtrunc.f32 v1  }
0x4d2: {  	v1 =	vcvt.f32.s32 v1;
	_ =	sdelay $0x1  }
0x4d3: {  	v1 =	vcvt.s32.f32 v1;
	_ =	sdelay $0x1  }
0x4d4: {  	v1 =	vmul.f32 $3.921568860e-03, v1;
	_ =	sdelay $0x1  }
0x4d5: {  	[tilespmem:s31+$0x4000] =	vst v1  }
0x4d6: {  	v1 =	vld [tilespmem:s18+$0x6900];
	_ =	sdelay $0x4  }
0x4d7: {  	v1 =	vmul.f32 v1, v0;
	_ =	sdelay $0x1  }
0x4d8: {  	v1 =	vadd.f32 $5.000000000e-01, v1;
	_ =	sdelay $0x1  }
0x4d9: {  	v1 =	vtrunc.f32 v1  }
0x4da: {  	v1 =	vcvt.f32.s32 v1;
	_ =	sdelay $0x1  }
0x4db: {  	v1 =	vcvt.s32.f32 v1;
	_ =	sdelay $0x1  }
0x4dc: {  	v1 =	vmul.f32 $3.921568860e-03, v1;
	_ =	sdelay $0x1  }
0x4dd: {  	[tilespmem:s18+$0x6900] =	vst v1  }
0x4de: {  	v1 =	vld [tilespmem:s30+$0x4000];
	_ =	sdelay $0x4  }
0x4df: {  	v1 =	vmul.f32 v1, v0;
	_ =	sdelay $0x1  }
0x4e0: {  	v1 =	vadd.f32 $5.000000000e-01, v1;
	_ =	sdelay $0x1  }
0x4e1: {  	v1 =	vtrunc.f32 v1  }
0x4e2: {  	v1 =	vcvt.f32.s32 v1;
	_ =	sdelay $0x1  }
0x4e3: {  	v1 =	vcvt.s32.f32 v1;
	_ =	sdelay $0x1  }
0x4e4: {  	v1 =	vmul.f32 $3.921568860e-03, v1;
	_ =	sdelay $0x1  }
0x4e5: {  	[tilespmem:s30+$0x4000] =	vst v1  }
0x4e6: {  	v1 =	vld [tilespmem:s18+$0x6A00];
	_ =	sdelay $0x4  }
0x4e7: {  	v1 =	vmul.f32 v1, v0;
	_ =	sdelay $0x1  }
0x4e8: {  	v1 =	vadd.f32 $5.000000000e-01, v1;
	_ =	sdelay $0x1  }
0x4e9: {  	v1 =	vtrunc.f32 v1  }
0x4ea: {  	v1 =	vcvt.f32.s32 v1;
	_ =	sdelay $0x1  }
0x4eb: {  	v1 =	vcvt.s32.f32 v1;
	_ =	sdelay $0x1  }
0x4ec: {  	v1 =	vmul.f32 $3.921568860e-03, v1;
	_ =	sdelay $0x1  }
0x4ed: {  	s23 =	rddreg [dreg:$0x10];
	[tilespmem:s18+$0x6A00] =	vst v1  }
0x4ee: {  	v1 =	vld [tilespmem:s23+$0x4000];
	_ =	sdelay $0x4  }
0x4ef: {  	v1 =	vmul.f32 v1, v0;
	_ =	sdelay $0x1  }
0x4f0: {  	v1 =	vadd.f32 $5.000000000e-01, v1;
	_ =	sdelay $0x1  }
0x4f1: {  	v1 =	vtrunc.f32 v1  }
0x4f2: {  	v1 =	vcvt.f32.s32 v1;
	_ =	sdelay $0x1  }
0x4f3: {  	v1 =	vcvt.s32.f32 v1;
	_ =	sdelay $0x1  }
0x4f4: {  	v1 =	vmul.f32 $3.921568860e-03, v1;
	_ =	sdelay $0x1  }
0x4f5: {  	[tilespmem:s23+$0x4000] =	vst v1  }
0x4f6: {  	v1 =	vld [tilespmem:s18+$0x6B00];
	_ =	sdelay $0x4  }
0x4f7: {  	v1 =	vmul.f32 v1, v0;
	_ =	sdelay $0x1  }
0x4f8: {  	v1 =	vadd.f32 $5.000000000e-01, v1;
	_ =	sdelay $0x1  }
0x4f9: {  	v1 =	vtrunc.f32 v1  }
0x4fa: {  	v1 =	vcvt.f32.s32 v1;
	_ =	sdelay $0x1  }
0x4fb: {  	v1 =	vcvt.s32.f32 v1;
	_ =	sdelay $0x1  }
0x4fc: {  	v1 =	vmul.f32 $3.921568860e-03, v1;
	_ =	sdelay $0x1  }
0x4fd: {  	s26 =	rddreg [dreg:$0x11];
	[tilespmem:s18+$0x6B00] =	vst v1  }
0x4fe: {  	v1 =	vld [tilespmem:s26+$0x4000];
	_ =	sdelay $0x4  }
0x4ff: {  	v1 =	vmul.f32 v1, v0;
	_ =	sdelay $0x1  }
0x500: {  	v1 =	vadd.f32 $5.000000000e-01, v1;
	_ =	sdelay $0x1  }
0x501: {  	v1 =	vtrunc.f32 v1  }
0x502: {  	v1 =	vcvt.f32.s32 v1;
	_ =	sdelay $0x1  }
0x503: {  	v1 =	vcvt.s32.f32 v1;
	_ =	sdelay $0x1  }
0x504: {  	v1 =	vmul.f32 $3.921568860e-03, v1;
	_ =	sdelay $0x1  }
0x505: {  	[tilespmem:s26+$0x4000] =	vst v1  }
0x506: {  	v1 =	vld [tilespmem:s18+$0x7000];
	_ =	sdelay $0x4  }
0x507: {  	v1 =	vmul.f32 v1, v0;
	_ =	sdelay $0x1  }
0x508: {  	v1 =	vadd.f32 $5.000000000e-01, v1;
	_ =	sdelay $0x1  }
0x509: {  	v1 =	vtrunc.f32 v1  }
0x50a: {  	v1 =	vcvt.f32.s32 v1;
	_ =	sdelay $0x1  }
0x50b: {  	v1 =	vcvt.s32.f32 v1;
	_ =	sdelay $0x1  }
0x50c: {  	v1 =	vmul.f32 $3.921568860e-03, v1;
	_ =	sdelay $0x1  }
0x50d: {  	s30 =	rddreg [dreg:$0x12];
	[tilespmem:s18+$0x7000] =	vst v1  }
0x50e: {  	v1 =	vld [tilespmem:s30+$0x4000];
	_ =	sdelay $0x4  }
0x50f: {  	v1 =	vmul.f32 v1, v0;
	_ =	sdelay $0x1  }
0x510: {  	v1 =	vadd.f32 $5.000000000e-01, v1;
	_ =	sdelay $0x1  }
0x511: {  	v1 =	vtrunc.f32 v1  }
0x512: {  	v1 =	vcvt.f32.s32 v1;
	_ =	sdelay $0x1  }
0x513: {  	v1 =	vcvt.s32.f32 v1;
	_ =	sdelay $0x1  }
0x514: {  	v1 =	vmul.f32 $3.921568860e-03, v1;
	_ =	sdelay $0x1  }
0x515: {  	[tilespmem:s30+$0x4000] =	vst v1  }
0x516: {  	v1 =	vld [tilespmem:s18+$0x7100];
	_ =	sdelay $0x4  }
0x517: {  	v1 =	vmul.f32 v1, v0;
	_ =	sdelay $0x1  }
0x518: {  	v1 =	vadd.f32 $5.000000000e-01, v1;
	_ =	sdelay $0x1  }
0x519: {  	v1 =	vtrunc.f32 v1  }
0x51a: {  	v1 =	vcvt.f32.s32 v1;
	_ =	sdelay $0x1  }
0x51b: {  	v1 =	vcvt.s32.f32 v1;
	_ =	sdelay $0x1  }
0x51c: {  	v1 =	vmul.f32 $3.921568860e-03, v1;
	_ =	sdelay $0x1  }
0x51d: {  	s31 =	rddreg [dreg:$0xf];
	[tilespmem:s18+$0x7100] =	vst v1  }
0x51e: {  	v1 =	vld [tilespmem:s31+$0x4000];
	_ =	sdelay $0x4  }
0x51f: {  	v1 =	vmul.f32 v1, v0;
	_ =	sdelay $0x1  }
0x520: {  	v1 =	vadd.f32 $5.000000000e-01, v1;
	_ =	sdelay $0x1  }
0x521: {  	v1 =	vtrunc.f32 v1  }
0x522: {  	v1 =	vcvt.f32.s32 v1;
	_ =	sdelay $0x1  }
0x523: {  	v1 =	vcvt.s32.f32 v1;
	_ =	sdelay $0x1  }
0x524: {  	v1 =	vmul.f32 $3.921568860e-03, v1;
	_ =	sdelay $0x1  }
0x525: {  	[tilespmem:s31+$0x4000] =	vst v1  }
0x526: {  	v1 =	vld [tilespmem:s18+$0x7200];
	_ =	sdelay $0x4  }
0x527: {  	v1 =	vmul.f32 v1, v0;
	_ =	sdelay $0x1  }
0x528: {  	v1 =	vadd.f32 $5.000000000e-01, v1;
	_ =	sdelay $0x1  }
0x529: {  	v1 =	vtrunc.f32 v1  }
0x52a: {  	v1 =	vcvt.f32.s32 v1;
	_ =	sdelay $0x1  }
0x52b: {  	v1 =	vcvt.s32.f32 v1;
	_ =	sdelay $0x1  }
0x52c: {  	v1 =	vmul.f32 $3.921568860e-03, v1;
	_ =	sdelay $0x1  }
0x52d: {  	[tilespmem:s18+$0x7200] =	vst v1  }
0x52e: {  	v1 =	vld [tilespmem:s29+$0x4000];
	_ =	sdelay $0x4  }
0x52f: {  	v1 =	vmul.f32 v1, v0;
	_ =	sdelay $0x1  }
0x530: {  	v1 =	vadd.f32 $5.000000000e-01, v1;
	_ =	sdelay $0x1  }
0x531: {  	v1 =	vtrunc.f32 v1  }
0x532: {  	v1 =	vcvt.f32.s32 v1;
	_ =	sdelay $0x1  }
0x533: {  	v1 =	vcvt.s32.f32 v1;
	_ =	sdelay $0x1  }
0x534: {  	v1 =	vmul.f32 $3.921568860e-03, v1;
	_ =	sdelay $0x1  }
0x535: {  	[tilespmem:s29+$0x4000] =	vst v1  }
0x536: {  	v1 =	vld [tilespmem:s18+$0x7300];
	_ =	sdelay $0x4  }
0x537: {  	v1 =	vmul.f32 v1, v0;
	_ =	sdelay $0x1  }
0x538: {  	v1 =	vadd.f32 $5.000000000e-01, v1;
	_ =	sdelay $0x1  }
0x539: {  	v1 =	vtrunc.f32 v1  }
0x53a: {  	v1 =	vcvt.f32.s32 v1;
	_ =	sdelay $0x1  }
0x53b: {  	v1 =	vcvt.s32.f32 v1;
	_ =	sdelay $0x1  }
0x53c: {  	v1 =	vmul.f32 $3.921568860e-03, v1;
	_ =	sdelay $0x1  }
0x53d: {  	[tilespmem:s18+$0x7300] =	vst v1  }
0x53e: {  	v1 =	vld [tilespmem:s28+$0x4000];
	_ =	sdelay $0x4  }
0x53f: {  	v1 =	vmul.f32 v1, v0;
	_ =	sdelay $0x1  }
0x540: {  	v1 =	vadd.f32 $5.000000000e-01, v1;
	_ =	sdelay $0x1  }
0x541: {  	v1 =	vtrunc.f32 v1  }
0x542: {  	v1 =	vcvt.f32.s32 v1;
	_ =	sdelay $0x1  }
0x543: {  	v1 =	vcvt.s32.f32 v1;
	_ =	sdelay $0x1  }
0x544: {  	v1 =	vmul.f32 $3.921568860e-03, v1;
	_ =	sdelay $0x1  }
0x545: {  	[tilespmem:s28+$0x4000] =	vst v1  }
0x546: {  	v1 =	vld [tilespmem:s18+$0x7800];
	_ =	sdelay $0x4  }
0x547: {  	v1 =	vmul.f32 v1, v0;
	_ =	sdelay $0x1  }
0x548: {  	v1 =	vadd.f32 $5.000000000e-01, v1;
	_ =	sdelay $0x1  }
0x549: {  	v1 =	vtrunc.f32 v1  }
0x54a: {  	v1 =	vcvt.f32.s32 v1;
	_ =	sdelay $0x1  }
0x54b: {  	v1 =	vcvt.s32.f32 v1;
	_ =	sdelay $0x1  }
0x54c: {  	v1 =	vmul.f32 $3.921568860e-03, v1;
	_ =	sdelay $0x1  }
0x54d: {  	[tilespmem:s18+$0x7800] =	vst v1  }
0x54e: {  	v1 =	vld [tilespmem:s24+$0x4000];
	_ =	sdelay $0x4  }
0x54f: {  	v1 =	vmul.f32 v1, v0;
	_ =	sdelay $0x1  }
0x550: {  	v1 =	vadd.f32 $5.000000000e-01, v1;
	_ =	sdelay $0x1  }
0x551: {  	v1 =	vtrunc.f32 v1  }
0x552: {  	v1 =	vcvt.f32.s32 v1;
	_ =	sdelay $0x1  }
0x553: {  	v1 =	vcvt.s32.f32 v1;
	_ =	sdelay $0x1  }
0x554: {  	v1 =	vmul.f32 $3.921568860e-03, v1;
	_ =	sdelay $0x1  }
0x555: {  	[tilespmem:s24+$0x4000] =	vst v1  }
0x556: {  	v1 =	vld [tilespmem:s18+$0x7900];
	_ =	sdelay $0x4  }
0x557: {  	v1 =	vmul.f32 v1, v0;
	_ =	sdelay $0x1  }
0x558: {  	v1 =	vadd.f32 $5.000000000e-01, v1;
	_ =	sdelay $0x1  }
0x559: {  	v1 =	vtrunc.f32 v1  }
0x55a: {  	v1 =	vcvt.f32.s32 v1;
	_ =	sdelay $0x1  }
0x55b: {  	v1 =	vcvt.s32.f32 v1;
	_ =	sdelay $0x1  }
0x55c: {  	v1 =	vmul.f32 $3.921568860e-03, v1;
	_ =	sdelay $0x1  }
0x55d: {  	[tilespmem:s18+$0x7900] =	vst v1  }
0x55e: {  	v1 =	vld [tilespmem:s0+$0x4000];
	_ =	sdelay $0x4  }
0x55f: {  	v1 =	vmul.f32 v1, v0;
	_ =	sdelay $0x1  }
0x560: {  	v1 =	vadd.f32 $5.000000000e-01, v1;
	_ =	sdelay $0x1  }
0x561: {  	v1 =	vtrunc.f32 v1  }
0x562: {  	v1 =	vcvt.f32.s32 v1;
	_ =	sdelay $0x1  }
0x563: {  	v1 =	vcvt.s32.f32 v1;
	_ =	sdelay $0x1  }
0x564: {  	v1 =	vmul.f32 $3.921568860e-03, v1;
	_ =	sdelay $0x1  }
0x565: {  	[tilespmem:s0+$0x4000] =	vst v1  }
0x566: {  	v1 =	vld [tilespmem:s18+$0x7A00];
	_ =	sdelay $0x4  }
0x567: {  	v1 =	vmul.f32 v1, v0;
	_ =	sdelay $0x1  }
0x568: {  	v1 =	vadd.f32 $5.000000000e-01, v1;
	_ =	sdelay $0x1  }
0x569: {  	v1 =	vtrunc.f32 v1  }
0x56a: {  	v1 =	vcvt.f32.s32 v1;
	_ =	sdelay $0x1  }
0x56b: {  	v1 =	vcvt.s32.f32 v1;
	_ =	sdelay $0x1  }
0x56c: {  	v1 =	vmul.f32 $3.921568860e-03, v1;
	_ =	sdelay $0x1  }
0x56d: {  	[tilespmem:s18+$0x7A00] =	vst v1  }
0x56e: {  	v1 =	vld [tilespmem:s1+$0x4000];
	_ =	sdelay $0x4  }
0x56f: {  	v1 =	vmul.f32 v1, v0;
	_ =	sdelay $0x1  }
0x570: {  	v1 =	vadd.f32 $5.000000000e-01, v1;
	_ =	sdelay $0x1  }
0x571: {  	v1 =	vtrunc.f32 v1  }
0x572: {  	v1 =	vcvt.f32.s32 v1;
	_ =	sdelay $0x1  }
0x573: {  	v1 =	vcvt.s32.f32 v1;
	_ =	sdelay $0x1  }
0x574: {  	v1 =	vmul.f32 $3.921568860e-03, v1;
	_ =	sdelay $0x1  }
0x575: {  	[tilespmem:s1+$0x4000] =	vst v1  }
0x576: {  	v1 =	vld [tilespmem:s18+$0x7B00];
	_ =	sdelay $0x4  }
0x577: {  	v1 =	vmul.f32 v1, v0;
	_ =	sdelay $0x1  }
0x578: {  	v1 =	vadd.f32 $5.000000000e-01, v1;
	_ =	sdelay $0x1  }
0x579: {  	v1 =	vtrunc.f32 v1  }
0x57a: {  	v1 =	vcvt.f32.s32 v1;
	_ =	sdelay $0x1  }
0x57b: {  	v1 =	vcvt.s32.f32 v1;
	_ =	sdelay $0x1  }
0x57c: {  	v1 =	vmul.f32 $3.921568860e-03, v1;
	_ =	sdelay $0x1  }
0x57d: {  	[tilespmem:s18+$0x7B00] =	vst v1  }
0x57e: {  	v1 =	vld [tilespmem:s16+$0x4000];
	_ =	sdelay $0x4  }
0x57f: {  	v0 =	vmul.f32 v1, v0;
	_ =	sdelay $0x1  }
0x580: {  	v0 =	vadd.f32 $5.000000000e-01, v0;
	_ =	sdelay $0x1  }
0x581: {  	v0 =	vtrunc.f32 v0  }
0x582: {  	v0 =	vcvt.f32.s32 v0  }
0x583: {  	p0 =	sne.s32 s17, $0xF0  }
.Ltmp0:
0x584: {  	v0 =	vcvt.s32.f32 v0;
	(pc) =	sbr.rel @p0 .LBB2_4-.Ltmp0, $3  }
0x585: {  	_ = 	snop  }
0x586: {  	v0 =	vmul.f32 $3.921568860e-03, v0;
	_ =	sdelay $0x1  }
0x587: {  	s25 =	sadd.s32 $0x80, s25;
	s17 =	sadd.s32 $0x10, s17;
	[tilespmem:s16+$0x4000] =	vst v0  }
0x588: {  	s0 =	rddreg [dreg:$0x1]  }
0x589: {  	s1 =	rddreg [dreg:$0x9];
	s2 =	simm.s32 $0x2000;
	s3 =	simm.s32 $0x4000  }
0x58a: {  	s4 =	simm.s32 $0x1;
	s0 =	sadd.s32 s0, s1;
	s1 =	simm.s32 $0x800  }
0x58b: {  	[hbm4b:s0+s1] =	stream.strided.scatter [tilespmem:s3], [sflag:$0x1], $0x4000, s2, s1, $0x38;
	[tilespmem:$0x8000] =	vst v63  }
0x58c: {  	_ =	swait.ge [sflag:s4], $0x4000  }
0x58d: {  	s31 =	rddreg [dreg:$0x8]  }
0x58e: {  	s0 =	sadd.s32 $0x1, s31  }
0x58f: {  	p0 =	sne.s32 s0, $0x4  }
.Ltmp1:
0x590: {  	_ = 	snop;
	(pc) =	sbr.rel @p0 .LBB2_3-.Ltmp1, $3  }
0x591: {  	_ =	sdelay $0x1  }
0x592: {  	[sflag:s4] =	ssyncset.done $0x0  }
0x593: {  	[sflag:s4] =	ssyncadd.s32 $0xFFFFC000  }
0x594: {  	s3 =	rddreg [dreg:$0x6]  }
0x595: {  	s3 =	sadd.s32 $0x1, s3  }
0x596: {  	p0 =	sne.s32 s3, $0x20  }
.Ltmp2:
0x597: {  	_ = 	snop;
	(pc) =	sbr.rel @p0 .LBB2_2-.Ltmp2, $1  }
0x598: {  	_ =	sdelay $0x3  }
0x599: {  	s3 =	rddreg [dreg:$0x3]  }
0x59a: {  	s0 =	rddreg [dreg:$0x5];
	s3 =	sadd.s32 $0x1, s3  }
0x59b: {  	p0 =	sne.s32 s3, s0  }
.Ltmp3:
0x59c: {  	_ = 	snop;
	(pc) =	sbr.rel @p0 .LBB2_1-.Ltmp3, $1  }
0x59d: {  	_ =	sdelay $0x3  }
0x59e: {  	_ =	sfence.sel $0x180000  }
0x59f: {  	[bflag:$0x0] =	sbarrier.arrive $0xFFFF  }
0x5a0: {  	_ =	strace $0x90000047  }
0x5a1: {  	s0 =	stileid.u32;
	[bflag:$0x2] =	sbarrier.arrive $0xFFFF  }
0x5a2: {  	p0 =	sne.s32 s0, $0x0;
	s0 =	rddreg [dreg:$0x2]  }
0x5a3: {  	s0 =	sadd.s32 @!p0 $0x100000, s0  }
0x5a4: {  	[sflag:s0] =	ssyncadd.tile.s32 @!p0 $0x1;
	_ =	shalt  }
.Lfunc_end2:
_tile_overlayer_lowered:
.L_overlay_start_2:
0x5a5: {  	(tag) =	ssettag $0x2  }
0x5a6: {  	s0 =	rddreg [dreg:$0x0];
	s2 =	stileid.u32  }
0x5a7: {  	s1 =	rddreg [dreg:$0x1];
	p0 =	sne.s32 s2, $0x0  }
0x5a8: {  	s3 =	rddreg [dreg:$0x2];
	[bflag:$0x3] =	sbarrier.arrive $0xFFFF;
	s2 =	simm.s32 @!p0 $0x1C01  }
0x5a9: {  	[timem:s3], [sflag:s2] =	dma.local @!p0 [hbm:s0], s1  }
0x5aa: {  	s0 =	simm.s32 @!p0 $0x1  }
0x5ab: {  	_ =	swait.ge @!p0 [sflag:s0], s1  }
0x5ac: {  	s1 =	ssub.s32 @!p0 $0x0, s1;
	[sflag:s0] =	ssyncset.done @!p0 $0x0  }
0x5ad: {  	[sflag:s0] =	ssyncadd.s32 @!p0 s1  }
0x5ae: {  	[bflag:$0x3] =	sbarrier.arrive $0xFFFF  }
0x5af: {  	_ =	shalt  }

</sc_bundles>
